<compile_context>
chip_gen: v7x
topology: tpu7x:2x2x1
jax: 0.10.2.dev20260603
libtpu: 0.0.44.dev20260713+nightly
codegen_flags: <defaults>
</compile_context>

<pallas_src>
import functools

import jax
import jax.numpy as jnp
from jax import lax
from jax.experimental import pallas as pl
from jax.experimental.pallas import tpu as pltpu
from jax.experimental.pallas import tpu_sc as plsc

B = 4
V = 10000
L = 9
N = B * V
N_PAD = 40960
R = L * N_PAD
TN = 400
NT = N // TN
TPB = V // TN
TN0 = 320
NT0 = N // TN0
TN1 = 320
NT1 = N // TN1
EPS = 1e-5
NW = 32
CH = 128



NBUF = 6
PER_W = R // (NW * CH)


@functools.lru_cache(maxsize=None)
def _make_sc_gather(D: int, dtype_name: str):
    dtype = jnp.dtype(dtype_name)
    mesh = plsc.VectorSubcoreMesh(core_axis_name="c", subcore_axis_name="s")
    row_bufs = [pltpu.VMEM((CH, D), dtype) for _ in range(NBUF)]
    sems = [pltpu.SemaphoreType.DMA for _ in range(2 * NBUF)]

    @functools.partial(
        pl.kernel,
        mesh=mesh,
        compiler_params=pltpu.CompilerParams(use_tc_tiling_on_sc=False),
        out_type=jax.ShapeDtypeStruct((L, N_PAD, D), dtype),
        scratch_types=[pltpu.VMEM((PER_W, CH), jnp.int32)] + row_bufs + sems,
    )
    def gather(table_hbm, idx_hbm, out_hbm, idx_all, *bufs_sems):
        rows = bufs_sems[:NBUF]
        sem_g = bufs_sems[NBUF:2 * NBUF]
        sem_w = bufs_sems[2 * NBUF:]
        wid = lax.axis_index("s") * 2 + lax.axis_index("c")
        w0 = wid * (PER_W * CH)

        pltpu.sync_copy(idx_hbm.at[pl.ds(wid * PER_W, PER_W)], idx_all)

        def fire(c, b):
            pltpu.async_copy(table_hbm.at[idx_all.at[c]], rows[b], sem_g[b])

        def g_wait(b):
            pltpu.make_async_copy(table_hbm.at[idx_all.at[0]], rows[b], sem_g[b]).wait()

        def w_start(c, b):
            base = pl.multiple_of(w0 + c * CH, CH)
            sl = base // N_PAD
            sn = pl.multiple_of(base - sl * N_PAD, CH)
            pltpu.async_copy(rows[b], out_hbm.at[sl, pl.ds(sn, CH)], sem_w[b])

        def w_wait(b):
            pltpu.make_async_copy(rows[b], out_hbm.at[0, pl.ds(0, CH)], sem_w[b]).wait()

        for b in range(NBUF):
            fire(b, b)

        def body(g, _):
            for b in range(NBUF):
                c = g * NBUF + b
                g_wait(b)
                w_start(c, b)

                @pl.when(c + NBUF < PER_W)
                def _():
                    w_wait(b)
                    fire(c + NBUF, b)

            return 0

        lax.fori_loop(0, PER_W // NBUF, body, 0)
        for b in range(NBUF):
            w_wait(b)

    return gather


def _sc_gather(table, idx, D):
    return _make_sc_gather(D, table.dtype.name)(table, idx.reshape(NW * PER_W, CH))



def _norm_coeffs(si_ref, g_ref, bt_ref):
    inv = 1.0 / N
    mean = si_ref[0:1, :] * inv
    var = si_ref[1:2, :] * inv - mean * mean
    s = g_ref[...] * lax.rsqrt(var + EPS)
    t = bt_ref[...] - mean * s
    return s, t


def _accum_stats(i, y, st_ref):
    @pl.when(i == 0)
    def _():
        st_ref[...] = jnp.zeros_like(st_ref)

    st_ref[0:1, :] += jnp.sum(y, axis=0, keepdims=True)
    st_ref[1:2, :] += jnp.sum(y * y, axis=0, keepdims=True)


def _first_body(f_ref, w_ref, b_ref, y_ref, st_ref):
    i = pl.program_id(0)
    Dout = y_ref.shape[-1]
    acc = jnp.zeros((TN0 // 8, 8 * Dout), jnp.float32)
    for l in range(L):
        acc += jnp.dot(f_ref[l], w_ref[l], preferred_element_type=jnp.float32)
    y = jnp.concatenate([acc[:, k * Dout:(k + 1) * Dout] for k in range(8)],
                        axis=0) + b_ref[...]
    y_ref[...] = y.astype(y_ref.dtype)
    _accum_stats(i, y, st_ref)


def _mid_body(f_ref, w_ref, b_ref, si_ref, g_ref, bt_ref, y_ref, st_ref):
    i = pl.program_id(0)
    Dout = y_ref.shape[-1]
    s, t = _norm_coeffs(si_ref, g_ref, bt_ref)
    s2 = jnp.concatenate([s, s], axis=1)
    t2 = jnp.concatenate([t, t], axis=1)
    acc_e = jnp.zeros((TN1 // 2, Dout), jnp.float32)
    acc_o = jnp.zeros((TN1 // 2, Dout), jnp.float32)
    for l in range(L):
        f = jnp.maximum(f_ref[l].astype(jnp.float32) * s2 + t2, 0.0)
        fw = f.astype(w_ref.dtype)
        acc_e += jnp.dot(fw[:, :64], w_ref[l], preferred_element_type=jnp.float32)
        acc_o += jnp.dot(fw[:, 64:], w_ref[l], preferred_element_type=jnp.float32)
    y = jnp.concatenate([acc_e, acc_o], axis=0) + b_ref[...]
    y_ref[...] = y.astype(y_ref.dtype)
    _accum_stats(i, y, st_ref)


def _last_body(f_ref, w_ref, b_ref, si_ref, g_ref, bt_ref, st_ref, mx_ref, mn_ref):
    i = pl.program_id(0)
    Dout = mx_ref.shape[-1]
    s, t = _norm_coeffs(si_ref, g_ref, bt_ref)
    acc = jnp.zeros((TN, Dout), jnp.float32)
    for l in range(L):
        f = jnp.maximum(f_ref[l].astype(jnp.float32) * s + t, 0.0)
        acc += jnp.dot(f.astype(w_ref.dtype), w_ref[l],
                       preferred_element_type=jnp.float32)
    y = acc + b_ref[...]
    _accum_stats(i, y, st_ref)

    @pl.when(i == 0)
    def _():
        mx_ref[...] = jnp.full_like(mx_ref, -jnp.inf)
        mn_ref[...] = jnp.full_like(mn_ref, jnp.inf)

    bi = i // TPB
    row = pl.ds(bi, 1)
    mx_ref[row, :] = jnp.maximum(mx_ref[row, :], jnp.max(y, axis=0, keepdims=True))
    mn_ref[row, :] = jnp.minimum(mn_ref[row, :], jnp.min(y, axis=0, keepdims=True))


def _layer_specs(D, Dout):
    return [
        pl.BlockSpec((L, TN, D), lambda i: (0, i, 0)),
        pl.BlockSpec((L, D, Dout), lambda i: (0, 0, 0)),
        pl.BlockSpec((1, Dout), lambda i: (0, 0)),
    ]


def _norm_specs(D):
    return [
        pl.BlockSpec((2, D), lambda i: (0, 0)),
        pl.BlockSpec((1, D), lambda i: (0, 0)),
        pl.BlockSpec((1, D), lambda i: (0, 0)),
    ]


def _layer_first(f, Wr, b2d, Dout, y_dtype):
    return pl.pallas_call(
        _first_body,
        grid=(NT0,),
        in_specs=[
            pl.BlockSpec((L, TN0 // 8, 128), lambda i: (0, i, 0)),
            pl.BlockSpec((L, 128, 8 * Dout), lambda i: (0, 0, 0)),
            pl.BlockSpec((1, Dout), lambda i: (0, 0)),
        ],
        out_specs=[
            pl.BlockSpec((TN0, Dout), lambda i: (i, 0)),
            pl.BlockSpec((2, Dout), lambda i: (0, 0)),
        ],
        out_shape=[
            jax.ShapeDtypeStruct((N, Dout), y_dtype),
            jax.ShapeDtypeStruct((2, Dout), jnp.float32),
        ],
    )(f, Wr, b2d)


def _layer_mid(f, Wr, b2d, si, g2d, bt2d, Dout, y_dtype):
    D = Wr.shape[1]
    return pl.pallas_call(
        _mid_body,
        grid=(NT1,),
        in_specs=[
            pl.BlockSpec((L, TN1 // 2, 128), lambda i: (0, i, 0)),
            pl.BlockSpec((L, D, Dout), lambda i: (0, 0, 0)),
            pl.BlockSpec((1, Dout), lambda i: (0, 0)),
        ] + _norm_specs(D),
        out_specs=[
            pl.BlockSpec((TN1, Dout), lambda i: (i, 0)),
            pl.BlockSpec((2, Dout), lambda i: (0, 0)),
        ],
        out_shape=[
            jax.ShapeDtypeStruct((N, Dout), y_dtype),
            jax.ShapeDtypeStruct((2, Dout), jnp.float32),
        ],
    )(f, Wr, b2d, si, g2d, bt2d)


def _layer_last(f, Wr, b2d, si, g2d, bt2d, Dout):
    D = f.shape[-1]
    return pl.pallas_call(
        _last_body,
        grid=(NT,),
        in_specs=_layer_specs(D, Dout) + _norm_specs(D),
        out_specs=[
            pl.BlockSpec((2, Dout), lambda i: (0, 0)),
            pl.BlockSpec((B, Dout), lambda i: (0, 0)),
            pl.BlockSpec((B, Dout), lambda i: (0, 0)),
        ],
        out_shape=[
            jax.ShapeDtypeStruct((2, Dout), jnp.float32),
            jax.ShapeDtypeStruct((B, Dout), jnp.float32),
            jax.ShapeDtypeStruct((B, Dout), jnp.float32),
        ],
    )(f, Wr, b2d, si, g2d, bt2d)


def _final_body(mx_ref, mn_ref, si_ref, g_ref, bt_ref, pw_ref, pb_ref, o_ref):
    s, t = _norm_coeffs(si_ref, g_ref, bt_ref)
    hi = jnp.maximum(s * mx_ref[...] + t, 0.0)
    lo = jnp.maximum(s * mn_ref[...] + t, 0.0)
    pooled = jnp.where(s > 0.0, hi, lo)
    o_ref[...] = lax.dot_general(
        pooled, pw_ref[...], (((1,), (1,)), ((), ())),
        preferred_element_type=jnp.float32,
    ) + pb_ref[...]


def _final(mx, mn, si, g2d, bt2d, pW, pb2d):
    return pl.pallas_call(
        _final_body,
        out_shape=jax.ShapeDtypeStruct((B, 256), jnp.float32),
    )(mx, mn, si, g2d, bt2d, pW, pb2d)



def kernel(x, spirals, W0, b0, g0, bt0, W1, b1, g1, bt1, W2, b2, g2, bt2, pW, pb):
    sp = spirals.astype(jnp.int32)
    rows = sp + (jnp.arange(B, dtype=jnp.int32) * V)[:, None, None]
    lm = rows.reshape(N, L).T
    idx = jnp.pad(lm, ((0, 0), (0, N_PAD - N))).reshape(-1)
    j0 = lm % TN0
    lm1 = (lm - j0) + (TN0 // 8) * (j0 % 8) + j0 // 8
    idx1 = jnp.pad(lm1, ((0, 0), (0, N_PAD - N))).reshape(-1)
    j = lm % TN1
    lm2 = (lm - j) + (TN1 // 2) * (j % 2) + j // 2
    idx2 = jnp.pad(lm2, ((0, 0), (0, N_PAD - N))).reshape(-1)

    x_pad = jnp.pad(x.reshape(N, 3), ((0, 0), (0, 13)))
    W0p = jnp.pad(W0.reshape(64, L, 3), ((0, 0), (0, 0), (0, 13))).transpose(1, 2, 0)
    W0p = jax.vmap(lambda w: jnp.kron(jnp.eye(8, dtype=w.dtype), w))(W0p)
    W1r = W1.reshape(128, L, 64).transpose(1, 2, 0).astype(jnp.bfloat16)
    W2r = W2.reshape(256, L, 128).transpose(1, 2, 0).astype(jnp.bfloat16)

    f0 = _sc_gather(x_pad, idx, 16).reshape(L, N_PAD // 8, 128)
    y0, st0 = _layer_first(f0, W0p, b0[None], 64, jnp.float32)
    f1 = _sc_gather(y0, idx1, 64).reshape(L, N_PAD // 2, 128)
    y1, st1 = _layer_mid(f1, W1r, b1[None], st0, g0[None], bt0[None], 128, jnp.float32)
    f2 = _sc_gather(y1, idx2, 128)
    st2, mx, mn = _layer_last(f2, W2r, b2[None], st1, g1[None], bt1[None], 256)
    return _final(mx, mn, st2, g2[None], bt2[None], pW, pb[None])

# --- scband reference (transcript-rebuilt; emitter-appended) ---
"""Pipeline reference for scband-spiral-net-60619168416159 (READ-ONLY COPY).

The authoritative reference and input builder live on the scoring server;
editing this copy changes nothing except your own understanding.
"""

import jax, jax.numpy as jnp
import numpy as np

B, V, L = 4, 10000, 9
DIMS = [3, 64, 128, 256]


def _bn(y, gamma, beta, eps=1e-5):
    # BatchNorm1d in training mode: normalize per channel over batch and vertices
    mean = jnp.mean(y, axis=(0, 1), keepdims=True)
    var = jnp.var(y, axis=(0, 1), keepdims=True)
    return gamma * (y - mean) / jnp.sqrt(var + eps) + beta


def _spiral_conv(x, spirals, W, b, gamma, beta):
    # x: [B, V, D], spirals: [B, V, L] int -> gather spiral neighborhoods
    Bx, Vx, D = x.shape
    Lx = spirals.shape[-1]
    feats = jax.vmap(lambda xb, sb: xb[sb])(x, spirals)  # [B, V, L, D]
    feats = feats.reshape(Bx, Vx, Lx * D)                # row-major (L-major) like torch .view(-1)
    y = feats @ W.T + b                                  # 1x1 Conv1d == per-vertex linear
    y = _bn(y, gamma, beta)
    return jax.nn.relu(y)


def setup_inputs(seed: int = 0) -> dict:
    key = jax.random.key(seed)
    ks = jax.random.split(key, 20)
    inp = {}
    inp["x"] = jax.random.normal(ks[0], (B, V, 3), dtype=jnp.float32)
    inp["spirals"] = jax.random.randint(ks[1], (B, V, L), 0, V).astype(jnp.int64)
    for i in range(3):
        din, dout = DIMS[i], DIMS[i + 1]
        fan_in = din * L
        inp[f"W{i}"] = jax.random.normal(ks[2 + 4 * i], (dout, fan_in), dtype=jnp.float32) / np.sqrt(fan_in)
        inp[f"b{i}"] = jnp.zeros((dout,), dtype=jnp.float32)
        inp[f"g{i}"] = jnp.ones((dout,), dtype=jnp.float32)
        inp[f"bt{i}"] = jnp.zeros((dout,), dtype=jnp.float32)
    inp["pW"] = jax.random.normal(ks[15], (256, 256), dtype=jnp.float32) / np.sqrt(256.0)
    inp["pb"] = jnp.zeros((256,), dtype=jnp.float32)
    return inp


def reference(x, spirals, W0, b0, g0, bt0, W1, b1, g1, bt1, W2, b2, g2, bt2, pW, pb):
    h = _spiral_conv(x, spirals, W0, b0, g0, bt0)
    h = _spiral_conv(h, spirals, W1, b1, g1, bt1)
    h = _spiral_conv(h, spirals, W2, b2, g2, bt2)
    h = jnp.max(h, axis=1)  # global max pool over vertices -> [B, 256]
    return h @ pW.T + pb

if __name__ == "__main__":
    import jax
    _d = setup_inputs()
    print(jax.jit(kernel)(*tuple(_d.values())))

</pallas_src>

<mosaic_0001>
#map = affine_map<(d0, d1) -> (0, 0)>
#map1 = affine_map<(d0, d1) -> (0, 0, 0)>
module attributes {stable_mosaic.version = 14 : i64} {
  func.func @gather(%arg0: i32, %arg1: i32, %arg2: memref<40000x64xf32, #tpu.memory_space<hbm>>, %arg3: memref<2880x128xi32, #tpu.memory_space<hbm>>, %arg4: memref<9x40960x64xf32, #tpu.memory_space<hbm>>, %arg5: memref<90x128xi32, #tpu.memory_space<vmem>>, %arg6: memref<128x64xf32, #tpu.memory_space<vmem>>, %arg7: memref<128x64xf32, #tpu.memory_space<vmem>>, %arg8: memref<128x64xf32, #tpu.memory_space<vmem>>, %arg9: memref<128x64xf32, #tpu.memory_space<vmem>>, %arg10: memref<128x64xf32, #tpu.memory_space<vmem>>, %arg11: memref<128x64xf32, #tpu.memory_space<vmem>>, %arg12: memref<!tpu.dma_semaphore, #tpu.memory_space<semaphore_mem>>, %arg13: memref<!tpu.dma_semaphore, #tpu.memory_space<semaphore_mem>>, %arg14: memref<!tpu.dma_semaphore, #tpu.memory_space<semaphore_mem>>, %arg15: memref<!tpu.dma_semaphore, #tpu.memory_space<semaphore_mem>>, %arg16: memref<!tpu.dma_semaphore, #tpu.memory_space<semaphore_mem>>, %arg17: memref<!tpu.dma_semaphore, #tpu.memory_space<semaphore_mem>>, %arg18: memref<!tpu.dma_semaphore, #tpu.memory_space<semaphore_mem>>, %arg19: memref<!tpu.dma_semaphore, #tpu.memory_space<semaphore_mem>>, %arg20: memref<!tpu.dma_semaphore, #tpu.memory_space<semaphore_mem>>, %arg21: memref<!tpu.dma_semaphore, #tpu.memory_space<semaphore_mem>>, %arg22: memref<!tpu.dma_semaphore, #tpu.memory_space<semaphore_mem>>, %arg23: memref<!tpu.dma_semaphore, #tpu.memory_space<semaphore_mem>>) attributes {dimension_semantics = [#tpu.dimension_semantics<core_parallel>, #tpu.dimension_semantics<subcore_parallel>], iteration_bounds = array<i64: 2, 16>, scalar_prefetch = 0 : i64, scratch_operands = 19 : i64, tpu.core_type = #tpu.core_type<sc_vector_subcore>, window_params = [{transform_indices = #map}, {transform_indices = #map}, {transform_indices = #map1}]} {
    %mul3A = arith.constant 2 : i32
    %mul3A_0 = arith.muli %arg1, %mul3A : i32
    %add3A = arith.addi %mul3A_0, %arg0 : i32
    %mul3A_1 = arith.constant 11520 : i32
    %mul3A_2 = arith.muli %add3A, %mul3A_1 : i32
    %mul3A_3 = arith.constant 90 : i32
    %mul3A_4 = arith.muli %add3A, %mul3A_3 : i32
    "tpu.region"() ({
      %run_scoped3A = tpu.sem_alloc : memref<!tpu.dma_semaphore, #tpu.memory_space<semaphore_mem>>
      %dma_start3A_105 = arith.constant 0 : i32
      %dma_start3A_106 = tpu.memref_slice %arg3[%mul3A_4, %dma_start3A_105] : memref<2880x128xi32, #tpu.memory_space<hbm>> -> memref<90x128xi32, #tpu.memory_space<hbm>>
      %dma_start3A_107 = arith.constant 0 : i32
      %dma_start3A_108 = tpu.memref_slice %arg3[%mul3A_4, %dma_start3A_107] : memref<2880x128xi32, #tpu.memory_space<hbm>> -> memref<90x128xi32, #tpu.memory_space<hbm>>
      tpu.enqueue_dma source(%dma_start3A_108 : memref<90x128xi32, #tpu.memory_space<hbm>>) target(%arg5 : memref<90x128xi32, #tpu.memory_space<vmem>>) target_semaphore(%run_scoped3A : memref<!tpu.dma_semaphore, #tpu.memory_space<semaphore_mem>>)
      %dma_wait3A_109 = arith.constant 0 : i32
      %dma_wait3A_110 = tpu.memref_slice %arg3[%mul3A_4, %dma_wait3A_109] : memref<2880x128xi32, #tpu.memory_space<hbm>> -> memref<90x128xi32, #tpu.memory_space<hbm>>
      %dma_wait3A_111 = arith.constant 0 : i32
      %dma_wait3A_112 = tpu.memref_slice %arg3[%mul3A_4, %dma_wait3A_111] : memref<2880x128xi32, #tpu.memory_space<hbm>> -> memref<90x128xi32, #tpu.memory_space<hbm>>
      tpu.wait_dma2 semaphore(%run_scoped3A : memref<!tpu.dma_semaphore, #tpu.memory_space<semaphore_mem>>) src(%dma_wait3A_112 : memref<90x128xi32, #tpu.memory_space<hbm>>) dst(%arg5 : memref<90x128xi32, #tpu.memory_space<vmem>>)
      tpu.yield
    }) : () -> ()
    %dma_start3A = arith.constant 0 : i32
    %dma_start3A_5 = arith.constant 0 : i32
    %dma_start3A_6 = tpu.memref_slice %arg5[%dma_start3A, %dma_start3A_5] : memref<90x128xi32, #tpu.memory_space<vmem>> -> memref<1x128xi32, #tpu.memory_space<vmem>>
    %dma_start3A_7 = tpu.memref_squeeze %dma_start3A_6 : memref<1x128xi32, #tpu.memory_space<vmem>> -> memref<128xi32, #tpu.memory_space<vmem>>
    %dma_start3A_8 = arith.constant 0 : i32
    %dma_start3A_9 = arith.constant 0 : i32
    %dma_start3A_10 = tpu.memref_slice %arg2[%dma_start3A_8, %dma_start3A_9] : memref<40000x64xf32, #tpu.memory_space<hbm>> -> memref<40000x64xf32, #tpu.memory_space<hbm>>
    tpu.enqueue_indirect_dma source(%dma_start3A_10 : memref<40000x64xf32, #tpu.memory_space<hbm>>) target(%arg6 : memref<128x64xf32, #tpu.memory_space<vmem>>) offsets(%dma_start3A_7 : memref<128xi32, #tpu.memory_space<vmem>>) semaphore(%arg12 : memref<!tpu.dma_semaphore, #tpu.memory_space<semaphore_mem>>)
    %dma_start3A_11 = arith.constant 1 : i32
    %dma_start3A_12 = arith.constant 0 : i32
    %dma_start3A_13 = tpu.memref_slice %arg5[%dma_start3A_11, %dma_start3A_12] : memref<90x128xi32, #tpu.memory_space<vmem>> -> memref<1x128xi32, #tpu.memory_space<vmem>>
    %dma_start3A_14 = tpu.memref_squeeze %dma_start3A_13 : memref<1x128xi32, #tpu.memory_space<vmem>> -> memref<128xi32, #tpu.memory_space<vmem>>
    %dma_start3A_15 = arith.constant 0 : i32
    %dma_start3A_16 = arith.constant 0 : i32
    %dma_start3A_17 = tpu.memref_slice %arg2[%dma_start3A_15, %dma_start3A_16] : memref<40000x64xf32, #tpu.memory_space<hbm>> -> memref<40000x64xf32, #tpu.memory_space<hbm>>
    tpu.enqueue_indirect_dma source(%dma_start3A_17 : memref<40000x64xf32, #tpu.memory_space<hbm>>) target(%arg7 : memref<128x64xf32, #tpu.memory_space<vmem>>) offsets(%dma_start3A_14 : memref<128xi32, #tpu.memory_space<vmem>>) semaphore(%arg13 : memref<!tpu.dma_semaphore, #tpu.memory_space<semaphore_mem>>)
    %dma_start3A_18 = arith.constant 2 : i32
    %dma_start3A_19 = arith.constant 0 : i32
    %dma_start3A_20 = tpu.memref_slice %arg5[%dma_start3A_18, %dma_start3A_19] : memref<90x128xi32, #tpu.memory_space<vmem>> -> memref<1x128xi32, #tpu.memory_space<vmem>>
    %dma_start3A_21 = tpu.memref_squeeze %dma_start3A_20 : memref<1x128xi32, #tpu.memory_space<vmem>> -> memref<128xi32, #tpu.memory_space<vmem>>
    %dma_start3A_22 = arith.constant 0 : i32
    %dma_start3A_23 = arith.constant 0 : i32
    %dma_start3A_24 = tpu.memref_slice %arg2[%dma_start3A_22, %dma_start3A_23] : memref<40000x64xf32, #tpu.memory_space<hbm>> -> memref<40000x64xf32, #tpu.memory_space<hbm>>
    tpu.enqueue_indirect_dma source(%dma_start3A_24 : memref<40000x64xf32, #tpu.memory_space<hbm>>) target(%arg8 : memref<128x64xf32, #tpu.memory_space<vmem>>) offsets(%dma_start3A_21 : memref<128xi32, #tpu.memory_space<vmem>>) semaphore(%arg14 : memref<!tpu.dma_semaphore, #tpu.memory_space<semaphore_mem>>)
    %dma_start3A_25 = arith.constant 3 : i32
    %dma_start3A_26 = arith.constant 0 : i32
    %dma_start3A_27 = tpu.memref_slice %arg5[%dma_start3A_25, %dma_start3A_26] : memref<90x128xi32, #tpu.memory_space<vmem>> -> memref<1x128xi32, #tpu.memory_space<vmem>>
    %dma_start3A_28 = tpu.memref_squeeze %dma_start3A_27 : memref<1x128xi32, #tpu.memory_space<vmem>> -> memref<128xi32, #tpu.memory_space<vmem>>
    %dma_start3A_29 = arith.constant 0 : i32
    %dma_start3A_30 = arith.constant 0 : i32
    %dma_start3A_31 = tpu.memref_slice %arg2[%dma_start3A_29, %dma_start3A_30] : memref<40000x64xf32, #tpu.memory_space<hbm>> -> memref<40000x64xf32, #tpu.memory_space<hbm>>
    tpu.enqueue_indirect_dma source(%dma_start3A_31 : memref<40000x64xf32, #tpu.memory_space<hbm>>) target(%arg9 : memref<128x64xf32, #tpu.memory_space<vmem>>) offsets(%dma_start3A_28 : memref<128xi32, #tpu.memory_space<vmem>>) semaphore(%arg15 : memref<!tpu.dma_semaphore, #tpu.memory_space<semaphore_mem>>)
    %dma_start3A_32 = arith.constant 4 : i32
    %dma_start3A_33 = arith.constant 0 : i32
    %dma_start3A_34 = tpu.memref_slice %arg5[%dma_start3A_32, %dma_start3A_33] : memref<90x128xi32, #tpu.memory_space<vmem>> -> memref<1x128xi32, #tpu.memory_space<vmem>>
    %dma_start3A_35 = tpu.memref_squeeze %dma_start3A_34 : memref<1x128xi32, #tpu.memory_space<vmem>> -> memref<128xi32, #tpu.memory_space<vmem>>
    %dma_start3A_36 = arith.constant 0 : i32
    %dma_start3A_37 = arith.constant 0 : i32
    %dma_start3A_38 = tpu.memref_slice %arg2[%dma_start3A_36, %dma_start3A_37] : memref<40000x64xf32, #tpu.memory_space<hbm>> -> memref<40000x64xf32, #tpu.memory_space<hbm>>
    tpu.enqueue_indirect_dma source(%dma_start3A_38 : memref<40000x64xf32, #tpu.memory_space<hbm>>) target(%arg10 : memref<128x64xf32, #tpu.memory_space<vmem>>) offsets(%dma_start3A_35 : memref<128xi32, #tpu.memory_space<vmem>>) semaphore(%arg16 : memref<!tpu.dma_semaphore, #tpu.memory_space<semaphore_mem>>)
    %dma_start3A_39 = arith.constant 5 : i32
    %dma_start3A_40 = arith.constant 0 : i32
    %dma_start3A_41 = tpu.memref_slice %arg5[%dma_start3A_39, %dma_start3A_40] : memref<90x128xi32, #tpu.memory_space<vmem>> -> memref<1x128xi32, #tpu.memory_space<vmem>>
    %dma_start3A_42 = tpu.memref_squeeze %dma_start3A_41 : memref<1x128xi32, #tpu.memory_space<vmem>> -> memref<128xi32, #tpu.memory_space<vmem>>
    %dma_start3A_43 = arith.constant 0 : i32
    %dma_start3A_44 = arith.constant 0 : i32
    %dma_start3A_45 = tpu.memref_slice %arg2[%dma_start3A_43, %dma_start3A_44] : memref<40000x64xf32, #tpu.memory_space<hbm>> -> memref<40000x64xf32, #tpu.memory_space<hbm>>
    tpu.enqueue_indirect_dma source(%dma_start3A_45 : memref<40000x64xf32, #tpu.memory_space<hbm>>) target(%arg11 : memref<128x64xf32, #tpu.memory_space<vmem>>) offsets(%dma_start3A_42 : memref<128xi32, #tpu.memory_space<vmem>>) semaphore(%arg17 : memref<!tpu.dma_semaphore, #tpu.memory_space<semaphore_mem>>)
    %scan3A = arith.constant 0 : i32
    %scan3A_46 = arith.constant 0 : i32
    %scan3A_47 = arith.constant 15 : i32
    %scan3A_48 = arith.addi %scan3A_46, %scan3A_47 : i32
    %scan3A_49 = arith.constant 1 : i32
    %scan3A_50 = scf.for %scan3A_105 = %scan3A_46 to %scan3A_48 step %scan3A_49 iter_args(%scan3A_106 = %scan3A) -> (i32)  : i32 {
      %mul3A_107 = arith.constant 6 : i32
      %mul3A_108 = arith.muli %scan3A_105, %mul3A_107 : i32
      %add3A_109 = arith.constant 0 : i32
      %add3A_110 = arith.addi %mul3A_108, %add3A_109 : i32
      %dma_wait3A_111 = arith.constant 0 : i32
      %dma_wait3A_112 = arith.constant 0 : i32
      %dma_wait3A_113 = tpu.memref_slice %arg5[%dma_wait3A_111, %dma_wait3A_112] : memref<90x128xi32, #tpu.memory_space<vmem>> -> memref<1x128xi32, #tpu.memory_space<vmem>>
      %dma_wait3A_114 = tpu.memref_squeeze %dma_wait3A_113 : memref<1x128xi32, #tpu.memory_space<vmem>> -> memref<128xi32, #tpu.memory_space<vmem>>
      %dma_wait3A_115 = arith.constant 0 : i32
      %dma_wait3A_116 = arith.constant 0 : i32
      %dma_wait3A_117 = tpu.memref_slice %arg2[%dma_wait3A_115, %dma_wait3A_116] : memref<40000x64xf32, #tpu.memory_space<hbm>> -> memref<40000x64xf32, #tpu.memory_space<hbm>>
      tpu.wait_indirect_dma semaphore(%arg12 : memref<!tpu.dma_semaphore, #tpu.memory_space<semaphore_mem>>) src(%dma_wait3A_117 : memref<40000x64xf32, #tpu.memory_space<hbm>>) dst(%arg6 : memref<128x64xf32, #tpu.memory_space<vmem>>)
      %mul3A_118 = arith.constant 128 : i32
      %mul3A_119 = arith.muli %add3A_110, %mul3A_118 : i32
      %add3A_120 = arith.addi %mul3A_2, %mul3A_119 : i32
      %multiple_of3A = tpu.assume_multiple %add3A_120, 128 : i32
      %jit3A = arith.constant 40960 : i32
      %div3A = arith.divsi %multiple_of3A, %jit3A : i32
      %sign3A = arith.constant 0 : i32
      %sign3A_121 = arith.cmpi sgt, %multiple_of3A, %sign3A : i32
      %sign3A_122 = arith.extui %sign3A_121 : i1 to i32
      %sign3A_123 = arith.constant 0 : i32
      %sign3A_124 = arith.cmpi slt, %multiple_of3A, %sign3A_123 : i32
      %sign3A_125 = arith.extui %sign3A_124 : i1 to i32
      %sign3A_126 = arith.subi %sign3A_122, %sign3A_125 : i32
      %sign3A_127 = arith.constant 0 : i32
      %sign3A_128 = arith.cmpi sgt, %jit3A, %sign3A_127 : i32
      %sign3A_129 = arith.extui %sign3A_128 : i1 to i32
      %sign3A_130 = arith.constant 0 : i32
      %sign3A_131 = arith.cmpi slt, %jit3A, %sign3A_130 : i32
      %sign3A_132 = arith.extui %sign3A_131 : i1 to i32
      %sign3A_133 = arith.subi %sign3A_129, %sign3A_132 : i32
      %ne3A = arith.cmpi ne, %sign3A_126, %sign3A_133 : i32
      %rem3A = arith.remsi %multiple_of3A, %jit3A : i32
      %ne3A_134 = arith.constant 0 : i32
      %ne3A_135 = arith.cmpi ne, %rem3A, %ne3A_134 : i32
      %and3A = arith.andi %ne3A, %ne3A_135 : i1
      %sub3A = arith.constant 1 : i32
      %sub3A_136 = arith.subi %div3A, %sub3A : i32
      %select_n3A = arith.select %and3A, %sub3A_136, %div3A : i32
      %mul3A_137 = arith.constant 40960 : i32
      %mul3A_138 = arith.muli %select_n3A, %mul3A_137 : i32
      %sub3A_139 = arith.subi %multiple_of3A, %mul3A_138 : i32
      %multiple_of3A_140 = tpu.assume_multiple %sub3A_139, 128 : i32
      %dma_start3A_141 = arith.constant 0 : i32
      %dma_start3A_142 = tpu.memref_slice %arg4[%select_n3A, %multiple_of3A_140, %dma_start3A_141] : memref<9x40960x64xf32, #tpu.memory_space<hbm>> -> memref<1x128x64xf32, #tpu.memory_space<hbm>>
      %dma_start3A_143 = tpu.memref_squeeze %dma_start3A_142 : memref<1x128x64xf32, #tpu.memory_space<hbm>> -> memref<128x64xf32, #tpu.memory_space<hbm>>
      %dma_start3A_144 = arith.constant 0 : i32
      %dma_start3A_145 = tpu.memref_slice %arg4[%select_n3A, %multiple_of3A_140, %dma_start3A_144] : memref<9x40960x64xf32, #tpu.memory_space<hbm>> -> memref<1x128x64xf32, #tpu.memory_space<hbm>>
      %dma_start3A_146 = tpu.memref_squeeze %dma_start3A_145 : memref<1x128x64xf32, #tpu.memory_space<hbm>> -> memref<128x64xf32, #tpu.memory_space<hbm>>
      tpu.enqueue_dma source(%arg6 : memref<128x64xf32, #tpu.memory_space<vmem>>) target(%dma_start3A_146 : memref<128x64xf32, #tpu.memory_space<hbm>>) target_semaphore(%arg18 : memref<!tpu.dma_semaphore, #tpu.memory_space<semaphore_mem>>)
      %add3A_147 = arith.constant 6 : i32
      %add3A_148 = arith.addi %add3A_110, %add3A_147 : i32
      %lt3A = arith.constant 90 : i32
      %lt3A_149 = arith.cmpi slt, %add3A_148, %lt3A : i32
      %convert_element_type3A = arith.extui %lt3A_149 : i1 to i32
      %cond3A = arith.constant 0 : i32
      %cond3A_150 = arith.cmpi ne, %convert_element_type3A, %cond3A : i32
      scf.if %cond3A_150 {
        %dma_wait3A_432 = arith.constant 0 : i32
        %dma_wait3A_433 = arith.constant 0 : i32
        %dma_wait3A_434 = arith.constant 0 : i32
        %dma_wait3A_435 = tpu.memref_slice %arg4[%dma_wait3A_432, %dma_wait3A_433, %dma_wait3A_434] : memref<9x40960x64xf32, #tpu.memory_space<hbm>> -> memref<1x128x64xf32, #tpu.memory_space<hbm>>
        %dma_wait3A_436 = tpu.memref_squeeze %dma_wait3A_435 : memref<1x128x64xf32, #tpu.memory_space<hbm>> -> memref<128x64xf32, #tpu.memory_space<hbm>>
        %dma_wait3A_437 = arith.constant 0 : i32
        %dma_wait3A_438 = arith.constant 0 : i32
        %dma_wait3A_439 = tpu.memref_slice %arg4[%dma_wait3A_432, %dma_wait3A_437, %dma_wait3A_438] : memref<9x40960x64xf32, #tpu.memory_space<hbm>> -> memref<1x128x64xf32, #tpu.memory_space<hbm>>
        %dma_wait3A_440 = tpu.memref_squeeze %dma_wait3A_439 : memref<1x128x64xf32, #tpu.memory_space<hbm>> -> memref<128x64xf32, #tpu.memory_space<hbm>>
        tpu.wait_dma2 semaphore(%arg18 : memref<!tpu.dma_semaphore, #tpu.memory_space<semaphore_mem>>) src(%arg6 : memref<128x64xf32, #tpu.memory_space<vmem>>) dst(%dma_wait3A_440 : memref<128x64xf32, #tpu.memory_space<hbm>>)
        %add3A_441 = arith.constant 6 : i32
        %add3A_442 = arith.addi %add3A_110, %add3A_441 : i32
        %dma_start3A_443 = arith.constant 0 : i32
        %dma_start3A_444 = tpu.memref_slice %arg5[%add3A_442, %dma_start3A_443] : memref<90x128xi32, #tpu.memory_space<vmem>> -> memref<1x128xi32, #tpu.memory_space<vmem>>
        %dma_start3A_445 = tpu.memref_squeeze %dma_start3A_444 : memref<1x128xi32, #tpu.memory_space<vmem>> -> memref<128xi32, #tpu.memory_space<vmem>>
        %dma_start3A_446 = arith.constant 0 : i32
        %dma_start3A_447 = arith.constant 0 : i32
        %dma_start3A_448 = tpu.memref_slice %arg2[%dma_start3A_446, %dma_start3A_447] : memref<40000x64xf32, #tpu.memory_space<hbm>> -> memref<40000x64xf32, #tpu.memory_space<hbm>>
        tpu.enqueue_indirect_dma source(%dma_start3A_448 : memref<40000x64xf32, #tpu.memory_space<hbm>>) target(%arg6 : memref<128x64xf32, #tpu.memory_space<vmem>>) offsets(%dma_start3A_445 : memref<128xi32, #tpu.memory_space<vmem>>) semaphore(%arg12 : memref<!tpu.dma_semaphore, #tpu.memory_space<semaphore_mem>>)
      } else {
      }
      %mul3A_151 = arith.constant 6 : i32
      %mul3A_152 = arith.muli %scan3A_105, %mul3A_151 : i32
      %add3A_153 = arith.constant 1 : i32
      %add3A_154 = arith.addi %mul3A_152, %add3A_153 : i32
      %dma_wait3A_155 = arith.constant 0 : i32
      %dma_wait3A_156 = arith.constant 0 : i32
      %dma_wait3A_157 = tpu.memref_slice %arg5[%dma_wait3A_155, %dma_wait3A_156] : memref<90x128xi32, #tpu.memory_space<vmem>> -> memref<1x128xi32, #tpu.memory_space<vmem>>
      %dma_wait3A_158 = tpu.memref_squeeze %dma_wait3A_157 : memref<1x128xi32, #tpu.memory_space<vmem>> -> memref<128xi32, #tpu.memory_space<vmem>>
      %dma_wait3A_159 = arith.constant 0 : i32
      %dma_wait3A_160 = arith.constant 0 : i32
      %dma_wait3A_161 = tpu.memref_slice %arg2[%dma_wait3A_159, %dma_wait3A_160] : memref<40000x64xf32, #tpu.memory_space<hbm>> -> memref<40000x64xf32, #tpu.memory_space<hbm>>
      tpu.wait_indirect_dma semaphore(%arg13 : memref<!tpu.dma_semaphore, #tpu.memory_space<semaphore_mem>>) src(%dma_wait3A_161 : memref<40000x64xf32, #tpu.memory_space<hbm>>) dst(%arg7 : memref<128x64xf32, #tpu.memory_space<vmem>>)
      %mul3A_162 = arith.constant 128 : i32
      %mul3A_163 = arith.muli %add3A_154, %mul3A_162 : i32
      %add3A_164 = arith.addi %mul3A_2, %mul3A_163 : i32
      %multiple_of3A_165 = tpu.assume_multiple %add3A_164, 128 : i32
      %jit3A_166 = arith.constant 40960 : i32
      %div3A_167 = arith.divsi %multiple_of3A_165, %jit3A_166 : i32
      %sign3A_168 = arith.constant 0 : i32
      %sign3A_169 = arith.cmpi sgt, %multiple_of3A_165, %sign3A_168 : i32
      %sign3A_170 = arith.extui %sign3A_169 : i1 to i32
      %sign3A_171 = arith.constant 0 : i32
      %sign3A_172 = arith.cmpi slt, %multiple_of3A_165, %sign3A_171 : i32
      %sign3A_173 = arith.extui %sign3A_172 : i1 to i32
      %sign3A_174 = arith.subi %sign3A_170, %sign3A_173 : i32
      %sign3A_175 = arith.constant 0 : i32
      %sign3A_176 = arith.cmpi sgt, %jit3A_166, %sign3A_175 : i32
      %sign3A_177 = arith.extui %sign3A_176 : i1 to i32
      %sign3A_178 = arith.constant 0 : i32
      %sign3A_179 = arith.cmpi slt, %jit3A_166, %sign3A_178 : i32
      %sign3A_180 = arith.extui %sign3A_179 : i1 to i32
      %sign3A_181 = arith.subi %sign3A_177, %sign3A_180 : i32
      %ne3A_182 = arith.cmpi ne, %sign3A_174, %sign3A_181 : i32
      %rem3A_183 = arith.remsi %multiple_of3A_165, %jit3A_166 : i32
      %ne3A_184 = arith.constant 0 : i32
      %ne3A_185 = arith.cmpi ne, %rem3A_183, %ne3A_184 : i32
      %and3A_186 = arith.andi %ne3A_182, %ne3A_185 : i1
      %sub3A_187 = arith.constant 1 : i32
      %sub3A_188 = arith.subi %div3A_167, %sub3A_187 : i32
      %select_n3A_189 = arith.select %and3A_186, %sub3A_188, %div3A_167 : i32
      %mul3A_190 = arith.constant 40960 : i32
      %mul3A_191 = arith.muli %select_n3A_189, %mul3A_190 : i32
      %sub3A_192 = arith.subi %multiple_of3A_165, %mul3A_191 : i32
      %multiple_of3A_193 = tpu.assume_multiple %sub3A_192, 128 : i32
      %dma_start3A_194 = arith.constant 0 : i32
      %dma_start3A_195 = tpu.memref_slice %arg4[%select_n3A_189, %multiple_of3A_193, %dma_start3A_194] : memref<9x40960x64xf32, #tpu.memory_space<hbm>> -> memref<1x128x64xf32, #tpu.memory_space<hbm>>
      %dma_start3A_196 = tpu.memref_squeeze %dma_start3A_195 : memref<1x128x64xf32, #tpu.memory_space<hbm>> -> memref<128x64xf32, #tpu.memory_space<hbm>>
      %dma_start3A_197 = arith.constant 0 : i32
      %dma_start3A_198 = tpu.memref_slice %arg4[%select_n3A_189, %multiple_of3A_193, %dma_start3A_197] : memref<9x40960x64xf32, #tpu.memory_space<hbm>> -> memref<1x128x64xf32, #tpu.memory_space<hbm>>
      %dma_start3A_199 = tpu.memref_squeeze %dma_start3A_198 : memref<1x128x64xf32, #tpu.memory_space<hbm>> -> memref<128x64xf32, #tpu.memory_space<hbm>>
      tpu.enqueue_dma source(%arg7 : memref<128x64xf32, #tpu.memory_space<vmem>>) target(%dma_start3A_199 : memref<128x64xf32, #tpu.memory_space<hbm>>) target_semaphore(%arg19 : memref<!tpu.dma_semaphore, #tpu.memory_space<semaphore_mem>>)
      %add3A_200 = arith.constant 6 : i32
      %add3A_201 = arith.addi %add3A_154, %add3A_200 : i32
      %lt3A_202 = arith.constant 90 : i32
      %lt3A_203 = arith.cmpi slt, %add3A_201, %lt3A_202 : i32
      %convert_element_type3A_204 = arith.extui %lt3A_203 : i1 to i32
      %cond3A_205 = arith.constant 0 : i32
      %cond3A_206 = arith.cmpi ne, %convert_element_type3A_204, %cond3A_205 : i32
      scf.if %cond3A_206 {
        %dma_wait3A_432 = arith.constant 0 : i32
        %dma_wait3A_433 = arith.constant 0 : i32
        %dma_wait3A_434 = arith.constant 0 : i32
        %dma_wait3A_435 = tpu.memref_slice %arg4[%dma_wait3A_432, %dma_wait3A_433, %dma_wait3A_434] : memref<9x40960x64xf32, #tpu.memory_space<hbm>> -> memref<1x128x64xf32, #tpu.memory_space<hbm>>
        %dma_wait3A_436 = tpu.memref_squeeze %dma_wait3A_435 : memref<1x128x64xf32, #tpu.memory_space<hbm>> -> memref<128x64xf32, #tpu.memory_space<hbm>>
        %dma_wait3A_437 = arith.constant 0 : i32
        %dma_wait3A_438 = arith.constant 0 : i32
        %dma_wait3A_439 = tpu.memref_slice %arg4[%dma_wait3A_432, %dma_wait3A_437, %dma_wait3A_438] : memref<9x40960x64xf32, #tpu.memory_space<hbm>> -> memref<1x128x64xf32, #tpu.memory_space<hbm>>
        %dma_wait3A_440 = tpu.memref_squeeze %dma_wait3A_439 : memref<1x128x64xf32, #tpu.memory_space<hbm>> -> memref<128x64xf32, #tpu.memory_space<hbm>>
        tpu.wait_dma2 semaphore(%arg19 : memref<!tpu.dma_semaphore, #tpu.memory_space<semaphore_mem>>) src(%arg7 : memref<128x64xf32, #tpu.memory_space<vmem>>) dst(%dma_wait3A_440 : memref<128x64xf32, #tpu.memory_space<hbm>>)
        %add3A_441 = arith.constant 6 : i32
        %add3A_442 = arith.addi %add3A_154, %add3A_441 : i32
        %dma_start3A_443 = arith.constant 0 : i32
        %dma_start3A_444 = tpu.memref_slice %arg5[%add3A_442, %dma_start3A_443] : memref<90x128xi32, #tpu.memory_space<vmem>> -> memref<1x128xi32, #tpu.memory_space<vmem>>
        %dma_start3A_445 = tpu.memref_squeeze %dma_start3A_444 : memref<1x128xi32, #tpu.memory_space<vmem>> -> memref<128xi32, #tpu.memory_space<vmem>>
        %dma_start3A_446 = arith.constant 0 : i32
        %dma_start3A_447 = arith.constant 0 : i32
        %dma_start3A_448 = tpu.memref_slice %arg2[%dma_start3A_446, %dma_start3A_447] : memref<40000x64xf32, #tpu.memory_space<hbm>> -> memref<40000x64xf32, #tpu.memory_space<hbm>>
        tpu.enqueue_indirect_dma source(%dma_start3A_448 : memref<40000x64xf32, #tpu.memory_space<hbm>>) target(%arg7 : memref<128x64xf32, #tpu.memory_space<vmem>>) offsets(%dma_start3A_445 : memref<128xi32, #tpu.memory_space<vmem>>) semaphore(%arg13 : memref<!tpu.dma_semaphore, #tpu.memory_space<semaphore_mem>>)
      } else {
      }
      %mul3A_207 = arith.constant 6 : i32
      %mul3A_208 = arith.muli %scan3A_105, %mul3A_207 : i32
      %add3A_209 = arith.constant 2 : i32
      %add3A_210 = arith.addi %mul3A_208, %add3A_209 : i32
      %dma_wait3A_211 = arith.constant 0 : i32
      %dma_wait3A_212 = arith.constant 0 : i32
      %dma_wait3A_213 = tpu.memref_slice %arg5[%dma_wait3A_211, %dma_wait3A_212] : memref<90x128xi32, #tpu.memory_space<vmem>> -> memref<1x128xi32, #tpu.memory_space<vmem>>
      %dma_wait3A_214 = tpu.memref_squeeze %dma_wait3A_213 : memref<1x128xi32, #tpu.memory_space<vmem>> -> memref<128xi32, #tpu.memory_space<vmem>>
      %dma_wait3A_215 = arith.constant 0 : i32
      %dma_wait3A_216 = arith.constant 0 : i32
      %dma_wait3A_217 = tpu.memref_slice %arg2[%dma_wait3A_215, %dma_wait3A_216] : memref<40000x64xf32, #tpu.memory_space<hbm>> -> memref<40000x64xf32, #tpu.memory_space<hbm>>
      tpu.wait_indirect_dma semaphore(%arg14 : memref<!tpu.dma_semaphore, #tpu.memory_space<semaphore_mem>>) src(%dma_wait3A_217 : memref<40000x64xf32, #tpu.memory_space<hbm>>) dst(%arg8 : memref<128x64xf32, #tpu.memory_space<vmem>>)
      %mul3A_218 = arith.constant 128 : i32
      %mul3A_219 = arith.muli %add3A_210, %mul3A_218 : i32
      %add3A_220 = arith.addi %mul3A_2, %mul3A_219 : i32
      %multiple_of3A_221 = tpu.assume_multiple %add3A_220, 128 : i32
      %jit3A_222 = arith.constant 40960 : i32
      %div3A_223 = arith.divsi %multiple_of3A_221, %jit3A_222 : i32
      %sign3A_224 = arith.constant 0 : i32
      %sign3A_225 = arith.cmpi sgt, %multiple_of3A_221, %sign3A_224 : i32
      %sign3A_226 = arith.extui %sign3A_225 : i1 to i32
      %sign3A_227 = arith.constant 0 : i32
      %sign3A_228 = arith.cmpi slt, %multiple_of3A_221, %sign3A_227 : i32
      %sign3A_229 = arith.extui %sign3A_228 : i1 to i32
      %sign3A_230 = arith.subi %sign3A_226, %sign3A_229 : i32
      %sign3A_231 = arith.constant 0 : i32
      %sign3A_232 = arith.cmpi sgt, %jit3A_222, %sign3A_231 : i32
      %sign3A_233 = arith.extui %sign3A_232 : i1 to i32
      %sign3A_234 = arith.constant 0 : i32
      %sign3A_235 = arith.cmpi slt, %jit3A_222, %sign3A_234 : i32
      %sign3A_236 = arith.extui %sign3A_235 : i1 to i32
      %sign3A_237 = arith.subi %sign3A_233, %sign3A_236 : i32
      %ne3A_238 = arith.cmpi ne, %sign3A_230, %sign3A_237 : i32
      %rem3A_239 = arith.remsi %multiple_of3A_221, %jit3A_222 : i32
      %ne3A_240 = arith.constant 0 : i32
      %ne3A_241 = arith.cmpi ne, %rem3A_239, %ne3A_240 : i32
      %and3A_242 = arith.andi %ne3A_238, %ne3A_241 : i1
      %sub3A_243 = arith.constant 1 : i32
      %sub3A_244 = arith.subi %div3A_223, %sub3A_243 : i32
      %select_n3A_245 = arith.select %and3A_242, %sub3A_244, %div3A_223 : i32
      %mul3A_246 = arith.constant 40960 : i32
      %mul3A_247 = arith.muli %select_n3A_245, %mul3A_246 : i32
      %sub3A_248 = arith.subi %multiple_of3A_221, %mul3A_247 : i32
      %multiple_of3A_249 = tpu.assume_multiple %sub3A_248, 128 : i32
      %dma_start3A_250 = arith.constant 0 : i32
      %dma_start3A_251 = tpu.memref_slice %arg4[%select_n3A_245, %multiple_of3A_249, %dma_start3A_250] : memref<9x40960x64xf32, #tpu.memory_space<hbm>> -> memref<1x128x64xf32, #tpu.memory_space<hbm>>
      %dma_start3A_252 = tpu.memref_squeeze %dma_start3A_251 : memref<1x128x64xf32, #tpu.memory_space<hbm>> -> memref<128x64xf32, #tpu.memory_space<hbm>>
      %dma_start3A_253 = arith.constant 0 : i32
      %dma_start3A_254 = tpu.memref_slice %arg4[%select_n3A_245, %multiple_of3A_249, %dma_start3A_253] : memref<9x40960x64xf32, #tpu.memory_space<hbm>> -> memref<1x128x64xf32, #tpu.memory_space<hbm>>
      %dma_start3A_255 = tpu.memref_squeeze %dma_start3A_254 : memref<1x128x64xf32, #tpu.memory_space<hbm>> -> memref<128x64xf32, #tpu.memory_space<hbm>>
      tpu.enqueue_dma source(%arg8 : memref<128x64xf32, #tpu.memory_space<vmem>>) target(%dma_start3A_255 : memref<128x64xf32, #tpu.memory_space<hbm>>) target_semaphore(%arg20 : memref<!tpu.dma_semaphore, #tpu.memory_space<semaphore_mem>>)
      %add3A_256 = arith.constant 6 : i32
      %add3A_257 = arith.addi %add3A_210, %add3A_256 : i32
      %lt3A_258 = arith.constant 90 : i32
      %lt3A_259 = arith.cmpi slt, %add3A_257, %lt3A_258 : i32
      %convert_element_type3A_260 = arith.extui %lt3A_259 : i1 to i32
      %cond3A_261 = arith.constant 0 : i32
      %cond3A_262 = arith.cmpi ne, %convert_element_type3A_260, %cond3A_261 : i32
      scf.if %cond3A_262 {
        %dma_wait3A_432 = arith.constant 0 : i32
        %dma_wait3A_433 = arith.constant 0 : i32
        %dma_wait3A_434 = arith.constant 0 : i32
        %dma_wait3A_435 = tpu.memref_slice %arg4[%dma_wait3A_432, %dma_wait3A_433, %dma_wait3A_434] : memref<9x40960x64xf32, #tpu.memory_space<hbm>> -> memref<1x128x64xf32, #tpu.memory_space<hbm>>
        %dma_wait3A_436 = tpu.memref_squeeze %dma_wait3A_435 : memref<1x128x64xf32, #tpu.memory_space<hbm>> -> memref<128x64xf32, #tpu.memory_space<hbm>>
        %dma_wait3A_437 = arith.constant 0 : i32
        %dma_wait3A_438 = arith.constant 0 : i32
        %dma_wait3A_439 = tpu.memref_slice %arg4[%dma_wait3A_432, %dma_wait3A_437, %dma_wait3A_438] : memref<9x40960x64xf32, #tpu.memory_space<hbm>> -> memref<1x128x64xf32, #tpu.memory_space<hbm>>
        %dma_wait3A_440 = tpu.memref_squeeze %dma_wait3A_439 : memref<1x128x64xf32, #tpu.memory_space<hbm>> -> memref<128x64xf32, #tpu.memory_space<hbm>>
        tpu.wait_dma2 semaphore(%arg20 : memref<!tpu.dma_semaphore, #tpu.memory_space<semaphore_mem>>) src(%arg8 : memref<128x64xf32, #tpu.memory_space<vmem>>) dst(%dma_wait3A_440 : memref<128x64xf32, #tpu.memory_space<hbm>>)
        %add3A_441 = arith.constant 6 : i32
        %add3A_442 = arith.addi %add3A_210, %add3A_441 : i32
        %dma_start3A_443 = arith.constant 0 : i32
        %dma_start3A_444 = tpu.memref_slice %arg5[%add3A_442, %dma_start3A_443] : memref<90x128xi32, #tpu.memory_space<vmem>> -> memref<1x128xi32, #tpu.memory_space<vmem>>
        %dma_start3A_445 = tpu.memref_squeeze %dma_start3A_444 : memref<1x128xi32, #tpu.memory_space<vmem>> -> memref<128xi32, #tpu.memory_space<vmem>>
        %dma_start3A_446 = arith.constant 0 : i32
        %dma_start3A_447 = arith.constant 0 : i32
        %dma_start3A_448 = tpu.memref_slice %arg2[%dma_start3A_446, %dma_start3A_447] : memref<40000x64xf32, #tpu.memory_space<hbm>> -> memref<40000x64xf32, #tpu.memory_space<hbm>>
        tpu.enqueue_indirect_dma source(%dma_start3A_448 : memref<40000x64xf32, #tpu.memory_space<hbm>>) target(%arg8 : memref<128x64xf32, #tpu.memory_space<vmem>>) offsets(%dma_start3A_445 : memref<128xi32, #tpu.memory_space<vmem>>) semaphore(%arg14 : memref<!tpu.dma_semaphore, #tpu.memory_space<semaphore_mem>>)
      } else {
      }
      %mul3A_263 = arith.constant 6 : i32
      %mul3A_264 = arith.muli %scan3A_105, %mul3A_263 : i32
      %add3A_265 = arith.constant 3 : i32
      %add3A_266 = arith.addi %mul3A_264, %add3A_265 : i32
      %dma_wait3A_267 = arith.constant 0 : i32
      %dma_wait3A_268 = arith.constant 0 : i32
      %dma_wait3A_269 = tpu.memref_slice %arg5[%dma_wait3A_267, %dma_wait3A_268] : memref<90x128xi32, #tpu.memory_space<vmem>> -> memref<1x128xi32, #tpu.memory_space<vmem>>
      %dma_wait3A_270 = tpu.memref_squeeze %dma_wait3A_269 : memref<1x128xi32, #tpu.memory_space<vmem>> -> memref<128xi32, #tpu.memory_space<vmem>>
      %dma_wait3A_271 = arith.constant 0 : i32
      %dma_wait3A_272 = arith.constant 0 : i32
      %dma_wait3A_273 = tpu.memref_slice %arg2[%dma_wait3A_271, %dma_wait3A_272] : memref<40000x64xf32, #tpu.memory_space<hbm>> -> memref<40000x64xf32, #tpu.memory_space<hbm>>
      tpu.wait_indirect_dma semaphore(%arg15 : memref<!tpu.dma_semaphore, #tpu.memory_space<semaphore_mem>>) src(%dma_wait3A_273 : memref<40000x64xf32, #tpu.memory_space<hbm>>) dst(%arg9 : memref<128x64xf32, #tpu.memory_space<vmem>>)
      %mul3A_274 = arith.constant 128 : i32
      %mul3A_275 = arith.muli %add3A_266, %mul3A_274 : i32
      %add3A_276 = arith.addi %mul3A_2, %mul3A_275 : i32
      %multiple_of3A_277 = tpu.assume_multiple %add3A_276, 128 : i32
      %jit3A_278 = arith.constant 40960 : i32
      %div3A_279 = arith.divsi %multiple_of3A_277, %jit3A_278 : i32
      %sign3A_280 = arith.constant 0 : i32
      %sign3A_281 = arith.cmpi sgt, %multiple_of3A_277, %sign3A_280 : i32
      %sign3A_282 = arith.extui %sign3A_281 : i1 to i32
      %sign3A_283 = arith.constant 0 : i32
      %sign3A_284 = arith.cmpi slt, %multiple_of3A_277, %sign3A_283 : i32
      %sign3A_285 = arith.extui %sign3A_284 : i1 to i32
      %sign3A_286 = arith.subi %sign3A_282, %sign3A_285 : i32
      %sign3A_287 = arith.constant 0 : i32
      %sign3A_288 = arith.cmpi sgt, %jit3A_278, %sign3A_287 : i32
      %sign3A_289 = arith.extui %sign3A_288 : i1 to i32
      %sign3A_290 = arith.constant 0 : i32
      %sign3A_291 = arith.cmpi slt, %jit3A_278, %sign3A_290 : i32
      %sign3A_292 = arith.extui %sign3A_291 : i1 to i32
      %sign3A_293 = arith.subi %sign3A_289, %sign3A_292 : i32
      %ne3A_294 = arith.cmpi ne, %sign3A_286, %sign3A_293 : i32
      %rem3A_295 = arith.remsi %multiple_of3A_277, %jit3A_278 : i32
      %ne3A_296 = arith.constant 0 : i32
      %ne3A_297 = arith.cmpi ne, %rem3A_295, %ne3A_296 : i32
      %and3A_298 = arith.andi %ne3A_294, %ne3A_297 : i1
      %sub3A_299 = arith.constant 1 : i32
      %sub3A_300 = arith.subi %div3A_279, %sub3A_299 : i32
      %select_n3A_301 = arith.select %and3A_298, %sub3A_300, %div3A_279 : i32
      %mul3A_302 = arith.constant 40960 : i32
      %mul3A_303 = arith.muli %select_n3A_301, %mul3A_302 : i32
      %sub3A_304 = arith.subi %multiple_of3A_277, %mul3A_303 : i32
      %multiple_of3A_305 = tpu.assume_multiple %sub3A_304, 128 : i32
      %dma_start3A_306 = arith.constant 0 : i32
      %dma_start3A_307 = tpu.memref_slice %arg4[%select_n3A_301, %multiple_of3A_305, %dma_start3A_306] : memref<9x40960x64xf32, #tpu.memory_space<hbm>> -> memref<1x128x64xf32, #tpu.memory_space<hbm>>
      %dma_start3A_308 = tpu.memref_squeeze %dma_start3A_307 : memref<1x128x64xf32, #tpu.memory_space<hbm>> -> memref<128x64xf32, #tpu.memory_space<hbm>>
      %dma_start3A_309 = arith.constant 0 : i32
      %dma_start3A_310 = tpu.memref_slice %arg4[%select_n3A_301, %multiple_of3A_305, %dma_start3A_309] : memref<9x40960x64xf32, #tpu.memory_space<hbm>> -> memref<1x128x64xf32, #tpu.memory_space<hbm>>
      %dma_start3A_311 = tpu.memref_squeeze %dma_start3A_310 : memref<1x128x64xf32, #tpu.memory_space<hbm>> -> memref<128x64xf32, #tpu.memory_space<hbm>>
      tpu.enqueue_dma source(%arg9 : memref<128x64xf32, #tpu.memory_space<vmem>>) target(%dma_start3A_311 : memref<128x64xf32, #tpu.memory_space<hbm>>) target_semaphore(%arg21 : memref<!tpu.dma_semaphore, #tpu.memory_space<semaphore_mem>>)
      %add3A_312 = arith.constant 6 : i32
      %add3A_313 = arith.addi %add3A_266, %add3A_312 : i32
      %lt3A_314 = arith.constant 90 : i32
      %lt3A_315 = arith.cmpi slt, %add3A_313, %lt3A_314 : i32
      %convert_element_type3A_316 = arith.extui %lt3A_315 : i1 to i32
      %cond3A_317 = arith.constant 0 : i32
      %cond3A_318 = arith.cmpi ne, %convert_element_type3A_316, %cond3A_317 : i32
      scf.if %cond3A_318 {
        %dma_wait3A_432 = arith.constant 0 : i32
        %dma_wait3A_433 = arith.constant 0 : i32
        %dma_wait3A_434 = arith.constant 0 : i32
        %dma_wait3A_435 = tpu.memref_slice %arg4[%dma_wait3A_432, %dma_wait3A_433, %dma_wait3A_434] : memref<9x40960x64xf32, #tpu.memory_space<hbm>> -> memref<1x128x64xf32, #tpu.memory_space<hbm>>
        %dma_wait3A_436 = tpu.memref_squeeze %dma_wait3A_435 : memref<1x128x64xf32, #tpu.memory_space<hbm>> -> memref<128x64xf32, #tpu.memory_space<hbm>>
        %dma_wait3A_437 = arith.constant 0 : i32
        %dma_wait3A_438 = arith.constant 0 : i32
        %dma_wait3A_439 = tpu.memref_slice %arg4[%dma_wait3A_432, %dma_wait3A_437, %dma_wait3A_438] : memref<9x40960x64xf32, #tpu.memory_space<hbm>> -> memref<1x128x64xf32, #tpu.memory_space<hbm>>
        %dma_wait3A_440 = tpu.memref_squeeze %dma_wait3A_439 : memref<1x128x64xf32, #tpu.memory_space<hbm>> -> memref<128x64xf32, #tpu.memory_space<hbm>>
        tpu.wait_dma2 semaphore(%arg21 : memref<!tpu.dma_semaphore, #tpu.memory_space<semaphore_mem>>) src(%arg9 : memref<128x64xf32, #tpu.memory_space<vmem>>) dst(%dma_wait3A_440 : memref<128x64xf32, #tpu.memory_space<hbm>>)
        %add3A_441 = arith.constant 6 : i32
        %add3A_442 = arith.addi %add3A_266, %add3A_441 : i32
        %dma_start3A_443 = arith.constant 0 : i32
        %dma_start3A_444 = tpu.memref_slice %arg5[%add3A_442, %dma_start3A_443] : memref<90x128xi32, #tpu.memory_space<vmem>> -> memref<1x128xi32, #tpu.memory_space<vmem>>
        %dma_start3A_445 = tpu.memref_squeeze %dma_start3A_444 : memref<1x128xi32, #tpu.memory_space<vmem>> -> memref<128xi32, #tpu.memory_space<vmem>>
        %dma_start3A_446 = arith.constant 0 : i32
        %dma_start3A_447 = arith.constant 0 : i32
        %dma_start3A_448 = tpu.memref_slice %arg2[%dma_start3A_446, %dma_start3A_447] : memref<40000x64xf32, #tpu.memory_space<hbm>> -> memref<40000x64xf32, #tpu.memory_space<hbm>>
        tpu.enqueue_indirect_dma source(%dma_start3A_448 : memref<40000x64xf32, #tpu.memory_space<hbm>>) target(%arg9 : memref<128x64xf32, #tpu.memory_space<vmem>>) offsets(%dma_start3A_445 : memref<128xi32, #tpu.memory_space<vmem>>) semaphore(%arg15 : memref<!tpu.dma_semaphore, #tpu.memory_space<semaphore_mem>>)
      } else {
      }
      %mul3A_319 = arith.constant 6 : i32
      %mul3A_320 = arith.muli %scan3A_105, %mul3A_319 : i32
      %add3A_321 = arith.constant 4 : i32
      %add3A_322 = arith.addi %mul3A_320, %add3A_321 : i32
      %dma_wait3A_323 = arith.constant 0 : i32
      %dma_wait3A_324 = arith.constant 0 : i32
      %dma_wait3A_325 = tpu.memref_slice %arg5[%dma_wait3A_323, %dma_wait3A_324] : memref<90x128xi32, #tpu.memory_space<vmem>> -> memref<1x128xi32, #tpu.memory_space<vmem>>
      %dma_wait3A_326 = tpu.memref_squeeze %dma_wait3A_325 : memref<1x128xi32, #tpu.memory_space<vmem>> -> memref<128xi32, #tpu.memory_space<vmem>>
      %dma_wait3A_327 = arith.constant 0 : i32
      %dma_wait3A_328 = arith.constant 0 : i32
      %dma_wait3A_329 = tpu.memref_slice %arg2[%dma_wait3A_327, %dma_wait3A_328] : memref<40000x64xf32, #tpu.memory_space<hbm>> -> memref<40000x64xf32, #tpu.memory_space<hbm>>
      tpu.wait_indirect_dma semaphore(%arg16 : memref<!tpu.dma_semaphore, #tpu.memory_space<semaphore_mem>>) src(%dma_wait3A_329 : memref<40000x64xf32, #tpu.memory_space<hbm>>) dst(%arg10 : memref<128x64xf32, #tpu.memory_space<vmem>>)
      %mul3A_330 = arith.constant 128 : i32
      %mul3A_331 = arith.muli %add3A_322, %mul3A_330 : i32
      %add3A_332 = arith.addi %mul3A_2, %mul3A_331 : i32
      %multiple_of3A_333 = tpu.assume_multiple %add3A_332, 128 : i32
      %jit3A_334 = arith.constant 40960 : i32
      %div3A_335 = arith.divsi %multiple_of3A_333, %jit3A_334 : i32
      %sign3A_336 = arith.constant 0 : i32
      %sign3A_337 = arith.cmpi sgt, %multiple_of3A_333, %sign3A_336 : i32
      %sign3A_338 = arith.extui %sign3A_337 : i1 to i32
      %sign3A_339 = arith.constant 0 : i32
      %sign3A_340 = arith.cmpi slt, %multiple_of3A_333, %sign3A_339 : i32
      %sign3A_341 = arith.extui %sign3A_340 : i1 to i32
      %sign3A_342 = arith.subi %sign3A_338, %sign3A_341 : i32
      %sign3A_343 = arith.constant 0 : i32
      %sign3A_344 = arith.cmpi sgt, %jit3A_334, %sign3A_343 : i32
      %sign3A_345 = arith.extui %sign3A_344 : i1 to i32
      %sign3A_346 = arith.constant 0 : i32
      %sign3A_347 = arith.cmpi slt, %jit3A_334, %sign3A_346 : i32
      %sign3A_348 = arith.extui %sign3A_347 : i1 to i32
      %sign3A_349 = arith.subi %sign3A_345, %sign3A_348 : i32
      %ne3A_350 = arith.cmpi ne, %sign3A_342, %sign3A_349 : i32
      %rem3A_351 = arith.remsi %multiple_of3A_333, %jit3A_334 : i32
      %ne3A_352 = arith.constant 0 : i32
      %ne3A_353 = arith.cmpi ne, %rem3A_351, %ne3A_352 : i32
      %and3A_354 = arith.andi %ne3A_350, %ne3A_353 : i1
      %sub3A_355 = arith.constant 1 : i32
      %sub3A_356 = arith.subi %div3A_335, %sub3A_355 : i32
      %select_n3A_357 = arith.select %and3A_354, %sub3A_356, %div3A_335 : i32
      %mul3A_358 = arith.constant 40960 : i32
      %mul3A_359 = arith.muli %select_n3A_357, %mul3A_358 : i32
      %sub3A_360 = arith.subi %multiple_of3A_333, %mul3A_359 : i32
      %multiple_of3A_361 = tpu.assume_multiple %sub3A_360, 128 : i32
      %dma_start3A_362 = arith.constant 0 : i32
      %dma_start3A_363 = tpu.memref_slice %arg4[%select_n3A_357, %multiple_of3A_361, %dma_start3A_362] : memref<9x40960x64xf32, #tpu.memory_space<hbm>> -> memref<1x128x64xf32, #tpu.memory_space<hbm>>
      %dma_start3A_364 = tpu.memref_squeeze %dma_start3A_363 : memref<1x128x64xf32, #tpu.memory_space<hbm>> -> memref<128x64xf32, #tpu.memory_space<hbm>>
      %dma_start3A_365 = arith.constant 0 : i32
      %dma_start3A_366 = tpu.memref_slice %arg4[%select_n3A_357, %multiple_of3A_361, %dma_start3A_365] : memref<9x40960x64xf32, #tpu.memory_space<hbm>> -> memref<1x128x64xf32, #tpu.memory_space<hbm>>
      %dma_start3A_367 = tpu.memref_squeeze %dma_start3A_366 : memref<1x128x64xf32, #tpu.memory_space<hbm>> -> memref<128x64xf32, #tpu.memory_space<hbm>>
      tpu.enqueue_dma source(%arg10 : memref<128x64xf32, #tpu.memory_space<vmem>>) target(%dma_start3A_367 : memref<128x64xf32, #tpu.memory_space<hbm>>) target_semaphore(%arg22 : memref<!tpu.dma_semaphore, #tpu.memory_space<semaphore_mem>>)
      %add3A_368 = arith.constant 6 : i32
      %add3A_369 = arith.addi %add3A_322, %add3A_368 : i32
      %lt3A_370 = arith.constant 90 : i32
      %lt3A_371 = arith.cmpi slt, %add3A_369, %lt3A_370 : i32
      %convert_element_type3A_372 = arith.extui %lt3A_371 : i1 to i32
      %cond3A_373 = arith.constant 0 : i32
      %cond3A_374 = arith.cmpi ne, %convert_element_type3A_372, %cond3A_373 : i32
      scf.if %cond3A_374 {
        %dma_wait3A_432 = arith.constant 0 : i32
        %dma_wait3A_433 = arith.constant 0 : i32
        %dma_wait3A_434 = arith.constant 0 : i32
        %dma_wait3A_435 = tpu.memref_slice %arg4[%dma_wait3A_432, %dma_wait3A_433, %dma_wait3A_434] : memref<9x40960x64xf32, #tpu.memory_space<hbm>> -> memref<1x128x64xf32, #tpu.memory_space<hbm>>
        %dma_wait3A_436 = tpu.memref_squeeze %dma_wait3A_435 : memref<1x128x64xf32, #tpu.memory_space<hbm>> -> memref<128x64xf32, #tpu.memory_space<hbm>>
        %dma_wait3A_437 = arith.constant 0 : i32
        %dma_wait3A_438 = arith.constant 0 : i32
        %dma_wait3A_439 = tpu.memref_slice %arg4[%dma_wait3A_432, %dma_wait3A_437, %dma_wait3A_438] : memref<9x40960x64xf32, #tpu.memory_space<hbm>> -> memref<1x128x64xf32, #tpu.memory_space<hbm>>
        %dma_wait3A_440 = tpu.memref_squeeze %dma_wait3A_439 : memref<1x128x64xf32, #tpu.memory_space<hbm>> -> memref<128x64xf32, #tpu.memory_space<hbm>>
        tpu.wait_dma2 semaphore(%arg22 : memref<!tpu.dma_semaphore, #tpu.memory_space<semaphore_mem>>) src(%arg10 : memref<128x64xf32, #tpu.memory_space<vmem>>) dst(%dma_wait3A_440 : memref<128x64xf32, #tpu.memory_space<hbm>>)
        %add3A_441 = arith.constant 6 : i32
        %add3A_442 = arith.addi %add3A_322, %add3A_441 : i32
        %dma_start3A_443 = arith.constant 0 : i32
        %dma_start3A_444 = tpu.memref_slice %arg5[%add3A_442, %dma_start3A_443] : memref<90x128xi32, #tpu.memory_space<vmem>> -> memref<1x128xi32, #tpu.memory_space<vmem>>
        %dma_start3A_445 = tpu.memref_squeeze %dma_start3A_444 : memref<1x128xi32, #tpu.memory_space<vmem>> -> memref<128xi32, #tpu.memory_space<vmem>>
        %dma_start3A_446 = arith.constant 0 : i32
        %dma_start3A_447 = arith.constant 0 : i32
        %dma_start3A_448 = tpu.memref_slice %arg2[%dma_start3A_446, %dma_start3A_447] : memref<40000x64xf32, #tpu.memory_space<hbm>> -> memref<40000x64xf32, #tpu.memory_space<hbm>>
        tpu.enqueue_indirect_dma source(%dma_start3A_448 : memref<40000x64xf32, #tpu.memory_space<hbm>>) target(%arg10 : memref<128x64xf32, #tpu.memory_space<vmem>>) offsets(%dma_start3A_445 : memref<128xi32, #tpu.memory_space<vmem>>) semaphore(%arg16 : memref<!tpu.dma_semaphore, #tpu.memory_space<semaphore_mem>>)
      } else {
      }
      %mul3A_375 = arith.constant 6 : i32
      %mul3A_376 = arith.muli %scan3A_105, %mul3A_375 : i32
      %add3A_377 = arith.constant 5 : i32
      %add3A_378 = arith.addi %mul3A_376, %add3A_377 : i32
      %dma_wait3A_379 = arith.constant 0 : i32
      %dma_wait3A_380 = arith.constant 0 : i32
      %dma_wait3A_381 = tpu.memref_slice %arg5[%dma_wait3A_379, %dma_wait3A_380] : memref<90x128xi32, #tpu.memory_space<vmem>> -> memref<1x128xi32, #tpu.memory_space<vmem>>
      %dma_wait3A_382 = tpu.memref_squeeze %dma_wait3A_381 : memref<1x128xi32, #tpu.memory_space<vmem>> -> memref<128xi32, #tpu.memory_space<vmem>>
      %dma_wait3A_383 = arith.constant 0 : i32
      %dma_wait3A_384 = arith.constant 0 : i32
      %dma_wait3A_385 = tpu.memref_slice %arg2[%dma_wait3A_383, %dma_wait3A_384] : memref<40000x64xf32, #tpu.memory_space<hbm>> -> memref<40000x64xf32, #tpu.memory_space<hbm>>
      tpu.wait_indirect_dma semaphore(%arg17 : memref<!tpu.dma_semaphore, #tpu.memory_space<semaphore_mem>>) src(%dma_wait3A_385 : memref<40000x64xf32, #tpu.memory_space<hbm>>) dst(%arg11 : memref<128x64xf32, #tpu.memory_space<vmem>>)
      %mul3A_386 = arith.constant 128 : i32
      %mul3A_387 = arith.muli %add3A_378, %mul3A_386 : i32
      %add3A_388 = arith.addi %mul3A_2, %mul3A_387 : i32
      %multiple_of3A_389 = tpu.assume_multiple %add3A_388, 128 : i32
      %jit3A_390 = arith.constant 40960 : i32
      %div3A_391 = arith.divsi %multiple_of3A_389, %jit3A_390 : i32
      %sign3A_392 = arith.constant 0 : i32
      %sign3A_393 = arith.cmpi sgt, %multiple_of3A_389, %sign3A_392 : i32
      %sign3A_394 = arith.extui %sign3A_393 : i1 to i32
      %sign3A_395 = arith.constant 0 : i32
      %sign3A_396 = arith.cmpi slt, %multiple_of3A_389, %sign3A_395 : i32
      %sign3A_397 = arith.extui %sign3A_396 : i1 to i32
      %sign3A_398 = arith.subi %sign3A_394, %sign3A_397 : i32
      %sign3A_399 = arith.constant 0 : i32
      %sign3A_400 = arith.cmpi sgt, %jit3A_390, %sign3A_399 : i32
      %sign3A_401 = arith.extui %sign3A_400 : i1 to i32
      %sign3A_402 = arith.constant 0 : i32
      %sign3A_403 = arith.cmpi slt, %jit3A_390, %sign3A_402 : i32
      %sign3A_404 = arith.extui %sign3A_403 : i1 to i32
      %sign3A_405 = arith.subi %sign3A_401, %sign3A_404 : i32
      %ne3A_406 = arith.cmpi ne, %sign3A_398, %sign3A_405 : i32
      %rem3A_407 = arith.remsi %multiple_of3A_389, %jit3A_390 : i32
      %ne3A_408 = arith.constant 0 : i32
      %ne3A_409 = arith.cmpi ne, %rem3A_407, %ne3A_408 : i32
      %and3A_410 = arith.andi %ne3A_406, %ne3A_409 : i1
      %sub3A_411 = arith.constant 1 : i32
      %sub3A_412 = arith.subi %div3A_391, %sub3A_411 : i32
      %select_n3A_413 = arith.select %and3A_410, %sub3A_412, %div3A_391 : i32
      %mul3A_414 = arith.constant 40960 : i32
      %mul3A_415 = arith.muli %select_n3A_413, %mul3A_414 : i32
      %sub3A_416 = arith.subi %multiple_of3A_389, %mul3A_415 : i32
      %multiple_of3A_417 = tpu.assume_multiple %sub3A_416, 128 : i32
      %dma_start3A_418 = arith.constant 0 : i32
      %dma_start3A_419 = tpu.memref_slice %arg4[%select_n3A_413, %multiple_of3A_417, %dma_start3A_418] : memref<9x40960x64xf32, #tpu.memory_space<hbm>> -> memref<1x128x64xf32, #tpu.memory_space<hbm>>
      %dma_start3A_420 = tpu.memref_squeeze %dma_start3A_419 : memref<1x128x64xf32, #tpu.memory_space<hbm>> -> memref<128x64xf32, #tpu.memory_space<hbm>>
      %dma_start3A_421 = arith.constant 0 : i32
      %dma_start3A_422 = tpu.memref_slice %arg4[%select_n3A_413, %multiple_of3A_417, %dma_start3A_421] : memref<9x40960x64xf32, #tpu.memory_space<hbm>> -> memref<1x128x64xf32, #tpu.memory_space<hbm>>
      %dma_start3A_423 = tpu.memref_squeeze %dma_start3A_422 : memref<1x128x64xf32, #tpu.memory_space<hbm>> -> memref<128x64xf32, #tpu.memory_space<hbm>>
      tpu.enqueue_dma source(%arg11 : memref<128x64xf32, #tpu.memory_space<vmem>>) target(%dma_start3A_423 : memref<128x64xf32, #tpu.memory_space<hbm>>) target_semaphore(%arg23 : memref<!tpu.dma_semaphore, #tpu.memory_space<semaphore_mem>>)
      %add3A_424 = arith.constant 6 : i32
      %add3A_425 = arith.addi %add3A_378, %add3A_424 : i32
      %lt3A_426 = arith.constant 90 : i32
      %lt3A_427 = arith.cmpi slt, %add3A_425, %lt3A_426 : i32
      %convert_element_type3A_428 = arith.extui %lt3A_427 : i1 to i32
      %cond3A_429 = arith.constant 0 : i32
      %cond3A_430 = arith.cmpi ne, %convert_element_type3A_428, %cond3A_429 : i32
      scf.if %cond3A_430 {
        %dma_wait3A_432 = arith.constant 0 : i32
        %dma_wait3A_433 = arith.constant 0 : i32
        %dma_wait3A_434 = arith.constant 0 : i32
        %dma_wait3A_435 = tpu.memref_slice %arg4[%dma_wait3A_432, %dma_wait3A_433, %dma_wait3A_434] : memref<9x40960x64xf32, #tpu.memory_space<hbm>> -> memref<1x128x64xf32, #tpu.memory_space<hbm>>
        %dma_wait3A_436 = tpu.memref_squeeze %dma_wait3A_435 : memref<1x128x64xf32, #tpu.memory_space<hbm>> -> memref<128x64xf32, #tpu.memory_space<hbm>>
        %dma_wait3A_437 = arith.constant 0 : i32
        %dma_wait3A_438 = arith.constant 0 : i32
        %dma_wait3A_439 = tpu.memref_slice %arg4[%dma_wait3A_432, %dma_wait3A_437, %dma_wait3A_438] : memref<9x40960x64xf32, #tpu.memory_space<hbm>> -> memref<1x128x64xf32, #tpu.memory_space<hbm>>
        %dma_wait3A_440 = tpu.memref_squeeze %dma_wait3A_439 : memref<1x128x64xf32, #tpu.memory_space<hbm>> -> memref<128x64xf32, #tpu.memory_space<hbm>>
        tpu.wait_dma2 semaphore(%arg23 : memref<!tpu.dma_semaphore, #tpu.memory_space<semaphore_mem>>) src(%arg11 : memref<128x64xf32, #tpu.memory_space<vmem>>) dst(%dma_wait3A_440 : memref<128x64xf32, #tpu.memory_space<hbm>>)
        %add3A_441 = arith.constant 6 : i32
        %add3A_442 = arith.addi %add3A_378, %add3A_441 : i32
        %dma_start3A_443 = arith.constant 0 : i32
        %dma_start3A_444 = tpu.memref_slice %arg5[%add3A_442, %dma_start3A_443] : memref<90x128xi32, #tpu.memory_space<vmem>> -> memref<1x128xi32, #tpu.memory_space<vmem>>
        %dma_start3A_445 = tpu.memref_squeeze %dma_start3A_444 : memref<1x128xi32, #tpu.memory_space<vmem>> -> memref<128xi32, #tpu.memory_space<vmem>>
        %dma_start3A_446 = arith.constant 0 : i32
        %dma_start3A_447 = arith.constant 0 : i32
        %dma_start3A_448 = tpu.memref_slice %arg2[%dma_start3A_446, %dma_start3A_447] : memref<40000x64xf32, #tpu.memory_space<hbm>> -> memref<40000x64xf32, #tpu.memory_space<hbm>>
        tpu.enqueue_indirect_dma source(%dma_start3A_448 : memref<40000x64xf32, #tpu.memory_space<hbm>>) target(%arg11 : memref<128x64xf32, #tpu.memory_space<vmem>>) offsets(%dma_start3A_445 : memref<128xi32, #tpu.memory_space<vmem>>) semaphore(%arg17 : memref<!tpu.dma_semaphore, #tpu.memory_space<semaphore_mem>>)
      } else {
      }
      %scan3A_431 = arith.constant 0 : i32
      scf.yield %scan3A_431 : i32
    }
    %scan3A_51 = arith.constant 15 : i32
    %dma_wait3A = arith.constant 0 : i32
    %dma_wait3A_52 = arith.constant 0 : i32
    %dma_wait3A_53 = arith.constant 0 : i32
    %dma_wait3A_54 = tpu.memref_slice %arg4[%dma_wait3A, %dma_wait3A_52, %dma_wait3A_53] : memref<9x40960x64xf32, #tpu.memory_space<hbm>> -> memref<1x128x64xf32, #tpu.memory_space<hbm>>
    %dma_wait3A_55 = tpu.memref_squeeze %dma_wait3A_54 : memref<1x128x64xf32, #tpu.memory_space<hbm>> -> memref<128x64xf32, #tpu.memory_space<hbm>>
    %dma_wait3A_56 = arith.constant 0 : i32
    %dma_wait3A_57 = arith.constant 0 : i32
    %dma_wait3A_58 = tpu.memref_slice %arg4[%dma_wait3A, %dma_wait3A_56, %dma_wait3A_57] : memref<9x40960x64xf32, #tpu.memory_space<hbm>> -> memref<1x128x64xf32, #tpu.memory_space<hbm>>
    %dma_wait3A_59 = tpu.memref_squeeze %dma_wait3A_58 : memref<1x128x64xf32, #tpu.memory_space<hbm>> -> memref<128x64xf32, #tpu.memory_space<hbm>>
    tpu.wait_dma2 semaphore(%arg18 : memref<!tpu.dma_semaphore, #tpu.memory_space<semaphore_mem>>) src(%arg6 : memref<128x64xf32, #tpu.memory_space<vmem>>) dst(%dma_wait3A_59 : memref<128x64xf32, #tpu.memory_space<hbm>>)
    %dma_wait3A_60 = arith.constant 0 : i32
    %dma_wait3A_61 = arith.constant 0 : i32
    %dma_wait3A_62 = arith.constant 0 : i32
    %dma_wait3A_63 = tpu.memref_slice %arg4[%dma_wait3A_60, %dma_wait3A_61, %dma_wait3A_62] : memref<9x40960x64xf32, #tpu.memory_space<hbm>> -> memref<1x128x64xf32, #tpu.memory_space<hbm>>
    %dma_wait3A_64 = tpu.memref_squeeze %dma_wait3A_63 : memref<1x128x64xf32, #tpu.memory_space<hbm>> -> memref<128x64xf32, #tpu.memory_space<hbm>>
    %dma_wait3A_65 = arith.constant 0 : i32
    %dma_wait3A_66 = arith.constant 0 : i32
    %dma_wait3A_67 = tpu.memref_slice %arg4[%dma_wait3A_60, %dma_wait3A_65, %dma_wait3A_66] : memref<9x40960x64xf32, #tpu.memory_space<hbm>> -> memref<1x128x64xf32, #tpu.memory_space<hbm>>
    %dma_wait3A_68 = tpu.memref_squeeze %dma_wait3A_67 : memref<1x128x64xf32, #tpu.memory_space<hbm>> -> memref<128x64xf32, #tpu.memory_space<hbm>>
    tpu.wait_dma2 semaphore(%arg19 : memref<!tpu.dma_semaphore, #tpu.memory_space<semaphore_mem>>) src(%arg7 : memref<128x64xf32, #tpu.memory_space<vmem>>) dst(%dma_wait3A_68 : memref<128x64xf32, #tpu.memory_space<hbm>>)
    %dma_wait3A_69 = arith.constant 0 : i32
    %dma_wait3A_70 = arith.constant 0 : i32
    %dma_wait3A_71 = arith.constant 0 : i32
    %dma_wait3A_72 = tpu.memref_slice %arg4[%dma_wait3A_69, %dma_wait3A_70, %dma_wait3A_71] : memref<9x40960x64xf32, #tpu.memory_space<hbm>> -> memref<1x128x64xf32, #tpu.memory_space<hbm>>
    %dma_wait3A_73 = tpu.memref_squeeze %dma_wait3A_72 : memref<1x128x64xf32, #tpu.memory_space<hbm>> -> memref<128x64xf32, #tpu.memory_space<hbm>>
    %dma_wait3A_74 = arith.constant 0 : i32
    %dma_wait3A_75 = arith.constant 0 : i32
    %dma_wait3A_76 = tpu.memref_slice %arg4[%dma_wait3A_69, %dma_wait3A_74, %dma_wait3A_75] : memref<9x40960x64xf32, #tpu.memory_space<hbm>> -> memref<1x128x64xf32, #tpu.memory_space<hbm>>
    %dma_wait3A_77 = tpu.memref_squeeze %dma_wait3A_76 : memref<1x128x64xf32, #tpu.memory_space<hbm>> -> memref<128x64xf32, #tpu.memory_space<hbm>>
    tpu.wait_dma2 semaphore(%arg20 : memref<!tpu.dma_semaphore, #tpu.memory_space<semaphore_mem>>) src(%arg8 : memref<128x64xf32, #tpu.memory_space<vmem>>) dst(%dma_wait3A_77 : memref<128x64xf32, #tpu.memory_space<hbm>>)
    %dma_wait3A_78 = arith.constant 0 : i32
    %dma_wait3A_79 = arith.constant 0 : i32
    %dma_wait3A_80 = arith.constant 0 : i32
    %dma_wait3A_81 = tpu.memref_slice %arg4[%dma_wait3A_78, %dma_wait3A_79, %dma_wait3A_80] : memref<9x40960x64xf32, #tpu.memory_space<hbm>> -> memref<1x128x64xf32, #tpu.memory_space<hbm>>
    %dma_wait3A_82 = tpu.memref_squeeze %dma_wait3A_81 : memref<1x128x64xf32, #tpu.memory_space<hbm>> -> memref<128x64xf32, #tpu.memory_space<hbm>>
    %dma_wait3A_83 = arith.constant 0 : i32
    %dma_wait3A_84 = arith.constant 0 : i32
    %dma_wait3A_85 = tpu.memref_slice %arg4[%dma_wait3A_78, %dma_wait3A_83, %dma_wait3A_84] : memref<9x40960x64xf32, #tpu.memory_space<hbm>> -> memref<1x128x64xf32, #tpu.memory_space<hbm>>
    %dma_wait3A_86 = tpu.memref_squeeze %dma_wait3A_85 : memref<1x128x64xf32, #tpu.memory_space<hbm>> -> memref<128x64xf32, #tpu.memory_space<hbm>>
    tpu.wait_dma2 semaphore(%arg21 : memref<!tpu.dma_semaphore, #tpu.memory_space<semaphore_mem>>) src(%arg9 : memref<128x64xf32, #tpu.memory_space<vmem>>) dst(%dma_wait3A_86 : memref<128x64xf32, #tpu.memory_space<hbm>>)
    %dma_wait3A_87 = arith.constant 0 : i32
    %dma_wait3A_88 = arith.constant 0 : i32
    %dma_wait3A_89 = arith.constant 0 : i32
    %dma_wait3A_90 = tpu.memref_slice %arg4[%dma_wait3A_87, %dma_wait3A_88, %dma_wait3A_89] : memref<9x40960x64xf32, #tpu.memory_space<hbm>> -> memref<1x128x64xf32, #tpu.memory_space<hbm>>
    %dma_wait3A_91 = tpu.memref_squeeze %dma_wait3A_90 : memref<1x128x64xf32, #tpu.memory_space<hbm>> -> memref<128x64xf32, #tpu.memory_space<hbm>>
    %dma_wait3A_92 = arith.constant 0 : i32
    %dma_wait3A_93 = arith.constant 0 : i32
    %dma_wait3A_94 = tpu.memref_slice %arg4[%dma_wait3A_87, %dma_wait3A_92, %dma_wait3A_93] : memref<9x40960x64xf32, #tpu.memory_space<hbm>> -> memref<1x128x64xf32, #tpu.memory_space<hbm>>
    %dma_wait3A_95 = tpu.memref_squeeze %dma_wait3A_94 : memref<1x128x64xf32, #tpu.memory_space<hbm>> -> memref<128x64xf32, #tpu.memory_space<hbm>>
    tpu.wait_dma2 semaphore(%arg22 : memref<!tpu.dma_semaphore, #tpu.memory_space<semaphore_mem>>) src(%arg10 : memref<128x64xf32, #tpu.memory_space<vmem>>) dst(%dma_wait3A_95 : memref<128x64xf32, #tpu.memory_space<hbm>>)
    %dma_wait3A_96 = arith.constant 0 : i32
    %dma_wait3A_97 = arith.constant 0 : i32
    %dma_wait3A_98 = arith.constant 0 : i32
    %dma_wait3A_99 = tpu.memref_slice %arg4[%dma_wait3A_96, %dma_wait3A_97, %dma_wait3A_98] : memref<9x40960x64xf32, #tpu.memory_space<hbm>> -> memref<1x128x64xf32, #tpu.memory_space<hbm>>
    %dma_wait3A_100 = tpu.memref_squeeze %dma_wait3A_99 : memref<1x128x64xf32, #tpu.memory_space<hbm>> -> memref<128x64xf32, #tpu.memory_space<hbm>>
    %dma_wait3A_101 = arith.constant 0 : i32
    %dma_wait3A_102 = arith.constant 0 : i32
    %dma_wait3A_103 = tpu.memref_slice %arg4[%dma_wait3A_96, %dma_wait3A_101, %dma_wait3A_102] : memref<9x40960x64xf32, #tpu.memory_space<hbm>> -> memref<1x128x64xf32, #tpu.memory_space<hbm>>
    %dma_wait3A_104 = tpu.memref_squeeze %dma_wait3A_103 : memref<1x128x64xf32, #tpu.memory_space<hbm>> -> memref<128x64xf32, #tpu.memory_space<hbm>>
    tpu.wait_dma2 semaphore(%arg23 : memref<!tpu.dma_semaphore, #tpu.memory_space<semaphore_mem>>) src(%arg11 : memref<128x64xf32, #tpu.memory_space<vmem>>) dst(%dma_wait3A_104 : memref<128x64xf32, #tpu.memory_space<hbm>>)
    return
  }
}

#map = affine_map<(d0, d1) -> (0, 0)>
#map1 = affine_map<(d0, d1) -> (0, 0, 0)>
module attributes {stable_mosaic.version = 14 : i64} {
  func.func @gather(%arg0: i32, %arg1: i32, %arg2: memref<40000x16xf32, #tpu.memory_space<hbm>>, %arg3: memref<2880x128xi32, #tpu.memory_space<hbm>>, %arg4: memref<9x40960x16xf32, #tpu.memory_space<hbm>>, %arg5: memref<90x128xi32, #tpu.memory_space<vmem>>, %arg6: memref<128x16xf32, #tpu.memory_space<vmem>>, %arg7: memref<128x16xf32, #tpu.memory_space<vmem>>, %arg8: memref<128x16xf32, #tpu.memory_space<vmem>>, %arg9: memref<128x16xf32, #tpu.memory_space<vmem>>, %arg10: memref<128x16xf32, #tpu.memory_space<vmem>>, %arg11: memref<128x16xf32, #tpu.memory_space<vmem>>, %arg12: memref<!tpu.dma_semaphore, #tpu.memory_space<semaphore_mem>>, %arg13: memref<!tpu.dma_semaphore, #tpu.memory_space<semaphore_mem>>, %arg14: memref<!tpu.dma_semaphore, #tpu.memory_space<semaphore_mem>>, %arg15: memref<!tpu.dma_semaphore, #tpu.memory_space<semaphore_mem>>, %arg16: memref<!tpu.dma_semaphore, #tpu.memory_space<semaphore_mem>>, %arg17: memref<!tpu.dma_semaphore, #tpu.memory_space<semaphore_mem>>, %arg18: memref<!tpu.dma_semaphore, #tpu.memory_space<semaphore_mem>>, %arg19: memref<!tpu.dma_semaphore, #tpu.memory_space<semaphore_mem>>, %arg20: memref<!tpu.dma_semaphore, #tpu.memory_space<semaphore_mem>>, %arg21: memref<!tpu.dma_semaphore, #tpu.memory_space<semaphore_mem>>, %arg22: memref<!tpu.dma_semaphore, #tpu.memory_space<semaphore_mem>>, %arg23: memref<!tpu.dma_semaphore, #tpu.memory_space<semaphore_mem>>) attributes {dimension_semantics = [#tpu.dimension_semantics<core_parallel>, #tpu.dimension_semantics<subcore_parallel>], iteration_bounds = array<i64: 2, 16>, scalar_prefetch = 0 : i64, scratch_operands = 19 : i64, tpu.core_type = #tpu.core_type<sc_vector_subcore>, window_params = [{transform_indices = #map}, {transform_indices = #map}, {transform_indices = #map1}]} {
    %mul3A = arith.constant 2 : i32
    %mul3A_0 = arith.muli %arg1, %mul3A : i32
    %add3A = arith.addi %mul3A_0, %arg0 : i32
    %mul3A_1 = arith.constant 11520 : i32
    %mul3A_2 = arith.muli %add3A, %mul3A_1 : i32
    %mul3A_3 = arith.constant 90 : i32
    %mul3A_4 = arith.muli %add3A, %mul3A_3 : i32
    "tpu.region"() ({
      %run_scoped3A = tpu.sem_alloc : memref<!tpu.dma_semaphore, #tpu.memory_space<semaphore_mem>>
      %dma_start3A_105 = arith.constant 0 : i32
      %dma_start3A_106 = tpu.memref_slice %arg3[%mul3A_4, %dma_start3A_105] : memref<2880x128xi32, #tpu.memory_space<hbm>> -> memref<90x128xi32, #tpu.memory_space<hbm>>
      %dma_start3A_107 = arith.constant 0 : i32
      %dma_start3A_108 = tpu.memref_slice %arg3[%mul3A_4, %dma_start3A_107] : memref<2880x128xi32, #tpu.memory_space<hbm>> -> memref<90x128xi32, #tpu.memory_space<hbm>>
      tpu.enqueue_dma source(%dma_start3A_108 : memref<90x128xi32, #tpu.memory_space<hbm>>) target(%arg5 : memref<90x128xi32, #tpu.memory_space<vmem>>) target_semaphore(%run_scoped3A : memref<!tpu.dma_semaphore, #tpu.memory_space<semaphore_mem>>)
      %dma_wait3A_109 = arith.constant 0 : i32
      %dma_wait3A_110 = tpu.memref_slice %arg3[%mul3A_4, %dma_wait3A_109] : memref<2880x128xi32, #tpu.memory_space<hbm>> -> memref<90x128xi32, #tpu.memory_space<hbm>>
      %dma_wait3A_111 = arith.constant 0 : i32
      %dma_wait3A_112 = tpu.memref_slice %arg3[%mul3A_4, %dma_wait3A_111] : memref<2880x128xi32, #tpu.memory_space<hbm>> -> memref<90x128xi32, #tpu.memory_space<hbm>>
      tpu.wait_dma2 semaphore(%run_scoped3A : memref<!tpu.dma_semaphore, #tpu.memory_space<semaphore_mem>>) src(%dma_wait3A_112 : memref<90x128xi32, #tpu.memory_space<hbm>>) dst(%arg5 : memref<90x128xi32, #tpu.memory_space<vmem>>)
      tpu.yield
    }) : () -> ()
    %dma_start3A = arith.constant 0 : i32
    %dma_start3A_5 = arith.constant 0 : i32
    %dma_start3A_6 = tpu.memref_slice %arg5[%dma_start3A, %dma_start3A_5] : memref<90x128xi32, #tpu.memory_space<vmem>> -> memref<1x128xi32, #tpu.memory_space<vmem>>
    %dma_start3A_7 = tpu.memref_squeeze %dma_start3A_6 : memref<1x128xi32, #tpu.memory_space<vmem>> -> memref<128xi32, #tpu.memory_space<vmem>>
    %dma_start3A_8 = arith.constant 0 : i32
    %dma_start3A_9 = arith.constant 0 : i32
    %dma_start3A_10 = tpu.memref_slice %arg2[%dma_start3A_8, %dma_start3A_9] : memref<40000x16xf32, #tpu.memory_space<hbm>> -> memref<40000x16xf32, #tpu.memory_space<hbm>>
    tpu.enqueue_indirect_dma source(%dma_start3A_10 : memref<40000x16xf32, #tpu.memory_space<hbm>>) target(%arg6 : memref<128x16xf32, #tpu.memory_space<vmem>>) offsets(%dma_start3A_7 : memref<128xi32, #tpu.memory_space<vmem>>) semaphore(%arg12 : memref<!tpu.dma_semaphore, #tpu.memory_space<semaphore_mem>>)
    %dma_start3A_11 = arith.constant 1 : i32
    %dma_start3A_12 = arith.constant 0 : i32
    %dma_start3A_13 = tpu.memref_slice %arg5[%dma_start3A_11, %dma_start3A_12] : memref<90x128xi32, #tpu.memory_space<vmem>> -> memref<1x128xi32, #tpu.memory_space<vmem>>
    %dma_start3A_14 = tpu.memref_squeeze %dma_start3A_13 : memref<1x128xi32, #tpu.memory_space<vmem>> -> memref<128xi32, #tpu.memory_space<vmem>>
    %dma_start3A_15 = arith.constant 0 : i32
    %dma_start3A_16 = arith.constant 0 : i32
    %dma_start3A_17 = tpu.memref_slice %arg2[%dma_start3A_15, %dma_start3A_16] : memref<40000x16xf32, #tpu.memory_space<hbm>> -> memref<40000x16xf32, #tpu.memory_space<hbm>>
    tpu.enqueue_indirect_dma source(%dma_start3A_17 : memref<40000x16xf32, #tpu.memory_space<hbm>>) target(%arg7 : memref<128x16xf32, #tpu.memory_space<vmem>>) offsets(%dma_start3A_14 : memref<128xi32, #tpu.memory_space<vmem>>) semaphore(%arg13 : memref<!tpu.dma_semaphore, #tpu.memory_space<semaphore_mem>>)
    %dma_start3A_18 = arith.constant 2 : i32
    %dma_start3A_19 = arith.constant 0 : i32
    %dma_start3A_20 = tpu.memref_slice %arg5[%dma_start3A_18, %dma_start3A_19] : memref<90x128xi32, #tpu.memory_space<vmem>> -> memref<1x128xi32, #tpu.memory_space<vmem>>
    %dma_start3A_21 = tpu.memref_squeeze %dma_start3A_20 : memref<1x128xi32, #tpu.memory_space<vmem>> -> memref<128xi32, #tpu.memory_space<vmem>>
    %dma_start3A_22 = arith.constant 0 : i32
    %dma_start3A_23 = arith.constant 0 : i32
    %dma_start3A_24 = tpu.memref_slice %arg2[%dma_start3A_22, %dma_start3A_23] : memref<40000x16xf32, #tpu.memory_space<hbm>> -> memref<40000x16xf32, #tpu.memory_space<hbm>>
    tpu.enqueue_indirect_dma source(%dma_start3A_24 : memref<40000x16xf32, #tpu.memory_space<hbm>>) target(%arg8 : memref<128x16xf32, #tpu.memory_space<vmem>>) offsets(%dma_start3A_21 : memref<128xi32, #tpu.memory_space<vmem>>) semaphore(%arg14 : memref<!tpu.dma_semaphore, #tpu.memory_space<semaphore_mem>>)
    %dma_start3A_25 = arith.constant 3 : i32
    %dma_start3A_26 = arith.constant 0 : i32
    %dma_start3A_27 = tpu.memref_slice %arg5[%dma_start3A_25, %dma_start3A_26] : memref<90x128xi32, #tpu.memory_space<vmem>> -> memref<1x128xi32, #tpu.memory_space<vmem>>
    %dma_start3A_28 = tpu.memref_squeeze %dma_start3A_27 : memref<1x128xi32, #tpu.memory_space<vmem>> -> memref<128xi32, #tpu.memory_space<vmem>>
    %dma_start3A_29 = arith.constant 0 : i32
    %dma_start3A_30 = arith.constant 0 : i32
    %dma_start3A_31 = tpu.memref_slice %arg2[%dma_start3A_29, %dma_start3A_30] : memref<40000x16xf32, #tpu.memory_space<hbm>> -> memref<40000x16xf32, #tpu.memory_space<hbm>>
    tpu.enqueue_indirect_dma source(%dma_start3A_31 : memref<40000x16xf32, #tpu.memory_space<hbm>>) target(%arg9 : memref<128x16xf32, #tpu.memory_space<vmem>>) offsets(%dma_start3A_28 : memref<128xi32, #tpu.memory_space<vmem>>) semaphore(%arg15 : memref<!tpu.dma_semaphore, #tpu.memory_space<semaphore_mem>>)
    %dma_start3A_32 = arith.constant 4 : i32
    %dma_start3A_33 = arith.constant 0 : i32
    %dma_start3A_34 = tpu.memref_slice %arg5[%dma_start3A_32, %dma_start3A_33] : memref<90x128xi32, #tpu.memory_space<vmem>> -> memref<1x128xi32, #tpu.memory_space<vmem>>
    %dma_start3A_35 = tpu.memref_squeeze %dma_start3A_34 : memref<1x128xi32, #tpu.memory_space<vmem>> -> memref<128xi32, #tpu.memory_space<vmem>>
    %dma_start3A_36 = arith.constant 0 : i32
    %dma_start3A_37 = arith.constant 0 : i32
    %dma_start3A_38 = tpu.memref_slice %arg2[%dma_start3A_36, %dma_start3A_37] : memref<40000x16xf32, #tpu.memory_space<hbm>> -> memref<40000x16xf32, #tpu.memory_space<hbm>>
    tpu.enqueue_indirect_dma source(%dma_start3A_38 : memref<40000x16xf32, #tpu.memory_space<hbm>>) target(%arg10 : memref<128x16xf32, #tpu.memory_space<vmem>>) offsets(%dma_start3A_35 : memref<128xi32, #tpu.memory_space<vmem>>) semaphore(%arg16 : memref<!tpu.dma_semaphore, #tpu.memory_space<semaphore_mem>>)
    %dma_start3A_39 = arith.constant 5 : i32
    %dma_start3A_40 = arith.constant 0 : i32
    %dma_start3A_41 = tpu.memref_slice %arg5[%dma_start3A_39, %dma_start3A_40] : memref<90x128xi32, #tpu.memory_space<vmem>> -> memref<1x128xi32, #tpu.memory_space<vmem>>
    %dma_start3A_42 = tpu.memref_squeeze %dma_start3A_41 : memref<1x128xi32, #tpu.memory_space<vmem>> -> memref<128xi32, #tpu.memory_space<vmem>>
    %dma_start3A_43 = arith.constant 0 : i32
    %dma_start3A_44 = arith.constant 0 : i32
    %dma_start3A_45 = tpu.memref_slice %arg2[%dma_start3A_43, %dma_start3A_44] : memref<40000x16xf32, #tpu.memory_space<hbm>> -> memref<40000x16xf32, #tpu.memory_space<hbm>>
    tpu.enqueue_indirect_dma source(%dma_start3A_45 : memref<40000x16xf32, #tpu.memory_space<hbm>>) target(%arg11 : memref<128x16xf32, #tpu.memory_space<vmem>>) offsets(%dma_start3A_42 : memref<128xi32, #tpu.memory_space<vmem>>) semaphore(%arg17 : memref<!tpu.dma_semaphore, #tpu.memory_space<semaphore_mem>>)
    %scan3A = arith.constant 0 : i32
    %scan3A_46 = arith.constant 0 : i32
    %scan3A_47 = arith.constant 15 : i32
    %scan3A_48 = arith.addi %scan3A_46, %scan3A_47 : i32
    %scan3A_49 = arith.constant 1 : i32
    %scan3A_50 = scf.for %scan3A_105 = %scan3A_46 to %scan3A_48 step %scan3A_49 iter_args(%scan3A_106 = %scan3A) -> (i32)  : i32 {
      %mul3A_107 = arith.constant 6 : i32
      %mul3A_108 = arith.muli %scan3A_105, %mul3A_107 : i32
      %add3A_109 = arith.constant 0 : i32
      %add3A_110 = arith.addi %mul3A_108, %add3A_109 : i32
      %dma_wait3A_111 = arith.constant 0 : i32
      %dma_wait3A_112 = arith.constant 0 : i32
      %dma_wait3A_113 = tpu.memref_slice %arg5[%dma_wait3A_111, %dma_wait3A_112] : memref<90x128xi32, #tpu.memory_space<vmem>> -> memref<1x128xi32, #tpu.memory_space<vmem>>
      %dma_wait3A_114 = tpu.memref_squeeze %dma_wait3A_113 : memref<1x128xi32, #tpu.memory_space<vmem>> -> memref<128xi32, #tpu.memory_space<vmem>>
      %dma_wait3A_115 = arith.constant 0 : i32
      %dma_wait3A_116 = arith.constant 0 : i32
      %dma_wait3A_117 = tpu.memref_slice %arg2[%dma_wait3A_115, %dma_wait3A_116] : memref<40000x16xf32, #tpu.memory_space<hbm>> -> memref<40000x16xf32, #tpu.memory_space<hbm>>
      tpu.wait_indirect_dma semaphore(%arg12 : memref<!tpu.dma_semaphore, #tpu.memory_space<semaphore_mem>>) src(%dma_wait3A_117 : memref<40000x16xf32, #tpu.memory_space<hbm>>) dst(%arg6 : memref<128x16xf32, #tpu.memory_space<vmem>>)
      %mul3A_118 = arith.constant 128 : i32
      %mul3A_119 = arith.muli %add3A_110, %mul3A_118 : i32
      %add3A_120 = arith.addi %mul3A_2, %mul3A_119 : i32
      %multiple_of3A = tpu.assume_multiple %add3A_120, 128 : i32
      %jit3A = arith.constant 40960 : i32
      %div3A = arith.divsi %multiple_of3A, %jit3A : i32
      %sign3A = arith.constant 0 : i32
      %sign3A_121 = arith.cmpi sgt, %multiple_of3A, %sign3A : i32
      %sign3A_122 = arith.extui %sign3A_121 : i1 to i32
      %sign3A_123 = arith.constant 0 : i32
      %sign3A_124 = arith.cmpi slt, %multiple_of3A, %sign3A_123 : i32
      %sign3A_125 = arith.extui %sign3A_124 : i1 to i32
      %sign3A_126 = arith.subi %sign3A_122, %sign3A_125 : i32
      %sign3A_127 = arith.constant 0 : i32
      %sign3A_128 = arith.cmpi sgt, %jit3A, %sign3A_127 : i32
      %sign3A_129 = arith.extui %sign3A_128 : i1 to i32
      %sign3A_130 = arith.constant 0 : i32
      %sign3A_131 = arith.cmpi slt, %jit3A, %sign3A_130 : i32
      %sign3A_132 = arith.extui %sign3A_131 : i1 to i32
      %sign3A_133 = arith.subi %sign3A_129, %sign3A_132 : i32
      %ne3A = arith.cmpi ne, %sign3A_126, %sign3A_133 : i32
      %rem3A = arith.remsi %multiple_of3A, %jit3A : i32
      %ne3A_134 = arith.constant 0 : i32
      %ne3A_135 = arith.cmpi ne, %rem3A, %ne3A_134 : i32
      %and3A = arith.andi %ne3A, %ne3A_135 : i1
      %sub3A = arith.constant 1 : i32
      %sub3A_136 = arith.subi %div3A, %sub3A : i32
      %select_n3A = arith.select %and3A, %sub3A_136, %div3A : i32
      %mul3A_137 = arith.constant 40960 : i32
      %mul3A_138 = arith.muli %select_n3A, %mul3A_137 : i32
      %sub3A_139 = arith.subi %multiple_of3A, %mul3A_138 : i32
      %multiple_of3A_140 = tpu.assume_multiple %sub3A_139, 128 : i32
      %dma_start3A_141 = arith.constant 0 : i32
      %dma_start3A_142 = tpu.memref_slice %arg4[%select_n3A, %multiple_of3A_140, %dma_start3A_141] : memref<9x40960x16xf32, #tpu.memory_space<hbm>> -> memref<1x128x16xf32, #tpu.memory_space<hbm>>
      %dma_start3A_143 = tpu.memref_squeeze %dma_start3A_142 : memref<1x128x16xf32, #tpu.memory_space<hbm>> -> memref<128x16xf32, #tpu.memory_space<hbm>>
      %dma_start3A_144 = arith.constant 0 : i32
      %dma_start3A_145 = tpu.memref_slice %arg4[%select_n3A, %multiple_of3A_140, %dma_start3A_144] : memref<9x40960x16xf32, #tpu.memory_space<hbm>> -> memref<1x128x16xf32, #tpu.memory_space<hbm>>
      %dma_start3A_146 = tpu.memref_squeeze %dma_start3A_145 : memref<1x128x16xf32, #tpu.memory_space<hbm>> -> memref<128x16xf32, #tpu.memory_space<hbm>>
      tpu.enqueue_dma source(%arg6 : memref<128x16xf32, #tpu.memory_space<vmem>>) target(%dma_start3A_146 : memref<128x16xf32, #tpu.memory_space<hbm>>) target_semaphore(%arg18 : memref<!tpu.dma_semaphore, #tpu.memory_space<semaphore_mem>>)
      %add3A_147 = arith.constant 6 : i32
      %add3A_148 = arith.addi %add3A_110, %add3A_147 : i32
      %lt3A = arith.constant 90 : i32
      %lt3A_149 = arith.cmpi slt, %add3A_148, %lt3A : i32
      %convert_element_type3A = arith.extui %lt3A_149 : i1 to i32
      %cond3A = arith.constant 0 : i32
      %cond3A_150 = arith.cmpi ne, %convert_element_type3A, %cond3A : i32
      scf.if %cond3A_150 {
        %dma_wait3A_432 = arith.constant 0 : i32
        %dma_wait3A_433 = arith.constant 0 : i32
        %dma_wait3A_434 = arith.constant 0 : i32
        %dma_wait3A_435 = tpu.memref_slice %arg4[%dma_wait3A_432, %dma_wait3A_433, %dma_wait3A_434] : memref<9x40960x16xf32, #tpu.memory_space<hbm>> -> memref<1x128x16xf32, #tpu.memory_space<hbm>>
        %dma_wait3A_436 = tpu.memref_squeeze %dma_wait3A_435 : memref<1x128x16xf32, #tpu.memory_space<hbm>> -> memref<128x16xf32, #tpu.memory_space<hbm>>
        %dma_wait3A_437 = arith.constant 0 : i32
        %dma_wait3A_438 = arith.constant 0 : i32
        %dma_wait3A_439 = tpu.memref_slice %arg4[%dma_wait3A_432, %dma_wait3A_437, %dma_wait3A_438] : memref<9x40960x16xf32, #tpu.memory_space<hbm>> -> memref<1x128x16xf32, #tpu.memory_space<hbm>>
        %dma_wait3A_440 = tpu.memref_squeeze %dma_wait3A_439 : memref<1x128x16xf32, #tpu.memory_space<hbm>> -> memref<128x16xf32, #tpu.memory_space<hbm>>
        tpu.wait_dma2 semaphore(%arg18 : memref<!tpu.dma_semaphore, #tpu.memory_space<semaphore_mem>>) src(%arg6 : memref<128x16xf32, #tpu.memory_space<vmem>>) dst(%dma_wait3A_440 : memref<128x16xf32, #tpu.memory_space<hbm>>)
        %add3A_441 = arith.constant 6 : i32
        %add3A_442 = arith.addi %add3A_110, %add3A_441 : i32
        %dma_start3A_443 = arith.constant 0 : i32
        %dma_start3A_444 = tpu.memref_slice %arg5[%add3A_442, %dma_start3A_443] : memref<90x128xi32, #tpu.memory_space<vmem>> -> memref<1x128xi32, #tpu.memory_space<vmem>>
        %dma_start3A_445 = tpu.memref_squeeze %dma_start3A_444 : memref<1x128xi32, #tpu.memory_space<vmem>> -> memref<128xi32, #tpu.memory_space<vmem>>
        %dma_start3A_446 = arith.constant 0 : i32
        %dma_start3A_447 = arith.constant 0 : i32
        %dma_start3A_448 = tpu.memref_slice %arg2[%dma_start3A_446, %dma_start3A_447] : memref<40000x16xf32, #tpu.memory_space<hbm>> -> memref<40000x16xf32, #tpu.memory_space<hbm>>
        tpu.enqueue_indirect_dma source(%dma_start3A_448 : memref<40000x16xf32, #tpu.memory_space<hbm>>) target(%arg6 : memref<128x16xf32, #tpu.memory_space<vmem>>) offsets(%dma_start3A_445 : memref<128xi32, #tpu.memory_space<vmem>>) semaphore(%arg12 : memref<!tpu.dma_semaphore, #tpu.memory_space<semaphore_mem>>)
      } else {
      }
      %mul3A_151 = arith.constant 6 : i32
      %mul3A_152 = arith.muli %scan3A_105, %mul3A_151 : i32
      %add3A_153 = arith.constant 1 : i32
      %add3A_154 = arith.addi %mul3A_152, %add3A_153 : i32
      %dma_wait3A_155 = arith.constant 0 : i32
      %dma_wait3A_156 = arith.constant 0 : i32
      %dma_wait3A_157 = tpu.memref_slice %arg5[%dma_wait3A_155, %dma_wait3A_156] : memref<90x128xi32, #tpu.memory_space<vmem>> -> memref<1x128xi32, #tpu.memory_space<vmem>>
      %dma_wait3A_158 = tpu.memref_squeeze %dma_wait3A_157 : memref<1x128xi32, #tpu.memory_space<vmem>> -> memref<128xi32, #tpu.memory_space<vmem>>
      %dma_wait3A_159 = arith.constant 0 : i32
      %dma_wait3A_160 = arith.constant 0 : i32
      %dma_wait3A_161 = tpu.memref_slice %arg2[%dma_wait3A_159, %dma_wait3A_160] : memref<40000x16xf32, #tpu.memory_space<hbm>> -> memref<40000x16xf32, #tpu.memory_space<hbm>>
      tpu.wait_indirect_dma semaphore(%arg13 : memref<!tpu.dma_semaphore, #tpu.memory_space<semaphore_mem>>) src(%dma_wait3A_161 : memref<40000x16xf32, #tpu.memory_space<hbm>>) dst(%arg7 : memref<128x16xf32, #tpu.memory_space<vmem>>)
      %mul3A_162 = arith.constant 128 : i32
      %mul3A_163 = arith.muli %add3A_154, %mul3A_162 : i32
      %add3A_164 = arith.addi %mul3A_2, %mul3A_163 : i32
      %multiple_of3A_165 = tpu.assume_multiple %add3A_164, 128 : i32
      %jit3A_166 = arith.constant 40960 : i32
      %div3A_167 = arith.divsi %multiple_of3A_165, %jit3A_166 : i32
      %sign3A_168 = arith.constant 0 : i32
      %sign3A_169 = arith.cmpi sgt, %multiple_of3A_165, %sign3A_168 : i32
      %sign3A_170 = arith.extui %sign3A_169 : i1 to i32
      %sign3A_171 = arith.constant 0 : i32
      %sign3A_172 = arith.cmpi slt, %multiple_of3A_165, %sign3A_171 : i32
      %sign3A_173 = arith.extui %sign3A_172 : i1 to i32
      %sign3A_174 = arith.subi %sign3A_170, %sign3A_173 : i32
      %sign3A_175 = arith.constant 0 : i32
      %sign3A_176 = arith.cmpi sgt, %jit3A_166, %sign3A_175 : i32
      %sign3A_177 = arith.extui %sign3A_176 : i1 to i32
      %sign3A_178 = arith.constant 0 : i32
      %sign3A_179 = arith.cmpi slt, %jit3A_166, %sign3A_178 : i32
      %sign3A_180 = arith.extui %sign3A_179 : i1 to i32
      %sign3A_181 = arith.subi %sign3A_177, %sign3A_180 : i32
      %ne3A_182 = arith.cmpi ne, %sign3A_174, %sign3A_181 : i32
      %rem3A_183 = arith.remsi %multiple_of3A_165, %jit3A_166 : i32
      %ne3A_184 = arith.constant 0 : i32
      %ne3A_185 = arith.cmpi ne, %rem3A_183, %ne3A_184 : i32
      %and3A_186 = arith.andi %ne3A_182, %ne3A_185 : i1
      %sub3A_187 = arith.constant 1 : i32
      %sub3A_188 = arith.subi %div3A_167, %sub3A_187 : i32
      %select_n3A_189 = arith.select %and3A_186, %sub3A_188, %div3A_167 : i32
      %mul3A_190 = arith.constant 40960 : i32
      %mul3A_191 = arith.muli %select_n3A_189, %mul3A_190 : i32
      %sub3A_192 = arith.subi %multiple_of3A_165, %mul3A_191 : i32
      %multiple_of3A_193 = tpu.assume_multiple %sub3A_192, 128 : i32
      %dma_start3A_194 = arith.constant 0 : i32
      %dma_start3A_195 = tpu.memref_slice %arg4[%select_n3A_189, %multiple_of3A_193, %dma_start3A_194] : memref<9x40960x16xf32, #tpu.memory_space<hbm>> -> memref<1x128x16xf32, #tpu.memory_space<hbm>>
      %dma_start3A_196 = tpu.memref_squeeze %dma_start3A_195 : memref<1x128x16xf32, #tpu.memory_space<hbm>> -> memref<128x16xf32, #tpu.memory_space<hbm>>
      %dma_start3A_197 = arith.constant 0 : i32
      %dma_start3A_198 = tpu.memref_slice %arg4[%select_n3A_189, %multiple_of3A_193, %dma_start3A_197] : memref<9x40960x16xf32, #tpu.memory_space<hbm>> -> memref<1x128x16xf32, #tpu.memory_space<hbm>>
      %dma_start3A_199 = tpu.memref_squeeze %dma_start3A_198 : memref<1x128x16xf32, #tpu.memory_space<hbm>> -> memref<128x16xf32, #tpu.memory_space<hbm>>
      tpu.enqueue_dma source(%arg7 : memref<128x16xf32, #tpu.memory_space<vmem>>) target(%dma_start3A_199 : memref<128x16xf32, #tpu.memory_space<hbm>>) target_semaphore(%arg19 : memref<!tpu.dma_semaphore, #tpu.memory_space<semaphore_mem>>)
      %add3A_200 = arith.constant 6 : i32
      %add3A_201 = arith.addi %add3A_154, %add3A_200 : i32
      %lt3A_202 = arith.constant 90 : i32
      %lt3A_203 = arith.cmpi slt, %add3A_201, %lt3A_202 : i32
      %convert_element_type3A_204 = arith.extui %lt3A_203 : i1 to i32
      %cond3A_205 = arith.constant 0 : i32
      %cond3A_206 = arith.cmpi ne, %convert_element_type3A_204, %cond3A_205 : i32
      scf.if %cond3A_206 {
        %dma_wait3A_432 = arith.constant 0 : i32
        %dma_wait3A_433 = arith.constant 0 : i32
        %dma_wait3A_434 = arith.constant 0 : i32
        %dma_wait3A_435 = tpu.memref_slice %arg4[%dma_wait3A_432, %dma_wait3A_433, %dma_wait3A_434] : memref<9x40960x16xf32, #tpu.memory_space<hbm>> -> memref<1x128x16xf32, #tpu.memory_space<hbm>>
        %dma_wait3A_436 = tpu.memref_squeeze %dma_wait3A_435 : memref<1x128x16xf32, #tpu.memory_space<hbm>> -> memref<128x16xf32, #tpu.memory_space<hbm>>
        %dma_wait3A_437 = arith.constant 0 : i32
        %dma_wait3A_438 = arith.constant 0 : i32
        %dma_wait3A_439 = tpu.memref_slice %arg4[%dma_wait3A_432, %dma_wait3A_437, %dma_wait3A_438] : memref<9x40960x16xf32, #tpu.memory_space<hbm>> -> memref<1x128x16xf32, #tpu.memory_space<hbm>>
        %dma_wait3A_440 = tpu.memref_squeeze %dma_wait3A_439 : memref<1x128x16xf32, #tpu.memory_space<hbm>> -> memref<128x16xf32, #tpu.memory_space<hbm>>
        tpu.wait_dma2 semaphore(%arg19 : memref<!tpu.dma_semaphore, #tpu.memory_space<semaphore_mem>>) src(%arg7 : memref<128x16xf32, #tpu.memory_space<vmem>>) dst(%dma_wait3A_440 : memref<128x16xf32, #tpu.memory_space<hbm>>)
        %add3A_441 = arith.constant 6 : i32
        %add3A_442 = arith.addi %add3A_154, %add3A_441 : i32
        %dma_start3A_443 = arith.constant 0 : i32
        %dma_start3A_444 = tpu.memref_slice %arg5[%add3A_442, %dma_start3A_443] : memref<90x128xi32, #tpu.memory_space<vmem>> -> memref<1x128xi32, #tpu.memory_space<vmem>>
        %dma_start3A_445 = tpu.memref_squeeze %dma_start3A_444 : memref<1x128xi32, #tpu.memory_space<vmem>> -> memref<128xi32, #tpu.memory_space<vmem>>
        %dma_start3A_446 = arith.constant 0 : i32
        %dma_start3A_447 = arith.constant 0 : i32
        %dma_start3A_448 = tpu.memref_slice %arg2[%dma_start3A_446, %dma_start3A_447] : memref<40000x16xf32, #tpu.memory_space<hbm>> -> memref<40000x16xf32, #tpu.memory_space<hbm>>
        tpu.enqueue_indirect_dma source(%dma_start3A_448 : memref<40000x16xf32, #tpu.memory_space<hbm>>) target(%arg7 : memref<128x16xf32, #tpu.memory_space<vmem>>) offsets(%dma_start3A_445 : memref<128xi32, #tpu.memory_space<vmem>>) semaphore(%arg13 : memref<!tpu.dma_semaphore, #tpu.memory_space<semaphore_mem>>)
      } else {
      }
      %mul3A_207 = arith.constant 6 : i32
      %mul3A_208 = arith.muli %scan3A_105, %mul3A_207 : i32
      %add3A_209 = arith.constant 2 : i32
      %add3A_210 = arith.addi %mul3A_208, %add3A_209 : i32
      %dma_wait3A_211 = arith.constant 0 : i32
      %dma_wait3A_212 = arith.constant 0 : i32
      %dma_wait3A_213 = tpu.memref_slice %arg5[%dma_wait3A_211, %dma_wait3A_212] : memref<90x128xi32, #tpu.memory_space<vmem>> -> memref<1x128xi32, #tpu.memory_space<vmem>>
      %dma_wait3A_214 = tpu.memref_squeeze %dma_wait3A_213 : memref<1x128xi32, #tpu.memory_space<vmem>> -> memref<128xi32, #tpu.memory_space<vmem>>
      %dma_wait3A_215 = arith.constant 0 : i32
      %dma_wait3A_216 = arith.constant 0 : i32
      %dma_wait3A_217 = tpu.memref_slice %arg2[%dma_wait3A_215, %dma_wait3A_216] : memref<40000x16xf32, #tpu.memory_space<hbm>> -> memref<40000x16xf32, #tpu.memory_space<hbm>>
      tpu.wait_indirect_dma semaphore(%arg14 : memref<!tpu.dma_semaphore, #tpu.memory_space<semaphore_mem>>) src(%dma_wait3A_217 : memref<40000x16xf32, #tpu.memory_space<hbm>>) dst(%arg8 : memref<128x16xf32, #tpu.memory_space<vmem>>)
      %mul3A_218 = arith.constant 128 : i32
      %mul3A_219 = arith.muli %add3A_210, %mul3A_218 : i32
      %add3A_220 = arith.addi %mul3A_2, %mul3A_219 : i32
      %multiple_of3A_221 = tpu.assume_multiple %add3A_220, 128 : i32
      %jit3A_222 = arith.constant 40960 : i32
      %div3A_223 = arith.divsi %multiple_of3A_221, %jit3A_222 : i32
      %sign3A_224 = arith.constant 0 : i32
      %sign3A_225 = arith.cmpi sgt, %multiple_of3A_221, %sign3A_224 : i32
      %sign3A_226 = arith.extui %sign3A_225 : i1 to i32
      %sign3A_227 = arith.constant 0 : i32
      %sign3A_228 = arith.cmpi slt, %multiple_of3A_221, %sign3A_227 : i32
      %sign3A_229 = arith.extui %sign3A_228 : i1 to i32
      %sign3A_230 = arith.subi %sign3A_226, %sign3A_229 : i32
      %sign3A_231 = arith.constant 0 : i32
      %sign3A_232 = arith.cmpi sgt, %jit3A_222, %sign3A_231 : i32
      %sign3A_233 = arith.extui %sign3A_232 : i1 to i32
      %sign3A_234 = arith.constant 0 : i32
      %sign3A_235 = arith.cmpi slt, %jit3A_222, %sign3A_234 : i32
      %sign3A_236 = arith.extui %sign3A_235 : i1 to i32
      %sign3A_237 = arith.subi %sign3A_233, %sign3A_236 : i32
      %ne3A_238 = arith.cmpi ne, %sign3A_230, %sign3A_237 : i32
      %rem3A_239 = arith.remsi %multiple_of3A_221, %jit3A_222 : i32
      %ne3A_240 = arith.constant 0 : i32
      %ne3A_241 = arith.cmpi ne, %rem3A_239, %ne3A_240 : i32
      %and3A_242 = arith.andi %ne3A_238, %ne3A_241 : i1
      %sub3A_243 = arith.constant 1 : i32
      %sub3A_244 = arith.subi %div3A_223, %sub3A_243 : i32
      %select_n3A_245 = arith.select %and3A_242, %sub3A_244, %div3A_223 : i32
      %mul3A_246 = arith.constant 40960 : i32
      %mul3A_247 = arith.muli %select_n3A_245, %mul3A_246 : i32
      %sub3A_248 = arith.subi %multiple_of3A_221, %mul3A_247 : i32
      %multiple_of3A_249 = tpu.assume_multiple %sub3A_248, 128 : i32
      %dma_start3A_250 = arith.constant 0 : i32
      %dma_start3A_251 = tpu.memref_slice %arg4[%select_n3A_245, %multiple_of3A_249, %dma_start3A_250] : memref<9x40960x16xf32, #tpu.memory_space<hbm>> -> memref<1x128x16xf32, #tpu.memory_space<hbm>>
      %dma_start3A_252 = tpu.memref_squeeze %dma_start3A_251 : memref<1x128x16xf32, #tpu.memory_space<hbm>> -> memref<128x16xf32, #tpu.memory_space<hbm>>
      %dma_start3A_253 = arith.constant 0 : i32
      %dma_start3A_254 = tpu.memref_slice %arg4[%select_n3A_245, %multiple_of3A_249, %dma_start3A_253] : memref<9x40960x16xf32, #tpu.memory_space<hbm>> -> memref<1x128x16xf32, #tpu.memory_space<hbm>>
      %dma_start3A_255 = tpu.memref_squeeze %dma_start3A_254 : memref<1x128x16xf32, #tpu.memory_space<hbm>> -> memref<128x16xf32, #tpu.memory_space<hbm>>
      tpu.enqueue_dma source(%arg8 : memref<128x16xf32, #tpu.memory_space<vmem>>) target(%dma_start3A_255 : memref<128x16xf32, #tpu.memory_space<hbm>>) target_semaphore(%arg20 : memref<!tpu.dma_semaphore, #tpu.memory_space<semaphore_mem>>)
      %add3A_256 = arith.constant 6 : i32
      %add3A_257 = arith.addi %add3A_210, %add3A_256 : i32
      %lt3A_258 = arith.constant 90 : i32
      %lt3A_259 = arith.cmpi slt, %add3A_257, %lt3A_258 : i32
      %convert_element_type3A_260 = arith.extui %lt3A_259 : i1 to i32
      %cond3A_261 = arith.constant 0 : i32
      %cond3A_262 = arith.cmpi ne, %convert_element_type3A_260, %cond3A_261 : i32
      scf.if %cond3A_262 {
        %dma_wait3A_432 = arith.constant 0 : i32
        %dma_wait3A_433 = arith.constant 0 : i32
        %dma_wait3A_434 = arith.constant 0 : i32
        %dma_wait3A_435 = tpu.memref_slice %arg4[%dma_wait3A_432, %dma_wait3A_433, %dma_wait3A_434] : memref<9x40960x16xf32, #tpu.memory_space<hbm>> -> memref<1x128x16xf32, #tpu.memory_space<hbm>>
        %dma_wait3A_436 = tpu.memref_squeeze %dma_wait3A_435 : memref<1x128x16xf32, #tpu.memory_space<hbm>> -> memref<128x16xf32, #tpu.memory_space<hbm>>
        %dma_wait3A_437 = arith.constant 0 : i32
        %dma_wait3A_438 = arith.constant 0 : i32
        %dma_wait3A_439 = tpu.memref_slice %arg4[%dma_wait3A_432, %dma_wait3A_437, %dma_wait3A_438] : memref<9x40960x16xf32, #tpu.memory_space<hbm>> -> memref<1x128x16xf32, #tpu.memory_space<hbm>>
        %dma_wait3A_440 = tpu.memref_squeeze %dma_wait3A_439 : memref<1x128x16xf32, #tpu.memory_space<hbm>> -> memref<128x16xf32, #tpu.memory_space<hbm>>
        tpu.wait_dma2 semaphore(%arg20 : memref<!tpu.dma_semaphore, #tpu.memory_space<semaphore_mem>>) src(%arg8 : memref<128x16xf32, #tpu.memory_space<vmem>>) dst(%dma_wait3A_440 : memref<128x16xf32, #tpu.memory_space<hbm>>)
        %add3A_441 = arith.constant 6 : i32
        %add3A_442 = arith.addi %add3A_210, %add3A_441 : i32
        %dma_start3A_443 = arith.constant 0 : i32
        %dma_start3A_444 = tpu.memref_slice %arg5[%add3A_442, %dma_start3A_443] : memref<90x128xi32, #tpu.memory_space<vmem>> -> memref<1x128xi32, #tpu.memory_space<vmem>>
        %dma_start3A_445 = tpu.memref_squeeze %dma_start3A_444 : memref<1x128xi32, #tpu.memory_space<vmem>> -> memref<128xi32, #tpu.memory_space<vmem>>
        %dma_start3A_446 = arith.constant 0 : i32
        %dma_start3A_447 = arith.constant 0 : i32
        %dma_start3A_448 = tpu.memref_slice %arg2[%dma_start3A_446, %dma_start3A_447] : memref<40000x16xf32, #tpu.memory_space<hbm>> -> memref<40000x16xf32, #tpu.memory_space<hbm>>
        tpu.enqueue_indirect_dma source(%dma_start3A_448 : memref<40000x16xf32, #tpu.memory_space<hbm>>) target(%arg8 : memref<128x16xf32, #tpu.memory_space<vmem>>) offsets(%dma_start3A_445 : memref<128xi32, #tpu.memory_space<vmem>>) semaphore(%arg14 : memref<!tpu.dma_semaphore, #tpu.memory_space<semaphore_mem>>)
      } else {
      }
      %mul3A_263 = arith.constant 6 : i32
      %mul3A_264 = arith.muli %scan3A_105, %mul3A_263 : i32
      %add3A_265 = arith.constant 3 : i32
      %add3A_266 = arith.addi %mul3A_264, %add3A_265 : i32
      %dma_wait3A_267 = arith.constant 0 : i32
      %dma_wait3A_268 = arith.constant 0 : i32
      %dma_wait3A_269 = tpu.memref_slice %arg5[%dma_wait3A_267, %dma_wait3A_268] : memref<90x128xi32, #tpu.memory_space<vmem>> -> memref<1x128xi32, #tpu.memory_space<vmem>>
      %dma_wait3A_270 = tpu.memref_squeeze %dma_wait3A_269 : memref<1x128xi32, #tpu.memory_space<vmem>> -> memref<128xi32, #tpu.memory_space<vmem>>
      %dma_wait3A_271 = arith.constant 0 : i32
      %dma_wait3A_272 = arith.constant 0 : i32
      %dma_wait3A_273 = tpu.memref_slice %arg2[%dma_wait3A_271, %dma_wait3A_272] : memref<40000x16xf32, #tpu.memory_space<hbm>> -> memref<40000x16xf32, #tpu.memory_space<hbm>>
      tpu.wait_indirect_dma semaphore(%arg15 : memref<!tpu.dma_semaphore, #tpu.memory_space<semaphore_mem>>) src(%dma_wait3A_273 : memref<40000x16xf32, #tpu.memory_space<hbm>>) dst(%arg9 : memref<128x16xf32, #tpu.memory_space<vmem>>)
      %mul3A_274 = arith.constant 128 : i32
      %mul3A_275 = arith.muli %add3A_266, %mul3A_274 : i32
      %add3A_276 = arith.addi %mul3A_2, %mul3A_275 : i32
      %multiple_of3A_277 = tpu.assume_multiple %add3A_276, 128 : i32
      %jit3A_278 = arith.constant 40960 : i32
      %div3A_279 = arith.divsi %multiple_of3A_277, %jit3A_278 : i32
      %sign3A_280 = arith.constant 0 : i32
      %sign3A_281 = arith.cmpi sgt, %multiple_of3A_277, %sign3A_280 : i32
      %sign3A_282 = arith.extui %sign3A_281 : i1 to i32
      %sign3A_283 = arith.constant 0 : i32
      %sign3A_284 = arith.cmpi slt, %multiple_of3A_277, %sign3A_283 : i32
      %sign3A_285 = arith.extui %sign3A_284 : i1 to i32
      %sign3A_286 = arith.subi %sign3A_282, %sign3A_285 : i32
      %sign3A_287 = arith.constant 0 : i32
      %sign3A_288 = arith.cmpi sgt, %jit3A_278, %sign3A_287 : i32
      %sign3A_289 = arith.extui %sign3A_288 : i1 to i32
      %sign3A_290 = arith.constant 0 : i32
      %sign3A_291 = arith.cmpi slt, %jit3A_278, %sign3A_290 : i32
      %sign3A_292 = arith.extui %sign3A_291 : i1 to i32
      %sign3A_293 = arith.subi %sign3A_289, %sign3A_292 : i32
      %ne3A_294 = arith.cmpi ne, %sign3A_286, %sign3A_293 : i32
      %rem3A_295 = arith.remsi %multiple_of3A_277, %jit3A_278 : i32
      %ne3A_296 = arith.constant 0 : i32
      %ne3A_297 = arith.cmpi ne, %rem3A_295, %ne3A_296 : i32
      %and3A_298 = arith.andi %ne3A_294, %ne3A_297 : i1
      %sub3A_299 = arith.constant 1 : i32
      %sub3A_300 = arith.subi %div3A_279, %sub3A_299 : i32
      %select_n3A_301 = arith.select %and3A_298, %sub3A_300, %div3A_279 : i32
      %mul3A_302 = arith.constant 40960 : i32
      %mul3A_303 = arith.muli %select_n3A_301, %mul3A_302 : i32
      %sub3A_304 = arith.subi %multiple_of3A_277, %mul3A_303 : i32
      %multiple_of3A_305 = tpu.assume_multiple %sub3A_304, 128 : i32
      %dma_start3A_306 = arith.constant 0 : i32
      %dma_start3A_307 = tpu.memref_slice %arg4[%select_n3A_301, %multiple_of3A_305, %dma_start3A_306] : memref<9x40960x16xf32, #tpu.memory_space<hbm>> -> memref<1x128x16xf32, #tpu.memory_space<hbm>>
      %dma_start3A_308 = tpu.memref_squeeze %dma_start3A_307 : memref<1x128x16xf32, #tpu.memory_space<hbm>> -> memref<128x16xf32, #tpu.memory_space<hbm>>
      %dma_start3A_309 = arith.constant 0 : i32
      %dma_start3A_310 = tpu.memref_slice %arg4[%select_n3A_301, %multiple_of3A_305, %dma_start3A_309] : memref<9x40960x16xf32, #tpu.memory_space<hbm>> -> memref<1x128x16xf32, #tpu.memory_space<hbm>>
      %dma_start3A_311 = tpu.memref_squeeze %dma_start3A_310 : memref<1x128x16xf32, #tpu.memory_space<hbm>> -> memref<128x16xf32, #tpu.memory_space<hbm>>
      tpu.enqueue_dma source(%arg9 : memref<128x16xf32, #tpu.memory_space<vmem>>) target(%dma_start3A_311 : memref<128x16xf32, #tpu.memory_space<hbm>>) target_semaphore(%arg21 : memref<!tpu.dma_semaphore, #tpu.memory_space<semaphore_mem>>)
      %add3A_312 = arith.constant 6 : i32
      %add3A_313 = arith.addi %add3A_266, %add3A_312 : i32
      %lt3A_314 = arith.constant 90 : i32
      %lt3A_315 = arith.cmpi slt, %add3A_313, %lt3A_314 : i32
      %convert_element_type3A_316 = arith.extui %lt3A_315 : i1 to i32
      %cond3A_317 = arith.constant 0 : i32
      %cond3A_318 = arith.cmpi ne, %convert_element_type3A_316, %cond3A_317 : i32
      scf.if %cond3A_318 {
        %dma_wait3A_432 = arith.constant 0 : i32
        %dma_wait3A_433 = arith.constant 0 : i32
        %dma_wait3A_434 = arith.constant 0 : i32
        %dma_wait3A_435 = tpu.memref_slice %arg4[%dma_wait3A_432, %dma_wait3A_433, %dma_wait3A_434] : memref<9x40960x16xf32, #tpu.memory_space<hbm>> -> memref<1x128x16xf32, #tpu.memory_space<hbm>>
        %dma_wait3A_436 = tpu.memref_squeeze %dma_wait3A_435 : memref<1x128x16xf32, #tpu.memory_space<hbm>> -> memref<128x16xf32, #tpu.memory_space<hbm>>
        %dma_wait3A_437 = arith.constant 0 : i32
        %dma_wait3A_438 = arith.constant 0 : i32
        %dma_wait3A_439 = tpu.memref_slice %arg4[%dma_wait3A_432, %dma_wait3A_437, %dma_wait3A_438] : memref<9x40960x16xf32, #tpu.memory_space<hbm>> -> memref<1x128x16xf32, #tpu.memory_space<hbm>>
        %dma_wait3A_440 = tpu.memref_squeeze %dma_wait3A_439 : memref<1x128x16xf32, #tpu.memory_space<hbm>> -> memref<128x16xf32, #tpu.memory_space<hbm>>
        tpu.wait_dma2 semaphore(%arg21 : memref<!tpu.dma_semaphore, #tpu.memory_space<semaphore_mem>>) src(%arg9 : memref<128x16xf32, #tpu.memory_space<vmem>>) dst(%dma_wait3A_440 : memref<128x16xf32, #tpu.memory_space<hbm>>)
        %add3A_441 = arith.constant 6 : i32
        %add3A_442 = arith.addi %add3A_266, %add3A_441 : i32
        %dma_start3A_443 = arith.constant 0 : i32
        %dma_start3A_444 = tpu.memref_slice %arg5[%add3A_442, %dma_start3A_443] : memref<90x128xi32, #tpu.memory_space<vmem>> -> memref<1x128xi32, #tpu.memory_space<vmem>>
        %dma_start3A_445 = tpu.memref_squeeze %dma_start3A_444 : memref<1x128xi32, #tpu.memory_space<vmem>> -> memref<128xi32, #tpu.memory_space<vmem>>
        %dma_start3A_446 = arith.constant 0 : i32
        %dma_start3A_447 = arith.constant 0 : i32
        %dma_start3A_448 = tpu.memref_slice %arg2[%dma_start3A_446, %dma_start3A_447] : memref<40000x16xf32, #tpu.memory_space<hbm>> -> memref<40000x16xf32, #tpu.memory_space<hbm>>
        tpu.enqueue_indirect_dma source(%dma_start3A_448 : memref<40000x16xf32, #tpu.memory_space<hbm>>) target(%arg9 : memref<128x16xf32, #tpu.memory_space<vmem>>) offsets(%dma_start3A_445 : memref<128xi32, #tpu.memory_space<vmem>>) semaphore(%arg15 : memref<!tpu.dma_semaphore, #tpu.memory_space<semaphore_mem>>)
      } else {
      }
      %mul3A_319 = arith.constant 6 : i32
      %mul3A_320 = arith.muli %scan3A_105, %mul3A_319 : i32
      %add3A_321 = arith.constant 4 : i32
      %add3A_322 = arith.addi %mul3A_320, %add3A_321 : i32
      %dma_wait3A_323 = arith.constant 0 : i32
      %dma_wait3A_324 = arith.constant 0 : i32
      %dma_wait3A_325 = tpu.memref_slice %arg5[%dma_wait3A_323, %dma_wait3A_324] : memref<90x128xi32, #tpu.memory_space<vmem>> -> memref<1x128xi32, #tpu.memory_space<vmem>>
      %dma_wait3A_326 = tpu.memref_squeeze %dma_wait3A_325 : memref<1x128xi32, #tpu.memory_space<vmem>> -> memref<128xi32, #tpu.memory_space<vmem>>
      %dma_wait3A_327 = arith.constant 0 : i32
      %dma_wait3A_328 = arith.constant 0 : i32
      %dma_wait3A_329 = tpu.memref_slice %arg2[%dma_wait3A_327, %dma_wait3A_328] : memref<40000x16xf32, #tpu.memory_space<hbm>> -> memref<40000x16xf32, #tpu.memory_space<hbm>>
      tpu.wait_indirect_dma semaphore(%arg16 : memref<!tpu.dma_semaphore, #tpu.memory_space<semaphore_mem>>) src(%dma_wait3A_329 : memref<40000x16xf32, #tpu.memory_space<hbm>>) dst(%arg10 : memref<128x16xf32, #tpu.memory_space<vmem>>)
      %mul3A_330 = arith.constant 128 : i32
      %mul3A_331 = arith.muli %add3A_322, %mul3A_330 : i32
      %add3A_332 = arith.addi %mul3A_2, %mul3A_331 : i32
      %multiple_of3A_333 = tpu.assume_multiple %add3A_332, 128 : i32
      %jit3A_334 = arith.constant 40960 : i32
      %div3A_335 = arith.divsi %multiple_of3A_333, %jit3A_334 : i32
      %sign3A_336 = arith.constant 0 : i32
      %sign3A_337 = arith.cmpi sgt, %multiple_of3A_333, %sign3A_336 : i32
      %sign3A_338 = arith.extui %sign3A_337 : i1 to i32
      %sign3A_339 = arith.constant 0 : i32
      %sign3A_340 = arith.cmpi slt, %multiple_of3A_333, %sign3A_339 : i32
      %sign3A_341 = arith.extui %sign3A_340 : i1 to i32
      %sign3A_342 = arith.subi %sign3A_338, %sign3A_341 : i32
      %sign3A_343 = arith.constant 0 : i32
      %sign3A_344 = arith.cmpi sgt, %jit3A_334, %sign3A_343 : i32
      %sign3A_345 = arith.extui %sign3A_344 : i1 to i32
      %sign3A_346 = arith.constant 0 : i32
      %sign3A_347 = arith.cmpi slt, %jit3A_334, %sign3A_346 : i32
      %sign3A_348 = arith.extui %sign3A_347 : i1 to i32
      %sign3A_349 = arith.subi %sign3A_345, %sign3A_348 : i32
      %ne3A_350 = arith.cmpi ne, %sign3A_342, %sign3A_349 : i32
      %rem3A_351 = arith.remsi %multiple_of3A_333, %jit3A_334 : i32
      %ne3A_352 = arith.constant 0 : i32
      %ne3A_353 = arith.cmpi ne, %rem3A_351, %ne3A_352 : i32
      %and3A_354 = arith.andi %ne3A_350, %ne3A_353 : i1
      %sub3A_355 = arith.constant 1 : i32
      %sub3A_356 = arith.subi %div3A_335, %sub3A_355 : i32
      %select_n3A_357 = arith.select %and3A_354, %sub3A_356, %div3A_335 : i32
      %mul3A_358 = arith.constant 40960 : i32
      %mul3A_359 = arith.muli %select_n3A_357, %mul3A_358 : i32
      %sub3A_360 = arith.subi %multiple_of3A_333, %mul3A_359 : i32
      %multiple_of3A_361 = tpu.assume_multiple %sub3A_360, 128 : i32
      %dma_start3A_362 = arith.constant 0 : i32
      %dma_start3A_363 = tpu.memref_slice %arg4[%select_n3A_357, %multiple_of3A_361, %dma_start3A_362] : memref<9x40960x16xf32, #tpu.memory_space<hbm>> -> memref<1x128x16xf32, #tpu.memory_space<hbm>>
      %dma_start3A_364 = tpu.memref_squeeze %dma_start3A_363 : memref<1x128x16xf32, #tpu.memory_space<hbm>> -> memref<128x16xf32, #tpu.memory_space<hbm>>
      %dma_start3A_365 = arith.constant 0 : i32
      %dma_start3A_366 = tpu.memref_slice %arg4[%select_n3A_357, %multiple_of3A_361, %dma_start3A_365] : memref<9x40960x16xf32, #tpu.memory_space<hbm>> -> memref<1x128x16xf32, #tpu.memory_space<hbm>>
      %dma_start3A_367 = tpu.memref_squeeze %dma_start3A_366 : memref<1x128x16xf32, #tpu.memory_space<hbm>> -> memref<128x16xf32, #tpu.memory_space<hbm>>
      tpu.enqueue_dma source(%arg10 : memref<128x16xf32, #tpu.memory_space<vmem>>) target(%dma_start3A_367 : memref<128x16xf32, #tpu.memory_space<hbm>>) target_semaphore(%arg22 : memref<!tpu.dma_semaphore, #tpu.memory_space<semaphore_mem>>)
      %add3A_368 = arith.constant 6 : i32
      %add3A_369 = arith.addi %add3A_322, %add3A_368 : i32
      %lt3A_370 = arith.constant 90 : i32
      %lt3A_371 = arith.cmpi slt, %add3A_369, %lt3A_370 : i32
      %convert_element_type3A_372 = arith.extui %lt3A_371 : i1 to i32
      %cond3A_373 = arith.constant 0 : i32
      %cond3A_374 = arith.cmpi ne, %convert_element_type3A_372, %cond3A_373 : i32
      scf.if %cond3A_374 {
        %dma_wait3A_432 = arith.constant 0 : i32
        %dma_wait3A_433 = arith.constant 0 : i32
        %dma_wait3A_434 = arith.constant 0 : i32
        %dma_wait3A_435 = tpu.memref_slice %arg4[%dma_wait3A_432, %dma_wait3A_433, %dma_wait3A_434] : memref<9x40960x16xf32, #tpu.memory_space<hbm>> -> memref<1x128x16xf32, #tpu.memory_space<hbm>>
        %dma_wait3A_436 = tpu.memref_squeeze %dma_wait3A_435 : memref<1x128x16xf32, #tpu.memory_space<hbm>> -> memref<128x16xf32, #tpu.memory_space<hbm>>
        %dma_wait3A_437 = arith.constant 0 : i32
        %dma_wait3A_438 = arith.constant 0 : i32
        %dma_wait3A_439 = tpu.memref_slice %arg4[%dma_wait3A_432, %dma_wait3A_437, %dma_wait3A_438] : memref<9x40960x16xf32, #tpu.memory_space<hbm>> -> memref<1x128x16xf32, #tpu.memory_space<hbm>>
        %dma_wait3A_440 = tpu.memref_squeeze %dma_wait3A_439 : memref<1x128x16xf32, #tpu.memory_space<hbm>> -> memref<128x16xf32, #tpu.memory_space<hbm>>
        tpu.wait_dma2 semaphore(%arg22 : memref<!tpu.dma_semaphore, #tpu.memory_space<semaphore_mem>>) src(%arg10 : memref<128x16xf32, #tpu.memory_space<vmem>>) dst(%dma_wait3A_440 : memref<128x16xf32, #tpu.memory_space<hbm>>)
        %add3A_441 = arith.constant 6 : i32
        %add3A_442 = arith.addi %add3A_322, %add3A_441 : i32
        %dma_start3A_443 = arith.constant 0 : i32
        %dma_start3A_444 = tpu.memref_slice %arg5[%add3A_442, %dma_start3A_443] : memref<90x128xi32, #tpu.memory_space<vmem>> -> memref<1x128xi32, #tpu.memory_space<vmem>>
        %dma_start3A_445 = tpu.memref_squeeze %dma_start3A_444 : memref<1x128xi32, #tpu.memory_space<vmem>> -> memref<128xi32, #tpu.memory_space<vmem>>
        %dma_start3A_446 = arith.constant 0 : i32
        %dma_start3A_447 = arith.constant 0 : i32
        %dma_start3A_448 = tpu.memref_slice %arg2[%dma_start3A_446, %dma_start3A_447] : memref<40000x16xf32, #tpu.memory_space<hbm>> -> memref<40000x16xf32, #tpu.memory_space<hbm>>
        tpu.enqueue_indirect_dma source(%dma_start3A_448 : memref<40000x16xf32, #tpu.memory_space<hbm>>) target(%arg10 : memref<128x16xf32, #tpu.memory_space<vmem>>) offsets(%dma_start3A_445 : memref<128xi32, #tpu.memory_space<vmem>>) semaphore(%arg16 : memref<!tpu.dma_semaphore, #tpu.memory_space<semaphore_mem>>)
      } else {
      }
      %mul3A_375 = arith.constant 6 : i32
      %mul3A_376 = arith.muli %scan3A_105, %mul3A_375 : i32
      %add3A_377 = arith.constant 5 : i32
      %add3A_378 = arith.addi %mul3A_376, %add3A_377 : i32
      %dma_wait3A_379 = arith.constant 0 : i32
      %dma_wait3A_380 = arith.constant 0 : i32
      %dma_wait3A_381 = tpu.memref_slice %arg5[%dma_wait3A_379, %dma_wait3A_380] : memref<90x128xi32, #tpu.memory_space<vmem>> -> memref<1x128xi32, #tpu.memory_space<vmem>>
      %dma_wait3A_382 = tpu.memref_squeeze %dma_wait3A_381 : memref<1x128xi32, #tpu.memory_space<vmem>> -> memref<128xi32, #tpu.memory_space<vmem>>
      %dma_wait3A_383 = arith.constant 0 : i32
      %dma_wait3A_384 = arith.constant 0 : i32
      %dma_wait3A_385 = tpu.memref_slice %arg2[%dma_wait3A_383, %dma_wait3A_384] : memref<40000x16xf32, #tpu.memory_space<hbm>> -> memref<40000x16xf32, #tpu.memory_space<hbm>>
      tpu.wait_indirect_dma semaphore(%arg17 : memref<!tpu.dma_semaphore, #tpu.memory_space<semaphore_mem>>) src(%dma_wait3A_385 : memref<40000x16xf32, #tpu.memory_space<hbm>>) dst(%arg11 : memref<128x16xf32, #tpu.memory_space<vmem>>)
      %mul3A_386 = arith.constant 128 : i32
      %mul3A_387 = arith.muli %add3A_378, %mul3A_386 : i32
      %add3A_388 = arith.addi %mul3A_2, %mul3A_387 : i32
      %multiple_of3A_389 = tpu.assume_multiple %add3A_388, 128 : i32
      %jit3A_390 = arith.constant 40960 : i32
      %div3A_391 = arith.divsi %multiple_of3A_389, %jit3A_390 : i32
      %sign3A_392 = arith.constant 0 : i32
      %sign3A_393 = arith.cmpi sgt, %multiple_of3A_389, %sign3A_392 : i32
      %sign3A_394 = arith.extui %sign3A_393 : i1 to i32
      %sign3A_395 = arith.constant 0 : i32
      %sign3A_396 = arith.cmpi slt, %multiple_of3A_389, %sign3A_395 : i32
      %sign3A_397 = arith.extui %sign3A_396 : i1 to i32
      %sign3A_398 = arith.subi %sign3A_394, %sign3A_397 : i32
      %sign3A_399 = arith.constant 0 : i32
      %sign3A_400 = arith.cmpi sgt, %jit3A_390, %sign3A_399 : i32
      %sign3A_401 = arith.extui %sign3A_400 : i1 to i32
      %sign3A_402 = arith.constant 0 : i32
      %sign3A_403 = arith.cmpi slt, %jit3A_390, %sign3A_402 : i32
      %sign3A_404 = arith.extui %sign3A_403 : i1 to i32
      %sign3A_405 = arith.subi %sign3A_401, %sign3A_404 : i32
      %ne3A_406 = arith.cmpi ne, %sign3A_398, %sign3A_405 : i32
      %rem3A_407 = arith.remsi %multiple_of3A_389, %jit3A_390 : i32
      %ne3A_408 = arith.constant 0 : i32
      %ne3A_409 = arith.cmpi ne, %rem3A_407, %ne3A_408 : i32
      %and3A_410 = arith.andi %ne3A_406, %ne3A_409 : i1
      %sub3A_411 = arith.constant 1 : i32
      %sub3A_412 = arith.subi %div3A_391, %sub3A_411 : i32
      %select_n3A_413 = arith.select %and3A_410, %sub3A_412, %div3A_391 : i32
      %mul3A_414 = arith.constant 40960 : i32
      %mul3A_415 = arith.muli %select_n3A_413, %mul3A_414 : i32
      %sub3A_416 = arith.subi %multiple_of3A_389, %mul3A_415 : i32
      %multiple_of3A_417 = tpu.assume_multiple %sub3A_416, 128 : i32
      %dma_start3A_418 = arith.constant 0 : i32
      %dma_start3A_419 = tpu.memref_slice %arg4[%select_n3A_413, %multiple_of3A_417, %dma_start3A_418] : memref<9x40960x16xf32, #tpu.memory_space<hbm>> -> memref<1x128x16xf32, #tpu.memory_space<hbm>>
      %dma_start3A_420 = tpu.memref_squeeze %dma_start3A_419 : memref<1x128x16xf32, #tpu.memory_space<hbm>> -> memref<128x16xf32, #tpu.memory_space<hbm>>
      %dma_start3A_421 = arith.constant 0 : i32
      %dma_start3A_422 = tpu.memref_slice %arg4[%select_n3A_413, %multiple_of3A_417, %dma_start3A_421] : memref<9x40960x16xf32, #tpu.memory_space<hbm>> -> memref<1x128x16xf32, #tpu.memory_space<hbm>>
      %dma_start3A_423 = tpu.memref_squeeze %dma_start3A_422 : memref<1x128x16xf32, #tpu.memory_space<hbm>> -> memref<128x16xf32, #tpu.memory_space<hbm>>
      tpu.enqueue_dma source(%arg11 : memref<128x16xf32, #tpu.memory_space<vmem>>) target(%dma_start3A_423 : memref<128x16xf32, #tpu.memory_space<hbm>>) target_semaphore(%arg23 : memref<!tpu.dma_semaphore, #tpu.memory_space<semaphore_mem>>)
      %add3A_424 = arith.constant 6 : i32
      %add3A_425 = arith.addi %add3A_378, %add3A_424 : i32
      %lt3A_426 = arith.constant 90 : i32
      %lt3A_427 = arith.cmpi slt, %add3A_425, %lt3A_426 : i32
      %convert_element_type3A_428 = arith.extui %lt3A_427 : i1 to i32
      %cond3A_429 = arith.constant 0 : i32
      %cond3A_430 = arith.cmpi ne, %convert_element_type3A_428, %cond3A_429 : i32
      scf.if %cond3A_430 {
        %dma_wait3A_432 = arith.constant 0 : i32
        %dma_wait3A_433 = arith.constant 0 : i32
        %dma_wait3A_434 = arith.constant 0 : i32
        %dma_wait3A_435 = tpu.memref_slice %arg4[%dma_wait3A_432, %dma_wait3A_433, %dma_wait3A_434] : memref<9x40960x16xf32, #tpu.memory_space<hbm>> -> memref<1x128x16xf32, #tpu.memory_space<hbm>>
        %dma_wait3A_436 = tpu.memref_squeeze %dma_wait3A_435 : memref<1x128x16xf32, #tpu.memory_space<hbm>> -> memref<128x16xf32, #tpu.memory_space<hbm>>
        %dma_wait3A_437 = arith.constant 0 : i32
        %dma_wait3A_438 = arith.constant 0 : i32
        %dma_wait3A_439 = tpu.memref_slice %arg4[%dma_wait3A_432, %dma_wait3A_437, %dma_wait3A_438] : memref<9x40960x16xf32, #tpu.memory_space<hbm>> -> memref<1x128x16xf32, #tpu.memory_space<hbm>>
        %dma_wait3A_440 = tpu.memref_squeeze %dma_wait3A_439 : memref<1x128x16xf32, #tpu.memory_space<hbm>> -> memref<128x16xf32, #tpu.memory_space<hbm>>
        tpu.wait_dma2 semaphore(%arg23 : memref<!tpu.dma_semaphore, #tpu.memory_space<semaphore_mem>>) src(%arg11 : memref<128x16xf32, #tpu.memory_space<vmem>>) dst(%dma_wait3A_440 : memref<128x16xf32, #tpu.memory_space<hbm>>)
        %add3A_441 = arith.constant 6 : i32
        %add3A_442 = arith.addi %add3A_378, %add3A_441 : i32
        %dma_start3A_443 = arith.constant 0 : i32
        %dma_start3A_444 = tpu.memref_slice %arg5[%add3A_442, %dma_start3A_443] : memref<90x128xi32, #tpu.memory_space<vmem>> -> memref<1x128xi32, #tpu.memory_space<vmem>>
        %dma_start3A_445 = tpu.memref_squeeze %dma_start3A_444 : memref<1x128xi32, #tpu.memory_space<vmem>> -> memref<128xi32, #tpu.memory_space<vmem>>
        %dma_start3A_446 = arith.constant 0 : i32
        %dma_start3A_447 = arith.constant 0 : i32
        %dma_start3A_448 = tpu.memref_slice %arg2[%dma_start3A_446, %dma_start3A_447] : memref<40000x16xf32, #tpu.memory_space<hbm>> -> memref<40000x16xf32, #tpu.memory_space<hbm>>
        tpu.enqueue_indirect_dma source(%dma_start3A_448 : memref<40000x16xf32, #tpu.memory_space<hbm>>) target(%arg11 : memref<128x16xf32, #tpu.memory_space<vmem>>) offsets(%dma_start3A_445 : memref<128xi32, #tpu.memory_space<vmem>>) semaphore(%arg17 : memref<!tpu.dma_semaphore, #tpu.memory_space<semaphore_mem>>)
      } else {
      }
      %scan3A_431 = arith.constant 0 : i32
      scf.yield %scan3A_431 : i32
    }
    %scan3A_51 = arith.constant 15 : i32
    %dma_wait3A = arith.constant 0 : i32
    %dma_wait3A_52 = arith.constant 0 : i32
    %dma_wait3A_53 = arith.constant 0 : i32
    %dma_wait3A_54 = tpu.memref_slice %arg4[%dma_wait3A, %dma_wait3A_52, %dma_wait3A_53] : memref<9x40960x16xf32, #tpu.memory_space<hbm>> -> memref<1x128x16xf32, #tpu.memory_space<hbm>>
    %dma_wait3A_55 = tpu.memref_squeeze %dma_wait3A_54 : memref<1x128x16xf32, #tpu.memory_space<hbm>> -> memref<128x16xf32, #tpu.memory_space<hbm>>
    %dma_wait3A_56 = arith.constant 0 : i32
    %dma_wait3A_57 = arith.constant 0 : i32
    %dma_wait3A_58 = tpu.memref_slice %arg4[%dma_wait3A, %dma_wait3A_56, %dma_wait3A_57] : memref<9x40960x16xf32, #tpu.memory_space<hbm>> -> memref<1x128x16xf32, #tpu.memory_space<hbm>>
    %dma_wait3A_59 = tpu.memref_squeeze %dma_wait3A_58 : memref<1x128x16xf32, #tpu.memory_space<hbm>> -> memref<128x16xf32, #tpu.memory_space<hbm>>
    tpu.wait_dma2 semaphore(%arg18 : memref<!tpu.dma_semaphore, #tpu.memory_space<semaphore_mem>>) src(%arg6 : memref<128x16xf32, #tpu.memory_space<vmem>>) dst(%dma_wait3A_59 : memref<128x16xf32, #tpu.memory_space<hbm>>)
    %dma_wait3A_60 = arith.constant 0 : i32
    %dma_wait3A_61 = arith.constant 0 : i32
    %dma_wait3A_62 = arith.constant 0 : i32
    %dma_wait3A_63 = tpu.memref_slice %arg4[%dma_wait3A_60, %dma_wait3A_61, %dma_wait3A_62] : memref<9x40960x16xf32, #tpu.memory_space<hbm>> -> memref<1x128x16xf32, #tpu.memory_space<hbm>>
    %dma_wait3A_64 = tpu.memref_squeeze %dma_wait3A_63 : memref<1x128x16xf32, #tpu.memory_space<hbm>> -> memref<128x16xf32, #tpu.memory_space<hbm>>
    %dma_wait3A_65 = arith.constant 0 : i32
    %dma_wait3A_66 = arith.constant 0 : i32
    %dma_wait3A_67 = tpu.memref_slice %arg4[%dma_wait3A_60, %dma_wait3A_65, %dma_wait3A_66] : memref<9x40960x16xf32, #tpu.memory_space<hbm>> -> memref<1x128x16xf32, #tpu.memory_space<hbm>>
    %dma_wait3A_68 = tpu.memref_squeeze %dma_wait3A_67 : memref<1x128x16xf32, #tpu.memory_space<hbm>> -> memref<128x16xf32, #tpu.memory_space<hbm>>
    tpu.wait_dma2 semaphore(%arg19 : memref<!tpu.dma_semaphore, #tpu.memory_space<semaphore_mem>>) src(%arg7 : memref<128x16xf32, #tpu.memory_space<vmem>>) dst(%dma_wait3A_68 : memref<128x16xf32, #tpu.memory_space<hbm>>)
    %dma_wait3A_69 = arith.constant 0 : i32
    %dma_wait3A_70 = arith.constant 0 : i32
    %dma_wait3A_71 = arith.constant 0 : i32
    %dma_wait3A_72 = tpu.memref_slice %arg4[%dma_wait3A_69, %dma_wait3A_70, %dma_wait3A_71] : memref<9x40960x16xf32, #tpu.memory_space<hbm>> -> memref<1x128x16xf32, #tpu.memory_space<hbm>>
    %dma_wait3A_73 = tpu.memref_squeeze %dma_wait3A_72 : memref<1x128x16xf32, #tpu.memory_space<hbm>> -> memref<128x16xf32, #tpu.memory_space<hbm>>
    %dma_wait3A_74 = arith.constant 0 : i32
    %dma_wait3A_75 = arith.constant 0 : i32
    %dma_wait3A_76 = tpu.memref_slice %arg4[%dma_wait3A_69, %dma_wait3A_74, %dma_wait3A_75] : memref<9x40960x16xf32, #tpu.memory_space<hbm>> -> memref<1x128x16xf32, #tpu.memory_space<hbm>>
    %dma_wait3A_77 = tpu.memref_squeeze %dma_wait3A_76 : memref<1x128x16xf32, #tpu.memory_space<hbm>> -> memref<128x16xf32, #tpu.memory_space<hbm>>
    tpu.wait_dma2 semaphore(%arg20 : memref<!tpu.dma_semaphore, #tpu.memory_space<semaphore_mem>>) src(%arg8 : memref<128x16xf32, #tpu.memory_space<vmem>>) dst(%dma_wait3A_77 : memref<128x16xf32, #tpu.memory_space<hbm>>)
    %dma_wait3A_78 = arith.constant 0 : i32
    %dma_wait3A_79 = arith.constant 0 : i32
    %dma_wait3A_80 = arith.constant 0 : i32
    %dma_wait3A_81 = tpu.memref_slice %arg4[%dma_wait3A_78, %dma_wait3A_79, %dma_wait3A_80] : memref<9x40960x16xf32, #tpu.memory_space<hbm>> -> memref<1x128x16xf32, #tpu.memory_space<hbm>>
    %dma_wait3A_82 = tpu.memref_squeeze %dma_wait3A_81 : memref<1x128x16xf32, #tpu.memory_space<hbm>> -> memref<128x16xf32, #tpu.memory_space<hbm>>
    %dma_wait3A_83 = arith.constant 0 : i32
    %dma_wait3A_84 = arith.constant 0 : i32
    %dma_wait3A_85 = tpu.memref_slice %arg4[%dma_wait3A_78, %dma_wait3A_83, %dma_wait3A_84] : memref<9x40960x16xf32, #tpu.memory_space<hbm>> -> memref<1x128x16xf32, #tpu.memory_space<hbm>>
    %dma_wait3A_86 = tpu.memref_squeeze %dma_wait3A_85 : memref<1x128x16xf32, #tpu.memory_space<hbm>> -> memref<128x16xf32, #tpu.memory_space<hbm>>
    tpu.wait_dma2 semaphore(%arg21 : memref<!tpu.dma_semaphore, #tpu.memory_space<semaphore_mem>>) src(%arg9 : memref<128x16xf32, #tpu.memory_space<vmem>>) dst(%dma_wait3A_86 : memref<128x16xf32, #tpu.memory_space<hbm>>)
    %dma_wait3A_87 = arith.constant 0 : i32
    %dma_wait3A_88 = arith.constant 0 : i32
    %dma_wait3A_89 = arith.constant 0 : i32
    %dma_wait3A_90 = tpu.memref_slice %arg4[%dma_wait3A_87, %dma_wait3A_88, %dma_wait3A_89] : memref<9x40960x16xf32, #tpu.memory_space<hbm>> -> memref<1x128x16xf32, #tpu.memory_space<hbm>>
    %dma_wait3A_91 = tpu.memref_squeeze %dma_wait3A_90 : memref<1x128x16xf32, #tpu.memory_space<hbm>> -> memref<128x16xf32, #tpu.memory_space<hbm>>
    %dma_wait3A_92 = arith.constant 0 : i32
    %dma_wait3A_93 = arith.constant 0 : i32
    %dma_wait3A_94 = tpu.memref_slice %arg4[%dma_wait3A_87, %dma_wait3A_92, %dma_wait3A_93] : memref<9x40960x16xf32, #tpu.memory_space<hbm>> -> memref<1x128x16xf32, #tpu.memory_space<hbm>>
    %dma_wait3A_95 = tpu.memref_squeeze %dma_wait3A_94 : memref<1x128x16xf32, #tpu.memory_space<hbm>> -> memref<128x16xf32, #tpu.memory_space<hbm>>
    tpu.wait_dma2 semaphore(%arg22 : memref<!tpu.dma_semaphore, #tpu.memory_space<semaphore_mem>>) src(%arg10 : memref<128x16xf32, #tpu.memory_space<vmem>>) dst(%dma_wait3A_95 : memref<128x16xf32, #tpu.memory_space<hbm>>)
    %dma_wait3A_96 = arith.constant 0 : i32
    %dma_wait3A_97 = arith.constant 0 : i32
    %dma_wait3A_98 = arith.constant 0 : i32
    %dma_wait3A_99 = tpu.memref_slice %arg4[%dma_wait3A_96, %dma_wait3A_97, %dma_wait3A_98] : memref<9x40960x16xf32, #tpu.memory_space<hbm>> -> memref<1x128x16xf32, #tpu.memory_space<hbm>>
    %dma_wait3A_100 = tpu.memref_squeeze %dma_wait3A_99 : memref<1x128x16xf32, #tpu.memory_space<hbm>> -> memref<128x16xf32, #tpu.memory_space<hbm>>
    %dma_wait3A_101 = arith.constant 0 : i32
    %dma_wait3A_102 = arith.constant 0 : i32
    %dma_wait3A_103 = tpu.memref_slice %arg4[%dma_wait3A_96, %dma_wait3A_101, %dma_wait3A_102] : memref<9x40960x16xf32, #tpu.memory_space<hbm>> -> memref<1x128x16xf32, #tpu.memory_space<hbm>>
    %dma_wait3A_104 = tpu.memref_squeeze %dma_wait3A_103 : memref<1x128x16xf32, #tpu.memory_space<hbm>> -> memref<128x16xf32, #tpu.memory_space<hbm>>
    tpu.wait_dma2 semaphore(%arg23 : memref<!tpu.dma_semaphore, #tpu.memory_space<semaphore_mem>>) src(%arg11 : memref<128x16xf32, #tpu.memory_space<vmem>>) dst(%dma_wait3A_104 : memref<128x16xf32, #tpu.memory_space<hbm>>)
    return
  }
}

#map = affine_map<(d0, d1) -> (0, 0)>
#map1 = affine_map<(d0, d1) -> (0, 0, 0)>
module attributes {stable_mosaic.version = 14 : i64} {
  func.func @gather(%arg0: i32, %arg1: i32, %arg2: memref<40000x128xf32, #tpu.memory_space<hbm>>, %arg3: memref<2880x128xi32, #tpu.memory_space<hbm>>, %arg4: memref<9x40960x128xf32, #tpu.memory_space<hbm>>, %arg5: memref<90x128xi32, #tpu.memory_space<vmem>>, %arg6: memref<128x128xf32, #tpu.memory_space<vmem>>, %arg7: memref<128x128xf32, #tpu.memory_space<vmem>>, %arg8: memref<128x128xf32, #tpu.memory_space<vmem>>, %arg9: memref<128x128xf32, #tpu.memory_space<vmem>>, %arg10: memref<128x128xf32, #tpu.memory_space<vmem>>, %arg11: memref<128x128xf32, #tpu.memory_space<vmem>>, %arg12: memref<!tpu.dma_semaphore, #tpu.memory_space<semaphore_mem>>, %arg13: memref<!tpu.dma_semaphore, #tpu.memory_space<semaphore_mem>>, %arg14: memref<!tpu.dma_semaphore, #tpu.memory_space<semaphore_mem>>, %arg15: memref<!tpu.dma_semaphore, #tpu.memory_space<semaphore_mem>>, %arg16: memref<!tpu.dma_semaphore, #tpu.memory_space<semaphore_mem>>, %arg17: memref<!tpu.dma_semaphore, #tpu.memory_space<semaphore_mem>>, %arg18: memref<!tpu.dma_semaphore, #tpu.memory_space<semaphore_mem>>, %arg19: memref<!tpu.dma_semaphore, #tpu.memory_space<semaphore_mem>>, %arg20: memref<!tpu.dma_semaphore, #tpu.memory_space<semaphore_mem>>, %arg21: memref<!tpu.dma_semaphore, #tpu.memory_space<semaphore_mem>>, %arg22: memref<!tpu.dma_semaphore, #tpu.memory_space<semaphore_mem>>, %arg23: memref<!tpu.dma_semaphore, #tpu.memory_space<semaphore_mem>>) attributes {dimension_semantics = [#tpu.dimension_semantics<core_parallel>, #tpu.dimension_semantics<subcore_parallel>], iteration_bounds = array<i64: 2, 16>, scalar_prefetch = 0 : i64, scratch_operands = 19 : i64, tpu.core_type = #tpu.core_type<sc_vector_subcore>, window_params = [{transform_indices = #map}, {transform_indices = #map}, {transform_indices = #map1}]} {
    %mul3A = arith.constant 2 : i32
    %mul3A_0 = arith.muli %arg1, %mul3A : i32
    %add3A = arith.addi %mul3A_0, %arg0 : i32
    %mul3A_1 = arith.constant 11520 : i32
    %mul3A_2 = arith.muli %add3A, %mul3A_1 : i32
    %mul3A_3 = arith.constant 90 : i32
    %mul3A_4 = arith.muli %add3A, %mul3A_3 : i32
    "tpu.region"() ({
      %run_scoped3A = tpu.sem_alloc : memref<!tpu.dma_semaphore, #tpu.memory_space<semaphore_mem>>
      %dma_start3A_105 = arith.constant 0 : i32
      %dma_start3A_106 = tpu.memref_slice %arg3[%mul3A_4, %dma_start3A_105] : memref<2880x128xi32, #tpu.memory_space<hbm>> -> memref<90x128xi32, #tpu.memory_space<hbm>>
      %dma_start3A_107 = arith.constant 0 : i32
      %dma_start3A_108 = tpu.memref_slice %arg3[%mul3A_4, %dma_start3A_107] : memref<2880x128xi32, #tpu.memory_space<hbm>> -> memref<90x128xi32, #tpu.memory_space<hbm>>
      tpu.enqueue_dma source(%dma_start3A_108 : memref<90x128xi32, #tpu.memory_space<hbm>>) target(%arg5 : memref<90x128xi32, #tpu.memory_space<vmem>>) target_semaphore(%run_scoped3A : memref<!tpu.dma_semaphore, #tpu.memory_space<semaphore_mem>>)
      %dma_wait3A_109 = arith.constant 0 : i32
      %dma_wait3A_110 = tpu.memref_slice %arg3[%mul3A_4, %dma_wait3A_109] : memref<2880x128xi32, #tpu.memory_space<hbm>> -> memref<90x128xi32, #tpu.memory_space<hbm>>
      %dma_wait3A_111 = arith.constant 0 : i32
      %dma_wait3A_112 = tpu.memref_slice %arg3[%mul3A_4, %dma_wait3A_111] : memref<2880x128xi32, #tpu.memory_space<hbm>> -> memref<90x128xi32, #tpu.memory_space<hbm>>
      tpu.wait_dma2 semaphore(%run_scoped3A : memref<!tpu.dma_semaphore, #tpu.memory_space<semaphore_mem>>) src(%dma_wait3A_112 : memref<90x128xi32, #tpu.memory_space<hbm>>) dst(%arg5 : memref<90x128xi32, #tpu.memory_space<vmem>>)
      tpu.yield
    }) : () -> ()
    %dma_start3A = arith.constant 0 : i32
    %dma_start3A_5 = arith.constant 0 : i32
    %dma_start3A_6 = tpu.memref_slice %arg5[%dma_start3A, %dma_start3A_5] : memref<90x128xi32, #tpu.memory_space<vmem>> -> memref<1x128xi32, #tpu.memory_space<vmem>>
    %dma_start3A_7 = tpu.memref_squeeze %dma_start3A_6 : memref<1x128xi32, #tpu.memory_space<vmem>> -> memref<128xi32, #tpu.memory_space<vmem>>
    %dma_start3A_8 = arith.constant 0 : i32
    %dma_start3A_9 = arith.constant 0 : i32
    %dma_start3A_10 = tpu.memref_slice %arg2[%dma_start3A_8, %dma_start3A_9] : memref<40000x128xf32, #tpu.memory_space<hbm>> -> memref<40000x128xf32, #tpu.memory_space<hbm>>
    tpu.enqueue_indirect_dma source(%dma_start3A_10 : memref<40000x128xf32, #tpu.memory_space<hbm>>) target(%arg6 : memref<128x128xf32, #tpu.memory_space<vmem>>) offsets(%dma_start3A_7 : memref<128xi32, #tpu.memory_space<vmem>>) semaphore(%arg12 : memref<!tpu.dma_semaphore, #tpu.memory_space<semaphore_mem>>)
    %dma_start3A_11 = arith.constant 1 : i32
    %dma_start3A_12 = arith.constant 0 : i32
    %dma_start3A_13 = tpu.memref_slice %arg5[%dma_start3A_11, %dma_start3A_12] : memref<90x128xi32, #tpu.memory_space<vmem>> -> memref<1x128xi32, #tpu.memory_space<vmem>>
    %dma_start3A_14 = tpu.memref_squeeze %dma_start3A_13 : memref<1x128xi32, #tpu.memory_space<vmem>> -> memref<128xi32, #tpu.memory_space<vmem>>
    %dma_start3A_15 = arith.constant 0 : i32
    %dma_start3A_16 = arith.constant 0 : i32
    %dma_start3A_17 = tpu.memref_slice %arg2[%dma_start3A_15, %dma_start3A_16] : memref<40000x128xf32, #tpu.memory_space<hbm>> -> memref<40000x128xf32, #tpu.memory_space<hbm>>
    tpu.enqueue_indirect_dma source(%dma_start3A_17 : memref<40000x128xf32, #tpu.memory_space<hbm>>) target(%arg7 : memref<128x128xf32, #tpu.memory_space<vmem>>) offsets(%dma_start3A_14 : memref<128xi32, #tpu.memory_space<vmem>>) semaphore(%arg13 : memref<!tpu.dma_semaphore, #tpu.memory_space<semaphore_mem>>)
    %dma_start3A_18 = arith.constant 2 : i32
    %dma_start3A_19 = arith.constant 0 : i32
    %dma_start3A_20 = tpu.memref_slice %arg5[%dma_start3A_18, %dma_start3A_19] : memref<90x128xi32, #tpu.memory_space<vmem>> -> memref<1x128xi32, #tpu.memory_space<vmem>>
    %dma_start3A_21 = tpu.memref_squeeze %dma_start3A_20 : memref<1x128xi32, #tpu.memory_space<vmem>> -> memref<128xi32, #tpu.memory_space<vmem>>
    %dma_start3A_22 = arith.constant 0 : i32
    %dma_start3A_23 = arith.constant 0 : i32
    %dma_start3A_24 = tpu.memref_slice %arg2[%dma_start3A_22, %dma_start3A_23] : memref<40000x128xf32, #tpu.memory_space<hbm>> -> memref<40000x128xf32, #tpu.memory_space<hbm>>
    tpu.enqueue_indirect_dma source(%dma_start3A_24 : memref<40000x128xf32, #tpu.memory_space<hbm>>) target(%arg8 : memref<128x128xf32, #tpu.memory_space<vmem>>) offsets(%dma_start3A_21 : memref<128xi32, #tpu.memory_space<vmem>>) semaphore(%arg14 : memref<!tpu.dma_semaphore, #tpu.memory_space<semaphore_mem>>)
    %dma_start3A_25 = arith.constant 3 : i32
    %dma_start3A_26 = arith.constant 0 : i32
    %dma_start3A_27 = tpu.memref_slice %arg5[%dma_start3A_25, %dma_start3A_26] : memref<90x128xi32, #tpu.memory_space<vmem>> -> memref<1x128xi32, #tpu.memory_space<vmem>>
    %dma_start3A_28 = tpu.memref_squeeze %dma_start3A_27 : memref<1x128xi32, #tpu.memory_space<vmem>> -> memref<128xi32, #tpu.memory_space<vmem>>
    %dma_start3A_29 = arith.constant 0 : i32
    %dma_start3A_30 = arith.constant 0 : i32
    %dma_start3A_31 = tpu.memref_slice %arg2[%dma_start3A_29, %dma_start3A_30] : memref<40000x128xf32, #tpu.memory_space<hbm>> -> memref<40000x128xf32, #tpu.memory_space<hbm>>
    tpu.enqueue_indirect_dma source(%dma_start3A_31 : memref<40000x128xf32, #tpu.memory_space<hbm>>) target(%arg9 : memref<128x128xf32, #tpu.memory_space<vmem>>) offsets(%dma_start3A_28 : memref<128xi32, #tpu.memory_space<vmem>>) semaphore(%arg15 : memref<!tpu.dma_semaphore, #tpu.memory_space<semaphore_mem>>)
    %dma_start3A_32 = arith.constant 4 : i32
    %dma_start3A_33 = arith.constant 0 : i32
    %dma_start3A_34 = tpu.memref_slice %arg5[%dma_start3A_32, %dma_start3A_33] : memref<90x128xi32, #tpu.memory_space<vmem>> -> memref<1x128xi32, #tpu.memory_space<vmem>>
    %dma_start3A_35 = tpu.memref_squeeze %dma_start3A_34 : memref<1x128xi32, #tpu.memory_space<vmem>> -> memref<128xi32, #tpu.memory_space<vmem>>
    %dma_start3A_36 = arith.constant 0 : i32
    %dma_start3A_37 = arith.constant 0 : i32
    %dma_start3A_38 = tpu.memref_slice %arg2[%dma_start3A_36, %dma_start3A_37] : memref<40000x128xf32, #tpu.memory_space<hbm>> -> memref<40000x128xf32, #tpu.memory_space<hbm>>
    tpu.enqueue_indirect_dma source(%dma_start3A_38 : memref<40000x128xf32, #tpu.memory_space<hbm>>) target(%arg10 : memref<128x128xf32, #tpu.memory_space<vmem>>) offsets(%dma_start3A_35 : memref<128xi32, #tpu.memory_space<vmem>>) semaphore(%arg16 : memref<!tpu.dma_semaphore, #tpu.memory_space<semaphore_mem>>)
    %dma_start3A_39 = arith.constant 5 : i32
    %dma_start3A_40 = arith.constant 0 : i32
    %dma_start3A_41 = tpu.memref_slice %arg5[%dma_start3A_39, %dma_start3A_40] : memref<90x128xi32, #tpu.memory_space<vmem>> -> memref<1x128xi32, #tpu.memory_space<vmem>>
    %dma_start3A_42 = tpu.memref_squeeze %dma_start3A_41 : memref<1x128xi32, #tpu.memory_space<vmem>> -> memref<128xi32, #tpu.memory_space<vmem>>
    %dma_start3A_43 = arith.constant 0 : i32
    %dma_start3A_44 = arith.constant 0 : i32
    %dma_start3A_45 = tpu.memref_slice %arg2[%dma_start3A_43, %dma_start3A_44] : memref<40000x128xf32, #tpu.memory_space<hbm>> -> memref<40000x128xf32, #tpu.memory_space<hbm>>
    tpu.enqueue_indirect_dma source(%dma_start3A_45 : memref<40000x128xf32, #tpu.memory_space<hbm>>) target(%arg11 : memref<128x128xf32, #tpu.memory_space<vmem>>) offsets(%dma_start3A_42 : memref<128xi32, #tpu.memory_space<vmem>>) semaphore(%arg17 : memref<!tpu.dma_semaphore, #tpu.memory_space<semaphore_mem>>)
    %scan3A = arith.constant 0 : i32
    %scan3A_46 = arith.constant 0 : i32
    %scan3A_47 = arith.constant 15 : i32
    %scan3A_48 = arith.addi %scan3A_46, %scan3A_47 : i32
    %scan3A_49 = arith.constant 1 : i32
    %scan3A_50 = scf.for %scan3A_105 = %scan3A_46 to %scan3A_48 step %scan3A_49 iter_args(%scan3A_106 = %scan3A) -> (i32)  : i32 {
      %mul3A_107 = arith.constant 6 : i32
      %mul3A_108 = arith.muli %scan3A_105, %mul3A_107 : i32
      %add3A_109 = arith.constant 0 : i32
      %add3A_110 = arith.addi %mul3A_108, %add3A_109 : i32
      %dma_wait3A_111 = arith.constant 0 : i32
      %dma_wait3A_112 = arith.constant 0 : i32
      %dma_wait3A_113 = tpu.memref_slice %arg5[%dma_wait3A_111, %dma_wait3A_112] : memref<90x128xi32, #tpu.memory_space<vmem>> -> memref<1x128xi32, #tpu.memory_space<vmem>>
      %dma_wait3A_114 = tpu.memref_squeeze %dma_wait3A_113 : memref<1x128xi32, #tpu.memory_space<vmem>> -> memref<128xi32, #tpu.memory_space<vmem>>
      %dma_wait3A_115 = arith.constant 0 : i32
      %dma_wait3A_116 = arith.constant 0 : i32
      %dma_wait3A_117 = tpu.memref_slice %arg2[%dma_wait3A_115, %dma_wait3A_116] : memref<40000x128xf32, #tpu.memory_space<hbm>> -> memref<40000x128xf32, #tpu.memory_space<hbm>>
      tpu.wait_indirect_dma semaphore(%arg12 : memref<!tpu.dma_semaphore, #tpu.memory_space<semaphore_mem>>) src(%dma_wait3A_117 : memref<40000x128xf32, #tpu.memory_space<hbm>>) dst(%arg6 : memref<128x128xf32, #tpu.memory_space<vmem>>)
      %mul3A_118 = arith.constant 128 : i32
      %mul3A_119 = arith.muli %add3A_110, %mul3A_118 : i32
      %add3A_120 = arith.addi %mul3A_2, %mul3A_119 : i32
      %multiple_of3A = tpu.assume_multiple %add3A_120, 128 : i32
      %jit3A = arith.constant 40960 : i32
      %div3A = arith.divsi %multiple_of3A, %jit3A : i32
      %sign3A = arith.constant 0 : i32
      %sign3A_121 = arith.cmpi sgt, %multiple_of3A, %sign3A : i32
      %sign3A_122 = arith.extui %sign3A_121 : i1 to i32
      %sign3A_123 = arith.constant 0 : i32
      %sign3A_124 = arith.cmpi slt, %multiple_of3A, %sign3A_123 : i32
      %sign3A_125 = arith.extui %sign3A_124 : i1 to i32
      %sign3A_126 = arith.subi %sign3A_122, %sign3A_125 : i32
      %sign3A_127 = arith.constant 0 : i32
      %sign3A_128 = arith.cmpi sgt, %jit3A, %sign3A_127 : i32
      %sign3A_129 = arith.extui %sign3A_128 : i1 to i32
      %sign3A_130 = arith.constant 0 : i32
      %sign3A_131 = arith.cmpi slt, %jit3A, %sign3A_130 : i32
      %sign3A_132 = arith.extui %sign3A_131 : i1 to i32
      %sign3A_133 = arith.subi %sign3A_129, %sign3A_132 : i32
      %ne3A = arith.cmpi ne, %sign3A_126, %sign3A_133 : i32
      %rem3A = arith.remsi %multiple_of3A, %jit3A : i32
      %ne3A_134 = arith.constant 0 : i32
      %ne3A_135 = arith.cmpi ne, %rem3A, %ne3A_134 : i32
      %and3A = arith.andi %ne3A, %ne3A_135 : i1
      %sub3A = arith.constant 1 : i32
      %sub3A_136 = arith.subi %div3A, %sub3A : i32
      %select_n3A = arith.select %and3A, %sub3A_136, %div3A : i32
      %mul3A_137 = arith.constant 40960 : i32
      %mul3A_138 = arith.muli %select_n3A, %mul3A_137 : i32
      %sub3A_139 = arith.subi %multiple_of3A, %mul3A_138 : i32
      %multiple_of3A_140 = tpu.assume_multiple %sub3A_139, 128 : i32
      %dma_start3A_141 = arith.constant 0 : i32
      %dma_start3A_142 = tpu.memref_slice %arg4[%select_n3A, %multiple_of3A_140, %dma_start3A_141] : memref<9x40960x128xf32, #tpu.memory_space<hbm>> -> memref<1x128x128xf32, #tpu.memory_space<hbm>>
      %dma_start3A_143 = tpu.memref_squeeze %dma_start3A_142 : memref<1x128x128xf32, #tpu.memory_space<hbm>> -> memref<128x128xf32, #tpu.memory_space<hbm>>
      %dma_start3A_144 = arith.constant 0 : i32
      %dma_start3A_145 = tpu.memref_slice %arg4[%select_n3A, %multiple_of3A_140, %dma_start3A_144] : memref<9x40960x128xf32, #tpu.memory_space<hbm>> -> memref<1x128x128xf32, #tpu.memory_space<hbm>>
      %dma_start3A_146 = tpu.memref_squeeze %dma_start3A_145 : memref<1x128x128xf32, #tpu.memory_space<hbm>> -> memref<128x128xf32, #tpu.memory_space<hbm>>
      tpu.enqueue_dma source(%arg6 : memref<128x128xf32, #tpu.memory_space<vmem>>) target(%dma_start3A_146 : memref<128x128xf32, #tpu.memory_space<hbm>>) target_semaphore(%arg18 : memref<!tpu.dma_semaphore, #tpu.memory_space<semaphore_mem>>)
      %add3A_147 = arith.constant 6 : i32
      %add3A_148 = arith.addi %add3A_110, %add3A_147 : i32
      %lt3A = arith.constant 90 : i32
      %lt3A_149 = arith.cmpi slt, %add3A_148, %lt3A : i32
      %convert_element_type3A = arith.extui %lt3A_149 : i1 to i32
      %cond3A = arith.constant 0 : i32
      %cond3A_150 = arith.cmpi ne, %convert_element_type3A, %cond3A : i32
      scf.if %cond3A_150 {
        %dma_wait3A_432 = arith.constant 0 : i32
        %dma_wait3A_433 = arith.constant 0 : i32
        %dma_wait3A_434 = arith.constant 0 : i32
        %dma_wait3A_435 = tpu.memref_slice %arg4[%dma_wait3A_432, %dma_wait3A_433, %dma_wait3A_434] : memref<9x40960x128xf32, #tpu.memory_space<hbm>> -> memref<1x128x128xf32, #tpu.memory_space<hbm>>
        %dma_wait3A_436 = tpu.memref_squeeze %dma_wait3A_435 : memref<1x128x128xf32, #tpu.memory_space<hbm>> -> memref<128x128xf32, #tpu.memory_space<hbm>>
        %dma_wait3A_437 = arith.constant 0 : i32
        %dma_wait3A_438 = arith.constant 0 : i32
        %dma_wait3A_439 = tpu.memref_slice %arg4[%dma_wait3A_432, %dma_wait3A_437, %dma_wait3A_438] : memref<9x40960x128xf32, #tpu.memory_space<hbm>> -> memref<1x128x128xf32, #tpu.memory_space<hbm>>
        %dma_wait3A_440 = tpu.memref_squeeze %dma_wait3A_439 : memref<1x128x128xf32, #tpu.memory_space<hbm>> -> memref<128x128xf32, #tpu.memory_space<hbm>>
        tpu.wait_dma2 semaphore(%arg18 : memref<!tpu.dma_semaphore, #tpu.memory_space<semaphore_mem>>) src(%arg6 : memref<128x128xf32, #tpu.memory_space<vmem>>) dst(%dma_wait3A_440 : memref<128x128xf32, #tpu.memory_space<hbm>>)
        %add3A_441 = arith.constant 6 : i32
        %add3A_442 = arith.addi %add3A_110, %add3A_441 : i32
        %dma_start3A_443 = arith.constant 0 : i32
        %dma_start3A_444 = tpu.memref_slice %arg5[%add3A_442, %dma_start3A_443] : memref<90x128xi32, #tpu.memory_space<vmem>> -> memref<1x128xi32, #tpu.memory_space<vmem>>
        %dma_start3A_445 = tpu.memref_squeeze %dma_start3A_444 : memref<1x128xi32, #tpu.memory_space<vmem>> -> memref<128xi32, #tpu.memory_space<vmem>>
        %dma_start3A_446 = arith.constant 0 : i32
        %dma_start3A_447 = arith.constant 0 : i32
        %dma_start3A_448 = tpu.memref_slice %arg2[%dma_start3A_446, %dma_start3A_447] : memref<40000x128xf32, #tpu.memory_space<hbm>> -> memref<40000x128xf32, #tpu.memory_space<hbm>>
        tpu.enqueue_indirect_dma source(%dma_start3A_448 : memref<40000x128xf32, #tpu.memory_space<hbm>>) target(%arg6 : memref<128x128xf32, #tpu.memory_space<vmem>>) offsets(%dma_start3A_445 : memref<128xi32, #tpu.memory_space<vmem>>) semaphore(%arg12 : memref<!tpu.dma_semaphore, #tpu.memory_space<semaphore_mem>>)
      } else {
      }
      %mul3A_151 = arith.constant 6 : i32
      %mul3A_152 = arith.muli %scan3A_105, %mul3A_151 : i32
      %add3A_153 = arith.constant 1 : i32
      %add3A_154 = arith.addi %mul3A_152, %add3A_153 : i32
      %dma_wait3A_155 = arith.constant 0 : i32
      %dma_wait3A_156 = arith.constant 0 : i32
      %dma_wait3A_157 = tpu.memref_slice %arg5[%dma_wait3A_155, %dma_wait3A_156] : memref<90x128xi32, #tpu.memory_space<vmem>> -> memref<1x128xi32, #tpu.memory_space<vmem>>
      %dma_wait3A_158 = tpu.memref_squeeze %dma_wait3A_157 : memref<1x128xi32, #tpu.memory_space<vmem>> -> memref<128xi32, #tpu.memory_space<vmem>>
      %dma_wait3A_159 = arith.constant 0 : i32
      %dma_wait3A_160 = arith.constant 0 : i32
      %dma_wait3A_161 = tpu.memref_slice %arg2[%dma_wait3A_159, %dma_wait3A_160] : memref<40000x128xf32, #tpu.memory_space<hbm>> -> memref<40000x128xf32, #tpu.memory_space<hbm>>
      tpu.wait_indirect_dma semaphore(%arg13 : memref<!tpu.dma_semaphore, #tpu.memory_space<semaphore_mem>>) src(%dma_wait3A_161 : memref<40000x128xf32, #tpu.memory_space<hbm>>) dst(%arg7 : memref<128x128xf32, #tpu.memory_space<vmem>>)
      %mul3A_162 = arith.constant 128 : i32
      %mul3A_163 = arith.muli %add3A_154, %mul3A_162 : i32
      %add3A_164 = arith.addi %mul3A_2, %mul3A_163 : i32
      %multiple_of3A_165 = tpu.assume_multiple %add3A_164, 128 : i32
      %jit3A_166 = arith.constant 40960 : i32
      %div3A_167 = arith.divsi %multiple_of3A_165, %jit3A_166 : i32
      %sign3A_168 = arith.constant 0 : i32
      %sign3A_169 = arith.cmpi sgt, %multiple_of3A_165, %sign3A_168 : i32
      %sign3A_170 = arith.extui %sign3A_169 : i1 to i32
      %sign3A_171 = arith.constant 0 : i32
      %sign3A_172 = arith.cmpi slt, %multiple_of3A_165, %sign3A_171 : i32
      %sign3A_173 = arith.extui %sign3A_172 : i1 to i32
      %sign3A_174 = arith.subi %sign3A_170, %sign3A_173 : i32
      %sign3A_175 = arith.constant 0 : i32
      %sign3A_176 = arith.cmpi sgt, %jit3A_166, %sign3A_175 : i32
      %sign3A_177 = arith.extui %sign3A_176 : i1 to i32
      %sign3A_178 = arith.constant 0 : i32
      %sign3A_179 = arith.cmpi slt, %jit3A_166, %sign3A_178 : i32
      %sign3A_180 = arith.extui %sign3A_179 : i1 to i32
      %sign3A_181 = arith.subi %sign3A_177, %sign3A_180 : i32
      %ne3A_182 = arith.cmpi ne, %sign3A_174, %sign3A_181 : i32
      %rem3A_183 = arith.remsi %multiple_of3A_165, %jit3A_166 : i32
      %ne3A_184 = arith.constant 0 : i32
      %ne3A_185 = arith.cmpi ne, %rem3A_183, %ne3A_184 : i32
      %and3A_186 = arith.andi %ne3A_182, %ne3A_185 : i1
      %sub3A_187 = arith.constant 1 : i32
      %sub3A_188 = arith.subi %div3A_167, %sub3A_187 : i32
      %select_n3A_189 = arith.select %and3A_186, %sub3A_188, %div3A_167 : i32
      %mul3A_190 = arith.constant 40960 : i32
      %mul3A_191 = arith.muli %select_n3A_189, %mul3A_190 : i32
      %sub3A_192 = arith.subi %multiple_of3A_165, %mul3A_191 : i32
      %multiple_of3A_193 = tpu.assume_multiple %sub3A_192, 128 : i32
      %dma_start3A_194 = arith.constant 0 : i32
      %dma_start3A_195 = tpu.memref_slice %arg4[%select_n3A_189, %multiple_of3A_193, %dma_start3A_194] : memref<9x40960x128xf32, #tpu.memory_space<hbm>> -> memref<1x128x128xf32, #tpu.memory_space<hbm>>
      %dma_start3A_196 = tpu.memref_squeeze %dma_start3A_195 : memref<1x128x128xf32, #tpu.memory_space<hbm>> -> memref<128x128xf32, #tpu.memory_space<hbm>>
      %dma_start3A_197 = arith.constant 0 : i32
      %dma_start3A_198 = tpu.memref_slice %arg4[%select_n3A_189, %multiple_of3A_193, %dma_start3A_197] : memref<9x40960x128xf32, #tpu.memory_space<hbm>> -> memref<1x128x128xf32, #tpu.memory_space<hbm>>
      %dma_start3A_199 = tpu.memref_squeeze %dma_start3A_198 : memref<1x128x128xf32, #tpu.memory_space<hbm>> -> memref<128x128xf32, #tpu.memory_space<hbm>>
      tpu.enqueue_dma source(%arg7 : memref<128x128xf32, #tpu.memory_space<vmem>>) target(%dma_start3A_199 : memref<128x128xf32, #tpu.memory_space<hbm>>) target_semaphore(%arg19 : memref<!tpu.dma_semaphore, #tpu.memory_space<semaphore_mem>>)
      %add3A_200 = arith.constant 6 : i32
      %add3A_201 = arith.addi %add3A_154, %add3A_200 : i32
      %lt3A_202 = arith.constant 90 : i32
      %lt3A_203 = arith.cmpi slt, %add3A_201, %lt3A_202 : i32
      %convert_element_type3A_204 = arith.extui %lt3A_203 : i1 to i32
      %cond3A_205 = arith.constant 0 : i32
      %cond3A_206 = arith.cmpi ne, %convert_element_type3A_204, %cond3A_205 : i32
      scf.if %cond3A_206 {
        %dma_wait3A_432 = arith.constant 0 : i32
        %dma_wait3A_433 = arith.constant 0 : i32
        %dma_wait3A_434 = arith.constant 0 : i32
        %dma_wait3A_435 = tpu.memref_slice %arg4[%dma_wait3A_432, %dma_wait3A_433, %dma_wait3A_434] : memref<9x40960x128xf32, #tpu.memory_space<hbm>> -> memref<1x128x128xf32, #tpu.memory_space<hbm>>
        %dma_wait3A_436 = tpu.memref_squeeze %dma_wait3A_435 : memref<1x128x128xf32, #tpu.memory_space<hbm>> -> memref<128x128xf32, #tpu.memory_space<hbm>>
        %dma_wait3A_437 = arith.constant 0 : i32
        %dma_wait3A_438 = arith.constant 0 : i32
        %dma_wait3A_439 = tpu.memref_slice %arg4[%dma_wait3A_432, %dma_wait3A_437, %dma_wait3A_438] : memref<9x40960x128xf32, #tpu.memory_space<hbm>> -> memref<1x128x128xf32, #tpu.memory_space<hbm>>
        %dma_wait3A_440 = tpu.memref_squeeze %dma_wait3A_439 : memref<1x128x128xf32, #tpu.memory_space<hbm>> -> memref<128x128xf32, #tpu.memory_space<hbm>>
        tpu.wait_dma2 semaphore(%arg19 : memref<!tpu.dma_semaphore, #tpu.memory_space<semaphore_mem>>) src(%arg7 : memref<128x128xf32, #tpu.memory_space<vmem>>) dst(%dma_wait3A_440 : memref<128x128xf32, #tpu.memory_space<hbm>>)
        %add3A_441 = arith.constant 6 : i32
        %add3A_442 = arith.addi %add3A_154, %add3A_441 : i32
        %dma_start3A_443 = arith.constant 0 : i32
        %dma_start3A_444 = tpu.memref_slice %arg5[%add3A_442, %dma_start3A_443] : memref<90x128xi32, #tpu.memory_space<vmem>> -> memref<1x128xi32, #tpu.memory_space<vmem>>
        %dma_start3A_445 = tpu.memref_squeeze %dma_start3A_444 : memref<1x128xi32, #tpu.memory_space<vmem>> -> memref<128xi32, #tpu.memory_space<vmem>>
        %dma_start3A_446 = arith.constant 0 : i32
        %dma_start3A_447 = arith.constant 0 : i32
        %dma_start3A_448 = tpu.memref_slice %arg2[%dma_start3A_446, %dma_start3A_447] : memref<40000x128xf32, #tpu.memory_space<hbm>> -> memref<40000x128xf32, #tpu.memory_space<hbm>>
        tpu.enqueue_indirect_dma source(%dma_start3A_448 : memref<40000x128xf32, #tpu.memory_space<hbm>>) target(%arg7 : memref<128x128xf32, #tpu.memory_space<vmem>>) offsets(%dma_start3A_445 : memref<128xi32, #tpu.memory_space<vmem>>) semaphore(%arg13 : memref<!tpu.dma_semaphore, #tpu.memory_space<semaphore_mem>>)
      } else {
      }
      %mul3A_207 = arith.constant 6 : i32
      %mul3A_208 = arith.muli %scan3A_105, %mul3A_207 : i32
      %add3A_209 = arith.constant 2 : i32
      %add3A_210 = arith.addi %mul3A_208, %add3A_209 : i32
      %dma_wait3A_211 = arith.constant 0 : i32
      %dma_wait3A_212 = arith.constant 0 : i32
      %dma_wait3A_213 = tpu.memref_slice %arg5[%dma_wait3A_211, %dma_wait3A_212] : memref<90x128xi32, #tpu.memory_space<vmem>> -> memref<1x128xi32, #tpu.memory_space<vmem>>
      %dma_wait3A_214 = tpu.memref_squeeze %dma_wait3A_213 : memref<1x128xi32, #tpu.memory_space<vmem>> -> memref<128xi32, #tpu.memory_space<vmem>>
      %dma_wait3A_215 = arith.constant 0 : i32
      %dma_wait3A_216 = arith.constant 0 : i32
      %dma_wait3A_217 = tpu.memref_slice %arg2[%dma_wait3A_215, %dma_wait3A_216] : memref<40000x128xf32, #tpu.memory_space<hbm>> -> memref<40000x128xf32, #tpu.memory_space<hbm>>
      tpu.wait_indirect_dma semaphore(%arg14 : memref<!tpu.dma_semaphore, #tpu.memory_space<semaphore_mem>>) src(%dma_wait3A_217 : memref<40000x128xf32, #tpu.memory_space<hbm>>) dst(%arg8 : memref<128x128xf32, #tpu.memory_space<vmem>>)
      %mul3A_218 = arith.constant 128 : i32
      %mul3A_219 = arith.muli %add3A_210, %mul3A_218 : i32
      %add3A_220 = arith.addi %mul3A_2, %mul3A_219 : i32
      %multiple_of3A_221 = tpu.assume_multiple %add3A_220, 128 : i32
      %jit3A_222 = arith.constant 40960 : i32
      %div3A_223 = arith.divsi %multiple_of3A_221, %jit3A_222 : i32
      %sign3A_224 = arith.constant 0 : i32
      %sign3A_225 = arith.cmpi sgt, %multiple_of3A_221, %sign3A_224 : i32
      %sign3A_226 = arith.extui %sign3A_225 : i1 to i32
      %sign3A_227 = arith.constant 0 : i32
      %sign3A_228 = arith.cmpi slt, %multiple_of3A_221, %sign3A_227 : i32
      %sign3A_229 = arith.extui %sign3A_228 : i1 to i32
      %sign3A_230 = arith.subi %sign3A_226, %sign3A_229 : i32
      %sign3A_231 = arith.constant 0 : i32
      %sign3A_232 = arith.cmpi sgt, %jit3A_222, %sign3A_231 : i32
      %sign3A_233 = arith.extui %sign3A_232 : i1 to i32
      %sign3A_234 = arith.constant 0 : i32
      %sign3A_235 = arith.cmpi slt, %jit3A_222, %sign3A_234 : i32
      %sign3A_236 = arith.extui %sign3A_235 : i1 to i32
      %sign3A_237 = arith.subi %sign3A_233, %sign3A_236 : i32
      %ne3A_238 = arith.cmpi ne, %sign3A_230, %sign3A_237 : i32
      %rem3A_239 = arith.remsi %multiple_of3A_221, %jit3A_222 : i32
      %ne3A_240 = arith.constant 0 : i32
      %ne3A_241 = arith.cmpi ne, %rem3A_239, %ne3A_240 : i32
      %and3A_242 = arith.andi %ne3A_238, %ne3A_241 : i1
      %sub3A_243 = arith.constant 1 : i32
      %sub3A_244 = arith.subi %div3A_223, %sub3A_243 : i32
      %select_n3A_245 = arith.select %and3A_242, %sub3A_244, %div3A_223 : i32
      %mul3A_246 = arith.constant 40960 : i32
      %mul3A_247 = arith.muli %select_n3A_245, %mul3A_246 : i32
      %sub3A_248 = arith.subi %multiple_of3A_221, %mul3A_247 : i32
      %multiple_of3A_249 = tpu.assume_multiple %sub3A_248, 128 : i32
      %dma_start3A_250 = arith.constant 0 : i32
      %dma_start3A_251 = tpu.memref_slice %arg4[%select_n3A_245, %multiple_of3A_249, %dma_start3A_250] : memref<9x40960x128xf32, #tpu.memory_space<hbm>> -> memref<1x128x128xf32, #tpu.memory_space<hbm>>
      %dma_start3A_252 = tpu.memref_squeeze %dma_start3A_251 : memref<1x128x128xf32, #tpu.memory_space<hbm>> -> memref<128x128xf32, #tpu.memory_space<hbm>>
      %dma_start3A_253 = arith.constant 0 : i32
      %dma_start3A_254 = tpu.memref_slice %arg4[%select_n3A_245, %multiple_of3A_249, %dma_start3A_253] : memref<9x40960x128xf32, #tpu.memory_space<hbm>> -> memref<1x128x128xf32, #tpu.memory_space<hbm>>
      %dma_start3A_255 = tpu.memref_squeeze %dma_start3A_254 : memref<1x128x128xf32, #tpu.memory_space<hbm>> -> memref<128x128xf32, #tpu.memory_space<hbm>>
      tpu.enqueue_dma source(%arg8 : memref<128x128xf32, #tpu.memory_space<vmem>>) target(%dma_start3A_255 : memref<128x128xf32, #tpu.memory_space<hbm>>) target_semaphore(%arg20 : memref<!tpu.dma_semaphore, #tpu.memory_space<semaphore_mem>>)
      %add3A_256 = arith.constant 6 : i32
      %add3A_257 = arith.addi %add3A_210, %add3A_256 : i32
      %lt3A_258 = arith.constant 90 : i32
      %lt3A_259 = arith.cmpi slt, %add3A_257, %lt3A_258 : i32
      %convert_element_type3A_260 = arith.extui %lt3A_259 : i1 to i32
      %cond3A_261 = arith.constant 0 : i32
      %cond3A_262 = arith.cmpi ne, %convert_element_type3A_260, %cond3A_261 : i32
      scf.if %cond3A_262 {
        %dma_wait3A_432 = arith.constant 0 : i32
        %dma_wait3A_433 = arith.constant 0 : i32
        %dma_wait3A_434 = arith.constant 0 : i32
        %dma_wait3A_435 = tpu.memref_slice %arg4[%dma_wait3A_432, %dma_wait3A_433, %dma_wait3A_434] : memref<9x40960x128xf32, #tpu.memory_space<hbm>> -> memref<1x128x128xf32, #tpu.memory_space<hbm>>
        %dma_wait3A_436 = tpu.memref_squeeze %dma_wait3A_435 : memref<1x128x128xf32, #tpu.memory_space<hbm>> -> memref<128x128xf32, #tpu.memory_space<hbm>>
        %dma_wait3A_437 = arith.constant 0 : i32
        %dma_wait3A_438 = arith.constant 0 : i32
        %dma_wait3A_439 = tpu.memref_slice %arg4[%dma_wait3A_432, %dma_wait3A_437, %dma_wait3A_438] : memref<9x40960x128xf32, #tpu.memory_space<hbm>> -> memref<1x128x128xf32, #tpu.memory_space<hbm>>
        %dma_wait3A_440 = tpu.memref_squeeze %dma_wait3A_439 : memref<1x128x128xf32, #tpu.memory_space<hbm>> -> memref<128x128xf32, #tpu.memory_space<hbm>>
        tpu.wait_dma2 semaphore(%arg20 : memref<!tpu.dma_semaphore, #tpu.memory_space<semaphore_mem>>) src(%arg8 : memref<128x128xf32, #tpu.memory_space<vmem>>) dst(%dma_wait3A_440 : memref<128x128xf32, #tpu.memory_space<hbm>>)
        %add3A_441 = arith.constant 6 : i32
        %add3A_442 = arith.addi %add3A_210, %add3A_441 : i32
        %dma_start3A_443 = arith.constant 0 : i32
        %dma_start3A_444 = tpu.memref_slice %arg5[%add3A_442, %dma_start3A_443] : memref<90x128xi32, #tpu.memory_space<vmem>> -> memref<1x128xi32, #tpu.memory_space<vmem>>
        %dma_start3A_445 = tpu.memref_squeeze %dma_start3A_444 : memref<1x128xi32, #tpu.memory_space<vmem>> -> memref<128xi32, #tpu.memory_space<vmem>>
        %dma_start3A_446 = arith.constant 0 : i32
        %dma_start3A_447 = arith.constant 0 : i32
        %dma_start3A_448 = tpu.memref_slice %arg2[%dma_start3A_446, %dma_start3A_447] : memref<40000x128xf32, #tpu.memory_space<hbm>> -> memref<40000x128xf32, #tpu.memory_space<hbm>>
        tpu.enqueue_indirect_dma source(%dma_start3A_448 : memref<40000x128xf32, #tpu.memory_space<hbm>>) target(%arg8 : memref<128x128xf32, #tpu.memory_space<vmem>>) offsets(%dma_start3A_445 : memref<128xi32, #tpu.memory_space<vmem>>) semaphore(%arg14 : memref<!tpu.dma_semaphore, #tpu.memory_space<semaphore_mem>>)
      } else {
      }
      %mul3A_263 = arith.constant 6 : i32
      %mul3A_264 = arith.muli %scan3A_105, %mul3A_263 : i32
      %add3A_265 = arith.constant 3 : i32
      %add3A_266 = arith.addi %mul3A_264, %add3A_265 : i32
      %dma_wait3A_267 = arith.constant 0 : i32
      %dma_wait3A_268 = arith.constant 0 : i32
      %dma_wait3A_269 = tpu.memref_slice %arg5[%dma_wait3A_267, %dma_wait3A_268] : memref<90x128xi32, #tpu.memory_space<vmem>> -> memref<1x128xi32, #tpu.memory_space<vmem>>
      %dma_wait3A_270 = tpu.memref_squeeze %dma_wait3A_269 : memref<1x128xi32, #tpu.memory_space<vmem>> -> memref<128xi32, #tpu.memory_space<vmem>>
      %dma_wait3A_271 = arith.constant 0 : i32
      %dma_wait3A_272 = arith.constant 0 : i32
      %dma_wait3A_273 = tpu.memref_slice %arg2[%dma_wait3A_271, %dma_wait3A_272] : memref<40000x128xf32, #tpu.memory_space<hbm>> -> memref<40000x128xf32, #tpu.memory_space<hbm>>
      tpu.wait_indirect_dma semaphore(%arg15 : memref<!tpu.dma_semaphore, #tpu.memory_space<semaphore_mem>>) src(%dma_wait3A_273 : memref<40000x128xf32, #tpu.memory_space<hbm>>) dst(%arg9 : memref<128x128xf32, #tpu.memory_space<vmem>>)
      %mul3A_274 = arith.constant 128 : i32
      %mul3A_275 = arith.muli %add3A_266, %mul3A_274 : i32
      %add3A_276 = arith.addi %mul3A_2, %mul3A_275 : i32
      %multiple_of3A_277 = tpu.assume_multiple %add3A_276, 128 : i32
      %jit3A_278 = arith.constant 40960 : i32
      %div3A_279 = arith.divsi %multiple_of3A_277, %jit3A_278 : i32
      %sign3A_280 = arith.constant 0 : i32
      %sign3A_281 = arith.cmpi sgt, %multiple_of3A_277, %sign3A_280 : i32
      %sign3A_282 = arith.extui %sign3A_281 : i1 to i32
      %sign3A_283 = arith.constant 0 : i32
      %sign3A_284 = arith.cmpi slt, %multiple_of3A_277, %sign3A_283 : i32
      %sign3A_285 = arith.extui %sign3A_284 : i1 to i32
      %sign3A_286 = arith.subi %sign3A_282, %sign3A_285 : i32
      %sign3A_287 = arith.constant 0 : i32
      %sign3A_288 = arith.cmpi sgt, %jit3A_278, %sign3A_287 : i32
      %sign3A_289 = arith.extui %sign3A_288 : i1 to i32
      %sign3A_290 = arith.constant 0 : i32
      %sign3A_291 = arith.cmpi slt, %jit3A_278, %sign3A_290 : i32
      %sign3A_292 = arith.extui %sign3A_291 : i1 to i32
      %sign3A_293 = arith.subi %sign3A_289, %sign3A_292 : i32
      %ne3A_294 = arith.cmpi ne, %sign3A_286, %sign3A_293 : i32
      %rem3A_295 = arith.remsi %multiple_of3A_277, %jit3A_278 : i32
      %ne3A_296 = arith.constant 0 : i32
      %ne3A_297 = arith.cmpi ne, %rem3A_295, %ne3A_296 : i32
      %and3A_298 = arith.andi %ne3A_294, %ne3A_297 : i1
      %sub3A_299 = arith.constant 1 : i32
      %sub3A_300 = arith.subi %div3A_279, %sub3A_299 : i32
      %select_n3A_301 = arith.select %and3A_298, %sub3A_300, %div3A_279 : i32
      %mul3A_302 = arith.constant 40960 : i32
      %mul3A_303 = arith.muli %select_n3A_301, %mul3A_302 : i32
      %sub3A_304 = arith.subi %multiple_of3A_277, %mul3A_303 : i32
      %multiple_of3A_305 = tpu.assume_multiple %sub3A_304, 128 : i32
      %dma_start3A_306 = arith.constant 0 : i32
      %dma_start3A_307 = tpu.memref_slice %arg4[%select_n3A_301, %multiple_of3A_305, %dma_start3A_306] : memref<9x40960x128xf32, #tpu.memory_space<hbm>> -> memref<1x128x128xf32, #tpu.memory_space<hbm>>
      %dma_start3A_308 = tpu.memref_squeeze %dma_start3A_307 : memref<1x128x128xf32, #tpu.memory_space<hbm>> -> memref<128x128xf32, #tpu.memory_space<hbm>>
      %dma_start3A_309 = arith.constant 0 : i32
      %dma_start3A_310 = tpu.memref_slice %arg4[%select_n3A_301, %multiple_of3A_305, %dma_start3A_309] : memref<9x40960x128xf32, #tpu.memory_space<hbm>> -> memref<1x128x128xf32, #tpu.memory_space<hbm>>
      %dma_start3A_311 = tpu.memref_squeeze %dma_start3A_310 : memref<1x128x128xf32, #tpu.memory_space<hbm>> -> memref<128x128xf32, #tpu.memory_space<hbm>>
      tpu.enqueue_dma source(%arg9 : memref<128x128xf32, #tpu.memory_space<vmem>>) target(%dma_start3A_311 : memref<128x128xf32, #tpu.memory_space<hbm>>) target_semaphore(%arg21 : memref<!tpu.dma_semaphore, #tpu.memory_space<semaphore_mem>>)
      %add3A_312 = arith.constant 6 : i32
      %add3A_313 = arith.addi %add3A_266, %add3A_312 : i32
      %lt3A_314 = arith.constant 90 : i32
      %lt3A_315 = arith.cmpi slt, %add3A_313, %lt3A_314 : i32
      %convert_element_type3A_316 = arith.extui %lt3A_315 : i1 to i32
      %cond3A_317 = arith.constant 0 : i32
      %cond3A_318 = arith.cmpi ne, %convert_element_type3A_316, %cond3A_317 : i32
      scf.if %cond3A_318 {
        %dma_wait3A_432 = arith.constant 0 : i32
        %dma_wait3A_433 = arith.constant 0 : i32
        %dma_wait3A_434 = arith.constant 0 : i32
        %dma_wait3A_435 = tpu.memref_slice %arg4[%dma_wait3A_432, %dma_wait3A_433, %dma_wait3A_434] : memref<9x40960x128xf32, #tpu.memory_space<hbm>> -> memref<1x128x128xf32, #tpu.memory_space<hbm>>
        %dma_wait3A_436 = tpu.memref_squeeze %dma_wait3A_435 : memref<1x128x128xf32, #tpu.memory_space<hbm>> -> memref<128x128xf32, #tpu.memory_space<hbm>>
        %dma_wait3A_437 = arith.constant 0 : i32
        %dma_wait3A_438 = arith.constant 0 : i32
        %dma_wait3A_439 = tpu.memref_slice %arg4[%dma_wait3A_432, %dma_wait3A_437, %dma_wait3A_438] : memref<9x40960x128xf32, #tpu.memory_space<hbm>> -> memref<1x128x128xf32, #tpu.memory_space<hbm>>
        %dma_wait3A_440 = tpu.memref_squeeze %dma_wait3A_439 : memref<1x128x128xf32, #tpu.memory_space<hbm>> -> memref<128x128xf32, #tpu.memory_space<hbm>>
        tpu.wait_dma2 semaphore(%arg21 : memref<!tpu.dma_semaphore, #tpu.memory_space<semaphore_mem>>) src(%arg9 : memref<128x128xf32, #tpu.memory_space<vmem>>) dst(%dma_wait3A_440 : memref<128x128xf32, #tpu.memory_space<hbm>>)
        %add3A_441 = arith.constant 6 : i32
        %add3A_442 = arith.addi %add3A_266, %add3A_441 : i32
        %dma_start3A_443 = arith.constant 0 : i32
        %dma_start3A_444 = tpu.memref_slice %arg5[%add3A_442, %dma_start3A_443] : memref<90x128xi32, #tpu.memory_space<vmem>> -> memref<1x128xi32, #tpu.memory_space<vmem>>
        %dma_start3A_445 = tpu.memref_squeeze %dma_start3A_444 : memref<1x128xi32, #tpu.memory_space<vmem>> -> memref<128xi32, #tpu.memory_space<vmem>>
        %dma_start3A_446 = arith.constant 0 : i32
        %dma_start3A_447 = arith.constant 0 : i32
        %dma_start3A_448 = tpu.memref_slice %arg2[%dma_start3A_446, %dma_start3A_447] : memref<40000x128xf32, #tpu.memory_space<hbm>> -> memref<40000x128xf32, #tpu.memory_space<hbm>>
        tpu.enqueue_indirect_dma source(%dma_start3A_448 : memref<40000x128xf32, #tpu.memory_space<hbm>>) target(%arg9 : memref<128x128xf32, #tpu.memory_space<vmem>>) offsets(%dma_start3A_445 : memref<128xi32, #tpu.memory_space<vmem>>) semaphore(%arg15 : memref<!tpu.dma_semaphore, #tpu.memory_space<semaphore_mem>>)
      } else {
      }
      %mul3A_319 = arith.constant 6 : i32
      %mul3A_320 = arith.muli %scan3A_105, %mul3A_319 : i32
      %add3A_321 = arith.constant 4 : i32
      %add3A_322 = arith.addi %mul3A_320, %add3A_321 : i32
      %dma_wait3A_323 = arith.constant 0 : i32
      %dma_wait3A_324 = arith.constant 0 : i32
      %dma_wait3A_325 = tpu.memref_slice %arg5[%dma_wait3A_323, %dma_wait3A_324] : memref<90x128xi32, #tpu.memory_space<vmem>> -> memref<1x128xi32, #tpu.memory_space<vmem>>
      %dma_wait3A_326 = tpu.memref_squeeze %dma_wait3A_325 : memref<1x128xi32, #tpu.memory_space<vmem>> -> memref<128xi32, #tpu.memory_space<vmem>>
      %dma_wait3A_327 = arith.constant 0 : i32
      %dma_wait3A_328 = arith.constant 0 : i32
      %dma_wait3A_329 = tpu.memref_slice %arg2[%dma_wait3A_327, %dma_wait3A_328] : memref<40000x128xf32, #tpu.memory_space<hbm>> -> memref<40000x128xf32, #tpu.memory_space<hbm>>
      tpu.wait_indirect_dma semaphore(%arg16 : memref<!tpu.dma_semaphore, #tpu.memory_space<semaphore_mem>>) src(%dma_wait3A_329 : memref<40000x128xf32, #tpu.memory_space<hbm>>) dst(%arg10 : memref<128x128xf32, #tpu.memory_space<vmem>>)
      %mul3A_330 = arith.constant 128 : i32
      %mul3A_331 = arith.muli %add3A_322, %mul3A_330 : i32
      %add3A_332 = arith.addi %mul3A_2, %mul3A_331 : i32
      %multiple_of3A_333 = tpu.assume_multiple %add3A_332, 128 : i32
      %jit3A_334 = arith.constant 40960 : i32
      %div3A_335 = arith.divsi %multiple_of3A_333, %jit3A_334 : i32
      %sign3A_336 = arith.constant 0 : i32
      %sign3A_337 = arith.cmpi sgt, %multiple_of3A_333, %sign3A_336 : i32
      %sign3A_338 = arith.extui %sign3A_337 : i1 to i32
      %sign3A_339 = arith.constant 0 : i32
      %sign3A_340 = arith.cmpi slt, %multiple_of3A_333, %sign3A_339 : i32
      %sign3A_341 = arith.extui %sign3A_340 : i1 to i32
      %sign3A_342 = arith.subi %sign3A_338, %sign3A_341 : i32
      %sign3A_343 = arith.constant 0 : i32
      %sign3A_344 = arith.cmpi sgt, %jit3A_334, %sign3A_343 : i32
      %sign3A_345 = arith.extui %sign3A_344 : i1 to i32
      %sign3A_346 = arith.constant 0 : i32
      %sign3A_347 = arith.cmpi slt, %jit3A_334, %sign3A_346 : i32
      %sign3A_348 = arith.extui %sign3A_347 : i1 to i32
      %sign3A_349 = arith.subi %sign3A_345, %sign3A_348 : i32
      %ne3A_350 = arith.cmpi ne, %sign3A_342, %sign3A_349 : i32
      %rem3A_351 = arith.remsi %multiple_of3A_333, %jit3A_334 : i32
      %ne3A_352 = arith.constant 0 : i32
      %ne3A_353 = arith.cmpi ne, %rem3A_351, %ne3A_352 : i32
      %and3A_354 = arith.andi %ne3A_350, %ne3A_353 : i1
      %sub3A_355 = arith.constant 1 : i32
      %sub3A_356 = arith.subi %div3A_335, %sub3A_355 : i32
      %select_n3A_357 = arith.select %and3A_354, %sub3A_356, %div3A_335 : i32
      %mul3A_358 = arith.constant 40960 : i32
      %mul3A_359 = arith.muli %select_n3A_357, %mul3A_358 : i32
      %sub3A_360 = arith.subi %multiple_of3A_333, %mul3A_359 : i32
      %multiple_of3A_361 = tpu.assume_multiple %sub3A_360, 128 : i32
      %dma_start3A_362 = arith.constant 0 : i32
      %dma_start3A_363 = tpu.memref_slice %arg4[%select_n3A_357, %multiple_of3A_361, %dma_start3A_362] : memref<9x40960x128xf32, #tpu.memory_space<hbm>> -> memref<1x128x128xf32, #tpu.memory_space<hbm>>
      %dma_start3A_364 = tpu.memref_squeeze %dma_start3A_363 : memref<1x128x128xf32, #tpu.memory_space<hbm>> -> memref<128x128xf32, #tpu.memory_space<hbm>>
      %dma_start3A_365 = arith.constant 0 : i32
      %dma_start3A_366 = tpu.memref_slice %arg4[%select_n3A_357, %multiple_of3A_361, %dma_start3A_365] : memref<9x40960x128xf32, #tpu.memory_space<hbm>> -> memref<1x128x128xf32, #tpu.memory_space<hbm>>
      %dma_start3A_367 = tpu.memref_squeeze %dma_start3A_366 : memref<1x128x128xf32, #tpu.memory_space<hbm>> -> memref<128x128xf32, #tpu.memory_space<hbm>>
      tpu.enqueue_dma source(%arg10 : memref<128x128xf32, #tpu.memory_space<vmem>>) target(%dma_start3A_367 : memref<128x128xf32, #tpu.memory_space<hbm>>) target_semaphore(%arg22 : memref<!tpu.dma_semaphore, #tpu.memory_space<semaphore_mem>>)
      %add3A_368 = arith.constant 6 : i32
      %add3A_369 = arith.addi %add3A_322, %add3A_368 : i32
      %lt3A_370 = arith.constant 90 : i32
      %lt3A_371 = arith.cmpi slt, %add3A_369, %lt3A_370 : i32
      %convert_element_type3A_372 = arith.extui %lt3A_371 : i1 to i32
      %cond3A_373 = arith.constant 0 : i32
      %cond3A_374 = arith.cmpi ne, %convert_element_type3A_372, %cond3A_373 : i32
      scf.if %cond3A_374 {
        %dma_wait3A_432 = arith.constant 0 : i32
        %dma_wait3A_433 = arith.constant 0 : i32
        %dma_wait3A_434 = arith.constant 0 : i32
        %dma_wait3A_435 = tpu.memref_slice %arg4[%dma_wait3A_432, %dma_wait3A_433, %dma_wait3A_434] : memref<9x40960x128xf32, #tpu.memory_space<hbm>> -> memref<1x128x128xf32, #tpu.memory_space<hbm>>
        %dma_wait3A_436 = tpu.memref_squeeze %dma_wait3A_435 : memref<1x128x128xf32, #tpu.memory_space<hbm>> -> memref<128x128xf32, #tpu.memory_space<hbm>>
        %dma_wait3A_437 = arith.constant 0 : i32
        %dma_wait3A_438 = arith.constant 0 : i32
        %dma_wait3A_439 = tpu.memref_slice %arg4[%dma_wait3A_432, %dma_wait3A_437, %dma_wait3A_438] : memref<9x40960x128xf32, #tpu.memory_space<hbm>> -> memref<1x128x128xf32, #tpu.memory_space<hbm>>
        %dma_wait3A_440 = tpu.memref_squeeze %dma_wait3A_439 : memref<1x128x128xf32, #tpu.memory_space<hbm>> -> memref<128x128xf32, #tpu.memory_space<hbm>>
        tpu.wait_dma2 semaphore(%arg22 : memref<!tpu.dma_semaphore, #tpu.memory_space<semaphore_mem>>) src(%arg10 : memref<128x128xf32, #tpu.memory_space<vmem>>) dst(%dma_wait3A_440 : memref<128x128xf32, #tpu.memory_space<hbm>>)
        %add3A_441 = arith.constant 6 : i32
        %add3A_442 = arith.addi %add3A_322, %add3A_441 : i32
        %dma_start3A_443 = arith.constant 0 : i32
        %dma_start3A_444 = tpu.memref_slice %arg5[%add3A_442, %dma_start3A_443] : memref<90x128xi32, #tpu.memory_space<vmem>> -> memref<1x128xi32, #tpu.memory_space<vmem>>
        %dma_start3A_445 = tpu.memref_squeeze %dma_start3A_444 : memref<1x128xi32, #tpu.memory_space<vmem>> -> memref<128xi32, #tpu.memory_space<vmem>>
        %dma_start3A_446 = arith.constant 0 : i32
        %dma_start3A_447 = arith.constant 0 : i32
        %dma_start3A_448 = tpu.memref_slice %arg2[%dma_start3A_446, %dma_start3A_447] : memref<40000x128xf32, #tpu.memory_space<hbm>> -> memref<40000x128xf32, #tpu.memory_space<hbm>>
        tpu.enqueue_indirect_dma source(%dma_start3A_448 : memref<40000x128xf32, #tpu.memory_space<hbm>>) target(%arg10 : memref<128x128xf32, #tpu.memory_space<vmem>>) offsets(%dma_start3A_445 : memref<128xi32, #tpu.memory_space<vmem>>) semaphore(%arg16 : memref<!tpu.dma_semaphore, #tpu.memory_space<semaphore_mem>>)
      } else {
      }
      %mul3A_375 = arith.constant 6 : i32
      %mul3A_376 = arith.muli %scan3A_105, %mul3A_375 : i32
      %add3A_377 = arith.constant 5 : i32
      %add3A_378 = arith.addi %mul3A_376, %add3A_377 : i32
      %dma_wait3A_379 = arith.constant 0 : i32
      %dma_wait3A_380 = arith.constant 0 : i32
      %dma_wait3A_381 = tpu.memref_slice %arg5[%dma_wait3A_379, %dma_wait3A_380] : memref<90x128xi32, #tpu.memory_space<vmem>> -> memref<1x128xi32, #tpu.memory_space<vmem>>
      %dma_wait3A_382 = tpu.memref_squeeze %dma_wait3A_381 : memref<1x128xi32, #tpu.memory_space<vmem>> -> memref<128xi32, #tpu.memory_space<vmem>>
      %dma_wait3A_383 = arith.constant 0 : i32
      %dma_wait3A_384 = arith.constant 0 : i32
      %dma_wait3A_385 = tpu.memref_slice %arg2[%dma_wait3A_383, %dma_wait3A_384] : memref<40000x128xf32, #tpu.memory_space<hbm>> -> memref<40000x128xf32, #tpu.memory_space<hbm>>
      tpu.wait_indirect_dma semaphore(%arg17 : memref<!tpu.dma_semaphore, #tpu.memory_space<semaphore_mem>>) src(%dma_wait3A_385 : memref<40000x128xf32, #tpu.memory_space<hbm>>) dst(%arg11 : memref<128x128xf32, #tpu.memory_space<vmem>>)
      %mul3A_386 = arith.constant 128 : i32
      %mul3A_387 = arith.muli %add3A_378, %mul3A_386 : i32
      %add3A_388 = arith.addi %mul3A_2, %mul3A_387 : i32
      %multiple_of3A_389 = tpu.assume_multiple %add3A_388, 128 : i32
      %jit3A_390 = arith.constant 40960 : i32
      %div3A_391 = arith.divsi %multiple_of3A_389, %jit3A_390 : i32
      %sign3A_392 = arith.constant 0 : i32
      %sign3A_393 = arith.cmpi sgt, %multiple_of3A_389, %sign3A_392 : i32
      %sign3A_394 = arith.extui %sign3A_393 : i1 to i32
      %sign3A_395 = arith.constant 0 : i32
      %sign3A_396 = arith.cmpi slt, %multiple_of3A_389, %sign3A_395 : i32
      %sign3A_397 = arith.extui %sign3A_396 : i1 to i32
      %sign3A_398 = arith.subi %sign3A_394, %sign3A_397 : i32
      %sign3A_399 = arith.constant 0 : i32
      %sign3A_400 = arith.cmpi sgt, %jit3A_390, %sign3A_399 : i32
      %sign3A_401 = arith.extui %sign3A_400 : i1 to i32
      %sign3A_402 = arith.constant 0 : i32
      %sign3A_403 = arith.cmpi slt, %jit3A_390, %sign3A_402 : i32
      %sign3A_404 = arith.extui %sign3A_403 : i1 to i32
      %sign3A_405 = arith.subi %sign3A_401, %sign3A_404 : i32
      %ne3A_406 = arith.cmpi ne, %sign3A_398, %sign3A_405 : i32
      %rem3A_407 = arith.remsi %multiple_of3A_389, %jit3A_390 : i32
      %ne3A_408 = arith.constant 0 : i32
      %ne3A_409 = arith.cmpi ne, %rem3A_407, %ne3A_408 : i32
      %and3A_410 = arith.andi %ne3A_406, %ne3A_409 : i1
      %sub3A_411 = arith.constant 1 : i32
      %sub3A_412 = arith.subi %div3A_391, %sub3A_411 : i32
      %select_n3A_413 = arith.select %and3A_410, %sub3A_412, %div3A_391 : i32
      %mul3A_414 = arith.constant 40960 : i32
      %mul3A_415 = arith.muli %select_n3A_413, %mul3A_414 : i32
      %sub3A_416 = arith.subi %multiple_of3A_389, %mul3A_415 : i32
      %multiple_of3A_417 = tpu.assume_multiple %sub3A_416, 128 : i32
      %dma_start3A_418 = arith.constant 0 : i32
      %dma_start3A_419 = tpu.memref_slice %arg4[%select_n3A_413, %multiple_of3A_417, %dma_start3A_418] : memref<9x40960x128xf32, #tpu.memory_space<hbm>> -> memref<1x128x128xf32, #tpu.memory_space<hbm>>
      %dma_start3A_420 = tpu.memref_squeeze %dma_start3A_419 : memref<1x128x128xf32, #tpu.memory_space<hbm>> -> memref<128x128xf32, #tpu.memory_space<hbm>>
      %dma_start3A_421 = arith.constant 0 : i32
      %dma_start3A_422 = tpu.memref_slice %arg4[%select_n3A_413, %multiple_of3A_417, %dma_start3A_421] : memref<9x40960x128xf32, #tpu.memory_space<hbm>> -> memref<1x128x128xf32, #tpu.memory_space<hbm>>
      %dma_start3A_423 = tpu.memref_squeeze %dma_start3A_422 : memref<1x128x128xf32, #tpu.memory_space<hbm>> -> memref<128x128xf32, #tpu.memory_space<hbm>>
      tpu.enqueue_dma source(%arg11 : memref<128x128xf32, #tpu.memory_space<vmem>>) target(%dma_start3A_423 : memref<128x128xf32, #tpu.memory_space<hbm>>) target_semaphore(%arg23 : memref<!tpu.dma_semaphore, #tpu.memory_space<semaphore_mem>>)
      %add3A_424 = arith.constant 6 : i32
      %add3A_425 = arith.addi %add3A_378, %add3A_424 : i32
      %lt3A_426 = arith.constant 90 : i32
      %lt3A_427 = arith.cmpi slt, %add3A_425, %lt3A_426 : i32
      %convert_element_type3A_428 = arith.extui %lt3A_427 : i1 to i32
      %cond3A_429 = arith.constant 0 : i32
      %cond3A_430 = arith.cmpi ne, %convert_element_type3A_428, %cond3A_429 : i32
      scf.if %cond3A_430 {
        %dma_wait3A_432 = arith.constant 0 : i32
        %dma_wait3A_433 = arith.constant 0 : i32
        %dma_wait3A_434 = arith.constant 0 : i32
        %dma_wait3A_435 = tpu.memref_slice %arg4[%dma_wait3A_432, %dma_wait3A_433, %dma_wait3A_434] : memref<9x40960x128xf32, #tpu.memory_space<hbm>> -> memref<1x128x128xf32, #tpu.memory_space<hbm>>
        %dma_wait3A_436 = tpu.memref_squeeze %dma_wait3A_435 : memref<1x128x128xf32, #tpu.memory_space<hbm>> -> memref<128x128xf32, #tpu.memory_space<hbm>>
        %dma_wait3A_437 = arith.constant 0 : i32
        %dma_wait3A_438 = arith.constant 0 : i32
        %dma_wait3A_439 = tpu.memref_slice %arg4[%dma_wait3A_432, %dma_wait3A_437, %dma_wait3A_438] : memref<9x40960x128xf32, #tpu.memory_space<hbm>> -> memref<1x128x128xf32, #tpu.memory_space<hbm>>
        %dma_wait3A_440 = tpu.memref_squeeze %dma_wait3A_439 : memref<1x128x128xf32, #tpu.memory_space<hbm>> -> memref<128x128xf32, #tpu.memory_space<hbm>>
        tpu.wait_dma2 semaphore(%arg23 : memref<!tpu.dma_semaphore, #tpu.memory_space<semaphore_mem>>) src(%arg11 : memref<128x128xf32, #tpu.memory_space<vmem>>) dst(%dma_wait3A_440 : memref<128x128xf32, #tpu.memory_space<hbm>>)
        %add3A_441 = arith.constant 6 : i32
        %add3A_442 = arith.addi %add3A_378, %add3A_441 : i32
        %dma_start3A_443 = arith.constant 0 : i32
        %dma_start3A_444 = tpu.memref_slice %arg5[%add3A_442, %dma_start3A_443] : memref<90x128xi32, #tpu.memory_space<vmem>> -> memref<1x128xi32, #tpu.memory_space<vmem>>
        %dma_start3A_445 = tpu.memref_squeeze %dma_start3A_444 : memref<1x128xi32, #tpu.memory_space<vmem>> -> memref<128xi32, #tpu.memory_space<vmem>>
        %dma_start3A_446 = arith.constant 0 : i32
        %dma_start3A_447 = arith.constant 0 : i32
        %dma_start3A_448 = tpu.memref_slice %arg2[%dma_start3A_446, %dma_start3A_447] : memref<40000x128xf32, #tpu.memory_space<hbm>> -> memref<40000x128xf32, #tpu.memory_space<hbm>>
        tpu.enqueue_indirect_dma source(%dma_start3A_448 : memref<40000x128xf32, #tpu.memory_space<hbm>>) target(%arg11 : memref<128x128xf32, #tpu.memory_space<vmem>>) offsets(%dma_start3A_445 : memref<128xi32, #tpu.memory_space<vmem>>) semaphore(%arg17 : memref<!tpu.dma_semaphore, #tpu.memory_space<semaphore_mem>>)
      } else {
      }
      %scan3A_431 = arith.constant 0 : i32
      scf.yield %scan3A_431 : i32
    }
    %scan3A_51 = arith.constant 15 : i32
    %dma_wait3A = arith.constant 0 : i32
    %dma_wait3A_52 = arith.constant 0 : i32
    %dma_wait3A_53 = arith.constant 0 : i32
    %dma_wait3A_54 = tpu.memref_slice %arg4[%dma_wait3A, %dma_wait3A_52, %dma_wait3A_53] : memref<9x40960x128xf32, #tpu.memory_space<hbm>> -> memref<1x128x128xf32, #tpu.memory_space<hbm>>
    %dma_wait3A_55 = tpu.memref_squeeze %dma_wait3A_54 : memref<1x128x128xf32, #tpu.memory_space<hbm>> -> memref<128x128xf32, #tpu.memory_space<hbm>>
    %dma_wait3A_56 = arith.constant 0 : i32
    %dma_wait3A_57 = arith.constant 0 : i32
    %dma_wait3A_58 = tpu.memref_slice %arg4[%dma_wait3A, %dma_wait3A_56, %dma_wait3A_57] : memref<9x40960x128xf32, #tpu.memory_space<hbm>> -> memref<1x128x128xf32, #tpu.memory_space<hbm>>
    %dma_wait3A_59 = tpu.memref_squeeze %dma_wait3A_58 : memref<1x128x128xf32, #tpu.memory_space<hbm>> -> memref<128x128xf32, #tpu.memory_space<hbm>>
    tpu.wait_dma2 semaphore(%arg18 : memref<!tpu.dma_semaphore, #tpu.memory_space<semaphore_mem>>) src(%arg6 : memref<128x128xf32, #tpu.memory_space<vmem>>) dst(%dma_wait3A_59 : memref<128x128xf32, #tpu.memory_space<hbm>>)
    %dma_wait3A_60 = arith.constant 0 : i32
    %dma_wait3A_61 = arith.constant 0 : i32
    %dma_wait3A_62 = arith.constant 0 : i32
    %dma_wait3A_63 = tpu.memref_slice %arg4[%dma_wait3A_60, %dma_wait3A_61, %dma_wait3A_62] : memref<9x40960x128xf32, #tpu.memory_space<hbm>> -> memref<1x128x128xf32, #tpu.memory_space<hbm>>
    %dma_wait3A_64 = tpu.memref_squeeze %dma_wait3A_63 : memref<1x128x128xf32, #tpu.memory_space<hbm>> -> memref<128x128xf32, #tpu.memory_space<hbm>>
    %dma_wait3A_65 = arith.constant 0 : i32
    %dma_wait3A_66 = arith.constant 0 : i32
    %dma_wait3A_67 = tpu.memref_slice %arg4[%dma_wait3A_60, %dma_wait3A_65, %dma_wait3A_66] : memref<9x40960x128xf32, #tpu.memory_space<hbm>> -> memref<1x128x128xf32, #tpu.memory_space<hbm>>
    %dma_wait3A_68 = tpu.memref_squeeze %dma_wait3A_67 : memref<1x128x128xf32, #tpu.memory_space<hbm>> -> memref<128x128xf32, #tpu.memory_space<hbm>>
    tpu.wait_dma2 semaphore(%arg19 : memref<!tpu.dma_semaphore, #tpu.memory_space<semaphore_mem>>) src(%arg7 : memref<128x128xf32, #tpu.memory_space<vmem>>) dst(%dma_wait3A_68 : memref<128x128xf32, #tpu.memory_space<hbm>>)
    %dma_wait3A_69 = arith.constant 0 : i32
    %dma_wait3A_70 = arith.constant 0 : i32
    %dma_wait3A_71 = arith.constant 0 : i32
    %dma_wait3A_72 = tpu.memref_slice %arg4[%dma_wait3A_69, %dma_wait3A_70, %dma_wait3A_71] : memref<9x40960x128xf32, #tpu.memory_space<hbm>> -> memref<1x128x128xf32, #tpu.memory_space<hbm>>
    %dma_wait3A_73 = tpu.memref_squeeze %dma_wait3A_72 : memref<1x128x128xf32, #tpu.memory_space<hbm>> -> memref<128x128xf32, #tpu.memory_space<hbm>>
    %dma_wait3A_74 = arith.constant 0 : i32
    %dma_wait3A_75 = arith.constant 0 : i32
    %dma_wait3A_76 = tpu.memref_slice %arg4[%dma_wait3A_69, %dma_wait3A_74, %dma_wait3A_75] : memref<9x40960x128xf32, #tpu.memory_space<hbm>> -> memref<1x128x128xf32, #tpu.memory_space<hbm>>
    %dma_wait3A_77 = tpu.memref_squeeze %dma_wait3A_76 : memref<1x128x128xf32, #tpu.memory_space<hbm>> -> memref<128x128xf32, #tpu.memory_space<hbm>>
    tpu.wait_dma2 semaphore(%arg20 : memref<!tpu.dma_semaphore, #tpu.memory_space<semaphore_mem>>) src(%arg8 : memref<128x128xf32, #tpu.memory_space<vmem>>) dst(%dma_wait3A_77 : memref<128x128xf32, #tpu.memory_space<hbm>>)
    %dma_wait3A_78 = arith.constant 0 : i32
    %dma_wait3A_79 = arith.constant 0 : i32
    %dma_wait3A_80 = arith.constant 0 : i32
    %dma_wait3A_81 = tpu.memref_slice %arg4[%dma_wait3A_78, %dma_wait3A_79, %dma_wait3A_80] : memref<9x40960x128xf32, #tpu.memory_space<hbm>> -> memref<1x128x128xf32, #tpu.memory_space<hbm>>
    %dma_wait3A_82 = tpu.memref_squeeze %dma_wait3A_81 : memref<1x128x128xf32, #tpu.memory_space<hbm>> -> memref<128x128xf32, #tpu.memory_space<hbm>>
    %dma_wait3A_83 = arith.constant 0 : i32
    %dma_wait3A_84 = arith.constant 0 : i32
    %dma_wait3A_85 = tpu.memref_slice %arg4[%dma_wait3A_78, %dma_wait3A_83, %dma_wait3A_84] : memref<9x40960x128xf32, #tpu.memory_space<hbm>> -> memref<1x128x128xf32, #tpu.memory_space<hbm>>
    %dma_wait3A_86 = tpu.memref_squeeze %dma_wait3A_85 : memref<1x128x128xf32, #tpu.memory_space<hbm>> -> memref<128x128xf32, #tpu.memory_space<hbm>>
    tpu.wait_dma2 semaphore(%arg21 : memref<!tpu.dma_semaphore, #tpu.memory_space<semaphore_mem>>) src(%arg9 : memref<128x128xf32, #tpu.memory_space<vmem>>) dst(%dma_wait3A_86 : memref<128x128xf32, #tpu.memory_space<hbm>>)
    %dma_wait3A_87 = arith.constant 0 : i32
    %dma_wait3A_88 = arith.constant 0 : i32
    %dma_wait3A_89 = arith.constant 0 : i32
    %dma_wait3A_90 = tpu.memref_slice %arg4[%dma_wait3A_87, %dma_wait3A_88, %dma_wait3A_89] : memref<9x40960x128xf32, #tpu.memory_space<hbm>> -> memref<1x128x128xf32, #tpu.memory_space<hbm>>
    %dma_wait3A_91 = tpu.memref_squeeze %dma_wait3A_90 : memref<1x128x128xf32, #tpu.memory_space<hbm>> -> memref<128x128xf32, #tpu.memory_space<hbm>>
    %dma_wait3A_92 = arith.constant 0 : i32
    %dma_wait3A_93 = arith.constant 0 : i32
    %dma_wait3A_94 = tpu.memref_slice %arg4[%dma_wait3A_87, %dma_wait3A_92, %dma_wait3A_93] : memref<9x40960x128xf32, #tpu.memory_space<hbm>> -> memref<1x128x128xf32, #tpu.memory_space<hbm>>
    %dma_wait3A_95 = tpu.memref_squeeze %dma_wait3A_94 : memref<1x128x128xf32, #tpu.memory_space<hbm>> -> memref<128x128xf32, #tpu.memory_space<hbm>>
    tpu.wait_dma2 semaphore(%arg22 : memref<!tpu.dma_semaphore, #tpu.memory_space<semaphore_mem>>) src(%arg10 : memref<128x128xf32, #tpu.memory_space<vmem>>) dst(%dma_wait3A_95 : memref<128x128xf32, #tpu.memory_space<hbm>>)
    %dma_wait3A_96 = arith.constant 0 : i32
    %dma_wait3A_97 = arith.constant 0 : i32
    %dma_wait3A_98 = arith.constant 0 : i32
    %dma_wait3A_99 = tpu.memref_slice %arg4[%dma_wait3A_96, %dma_wait3A_97, %dma_wait3A_98] : memref<9x40960x128xf32, #tpu.memory_space<hbm>> -> memref<1x128x128xf32, #tpu.memory_space<hbm>>
    %dma_wait3A_100 = tpu.memref_squeeze %dma_wait3A_99 : memref<1x128x128xf32, #tpu.memory_space<hbm>> -> memref<128x128xf32, #tpu.memory_space<hbm>>
    %dma_wait3A_101 = arith.constant 0 : i32
    %dma_wait3A_102 = arith.constant 0 : i32
    %dma_wait3A_103 = tpu.memref_slice %arg4[%dma_wait3A_96, %dma_wait3A_101, %dma_wait3A_102] : memref<9x40960x128xf32, #tpu.memory_space<hbm>> -> memref<1x128x128xf32, #tpu.memory_space<hbm>>
    %dma_wait3A_104 = tpu.memref_squeeze %dma_wait3A_103 : memref<1x128x128xf32, #tpu.memory_space<hbm>> -> memref<128x128xf32, #tpu.memory_space<hbm>>
    tpu.wait_dma2 semaphore(%arg23 : memref<!tpu.dma_semaphore, #tpu.memory_space<semaphore_mem>>) src(%arg11 : memref<128x128xf32, #tpu.memory_space<vmem>>) dst(%dma_wait3A_104 : memref<128x128xf32, #tpu.memory_space<hbm>>)
    return
  }
}

module attributes {stable_mosaic.version = 14 : i64} {
  func.func @_first_body(%arg0: i32, %arg1: memref<9x40x128xf32, #tpu.memory_space<vmem>>, %arg2: memref<9x128x512xf32, #tpu.memory_space<vmem>>, %arg3: memref<1x64xf32, #tpu.memory_space<vmem>>, %arg4: memref<320x64xf32, #tpu.memory_space<vmem>>, %arg5: memref<2x64xf32, #tpu.memory_space<vmem>>) attributes {dimension_semantics = [#tpu.dimension_semantics<arbitrary>], iteration_bounds = array<i64: 125>, scalar_prefetch = 0 : i64, scratch_operands = 0 : i64, tpu.core_type = #tpu.core_type<tc>, window_params = [{transform_indices = @transform_0, window_bounds = array<i64: 9, 40, 128>}, {pipeline_mode = #tpu.pipeline_mode<synchronous>, transform_indices = @transform_1, window_bounds = array<i64: 9, 128, 512>}, {pipeline_mode = #tpu.pipeline_mode<synchronous>, transform_indices = @transform_2, window_bounds = array<i64: 1, 64>}, {transform_indices = @transform_3, window_bounds = array<i64: 320, 64>}, {pipeline_mode = #tpu.pipeline_mode<synchronous>, transform_indices = @transform_4, window_bounds = array<i64: 2, 64>}]} {
    %broadcast_in_dim3A = arith.constant 0.000000e+00 : f32
    %broadcast_in_dim3A_0 = vector.broadcast %broadcast_in_dim3A : f32 to vector<40x512xf32>
    %get3A = arith.constant 0 : index
    %get3A_1 = arith.constant 0 : index
    %get3A_2 = arith.constant 0 : index
    %get3A_3 = vector.load %arg1[%get3A, %get3A_1, %get3A_2] : memref<9x40x128xf32, #tpu.memory_space<vmem>>, vector<1x40x128xf32>
    %get3A_4 = vector.shape_cast %get3A_3 : vector<1x40x128xf32> to vector<40x128xf32>
    %get3A_5 = arith.constant 0 : index
    %get3A_6 = arith.constant 0 : index
    %get3A_7 = arith.constant 0 : index
    %get3A_8 = vector.load %arg2[%get3A_5, %get3A_6, %get3A_7] : memref<9x128x512xf32, #tpu.memory_space<vmem>>, vector<1x128x512xf32>
    %get3A_9 = vector.shape_cast %get3A_8 : vector<1x128x512xf32> to vector<128x512xf32>
    %dot_general3A = arith.constant dense<0.000000e+00> : vector<40x512xf32>
    %dot_general3A_10 = tpu.matmul %get3A_4, %get3A_9, %dot_general3A {dimension_numbers = #tpu.dot_dimension_numbers<[1], [0], [0], [1], [0, 0, 1, 1], [], []>, transpose_lhs_hint = false} : vector<40x128xf32>, vector<128x512xf32>, vector<40x512xf32> -> vector<40x512xf32>
    %add3A = arith.addf %broadcast_in_dim3A_0, %dot_general3A_10 : vector<40x512xf32>
    %get3A_11 = arith.constant 1 : index
    %get3A_12 = arith.constant 0 : index
    %get3A_13 = arith.constant 0 : index
    %get3A_14 = vector.load %arg1[%get3A_11, %get3A_12, %get3A_13] : memref<9x40x128xf32, #tpu.memory_space<vmem>>, vector<1x40x128xf32>
    %get3A_15 = vector.shape_cast %get3A_14 : vector<1x40x128xf32> to vector<40x128xf32>
    %get3A_16 = arith.constant 1 : index
    %get3A_17 = arith.constant 0 : index
    %get3A_18 = arith.constant 0 : index
    %get3A_19 = vector.load %arg2[%get3A_16, %get3A_17, %get3A_18] : memref<9x128x512xf32, #tpu.memory_space<vmem>>, vector<1x128x512xf32>
    %get3A_20 = vector.shape_cast %get3A_19 : vector<1x128x512xf32> to vector<128x512xf32>
    %dot_general3A_21 = arith.constant dense<0.000000e+00> : vector<40x512xf32>
    %dot_general3A_22 = tpu.matmul %get3A_15, %get3A_20, %dot_general3A_21 {dimension_numbers = #tpu.dot_dimension_numbers<[1], [0], [0], [1], [0, 0, 1, 1], [], []>, transpose_lhs_hint = false} : vector<40x128xf32>, vector<128x512xf32>, vector<40x512xf32> -> vector<40x512xf32>
    %add3A_23 = arith.addf %add3A, %dot_general3A_22 : vector<40x512xf32>
    %get3A_24 = arith.constant 2 : index
    %get3A_25 = arith.constant 0 : index
    %get3A_26 = arith.constant 0 : index
    %get3A_27 = vector.load %arg1[%get3A_24, %get3A_25, %get3A_26] : memref<9x40x128xf32, #tpu.memory_space<vmem>>, vector<1x40x128xf32>
    %get3A_28 = vector.shape_cast %get3A_27 : vector<1x40x128xf32> to vector<40x128xf32>
    %get3A_29 = arith.constant 2 : index
    %get3A_30 = arith.constant 0 : index
    %get3A_31 = arith.constant 0 : index
    %get3A_32 = vector.load %arg2[%get3A_29, %get3A_30, %get3A_31] : memref<9x128x512xf32, #tpu.memory_space<vmem>>, vector<1x128x512xf32>
    %get3A_33 = vector.shape_cast %get3A_32 : vector<1x128x512xf32> to vector<128x512xf32>
    %dot_general3A_34 = arith.constant dense<0.000000e+00> : vector<40x512xf32>
    %dot_general3A_35 = tpu.matmul %get3A_28, %get3A_33, %dot_general3A_34 {dimension_numbers = #tpu.dot_dimension_numbers<[1], [0], [0], [1], [0, 0, 1, 1], [], []>, transpose_lhs_hint = false} : vector<40x128xf32>, vector<128x512xf32>, vector<40x512xf32> -> vector<40x512xf32>
    %add3A_36 = arith.addf %add3A_23, %dot_general3A_35 : vector<40x512xf32>
    %get3A_37 = arith.constant 3 : index
    %get3A_38 = arith.constant 0 : index
    %get3A_39 = arith.constant 0 : index
    %get3A_40 = vector.load %arg1[%get3A_37, %get3A_38, %get3A_39] : memref<9x40x128xf32, #tpu.memory_space<vmem>>, vector<1x40x128xf32>
    %get3A_41 = vector.shape_cast %get3A_40 : vector<1x40x128xf32> to vector<40x128xf32>
    %get3A_42 = arith.constant 3 : index
    %get3A_43 = arith.constant 0 : index
    %get3A_44 = arith.constant 0 : index
    %get3A_45 = vector.load %arg2[%get3A_42, %get3A_43, %get3A_44] : memref<9x128x512xf32, #tpu.memory_space<vmem>>, vector<1x128x512xf32>
    %get3A_46 = vector.shape_cast %get3A_45 : vector<1x128x512xf32> to vector<128x512xf32>
    %dot_general3A_47 = arith.constant dense<0.000000e+00> : vector<40x512xf32>
    %dot_general3A_48 = tpu.matmul %get3A_41, %get3A_46, %dot_general3A_47 {dimension_numbers = #tpu.dot_dimension_numbers<[1], [0], [0], [1], [0, 0, 1, 1], [], []>, transpose_lhs_hint = false} : vector<40x128xf32>, vector<128x512xf32>, vector<40x512xf32> -> vector<40x512xf32>
    %add3A_49 = arith.addf %add3A_36, %dot_general3A_48 : vector<40x512xf32>
    %get3A_50 = arith.constant 4 : index
    %get3A_51 = arith.constant 0 : index
    %get3A_52 = arith.constant 0 : index
    %get3A_53 = vector.load %arg1[%get3A_50, %get3A_51, %get3A_52] : memref<9x40x128xf32, #tpu.memory_space<vmem>>, vector<1x40x128xf32>
    %get3A_54 = vector.shape_cast %get3A_53 : vector<1x40x128xf32> to vector<40x128xf32>
    %get3A_55 = arith.constant 4 : index
    %get3A_56 = arith.constant 0 : index
    %get3A_57 = arith.constant 0 : index
    %get3A_58 = vector.load %arg2[%get3A_55, %get3A_56, %get3A_57] : memref<9x128x512xf32, #tpu.memory_space<vmem>>, vector<1x128x512xf32>
    %get3A_59 = vector.shape_cast %get3A_58 : vector<1x128x512xf32> to vector<128x512xf32>
    %dot_general3A_60 = arith.constant dense<0.000000e+00> : vector<40x512xf32>
    %dot_general3A_61 = tpu.matmul %get3A_54, %get3A_59, %dot_general3A_60 {dimension_numbers = #tpu.dot_dimension_numbers<[1], [0], [0], [1], [0, 0, 1, 1], [], []>, transpose_lhs_hint = false} : vector<40x128xf32>, vector<128x512xf32>, vector<40x512xf32> -> vector<40x512xf32>
    %add3A_62 = arith.addf %add3A_49, %dot_general3A_61 : vector<40x512xf32>
    %get3A_63 = arith.constant 5 : index
    %get3A_64 = arith.constant 0 : index
    %get3A_65 = arith.constant 0 : index
    %get3A_66 = vector.load %arg1[%get3A_63, %get3A_64, %get3A_65] : memref<9x40x128xf32, #tpu.memory_space<vmem>>, vector<1x40x128xf32>
    %get3A_67 = vector.shape_cast %get3A_66 : vector<1x40x128xf32> to vector<40x128xf32>
    %get3A_68 = arith.constant 5 : index
    %get3A_69 = arith.constant 0 : index
    %get3A_70 = arith.constant 0 : index
    %get3A_71 = vector.load %arg2[%get3A_68, %get3A_69, %get3A_70] : memref<9x128x512xf32, #tpu.memory_space<vmem>>, vector<1x128x512xf32>
    %get3A_72 = vector.shape_cast %get3A_71 : vector<1x128x512xf32> to vector<128x512xf32>
    %dot_general3A_73 = arith.constant dense<0.000000e+00> : vector<40x512xf32>
    %dot_general3A_74 = tpu.matmul %get3A_67, %get3A_72, %dot_general3A_73 {dimension_numbers = #tpu.dot_dimension_numbers<[1], [0], [0], [1], [0, 0, 1, 1], [], []>, transpose_lhs_hint = false} : vector<40x128xf32>, vector<128x512xf32>, vector<40x512xf32> -> vector<40x512xf32>
    %add3A_75 = arith.addf %add3A_62, %dot_general3A_74 : vector<40x512xf32>
    %get3A_76 = arith.constant 6 : index
    %get3A_77 = arith.constant 0 : index
    %get3A_78 = arith.constant 0 : index
    %get3A_79 = vector.load %arg1[%get3A_76, %get3A_77, %get3A_78] : memref<9x40x128xf32, #tpu.memory_space<vmem>>, vector<1x40x128xf32>
    %get3A_80 = vector.shape_cast %get3A_79 : vector<1x40x128xf32> to vector<40x128xf32>
    %get3A_81 = arith.constant 6 : index
    %get3A_82 = arith.constant 0 : index
    %get3A_83 = arith.constant 0 : index
    %get3A_84 = vector.load %arg2[%get3A_81, %get3A_82, %get3A_83] : memref<9x128x512xf32, #tpu.memory_space<vmem>>, vector<1x128x512xf32>
    %get3A_85 = vector.shape_cast %get3A_84 : vector<1x128x512xf32> to vector<128x512xf32>
    %dot_general3A_86 = arith.constant dense<0.000000e+00> : vector<40x512xf32>
    %dot_general3A_87 = tpu.matmul %get3A_80, %get3A_85, %dot_general3A_86 {dimension_numbers = #tpu.dot_dimension_numbers<[1], [0], [0], [1], [0, 0, 1, 1], [], []>, transpose_lhs_hint = false} : vector<40x128xf32>, vector<128x512xf32>, vector<40x512xf32> -> vector<40x512xf32>
    %add3A_88 = arith.addf %add3A_75, %dot_general3A_87 : vector<40x512xf32>
    %get3A_89 = arith.constant 7 : index
    %get3A_90 = arith.constant 0 : index
    %get3A_91 = arith.constant 0 : index
    %get3A_92 = vector.load %arg1[%get3A_89, %get3A_90, %get3A_91] : memref<9x40x128xf32, #tpu.memory_space<vmem>>, vector<1x40x128xf32>
    %get3A_93 = vector.shape_cast %get3A_92 : vector<1x40x128xf32> to vector<40x128xf32>
    %get3A_94 = arith.constant 7 : index
    %get3A_95 = arith.constant 0 : index
    %get3A_96 = arith.constant 0 : index
    %get3A_97 = vector.load %arg2[%get3A_94, %get3A_95, %get3A_96] : memref<9x128x512xf32, #tpu.memory_space<vmem>>, vector<1x128x512xf32>
    %get3A_98 = vector.shape_cast %get3A_97 : vector<1x128x512xf32> to vector<128x512xf32>
    %dot_general3A_99 = arith.constant dense<0.000000e+00> : vector<40x512xf32>
    %dot_general3A_100 = tpu.matmul %get3A_93, %get3A_98, %dot_general3A_99 {dimension_numbers = #tpu.dot_dimension_numbers<[1], [0], [0], [1], [0, 0, 1, 1], [], []>, transpose_lhs_hint = false} : vector<40x128xf32>, vector<128x512xf32>, vector<40x512xf32> -> vector<40x512xf32>
    %add3A_101 = arith.addf %add3A_88, %dot_general3A_100 : vector<40x512xf32>
    %get3A_102 = arith.constant 8 : index
    %get3A_103 = arith.constant 0 : index
    %get3A_104 = arith.constant 0 : index
    %get3A_105 = vector.load %arg1[%get3A_102, %get3A_103, %get3A_104] : memref<9x40x128xf32, #tpu.memory_space<vmem>>, vector<1x40x128xf32>
    %get3A_106 = vector.shape_cast %get3A_105 : vector<1x40x128xf32> to vector<40x128xf32>
    %get3A_107 = arith.constant 8 : index
    %get3A_108 = arith.constant 0 : index
    %get3A_109 = arith.constant 0 : index
    %get3A_110 = vector.load %arg2[%get3A_107, %get3A_108, %get3A_109] : memref<9x128x512xf32, #tpu.memory_space<vmem>>, vector<1x128x512xf32>
    %get3A_111 = vector.shape_cast %get3A_110 : vector<1x128x512xf32> to vector<128x512xf32>
    %dot_general3A_112 = arith.constant dense<0.000000e+00> : vector<40x512xf32>
    %dot_general3A_113 = tpu.matmul %get3A_106, %get3A_111, %dot_general3A_112 {dimension_numbers = #tpu.dot_dimension_numbers<[1], [0], [0], [1], [0, 0, 1, 1], [], []>, transpose_lhs_hint = false} : vector<40x128xf32>, vector<128x512xf32>, vector<40x512xf32> -> vector<40x512xf32>
    %add3A_114 = arith.addf %add3A_101, %dot_general3A_113 : vector<40x512xf32>
    %slice3A = vector.extract_strided_slice %add3A_114 {offsets = [0, 0], sizes = [40, 64], strides = [1, 1]} : vector<40x512xf32> to vector<40x64xf32>
    %slice3A_115 = vector.extract_strided_slice %add3A_114 {offsets = [0, 64], sizes = [40, 64], strides = [1, 1]} : vector<40x512xf32> to vector<40x64xf32>
    %slice3A_116 = vector.extract_strided_slice %add3A_114 {offsets = [0, 128], sizes = [40, 64], strides = [1, 1]} : vector<40x512xf32> to vector<40x64xf32>
    %slice3A_117 = vector.extract_strided_slice %add3A_114 {offsets = [0, 192], sizes = [40, 64], strides = [1, 1]} : vector<40x512xf32> to vector<40x64xf32>
    %slice3A_118 = vector.extract_strided_slice %add3A_114 {offsets = [0, 256], sizes = [40, 64], strides = [1, 1]} : vector<40x512xf32> to vector<40x64xf32>
    %slice3A_119 = vector.extract_strided_slice %add3A_114 {offsets = [0, 320], sizes = [40, 64], strides = [1, 1]} : vector<40x512xf32> to vector<40x64xf32>
    %slice3A_120 = vector.extract_strided_slice %add3A_114 {offsets = [0, 384], sizes = [40, 64], strides = [1, 1]} : vector<40x512xf32> to vector<40x64xf32>
    %slice3A_121 = vector.extract_strided_slice %add3A_114 {offsets = [0, 448], sizes = [40, 64], strides = [1, 1]} : vector<40x512xf32> to vector<40x64xf32>
    %concatenate3A = tpu.concatenate %slice3A, %slice3A_115, %slice3A_116, %slice3A_117, %slice3A_118, %slice3A_119, %slice3A_120, %slice3A_121 in 0 : vector<40x64xf32>, vector<40x64xf32>, vector<40x64xf32>, vector<40x64xf32>, vector<40x64xf32>, vector<40x64xf32>, vector<40x64xf32>, vector<40x64xf32> -> vector<320x64xf32>
    %get3A_122 = arith.constant 0 : index
    %get3A_123 = arith.constant 0 : index
    %get3A_124 = vector.load %arg3[%get3A_122, %get3A_123] : memref<1x64xf32, #tpu.memory_space<vmem>>, vector<1x64xf32>
    %add3A_125 = vector.broadcast %get3A_124 : vector<1x64xf32> to vector<320x64xf32>
    %add3A_126 = arith.addf %concatenate3A, %add3A_125 : vector<320x64xf32>
    %swap3A = arith.constant 0 : index
    %swap3A_127 = arith.constant 0 : index
    %swap3A_128 = vector.load %arg4[%swap3A, %swap3A_127] : memref<320x64xf32, #tpu.memory_space<vmem>>, vector<320x64xf32>
    tpu.vector_store %arg4[%swap3A, %swap3A_127], %add3A_126 {strides = array<i32>} : memref<320x64xf32, #tpu.memory_space<vmem>>, vector<320x64xf32>,
    %eq3A = arith.constant 0 : i32
    %eq3A_129 = arith.cmpi eq, %arg0, %eq3A : i32
    %convert_element_type3A = arith.extui %eq3A_129 : i1 to i32
    %cond3A = arith.constant 0 : i32
    %cond3A_130 = arith.cmpi ne, %convert_element_type3A, %cond3A : i32
    scf.if %cond3A_130 {
      %broadcast_in_dim3A_150 = arith.constant 0.000000e+00 : f32
      %broadcast_in_dim3A_151 = vector.broadcast %broadcast_in_dim3A_150 : f32 to vector<2x64xf32>
      %swap3A_152 = arith.constant 0 : index
      %swap3A_153 = arith.constant 0 : index
      %swap3A_154 = vector.load %arg5[%swap3A_152, %swap3A_153] : memref<2x64xf32, #tpu.memory_space<vmem>>, vector<2x64xf32>
      tpu.vector_store %arg5[%swap3A_152, %swap3A_153], %broadcast_in_dim3A_151 {strides = array<i32>} : memref<2x64xf32, #tpu.memory_space<vmem>>, vector<2x64xf32>,
    } else {
    }
    %get3A_131 = arith.constant 0 : index
    %get3A_132 = arith.constant 0 : index
    %get3A_133 = vector.load %arg5[%get3A_131, %get3A_132] : memref<2x64xf32, #tpu.memory_space<vmem>>, vector<1x64xf32>
    %reduce_sum3A = arith.constant dense<0.000000e+00> : vector<64xf32>
    %reduce_sum3A_134 = vector.multi_reduction <add>, %add3A_126, %reduce_sum3A [0] : vector<320x64xf32> to vector<64xf32>
    %broadcast_in_dim3A_135 = vector.shape_cast %reduce_sum3A_134 : vector<64xf32> to vector<1x64xf32>
    %add3A_136 = arith.addf %get3A_133, %broadcast_in_dim3A_135 : vector<1x64xf32>
    %swap3A_137 = arith.constant 0 : index
    %swap3A_138 = arith.constant 0 : index
    %swap3A_139 = vector.load %arg5[%swap3A_137, %swap3A_138] : memref<2x64xf32, #tpu.memory_space<vmem>>, vector<1x64xf32>
    tpu.vector_store %arg5[%swap3A_137, %swap3A_138], %add3A_136 {strides = array<i32>} : memref<2x64xf32, #tpu.memory_space<vmem>>, vector<1x64xf32>,
    %get3A_140 = arith.constant 1 : index
    %get3A_141 = arith.constant 0 : index
    %get3A_142 = vector.load %arg5[%get3A_140, %get3A_141] : memref<2x64xf32, #tpu.memory_space<vmem>>, vector<1x64xf32>
    %mul3A = arith.mulf %add3A_126, %add3A_126 : vector<320x64xf32>
    %reduce_sum3A_143 = arith.constant dense<0.000000e+00> : vector<64xf32>
    %reduce_sum3A_144 = vector.multi_reduction <add>, %mul3A, %reduce_sum3A_143 [0] : vector<320x64xf32> to vector<64xf32>
    %broadcast_in_dim3A_145 = vector.shape_cast %reduce_sum3A_144 : vector<64xf32> to vector<1x64xf32>
    %add3A_146 = arith.addf %get3A_142, %broadcast_in_dim3A_145 : vector<1x64xf32>
    %swap3A_147 = arith.constant 1 : index
    %swap3A_148 = arith.constant 0 : index
    %swap3A_149 = vector.load %arg5[%swap3A_147, %swap3A_148] : memref<2x64xf32, #tpu.memory_space<vmem>>, vector<1x64xf32>
    tpu.vector_store %arg5[%swap3A_147, %swap3A_148], %add3A_146 {strides = array<i32>} : memref<2x64xf32, #tpu.memory_space<vmem>>, vector<1x64xf32>,
    return
  }
  func.func @transform_0(%arg0: i32) -> (i32, i32, i32) {
    %c0_i32 = arith.constant 0 : i32
    %c0_i32_0 = arith.constant 0 : i32
    %c0_i32_1 = arith.constant 0 : i32
    return %c0_i32, %arg0, %c0_i32_0 : i32, i32, i32
  }
  func.func @transform_1(%arg0: i32) -> (i32, i32, i32) {
    %c0_i32 = arith.constant 0 : i32
    %c0_i32_0 = arith.constant 0 : i32
    %c0_i32_1 = arith.constant 0 : i32
    %c0_i32_2 = arith.constant 0 : i32
    return %c0_i32, %c0_i32_0, %c0_i32_1 : i32, i32, i32
  }
  func.func @transform_2(%arg0: i32) -> (i32, i32) {
    %c0_i32 = arith.constant 0 : i32
    %c0_i32_0 = arith.constant 0 : i32
    %c0_i32_1 = arith.constant 0 : i32
    return %c0_i32, %c0_i32_0 : i32, i32
  }
  func.func @transform_3(%arg0: i32) -> (i32, i32) {
    %c0_i32 = arith.constant 0 : i32
    %c0_i32_0 = arith.constant 0 : i32
    return %arg0, %c0_i32 : i32, i32
  }
  func.func @transform_4(%arg0: i32) -> (i32, i32) {
    %c0_i32 = arith.constant 0 : i32
    %c0_i32_0 = arith.constant 0 : i32
    %c0_i32_1 = arith.constant 0 : i32
    return %c0_i32, %c0_i32_0 : i32, i32
  }
}

module attributes {stable_mosaic.version = 14 : i64} {
  func.func @_mid_body(%arg0: i32, %arg1: memref<9x160x128xf32, #tpu.memory_space<vmem>>, %arg2: memref<9x64x128xbf16, #tpu.memory_space<vmem>>, %arg3: memref<1x128xf32, #tpu.memory_space<vmem>>, %arg4: memref<2x64xf32, #tpu.memory_space<vmem>>, %arg5: memref<1x64xf32, #tpu.memory_space<vmem>>, %arg6: memref<1x64xf32, #tpu.memory_space<vmem>>, %arg7: memref<320x128xf32, #tpu.memory_space<vmem>>, %arg8: memref<2x128xf32, #tpu.memory_space<vmem>>) attributes {dimension_semantics = [#tpu.dimension_semantics<arbitrary>], iteration_bounds = array<i64: 125>, scalar_prefetch = 0 : i64, scratch_operands = 0 : i64, tpu.core_type = #tpu.core_type<tc>, window_params = [{transform_indices = @transform_0, window_bounds = array<i64: 9, 160, 128>}, {pipeline_mode = #tpu.pipeline_mode<synchronous>, transform_indices = @transform_1, window_bounds = array<i64: 9, 64, 128>}, {pipeline_mode = #tpu.pipeline_mode<synchronous>, transform_indices = @transform_2, window_bounds = array<i64: 1, 128>}, {pipeline_mode = #tpu.pipeline_mode<synchronous>, transform_indices = @transform_3, window_bounds = array<i64: 2, 64>}, {pipeline_mode = #tpu.pipeline_mode<synchronous>, transform_indices = @transform_4, window_bounds = array<i64: 1, 64>}, {pipeline_mode = #tpu.pipeline_mode<synchronous>, transform_indices = @transform_5, window_bounds = array<i64: 1, 64>}, {transform_indices = @transform_6, window_bounds = array<i64: 320, 128>}, {pipeline_mode = #tpu.pipeline_mode<synchronous>, transform_indices = @transform_7, window_bounds = array<i64: 2, 128>}]} {
    %get3A = arith.constant 0 : index
    %get3A_0 = arith.constant 0 : index
    %get3A_1 = vector.load %arg4[%get3A, %get3A_0] : memref<2x64xf32, #tpu.memory_space<vmem>>, vector<1x64xf32>
    %mul3A = arith.constant 2.500000e-05 : f32
    %mul3A_2 = vector.broadcast %mul3A : f32 to vector<1x64xf32>
    %mul3A_3 = arith.mulf %get3A_1, %mul3A_2 : vector<1x64xf32>
    %get3A_4 = arith.constant 1 : index
    %get3A_5 = arith.constant 0 : index
    %get3A_6 = vector.load %arg4[%get3A_4, %get3A_5] : memref<2x64xf32, #tpu.memory_space<vmem>>, vector<1x64xf32>
    %mul3A_7 = arith.constant 2.500000e-05 : f32
    %mul3A_8 = vector.broadcast %mul3A_7 : f32 to vector<1x64xf32>
    %mul3A_9 = arith.mulf %get3A_6, %mul3A_8 : vector<1x64xf32>
    %mul3A_10 = arith.mulf %mul3A_3, %mul3A_3 : vector<1x64xf32>
    %sub3A = arith.subf %mul3A_9, %mul3A_10 : vector<1x64xf32>
    %get3A_11 = arith.constant 0 : index
    %get3A_12 = arith.constant 0 : index
    %get3A_13 = vector.load %arg5[%get3A_11, %get3A_12] : memref<1x64xf32, #tpu.memory_space<vmem>>, vector<1x64xf32>
    %add3A = arith.constant 9.99999974E-6 : f32
    %add3A_14 = vector.broadcast %add3A : f32 to vector<1x64xf32>
    %add3A_15 = arith.addf %sub3A, %add3A_14 : vector<1x64xf32>
    %rsqrt3A = math.rsqrt %add3A_15 : vector<1x64xf32>
    %mul3A_16 = arith.mulf %get3A_13, %rsqrt3A : vector<1x64xf32>
    %get3A_17 = arith.constant 0 : index
    %get3A_18 = arith.constant 0 : index
    %get3A_19 = vector.load %arg6[%get3A_17, %get3A_18] : memref<1x64xf32, #tpu.memory_space<vmem>>, vector<1x64xf32>
    %mul3A_20 = arith.mulf %mul3A_3, %mul3A_16 : vector<1x64xf32>
    %sub3A_21 = arith.subf %get3A_19, %mul3A_20 : vector<1x64xf32>
    %concatenate3A = tpu.concatenate %mul3A_16, %mul3A_16 in 1 : vector<1x64xf32>, vector<1x64xf32> -> vector<1x128xf32>
    %concatenate3A_22 = tpu.concatenate %sub3A_21, %sub3A_21 in 1 : vector<1x64xf32>, vector<1x64xf32> -> vector<1x128xf32>
    %broadcast_in_dim3A = arith.constant 0.000000e+00 : f32
    %broadcast_in_dim3A_23 = vector.broadcast %broadcast_in_dim3A : f32 to vector<160x128xf32>
    %broadcast_in_dim3A_24 = arith.constant 0.000000e+00 : f32
    %broadcast_in_dim3A_25 = vector.broadcast %broadcast_in_dim3A_24 : f32 to vector<160x128xf32>
    %get3A_26 = arith.constant 0 : index
    %get3A_27 = arith.constant 0 : index
    %get3A_28 = arith.constant 0 : index
    %get3A_29 = vector.load %arg1[%get3A_26, %get3A_27, %get3A_28] : memref<9x160x128xf32, #tpu.memory_space<vmem>>, vector<1x160x128xf32>
    %get3A_30 = vector.shape_cast %get3A_29 : vector<1x160x128xf32> to vector<160x128xf32>
    %mul3A_31 = vector.broadcast %concatenate3A : vector<1x128xf32> to vector<160x128xf32>
    %mul3A_32 = arith.mulf %get3A_30, %mul3A_31 : vector<160x128xf32>
    %add3A_33 = vector.broadcast %concatenate3A_22 : vector<1x128xf32> to vector<160x128xf32>
    %add3A_34 = arith.addf %mul3A_32, %add3A_33 : vector<160x128xf32>
    %max3A = arith.constant 0.000000e+00 : f32
    %max3A_35 = vector.broadcast %max3A : f32 to vector<160x128xf32>
    %max3A_36 = arith.maximumf %add3A_34, %max3A_35 : vector<160x128xf32>
    %convert_element_type3A = arith.truncf %max3A_36 : vector<160x128xf32> to vector<160x128xbf16>
    %slice3A = vector.extract_strided_slice %convert_element_type3A {offsets = [0, 0], sizes = [160, 64], strides = [1, 1]} : vector<160x128xbf16> to vector<160x64xbf16>
    %get3A_37 = arith.constant 0 : index
    %get3A_38 = arith.constant 0 : index
    %get3A_39 = arith.constant 0 : index
    %get3A_40 = vector.load %arg2[%get3A_37, %get3A_38, %get3A_39] : memref<9x64x128xbf16, #tpu.memory_space<vmem>>, vector<1x64x128xbf16>
    %get3A_41 = vector.shape_cast %get3A_40 : vector<1x64x128xbf16> to vector<64x128xbf16>
    %dot_general3A = arith.constant dense<0.000000e+00> : vector<160x128xf32>
    %dot_general3A_42 = tpu.matmul %slice3A, %get3A_41, %dot_general3A {dimension_numbers = #tpu.dot_dimension_numbers<[1], [0], [0], [1], [0, 0, 1, 1], [], []>, transpose_lhs_hint = false} : vector<160x64xbf16>, vector<64x128xbf16>, vector<160x128xf32> -> vector<160x128xf32>
    %add3A_43 = arith.addf %broadcast_in_dim3A_23, %dot_general3A_42 : vector<160x128xf32>
    %slice3A_44 = vector.extract_strided_slice %convert_element_type3A {offsets = [0, 64], sizes = [160, 64], strides = [1, 1]} : vector<160x128xbf16> to vector<160x64xbf16>
    %get3A_45 = arith.constant 0 : index
    %get3A_46 = arith.constant 0 : index
    %get3A_47 = arith.constant 0 : index
    %get3A_48 = vector.load %arg2[%get3A_45, %get3A_46, %get3A_47] : memref<9x64x128xbf16, #tpu.memory_space<vmem>>, vector<1x64x128xbf16>
    %get3A_49 = vector.shape_cast %get3A_48 : vector<1x64x128xbf16> to vector<64x128xbf16>
    %dot_general3A_50 = arith.constant dense<0.000000e+00> : vector<160x128xf32>
    %dot_general3A_51 = tpu.matmul %slice3A_44, %get3A_49, %dot_general3A_50 {dimension_numbers = #tpu.dot_dimension_numbers<[1], [0], [0], [1], [0, 0, 1, 1], [], []>, transpose_lhs_hint = false} : vector<160x64xbf16>, vector<64x128xbf16>, vector<160x128xf32> -> vector<160x128xf32>
    %add3A_52 = arith.addf %broadcast_in_dim3A_25, %dot_general3A_51 : vector<160x128xf32>
    %get3A_53 = arith.constant 1 : index
    %get3A_54 = arith.constant 0 : index
    %get3A_55 = arith.constant 0 : index
    %get3A_56 = vector.load %arg1[%get3A_53, %get3A_54, %get3A_55] : memref<9x160x128xf32, #tpu.memory_space<vmem>>, vector<1x160x128xf32>
    %get3A_57 = vector.shape_cast %get3A_56 : vector<1x160x128xf32> to vector<160x128xf32>
    %mul3A_58 = vector.broadcast %concatenate3A : vector<1x128xf32> to vector<160x128xf32>
    %mul3A_59 = arith.mulf %get3A_57, %mul3A_58 : vector<160x128xf32>
    %add3A_60 = vector.broadcast %concatenate3A_22 : vector<1x128xf32> to vector<160x128xf32>
    %add3A_61 = arith.addf %mul3A_59, %add3A_60 : vector<160x128xf32>
    %max3A_62 = arith.constant 0.000000e+00 : f32
    %max3A_63 = vector.broadcast %max3A_62 : f32 to vector<160x128xf32>
    %max3A_64 = arith.maximumf %add3A_61, %max3A_63 : vector<160x128xf32>
    %convert_element_type3A_65 = arith.truncf %max3A_64 : vector<160x128xf32> to vector<160x128xbf16>
    %slice3A_66 = vector.extract_strided_slice %convert_element_type3A_65 {offsets = [0, 0], sizes = [160, 64], strides = [1, 1]} : vector<160x128xbf16> to vector<160x64xbf16>
    %get3A_67 = arith.constant 1 : index
    %get3A_68 = arith.constant 0 : index
    %get3A_69 = arith.constant 0 : index
    %get3A_70 = vector.load %arg2[%get3A_67, %get3A_68, %get3A_69] : memref<9x64x128xbf16, #tpu.memory_space<vmem>>, vector<1x64x128xbf16>
    %get3A_71 = vector.shape_cast %get3A_70 : vector<1x64x128xbf16> to vector<64x128xbf16>
    %dot_general3A_72 = arith.constant dense<0.000000e+00> : vector<160x128xf32>
    %dot_general3A_73 = tpu.matmul %slice3A_66, %get3A_71, %dot_general3A_72 {dimension_numbers = #tpu.dot_dimension_numbers<[1], [0], [0], [1], [0, 0, 1, 1], [], []>, transpose_lhs_hint = false} : vector<160x64xbf16>, vector<64x128xbf16>, vector<160x128xf32> -> vector<160x128xf32>
    %add3A_74 = arith.addf %add3A_43, %dot_general3A_73 : vector<160x128xf32>
    %slice3A_75 = vector.extract_strided_slice %convert_element_type3A_65 {offsets = [0, 64], sizes = [160, 64], strides = [1, 1]} : vector<160x128xbf16> to vector<160x64xbf16>
    %get3A_76 = arith.constant 1 : index
    %get3A_77 = arith.constant 0 : index
    %get3A_78 = arith.constant 0 : index
    %get3A_79 = vector.load %arg2[%get3A_76, %get3A_77, %get3A_78] : memref<9x64x128xbf16, #tpu.memory_space<vmem>>, vector<1x64x128xbf16>
    %get3A_80 = vector.shape_cast %get3A_79 : vector<1x64x128xbf16> to vector<64x128xbf16>
    %dot_general3A_81 = arith.constant dense<0.000000e+00> : vector<160x128xf32>
    %dot_general3A_82 = tpu.matmul %slice3A_75, %get3A_80, %dot_general3A_81 {dimension_numbers = #tpu.dot_dimension_numbers<[1], [0], [0], [1], [0, 0, 1, 1], [], []>, transpose_lhs_hint = false} : vector<160x64xbf16>, vector<64x128xbf16>, vector<160x128xf32> -> vector<160x128xf32>
    %add3A_83 = arith.addf %add3A_52, %dot_general3A_82 : vector<160x128xf32>
    %get3A_84 = arith.constant 2 : index
    %get3A_85 = arith.constant 0 : index
    %get3A_86 = arith.constant 0 : index
    %get3A_87 = vector.load %arg1[%get3A_84, %get3A_85, %get3A_86] : memref<9x160x128xf32, #tpu.memory_space<vmem>>, vector<1x160x128xf32>
    %get3A_88 = vector.shape_cast %get3A_87 : vector<1x160x128xf32> to vector<160x128xf32>
    %mul3A_89 = vector.broadcast %concatenate3A : vector<1x128xf32> to vector<160x128xf32>
    %mul3A_90 = arith.mulf %get3A_88, %mul3A_89 : vector<160x128xf32>
    %add3A_91 = vector.broadcast %concatenate3A_22 : vector<1x128xf32> to vector<160x128xf32>
    %add3A_92 = arith.addf %mul3A_90, %add3A_91 : vector<160x128xf32>
    %max3A_93 = arith.constant 0.000000e+00 : f32
    %max3A_94 = vector.broadcast %max3A_93 : f32 to vector<160x128xf32>
    %max3A_95 = arith.maximumf %add3A_92, %max3A_94 : vector<160x128xf32>
    %convert_element_type3A_96 = arith.truncf %max3A_95 : vector<160x128xf32> to vector<160x128xbf16>
    %slice3A_97 = vector.extract_strided_slice %convert_element_type3A_96 {offsets = [0, 0], sizes = [160, 64], strides = [1, 1]} : vector<160x128xbf16> to vector<160x64xbf16>
    %get3A_98 = arith.constant 2 : index
    %get3A_99 = arith.constant 0 : index
    %get3A_100 = arith.constant 0 : index
    %get3A_101 = vector.load %arg2[%get3A_98, %get3A_99, %get3A_100] : memref<9x64x128xbf16, #tpu.memory_space<vmem>>, vector<1x64x128xbf16>
    %get3A_102 = vector.shape_cast %get3A_101 : vector<1x64x128xbf16> to vector<64x128xbf16>
    %dot_general3A_103 = arith.constant dense<0.000000e+00> : vector<160x128xf32>
    %dot_general3A_104 = tpu.matmul %slice3A_97, %get3A_102, %dot_general3A_103 {dimension_numbers = #tpu.dot_dimension_numbers<[1], [0], [0], [1], [0, 0, 1, 1], [], []>, transpose_lhs_hint = false} : vector<160x64xbf16>, vector<64x128xbf16>, vector<160x128xf32> -> vector<160x128xf32>
    %add3A_105 = arith.addf %add3A_74, %dot_general3A_104 : vector<160x128xf32>
    %slice3A_106 = vector.extract_strided_slice %convert_element_type3A_96 {offsets = [0, 64], sizes = [160, 64], strides = [1, 1]} : vector<160x128xbf16> to vector<160x64xbf16>
    %get3A_107 = arith.constant 2 : index
    %get3A_108 = arith.constant 0 : index
    %get3A_109 = arith.constant 0 : index
    %get3A_110 = vector.load %arg2[%get3A_107, %get3A_108, %get3A_109] : memref<9x64x128xbf16, #tpu.memory_space<vmem>>, vector<1x64x128xbf16>
    %get3A_111 = vector.shape_cast %get3A_110 : vector<1x64x128xbf16> to vector<64x128xbf16>
    %dot_general3A_112 = arith.constant dense<0.000000e+00> : vector<160x128xf32>
    %dot_general3A_113 = tpu.matmul %slice3A_106, %get3A_111, %dot_general3A_112 {dimension_numbers = #tpu.dot_dimension_numbers<[1], [0], [0], [1], [0, 0, 1, 1], [], []>, transpose_lhs_hint = false} : vector<160x64xbf16>, vector<64x128xbf16>, vector<160x128xf32> -> vector<160x128xf32>
    %add3A_114 = arith.addf %add3A_83, %dot_general3A_113 : vector<160x128xf32>
    %get3A_115 = arith.constant 3 : index
    %get3A_116 = arith.constant 0 : index
    %get3A_117 = arith.constant 0 : index
    %get3A_118 = vector.load %arg1[%get3A_115, %get3A_116, %get3A_117] : memref<9x160x128xf32, #tpu.memory_space<vmem>>, vector<1x160x128xf32>
    %get3A_119 = vector.shape_cast %get3A_118 : vector<1x160x128xf32> to vector<160x128xf32>
    %mul3A_120 = vector.broadcast %concatenate3A : vector<1x128xf32> to vector<160x128xf32>
    %mul3A_121 = arith.mulf %get3A_119, %mul3A_120 : vector<160x128xf32>
    %add3A_122 = vector.broadcast %concatenate3A_22 : vector<1x128xf32> to vector<160x128xf32>
    %add3A_123 = arith.addf %mul3A_121, %add3A_122 : vector<160x128xf32>
    %max3A_124 = arith.constant 0.000000e+00 : f32
    %max3A_125 = vector.broadcast %max3A_124 : f32 to vector<160x128xf32>
    %max3A_126 = arith.maximumf %add3A_123, %max3A_125 : vector<160x128xf32>
    %convert_element_type3A_127 = arith.truncf %max3A_126 : vector<160x128xf32> to vector<160x128xbf16>
    %slice3A_128 = vector.extract_strided_slice %convert_element_type3A_127 {offsets = [0, 0], sizes = [160, 64], strides = [1, 1]} : vector<160x128xbf16> to vector<160x64xbf16>
    %get3A_129 = arith.constant 3 : index
    %get3A_130 = arith.constant 0 : index
    %get3A_131 = arith.constant 0 : index
    %get3A_132 = vector.load %arg2[%get3A_129, %get3A_130, %get3A_131] : memref<9x64x128xbf16, #tpu.memory_space<vmem>>, vector<1x64x128xbf16>
    %get3A_133 = vector.shape_cast %get3A_132 : vector<1x64x128xbf16> to vector<64x128xbf16>
    %dot_general3A_134 = arith.constant dense<0.000000e+00> : vector<160x128xf32>
    %dot_general3A_135 = tpu.matmul %slice3A_128, %get3A_133, %dot_general3A_134 {dimension_numbers = #tpu.dot_dimension_numbers<[1], [0], [0], [1], [0, 0, 1, 1], [], []>, transpose_lhs_hint = false} : vector<160x64xbf16>, vector<64x128xbf16>, vector<160x128xf32> -> vector<160x128xf32>
    %add3A_136 = arith.addf %add3A_105, %dot_general3A_135 : vector<160x128xf32>
    %slice3A_137 = vector.extract_strided_slice %convert_element_type3A_127 {offsets = [0, 64], sizes = [160, 64], strides = [1, 1]} : vector<160x128xbf16> to vector<160x64xbf16>
    %get3A_138 = arith.constant 3 : index
    %get3A_139 = arith.constant 0 : index
    %get3A_140 = arith.constant 0 : index
    %get3A_141 = vector.load %arg2[%get3A_138, %get3A_139, %get3A_140] : memref<9x64x128xbf16, #tpu.memory_space<vmem>>, vector<1x64x128xbf16>
    %get3A_142 = vector.shape_cast %get3A_141 : vector<1x64x128xbf16> to vector<64x128xbf16>
    %dot_general3A_143 = arith.constant dense<0.000000e+00> : vector<160x128xf32>
    %dot_general3A_144 = tpu.matmul %slice3A_137, %get3A_142, %dot_general3A_143 {dimension_numbers = #tpu.dot_dimension_numbers<[1], [0], [0], [1], [0, 0, 1, 1], [], []>, transpose_lhs_hint = false} : vector<160x64xbf16>, vector<64x128xbf16>, vector<160x128xf32> -> vector<160x128xf32>
    %add3A_145 = arith.addf %add3A_114, %dot_general3A_144 : vector<160x128xf32>
    %get3A_146 = arith.constant 4 : index
    %get3A_147 = arith.constant 0 : index
    %get3A_148 = arith.constant 0 : index
    %get3A_149 = vector.load %arg1[%get3A_146, %get3A_147, %get3A_148] : memref<9x160x128xf32, #tpu.memory_space<vmem>>, vector<1x160x128xf32>
    %get3A_150 = vector.shape_cast %get3A_149 : vector<1x160x128xf32> to vector<160x128xf32>
    %mul3A_151 = vector.broadcast %concatenate3A : vector<1x128xf32> to vector<160x128xf32>
    %mul3A_152 = arith.mulf %get3A_150, %mul3A_151 : vector<160x128xf32>
    %add3A_153 = vector.broadcast %concatenate3A_22 : vector<1x128xf32> to vector<160x128xf32>
    %add3A_154 = arith.addf %mul3A_152, %add3A_153 : vector<160x128xf32>
    %max3A_155 = arith.constant 0.000000e+00 : f32
    %max3A_156 = vector.broadcast %max3A_155 : f32 to vector<160x128xf32>
    %max3A_157 = arith.maximumf %add3A_154, %max3A_156 : vector<160x128xf32>
    %convert_element_type3A_158 = arith.truncf %max3A_157 : vector<160x128xf32> to vector<160x128xbf16>
    %slice3A_159 = vector.extract_strided_slice %convert_element_type3A_158 {offsets = [0, 0], sizes = [160, 64], strides = [1, 1]} : vector<160x128xbf16> to vector<160x64xbf16>
    %get3A_160 = arith.constant 4 : index
    %get3A_161 = arith.constant 0 : index
    %get3A_162 = arith.constant 0 : index
    %get3A_163 = vector.load %arg2[%get3A_160, %get3A_161, %get3A_162] : memref<9x64x128xbf16, #tpu.memory_space<vmem>>, vector<1x64x128xbf16>
    %get3A_164 = vector.shape_cast %get3A_163 : vector<1x64x128xbf16> to vector<64x128xbf16>
    %dot_general3A_165 = arith.constant dense<0.000000e+00> : vector<160x128xf32>
    %dot_general3A_166 = tpu.matmul %slice3A_159, %get3A_164, %dot_general3A_165 {dimension_numbers = #tpu.dot_dimension_numbers<[1], [0], [0], [1], [0, 0, 1, 1], [], []>, transpose_lhs_hint = false} : vector<160x64xbf16>, vector<64x128xbf16>, vector<160x128xf32> -> vector<160x128xf32>
    %add3A_167 = arith.addf %add3A_136, %dot_general3A_166 : vector<160x128xf32>
    %slice3A_168 = vector.extract_strided_slice %convert_element_type3A_158 {offsets = [0, 64], sizes = [160, 64], strides = [1, 1]} : vector<160x128xbf16> to vector<160x64xbf16>
    %get3A_169 = arith.constant 4 : index
    %get3A_170 = arith.constant 0 : index
    %get3A_171 = arith.constant 0 : index
    %get3A_172 = vector.load %arg2[%get3A_169, %get3A_170, %get3A_171] : memref<9x64x128xbf16, #tpu.memory_space<vmem>>, vector<1x64x128xbf16>
    %get3A_173 = vector.shape_cast %get3A_172 : vector<1x64x128xbf16> to vector<64x128xbf16>
    %dot_general3A_174 = arith.constant dense<0.000000e+00> : vector<160x128xf32>
    %dot_general3A_175 = tpu.matmul %slice3A_168, %get3A_173, %dot_general3A_174 {dimension_numbers = #tpu.dot_dimension_numbers<[1], [0], [0], [1], [0, 0, 1, 1], [], []>, transpose_lhs_hint = false} : vector<160x64xbf16>, vector<64x128xbf16>, vector<160x128xf32> -> vector<160x128xf32>
    %add3A_176 = arith.addf %add3A_145, %dot_general3A_175 : vector<160x128xf32>
    %get3A_177 = arith.constant 5 : index
    %get3A_178 = arith.constant 0 : index
    %get3A_179 = arith.constant 0 : index
    %get3A_180 = vector.load %arg1[%get3A_177, %get3A_178, %get3A_179] : memref<9x160x128xf32, #tpu.memory_space<vmem>>, vector<1x160x128xf32>
    %get3A_181 = vector.shape_cast %get3A_180 : vector<1x160x128xf32> to vector<160x128xf32>
    %mul3A_182 = vector.broadcast %concatenate3A : vector<1x128xf32> to vector<160x128xf32>
    %mul3A_183 = arith.mulf %get3A_181, %mul3A_182 : vector<160x128xf32>
    %add3A_184 = vector.broadcast %concatenate3A_22 : vector<1x128xf32> to vector<160x128xf32>
    %add3A_185 = arith.addf %mul3A_183, %add3A_184 : vector<160x128xf32>
    %max3A_186 = arith.constant 0.000000e+00 : f32
    %max3A_187 = vector.broadcast %max3A_186 : f32 to vector<160x128xf32>
    %max3A_188 = arith.maximumf %add3A_185, %max3A_187 : vector<160x128xf32>
    %convert_element_type3A_189 = arith.truncf %max3A_188 : vector<160x128xf32> to vector<160x128xbf16>
    %slice3A_190 = vector.extract_strided_slice %convert_element_type3A_189 {offsets = [0, 0], sizes = [160, 64], strides = [1, 1]} : vector<160x128xbf16> to vector<160x64xbf16>
    %get3A_191 = arith.constant 5 : index
    %get3A_192 = arith.constant 0 : index
    %get3A_193 = arith.constant 0 : index
    %get3A_194 = vector.load %arg2[%get3A_191, %get3A_192, %get3A_193] : memref<9x64x128xbf16, #tpu.memory_space<vmem>>, vector<1x64x128xbf16>
    %get3A_195 = vector.shape_cast %get3A_194 : vector<1x64x128xbf16> to vector<64x128xbf16>
    %dot_general3A_196 = arith.constant dense<0.000000e+00> : vector<160x128xf32>
    %dot_general3A_197 = tpu.matmul %slice3A_190, %get3A_195, %dot_general3A_196 {dimension_numbers = #tpu.dot_dimension_numbers<[1], [0], [0], [1], [0, 0, 1, 1], [], []>, transpose_lhs_hint = false} : vector<160x64xbf16>, vector<64x128xbf16>, vector<160x128xf32> -> vector<160x128xf32>
    %add3A_198 = arith.addf %add3A_167, %dot_general3A_197 : vector<160x128xf32>
    %slice3A_199 = vector.extract_strided_slice %convert_element_type3A_189 {offsets = [0, 64], sizes = [160, 64], strides = [1, 1]} : vector<160x128xbf16> to vector<160x64xbf16>
    %get3A_200 = arith.constant 5 : index
    %get3A_201 = arith.constant 0 : index
    %get3A_202 = arith.constant 0 : index
    %get3A_203 = vector.load %arg2[%get3A_200, %get3A_201, %get3A_202] : memref<9x64x128xbf16, #tpu.memory_space<vmem>>, vector<1x64x128xbf16>
    %get3A_204 = vector.shape_cast %get3A_203 : vector<1x64x128xbf16> to vector<64x128xbf16>
    %dot_general3A_205 = arith.constant dense<0.000000e+00> : vector<160x128xf32>
    %dot_general3A_206 = tpu.matmul %slice3A_199, %get3A_204, %dot_general3A_205 {dimension_numbers = #tpu.dot_dimension_numbers<[1], [0], [0], [1], [0, 0, 1, 1], [], []>, transpose_lhs_hint = false} : vector<160x64xbf16>, vector<64x128xbf16>, vector<160x128xf32> -> vector<160x128xf32>
    %add3A_207 = arith.addf %add3A_176, %dot_general3A_206 : vector<160x128xf32>
    %get3A_208 = arith.constant 6 : index
    %get3A_209 = arith.constant 0 : index
    %get3A_210 = arith.constant 0 : index
    %get3A_211 = vector.load %arg1[%get3A_208, %get3A_209, %get3A_210] : memref<9x160x128xf32, #tpu.memory_space<vmem>>, vector<1x160x128xf32>
    %get3A_212 = vector.shape_cast %get3A_211 : vector<1x160x128xf32> to vector<160x128xf32>
    %mul3A_213 = vector.broadcast %concatenate3A : vector<1x128xf32> to vector<160x128xf32>
    %mul3A_214 = arith.mulf %get3A_212, %mul3A_213 : vector<160x128xf32>
    %add3A_215 = vector.broadcast %concatenate3A_22 : vector<1x128xf32> to vector<160x128xf32>
    %add3A_216 = arith.addf %mul3A_214, %add3A_215 : vector<160x128xf32>
    %max3A_217 = arith.constant 0.000000e+00 : f32
    %max3A_218 = vector.broadcast %max3A_217 : f32 to vector<160x128xf32>
    %max3A_219 = arith.maximumf %add3A_216, %max3A_218 : vector<160x128xf32>
    %convert_element_type3A_220 = arith.truncf %max3A_219 : vector<160x128xf32> to vector<160x128xbf16>
    %slice3A_221 = vector.extract_strided_slice %convert_element_type3A_220 {offsets = [0, 0], sizes = [160, 64], strides = [1, 1]} : vector<160x128xbf16> to vector<160x64xbf16>
    %get3A_222 = arith.constant 6 : index
    %get3A_223 = arith.constant 0 : index
    %get3A_224 = arith.constant 0 : index
    %get3A_225 = vector.load %arg2[%get3A_222, %get3A_223, %get3A_224] : memref<9x64x128xbf16, #tpu.memory_space<vmem>>, vector<1x64x128xbf16>
    %get3A_226 = vector.shape_cast %get3A_225 : vector<1x64x128xbf16> to vector<64x128xbf16>
    %dot_general3A_227 = arith.constant dense<0.000000e+00> : vector<160x128xf32>
    %dot_general3A_228 = tpu.matmul %slice3A_221, %get3A_226, %dot_general3A_227 {dimension_numbers = #tpu.dot_dimension_numbers<[1], [0], [0], [1], [0, 0, 1, 1], [], []>, transpose_lhs_hint = false} : vector<160x64xbf16>, vector<64x128xbf16>, vector<160x128xf32> -> vector<160x128xf32>
    %add3A_229 = arith.addf %add3A_198, %dot_general3A_228 : vector<160x128xf32>
    %slice3A_230 = vector.extract_strided_slice %convert_element_type3A_220 {offsets = [0, 64], sizes = [160, 64], strides = [1, 1]} : vector<160x128xbf16> to vector<160x64xbf16>
    %get3A_231 = arith.constant 6 : index
    %get3A_232 = arith.constant 0 : index
    %get3A_233 = arith.constant 0 : index
    %get3A_234 = vector.load %arg2[%get3A_231, %get3A_232, %get3A_233] : memref<9x64x128xbf16, #tpu.memory_space<vmem>>, vector<1x64x128xbf16>
    %get3A_235 = vector.shape_cast %get3A_234 : vector<1x64x128xbf16> to vector<64x128xbf16>
    %dot_general3A_236 = arith.constant dense<0.000000e+00> : vector<160x128xf32>
    %dot_general3A_237 = tpu.matmul %slice3A_230, %get3A_235, %dot_general3A_236 {dimension_numbers = #tpu.dot_dimension_numbers<[1], [0], [0], [1], [0, 0, 1, 1], [], []>, transpose_lhs_hint = false} : vector<160x64xbf16>, vector<64x128xbf16>, vector<160x128xf32> -> vector<160x128xf32>
    %add3A_238 = arith.addf %add3A_207, %dot_general3A_237 : vector<160x128xf32>
    %get3A_239 = arith.constant 7 : index
    %get3A_240 = arith.constant 0 : index
    %get3A_241 = arith.constant 0 : index
    %get3A_242 = vector.load %arg1[%get3A_239, %get3A_240, %get3A_241] : memref<9x160x128xf32, #tpu.memory_space<vmem>>, vector<1x160x128xf32>
    %get3A_243 = vector.shape_cast %get3A_242 : vector<1x160x128xf32> to vector<160x128xf32>
    %mul3A_244 = vector.broadcast %concatenate3A : vector<1x128xf32> to vector<160x128xf32>
    %mul3A_245 = arith.mulf %get3A_243, %mul3A_244 : vector<160x128xf32>
    %add3A_246 = vector.broadcast %concatenate3A_22 : vector<1x128xf32> to vector<160x128xf32>
    %add3A_247 = arith.addf %mul3A_245, %add3A_246 : vector<160x128xf32>
    %max3A_248 = arith.constant 0.000000e+00 : f32
    %max3A_249 = vector.broadcast %max3A_248 : f32 to vector<160x128xf32>
    %max3A_250 = arith.maximumf %add3A_247, %max3A_249 : vector<160x128xf32>
    %convert_element_type3A_251 = arith.truncf %max3A_250 : vector<160x128xf32> to vector<160x128xbf16>
    %slice3A_252 = vector.extract_strided_slice %convert_element_type3A_251 {offsets = [0, 0], sizes = [160, 64], strides = [1, 1]} : vector<160x128xbf16> to vector<160x64xbf16>
    %get3A_253 = arith.constant 7 : index
    %get3A_254 = arith.constant 0 : index
    %get3A_255 = arith.constant 0 : index
    %get3A_256 = vector.load %arg2[%get3A_253, %get3A_254, %get3A_255] : memref<9x64x128xbf16, #tpu.memory_space<vmem>>, vector<1x64x128xbf16>
    %get3A_257 = vector.shape_cast %get3A_256 : vector<1x64x128xbf16> to vector<64x128xbf16>
    %dot_general3A_258 = arith.constant dense<0.000000e+00> : vector<160x128xf32>
    %dot_general3A_259 = tpu.matmul %slice3A_252, %get3A_257, %dot_general3A_258 {dimension_numbers = #tpu.dot_dimension_numbers<[1], [0], [0], [1], [0, 0, 1, 1], [], []>, transpose_lhs_hint = false} : vector<160x64xbf16>, vector<64x128xbf16>, vector<160x128xf32> -> vector<160x128xf32>
    %add3A_260 = arith.addf %add3A_229, %dot_general3A_259 : vector<160x128xf32>
    %slice3A_261 = vector.extract_strided_slice %convert_element_type3A_251 {offsets = [0, 64], sizes = [160, 64], strides = [1, 1]} : vector<160x128xbf16> to vector<160x64xbf16>
    %get3A_262 = arith.constant 7 : index
    %get3A_263 = arith.constant 0 : index
    %get3A_264 = arith.constant 0 : index
    %get3A_265 = vector.load %arg2[%get3A_262, %get3A_263, %get3A_264] : memref<9x64x128xbf16, #tpu.memory_space<vmem>>, vector<1x64x128xbf16>
    %get3A_266 = vector.shape_cast %get3A_265 : vector<1x64x128xbf16> to vector<64x128xbf16>
    %dot_general3A_267 = arith.constant dense<0.000000e+00> : vector<160x128xf32>
    %dot_general3A_268 = tpu.matmul %slice3A_261, %get3A_266, %dot_general3A_267 {dimension_numbers = #tpu.dot_dimension_numbers<[1], [0], [0], [1], [0, 0, 1, 1], [], []>, transpose_lhs_hint = false} : vector<160x64xbf16>, vector<64x128xbf16>, vector<160x128xf32> -> vector<160x128xf32>
    %add3A_269 = arith.addf %add3A_238, %dot_general3A_268 : vector<160x128xf32>
    %get3A_270 = arith.constant 8 : index
    %get3A_271 = arith.constant 0 : index
    %get3A_272 = arith.constant 0 : index
    %get3A_273 = vector.load %arg1[%get3A_270, %get3A_271, %get3A_272] : memref<9x160x128xf32, #tpu.memory_space<vmem>>, vector<1x160x128xf32>
    %get3A_274 = vector.shape_cast %get3A_273 : vector<1x160x128xf32> to vector<160x128xf32>
    %mul3A_275 = vector.broadcast %concatenate3A : vector<1x128xf32> to vector<160x128xf32>
    %mul3A_276 = arith.mulf %get3A_274, %mul3A_275 : vector<160x128xf32>
    %add3A_277 = vector.broadcast %concatenate3A_22 : vector<1x128xf32> to vector<160x128xf32>
    %add3A_278 = arith.addf %mul3A_276, %add3A_277 : vector<160x128xf32>
    %max3A_279 = arith.constant 0.000000e+00 : f32
    %max3A_280 = vector.broadcast %max3A_279 : f32 to vector<160x128xf32>
    %max3A_281 = arith.maximumf %add3A_278, %max3A_280 : vector<160x128xf32>
    %convert_element_type3A_282 = arith.truncf %max3A_281 : vector<160x128xf32> to vector<160x128xbf16>
    %slice3A_283 = vector.extract_strided_slice %convert_element_type3A_282 {offsets = [0, 0], sizes = [160, 64], strides = [1, 1]} : vector<160x128xbf16> to vector<160x64xbf16>
    %get3A_284 = arith.constant 8 : index
    %get3A_285 = arith.constant 0 : index
    %get3A_286 = arith.constant 0 : index
    %get3A_287 = vector.load %arg2[%get3A_284, %get3A_285, %get3A_286] : memref<9x64x128xbf16, #tpu.memory_space<vmem>>, vector<1x64x128xbf16>
    %get3A_288 = vector.shape_cast %get3A_287 : vector<1x64x128xbf16> to vector<64x128xbf16>
    %dot_general3A_289 = arith.constant dense<0.000000e+00> : vector<160x128xf32>
    %dot_general3A_290 = tpu.matmul %slice3A_283, %get3A_288, %dot_general3A_289 {dimension_numbers = #tpu.dot_dimension_numbers<[1], [0], [0], [1], [0, 0, 1, 1], [], []>, transpose_lhs_hint = false} : vector<160x64xbf16>, vector<64x128xbf16>, vector<160x128xf32> -> vector<160x128xf32>
    %add3A_291 = arith.addf %add3A_260, %dot_general3A_290 : vector<160x128xf32>
    %slice3A_292 = vector.extract_strided_slice %convert_element_type3A_282 {offsets = [0, 64], sizes = [160, 64], strides = [1, 1]} : vector<160x128xbf16> to vector<160x64xbf16>
    %get3A_293 = arith.constant 8 : index
    %get3A_294 = arith.constant 0 : index
    %get3A_295 = arith.constant 0 : index
    %get3A_296 = vector.load %arg2[%get3A_293, %get3A_294, %get3A_295] : memref<9x64x128xbf16, #tpu.memory_space<vmem>>, vector<1x64x128xbf16>
    %get3A_297 = vector.shape_cast %get3A_296 : vector<1x64x128xbf16> to vector<64x128xbf16>
    %dot_general3A_298 = arith.constant dense<0.000000e+00> : vector<160x128xf32>
    %dot_general3A_299 = tpu.matmul %slice3A_292, %get3A_297, %dot_general3A_298 {dimension_numbers = #tpu.dot_dimension_numbers<[1], [0], [0], [1], [0, 0, 1, 1], [], []>, transpose_lhs_hint = false} : vector<160x64xbf16>, vector<64x128xbf16>, vector<160x128xf32> -> vector<160x128xf32>
    %add3A_300 = arith.addf %add3A_269, %dot_general3A_299 : vector<160x128xf32>
    %concatenate3A_301 = tpu.concatenate %add3A_291, %add3A_300 in 0 : vector<160x128xf32>, vector<160x128xf32> -> vector<320x128xf32>
    %get3A_302 = arith.constant 0 : index
    %get3A_303 = arith.constant 0 : index
    %get3A_304 = vector.load %arg3[%get3A_302, %get3A_303] : memref<1x128xf32, #tpu.memory_space<vmem>>, vector<1x128xf32>
    %add3A_305 = vector.broadcast %get3A_304 : vector<1x128xf32> to vector<320x128xf32>
    %add3A_306 = arith.addf %concatenate3A_301, %add3A_305 : vector<320x128xf32>
    %swap3A = arith.constant 0 : index
    %swap3A_307 = arith.constant 0 : index
    %swap3A_308 = vector.load %arg7[%swap3A, %swap3A_307] : memref<320x128xf32, #tpu.memory_space<vmem>>, vector<320x128xf32>
    tpu.vector_store %arg7[%swap3A, %swap3A_307], %add3A_306 {strides = array<i32>} : memref<320x128xf32, #tpu.memory_space<vmem>>, vector<320x128xf32>,
    %eq3A = arith.constant 0 : i32
    %eq3A_309 = arith.cmpi eq, %arg0, %eq3A : i32
    %convert_element_type3A_310 = arith.extui %eq3A_309 : i1 to i32
    %cond3A = arith.constant 0 : i32
    %cond3A_311 = arith.cmpi ne, %convert_element_type3A_310, %cond3A : i32
    scf.if %cond3A_311 {
      %broadcast_in_dim3A_332 = arith.constant 0.000000e+00 : f32
      %broadcast_in_dim3A_333 = vector.broadcast %broadcast_in_dim3A_332 : f32 to vector<2x128xf32>
      %swap3A_334 = arith.constant 0 : index
      %swap3A_335 = arith.constant 0 : index
      %swap3A_336 = vector.load %arg8[%swap3A_334, %swap3A_335] : memref<2x128xf32, #tpu.memory_space<vmem>>, vector<2x128xf32>
      tpu.vector_store %arg8[%swap3A_334, %swap3A_335], %broadcast_in_dim3A_333 {strides = array<i32>} : memref<2x128xf32, #tpu.memory_space<vmem>>, vector<2x128xf32>,
    } else {
    }
    %get3A_312 = arith.constant 0 : index
    %get3A_313 = arith.constant 0 : index
    %get3A_314 = vector.load %arg8[%get3A_312, %get3A_313] : memref<2x128xf32, #tpu.memory_space<vmem>>, vector<1x128xf32>
    %reduce_sum3A = arith.constant dense<0.000000e+00> : vector<128xf32>
    %reduce_sum3A_315 = vector.multi_reduction <add>, %add3A_306, %reduce_sum3A [0] : vector<320x128xf32> to vector<128xf32>
    %broadcast_in_dim3A_316 = vector.shape_cast %reduce_sum3A_315 : vector<128xf32> to vector<1x128xf32>
    %add3A_317 = arith.addf %get3A_314, %broadcast_in_dim3A_316 : vector<1x128xf32>
    %swap3A_318 = arith.constant 0 : index
    %swap3A_319 = arith.constant 0 : index
    %swap3A_320 = vector.load %arg8[%swap3A_318, %swap3A_319] : memref<2x128xf32, #tpu.memory_space<vmem>>, vector<1x128xf32>
    tpu.vector_store %arg8[%swap3A_318, %swap3A_319], %add3A_317 {strides = array<i32>} : memref<2x128xf32, #tpu.memory_space<vmem>>, vector<1x128xf32>,
    %get3A_321 = arith.constant 1 : index
    %get3A_322 = arith.constant 0 : index
    %get3A_323 = vector.load %arg8[%get3A_321, %get3A_322] : memref<2x128xf32, #tpu.memory_space<vmem>>, vector<1x128xf32>
    %mul3A_324 = arith.mulf %add3A_306, %add3A_306 : vector<320x128xf32>
    %reduce_sum3A_325 = arith.constant dense<0.000000e+00> : vector<128xf32>
    %reduce_sum3A_326 = vector.multi_reduction <add>, %mul3A_324, %reduce_sum3A_325 [0] : vector<320x128xf32> to vector<128xf32>
    %broadcast_in_dim3A_327 = vector.shape_cast %reduce_sum3A_326 : vector<128xf32> to vector<1x128xf32>
    %add3A_328 = arith.addf %get3A_323, %broadcast_in_dim3A_327 : vector<1x128xf32>
    %swap3A_329 = arith.constant 1 : index
    %swap3A_330 = arith.constant 0 : index
    %swap3A_331 = vector.load %arg8[%swap3A_329, %swap3A_330] : memref<2x128xf32, #tpu.memory_space<vmem>>, vector<1x128xf32>
    tpu.vector_store %arg8[%swap3A_329, %swap3A_330], %add3A_328 {strides = array<i32>} : memref<2x128xf32, #tpu.memory_space<vmem>>, vector<1x128xf32>,
    return
  }
  func.func @transform_0(%arg0: i32) -> (i32, i32, i32) {
    %c0_i32 = arith.constant 0 : i32
    %c0_i32_0 = arith.constant 0 : i32
    %c0_i32_1 = arith.constant 0 : i32
    return %c0_i32, %arg0, %c0_i32_0 : i32, i32, i32
  }
  func.func @transform_1(%arg0: i32) -> (i32, i32, i32) {
    %c0_i32 = arith.constant 0 : i32
    %c0_i32_0 = arith.constant 0 : i32
    %c0_i32_1 = arith.constant 0 : i32
    %c0_i32_2 = arith.constant 0 : i32
    return %c0_i32, %c0_i32_0, %c0_i32_1 : i32, i32, i32
  }
  func.func @transform_2(%arg0: i32) -> (i32, i32) {
    %c0_i32 = arith.constant 0 : i32
    %c0_i32_0 = arith.constant 0 : i32
    %c0_i32_1 = arith.constant 0 : i32
    return %c0_i32, %c0_i32_0 : i32, i32
  }
  func.func @transform_3(%arg0: i32) -> (i32, i32) {
    %c0_i32 = arith.constant 0 : i32
    %c0_i32_0 = arith.constant 0 : i32
    %c0_i32_1 = arith.constant 0 : i32
    return %c0_i32, %c0_i32_0 : i32, i32
  }
  func.func @transform_4(%arg0: i32) -> (i32, i32) {
    %c0_i32 = arith.constant 0 : i32
    %c0_i32_0 = arith.constant 0 : i32
    %c0_i32_1 = arith.constant 0 : i32
    return %c0_i32, %c0_i32_0 : i32, i32
  }
  func.func @transform_5(%arg0: i32) -> (i32, i32) {
    %c0_i32 = arith.constant 0 : i32
    %c0_i32_0 = arith.constant 0 : i32
    %c0_i32_1 = arith.constant 0 : i32
    return %c0_i32, %c0_i32_0 : i32, i32
  }
  func.func @transform_6(%arg0: i32) -> (i32, i32) {
    %c0_i32 = arith.constant 0 : i32
    %c0_i32_0 = arith.constant 0 : i32
    return %arg0, %c0_i32 : i32, i32
  }
  func.func @transform_7(%arg0: i32) -> (i32, i32) {
    %c0_i32 = arith.constant 0 : i32
    %c0_i32_0 = arith.constant 0 : i32
    %c0_i32_1 = arith.constant 0 : i32
    return %c0_i32, %c0_i32_0 : i32, i32
  }
}

module attributes {stable_mosaic.version = 14 : i64} {
  func.func @_last_body(%arg0: i32, %arg1: memref<9x400x128xf32, #tpu.memory_space<vmem>>, %arg2: memref<9x128x256xbf16, #tpu.memory_space<vmem>>, %arg3: memref<1x256xf32, #tpu.memory_space<vmem>>, %arg4: memref<2x128xf32, #tpu.memory_space<vmem>>, %arg5: memref<1x128xf32, #tpu.memory_space<vmem>>, %arg6: memref<1x128xf32, #tpu.memory_space<vmem>>, %arg7: memref<2x256xf32, #tpu.memory_space<vmem>>, %arg8: memref<4x256xf32, #tpu.memory_space<vmem>>, %arg9: memref<4x256xf32, #tpu.memory_space<vmem>>) attributes {dimension_semantics = [#tpu.dimension_semantics<arbitrary>], iteration_bounds = array<i64: 100>, scalar_prefetch = 0 : i64, scratch_operands = 0 : i64, tpu.core_type = #tpu.core_type<tc>, window_params = [{transform_indices = @transform_0, window_bounds = array<i64: 9, 400, 128>}, {pipeline_mode = #tpu.pipeline_mode<synchronous>, transform_indices = @transform_1, window_bounds = array<i64: 9, 128, 256>}, {pipeline_mode = #tpu.pipeline_mode<synchronous>, transform_indices = @transform_2, window_bounds = array<i64: 1, 256>}, {pipeline_mode = #tpu.pipeline_mode<synchronous>, transform_indices = @transform_3, window_bounds = array<i64: 2, 128>}, {pipeline_mode = #tpu.pipeline_mode<synchronous>, transform_indices = @transform_4, window_bounds = array<i64: 1, 128>}, {pipeline_mode = #tpu.pipeline_mode<synchronous>, transform_indices = @transform_5, window_bounds = array<i64: 1, 128>}, {pipeline_mode = #tpu.pipeline_mode<synchronous>, transform_indices = @transform_6, window_bounds = array<i64: 2, 256>}, {pipeline_mode = #tpu.pipeline_mode<synchronous>, transform_indices = @transform_7, window_bounds = array<i64: 4, 256>}, {pipeline_mode = #tpu.pipeline_mode<synchronous>, transform_indices = @transform_8, window_bounds = array<i64: 4, 256>}]} {
    %get3A = arith.constant 0 : index
    %get3A_0 = arith.constant 0 : index
    %get3A_1 = vector.load %arg4[%get3A, %get3A_0] : memref<2x128xf32, #tpu.memory_space<vmem>>, vector<1x128xf32>
    %mul3A = arith.constant 2.500000e-05 : f32
    %mul3A_2 = vector.broadcast %mul3A : f32 to vector<1x128xf32>
    %mul3A_3 = arith.mulf %get3A_1, %mul3A_2 : vector<1x128xf32>
    %get3A_4 = arith.constant 1 : index
    %get3A_5 = arith.constant 0 : index
    %get3A_6 = vector.load %arg4[%get3A_4, %get3A_5] : memref<2x128xf32, #tpu.memory_space<vmem>>, vector<1x128xf32>
    %mul3A_7 = arith.constant 2.500000e-05 : f32
    %mul3A_8 = vector.broadcast %mul3A_7 : f32 to vector<1x128xf32>
    %mul3A_9 = arith.mulf %get3A_6, %mul3A_8 : vector<1x128xf32>
    %mul3A_10 = arith.mulf %mul3A_3, %mul3A_3 : vector<1x128xf32>
    %sub3A = arith.subf %mul3A_9, %mul3A_10 : vector<1x128xf32>
    %get3A_11 = arith.constant 0 : index
    %get3A_12 = arith.constant 0 : index
    %get3A_13 = vector.load %arg5[%get3A_11, %get3A_12] : memref<1x128xf32, #tpu.memory_space<vmem>>, vector<1x128xf32>
    %add3A = arith.constant 9.99999974E-6 : f32
    %add3A_14 = vector.broadcast %add3A : f32 to vector<1x128xf32>
    %add3A_15 = arith.addf %sub3A, %add3A_14 : vector<1x128xf32>
    %rsqrt3A = math.rsqrt %add3A_15 : vector<1x128xf32>
    %mul3A_16 = arith.mulf %get3A_13, %rsqrt3A : vector<1x128xf32>
    %get3A_17 = arith.constant 0 : index
    %get3A_18 = arith.constant 0 : index
    %get3A_19 = vector.load %arg6[%get3A_17, %get3A_18] : memref<1x128xf32, #tpu.memory_space<vmem>>, vector<1x128xf32>
    %mul3A_20 = arith.mulf %mul3A_3, %mul3A_16 : vector<1x128xf32>
    %sub3A_21 = arith.subf %get3A_19, %mul3A_20 : vector<1x128xf32>
    %broadcast_in_dim3A = arith.constant 0.000000e+00 : f32
    %broadcast_in_dim3A_22 = vector.broadcast %broadcast_in_dim3A : f32 to vector<400x256xf32>
    %get3A_23 = arith.constant 0 : index
    %get3A_24 = arith.constant 0 : index
    %get3A_25 = arith.constant 0 : index
    %get3A_26 = vector.load %arg1[%get3A_23, %get3A_24, %get3A_25] : memref<9x400x128xf32, #tpu.memory_space<vmem>>, vector<1x400x128xf32>
    %get3A_27 = vector.shape_cast %get3A_26 : vector<1x400x128xf32> to vector<400x128xf32>
    %mul3A_28 = vector.broadcast %mul3A_16 : vector<1x128xf32> to vector<400x128xf32>
    %mul3A_29 = arith.mulf %get3A_27, %mul3A_28 : vector<400x128xf32>
    %add3A_30 = vector.broadcast %sub3A_21 : vector<1x128xf32> to vector<400x128xf32>
    %add3A_31 = arith.addf %mul3A_29, %add3A_30 : vector<400x128xf32>
    %max3A = arith.constant 0.000000e+00 : f32
    %max3A_32 = vector.broadcast %max3A : f32 to vector<400x128xf32>
    %max3A_33 = arith.maximumf %add3A_31, %max3A_32 : vector<400x128xf32>
    %convert_element_type3A = arith.truncf %max3A_33 : vector<400x128xf32> to vector<400x128xbf16>
    %get3A_34 = arith.constant 0 : index
    %get3A_35 = arith.constant 0 : index
    %get3A_36 = arith.constant 0 : index
    %get3A_37 = vector.load %arg2[%get3A_34, %get3A_35, %get3A_36] : memref<9x128x256xbf16, #tpu.memory_space<vmem>>, vector<1x128x256xbf16>
    %get3A_38 = vector.shape_cast %get3A_37 : vector<1x128x256xbf16> to vector<128x256xbf16>
    %dot_general3A = arith.constant dense<0.000000e+00> : vector<400x256xf32>
    %dot_general3A_39 = tpu.matmul %convert_element_type3A, %get3A_38, %dot_general3A {dimension_numbers = #tpu.dot_dimension_numbers<[1], [0], [0], [1], [0, 0, 1, 1], [], []>, transpose_lhs_hint = false} : vector<400x128xbf16>, vector<128x256xbf16>, vector<400x256xf32> -> vector<400x256xf32>
    %add3A_40 = arith.addf %broadcast_in_dim3A_22, %dot_general3A_39 : vector<400x256xf32>
    %get3A_41 = arith.constant 1 : index
    %get3A_42 = arith.constant 0 : index
    %get3A_43 = arith.constant 0 : index
    %get3A_44 = vector.load %arg1[%get3A_41, %get3A_42, %get3A_43] : memref<9x400x128xf32, #tpu.memory_space<vmem>>, vector<1x400x128xf32>
    %get3A_45 = vector.shape_cast %get3A_44 : vector<1x400x128xf32> to vector<400x128xf32>
    %mul3A_46 = vector.broadcast %mul3A_16 : vector<1x128xf32> to vector<400x128xf32>
    %mul3A_47 = arith.mulf %get3A_45, %mul3A_46 : vector<400x128xf32>
    %add3A_48 = vector.broadcast %sub3A_21 : vector<1x128xf32> to vector<400x128xf32>
    %add3A_49 = arith.addf %mul3A_47, %add3A_48 : vector<400x128xf32>
    %max3A_50 = arith.constant 0.000000e+00 : f32
    %max3A_51 = vector.broadcast %max3A_50 : f32 to vector<400x128xf32>
    %max3A_52 = arith.maximumf %add3A_49, %max3A_51 : vector<400x128xf32>
    %convert_element_type3A_53 = arith.truncf %max3A_52 : vector<400x128xf32> to vector<400x128xbf16>
    %get3A_54 = arith.constant 1 : index
    %get3A_55 = arith.constant 0 : index
    %get3A_56 = arith.constant 0 : index
    %get3A_57 = vector.load %arg2[%get3A_54, %get3A_55, %get3A_56] : memref<9x128x256xbf16, #tpu.memory_space<vmem>>, vector<1x128x256xbf16>
    %get3A_58 = vector.shape_cast %get3A_57 : vector<1x128x256xbf16> to vector<128x256xbf16>
    %dot_general3A_59 = arith.constant dense<0.000000e+00> : vector<400x256xf32>
    %dot_general3A_60 = tpu.matmul %convert_element_type3A_53, %get3A_58, %dot_general3A_59 {dimension_numbers = #tpu.dot_dimension_numbers<[1], [0], [0], [1], [0, 0, 1, 1], [], []>, transpose_lhs_hint = false} : vector<400x128xbf16>, vector<128x256xbf16>, vector<400x256xf32> -> vector<400x256xf32>
    %add3A_61 = arith.addf %add3A_40, %dot_general3A_60 : vector<400x256xf32>
    %get3A_62 = arith.constant 2 : index
    %get3A_63 = arith.constant 0 : index
    %get3A_64 = arith.constant 0 : index
    %get3A_65 = vector.load %arg1[%get3A_62, %get3A_63, %get3A_64] : memref<9x400x128xf32, #tpu.memory_space<vmem>>, vector<1x400x128xf32>
    %get3A_66 = vector.shape_cast %get3A_65 : vector<1x400x128xf32> to vector<400x128xf32>
    %mul3A_67 = vector.broadcast %mul3A_16 : vector<1x128xf32> to vector<400x128xf32>
    %mul3A_68 = arith.mulf %get3A_66, %mul3A_67 : vector<400x128xf32>
    %add3A_69 = vector.broadcast %sub3A_21 : vector<1x128xf32> to vector<400x128xf32>
    %add3A_70 = arith.addf %mul3A_68, %add3A_69 : vector<400x128xf32>
    %max3A_71 = arith.constant 0.000000e+00 : f32
    %max3A_72 = vector.broadcast %max3A_71 : f32 to vector<400x128xf32>
    %max3A_73 = arith.maximumf %add3A_70, %max3A_72 : vector<400x128xf32>
    %convert_element_type3A_74 = arith.truncf %max3A_73 : vector<400x128xf32> to vector<400x128xbf16>
    %get3A_75 = arith.constant 2 : index
    %get3A_76 = arith.constant 0 : index
    %get3A_77 = arith.constant 0 : index
    %get3A_78 = vector.load %arg2[%get3A_75, %get3A_76, %get3A_77] : memref<9x128x256xbf16, #tpu.memory_space<vmem>>, vector<1x128x256xbf16>
    %get3A_79 = vector.shape_cast %get3A_78 : vector<1x128x256xbf16> to vector<128x256xbf16>
    %dot_general3A_80 = arith.constant dense<0.000000e+00> : vector<400x256xf32>
    %dot_general3A_81 = tpu.matmul %convert_element_type3A_74, %get3A_79, %dot_general3A_80 {dimension_numbers = #tpu.dot_dimension_numbers<[1], [0], [0], [1], [0, 0, 1, 1], [], []>, transpose_lhs_hint = false} : vector<400x128xbf16>, vector<128x256xbf16>, vector<400x256xf32> -> vector<400x256xf32>
    %add3A_82 = arith.addf %add3A_61, %dot_general3A_81 : vector<400x256xf32>
    %get3A_83 = arith.constant 3 : index
    %get3A_84 = arith.constant 0 : index
    %get3A_85 = arith.constant 0 : index
    %get3A_86 = vector.load %arg1[%get3A_83, %get3A_84, %get3A_85] : memref<9x400x128xf32, #tpu.memory_space<vmem>>, vector<1x400x128xf32>
    %get3A_87 = vector.shape_cast %get3A_86 : vector<1x400x128xf32> to vector<400x128xf32>
    %mul3A_88 = vector.broadcast %mul3A_16 : vector<1x128xf32> to vector<400x128xf32>
    %mul3A_89 = arith.mulf %get3A_87, %mul3A_88 : vector<400x128xf32>
    %add3A_90 = vector.broadcast %sub3A_21 : vector<1x128xf32> to vector<400x128xf32>
    %add3A_91 = arith.addf %mul3A_89, %add3A_90 : vector<400x128xf32>
    %max3A_92 = arith.constant 0.000000e+00 : f32
    %max3A_93 = vector.broadcast %max3A_92 : f32 to vector<400x128xf32>
    %max3A_94 = arith.maximumf %add3A_91, %max3A_93 : vector<400x128xf32>
    %convert_element_type3A_95 = arith.truncf %max3A_94 : vector<400x128xf32> to vector<400x128xbf16>
    %get3A_96 = arith.constant 3 : index
    %get3A_97 = arith.constant 0 : index
    %get3A_98 = arith.constant 0 : index
    %get3A_99 = vector.load %arg2[%get3A_96, %get3A_97, %get3A_98] : memref<9x128x256xbf16, #tpu.memory_space<vmem>>, vector<1x128x256xbf16>
    %get3A_100 = vector.shape_cast %get3A_99 : vector<1x128x256xbf16> to vector<128x256xbf16>
    %dot_general3A_101 = arith.constant dense<0.000000e+00> : vector<400x256xf32>
    %dot_general3A_102 = tpu.matmul %convert_element_type3A_95, %get3A_100, %dot_general3A_101 {dimension_numbers = #tpu.dot_dimension_numbers<[1], [0], [0], [1], [0, 0, 1, 1], [], []>, transpose_lhs_hint = false} : vector<400x128xbf16>, vector<128x256xbf16>, vector<400x256xf32> -> vector<400x256xf32>
    %add3A_103 = arith.addf %add3A_82, %dot_general3A_102 : vector<400x256xf32>
    %get3A_104 = arith.constant 4 : index
    %get3A_105 = arith.constant 0 : index
    %get3A_106 = arith.constant 0 : index
    %get3A_107 = vector.load %arg1[%get3A_104, %get3A_105, %get3A_106] : memref<9x400x128xf32, #tpu.memory_space<vmem>>, vector<1x400x128xf32>
    %get3A_108 = vector.shape_cast %get3A_107 : vector<1x400x128xf32> to vector<400x128xf32>
    %mul3A_109 = vector.broadcast %mul3A_16 : vector<1x128xf32> to vector<400x128xf32>
    %mul3A_110 = arith.mulf %get3A_108, %mul3A_109 : vector<400x128xf32>
    %add3A_111 = vector.broadcast %sub3A_21 : vector<1x128xf32> to vector<400x128xf32>
    %add3A_112 = arith.addf %mul3A_110, %add3A_111 : vector<400x128xf32>
    %max3A_113 = arith.constant 0.000000e+00 : f32
    %max3A_114 = vector.broadcast %max3A_113 : f32 to vector<400x128xf32>
    %max3A_115 = arith.maximumf %add3A_112, %max3A_114 : vector<400x128xf32>
    %convert_element_type3A_116 = arith.truncf %max3A_115 : vector<400x128xf32> to vector<400x128xbf16>
    %get3A_117 = arith.constant 4 : index
    %get3A_118 = arith.constant 0 : index
    %get3A_119 = arith.constant 0 : index
    %get3A_120 = vector.load %arg2[%get3A_117, %get3A_118, %get3A_119] : memref<9x128x256xbf16, #tpu.memory_space<vmem>>, vector<1x128x256xbf16>
    %get3A_121 = vector.shape_cast %get3A_120 : vector<1x128x256xbf16> to vector<128x256xbf16>
    %dot_general3A_122 = arith.constant dense<0.000000e+00> : vector<400x256xf32>
    %dot_general3A_123 = tpu.matmul %convert_element_type3A_116, %get3A_121, %dot_general3A_122 {dimension_numbers = #tpu.dot_dimension_numbers<[1], [0], [0], [1], [0, 0, 1, 1], [], []>, transpose_lhs_hint = false} : vector<400x128xbf16>, vector<128x256xbf16>, vector<400x256xf32> -> vector<400x256xf32>
    %add3A_124 = arith.addf %add3A_103, %dot_general3A_123 : vector<400x256xf32>
    %get3A_125 = arith.constant 5 : index
    %get3A_126 = arith.constant 0 : index
    %get3A_127 = arith.constant 0 : index
    %get3A_128 = vector.load %arg1[%get3A_125, %get3A_126, %get3A_127] : memref<9x400x128xf32, #tpu.memory_space<vmem>>, vector<1x400x128xf32>
    %get3A_129 = vector.shape_cast %get3A_128 : vector<1x400x128xf32> to vector<400x128xf32>
    %mul3A_130 = vector.broadcast %mul3A_16 : vector<1x128xf32> to vector<400x128xf32>
    %mul3A_131 = arith.mulf %get3A_129, %mul3A_130 : vector<400x128xf32>
    %add3A_132 = vector.broadcast %sub3A_21 : vector<1x128xf32> to vector<400x128xf32>
    %add3A_133 = arith.addf %mul3A_131, %add3A_132 : vector<400x128xf32>
    %max3A_134 = arith.constant 0.000000e+00 : f32
    %max3A_135 = vector.broadcast %max3A_134 : f32 to vector<400x128xf32>
    %max3A_136 = arith.maximumf %add3A_133, %max3A_135 : vector<400x128xf32>
    %convert_element_type3A_137 = arith.truncf %max3A_136 : vector<400x128xf32> to vector<400x128xbf16>
    %get3A_138 = arith.constant 5 : index
    %get3A_139 = arith.constant 0 : index
    %get3A_140 = arith.constant 0 : index
    %get3A_141 = vector.load %arg2[%get3A_138, %get3A_139, %get3A_140] : memref<9x128x256xbf16, #tpu.memory_space<vmem>>, vector<1x128x256xbf16>
    %get3A_142 = vector.shape_cast %get3A_141 : vector<1x128x256xbf16> to vector<128x256xbf16>
    %dot_general3A_143 = arith.constant dense<0.000000e+00> : vector<400x256xf32>
    %dot_general3A_144 = tpu.matmul %convert_element_type3A_137, %get3A_142, %dot_general3A_143 {dimension_numbers = #tpu.dot_dimension_numbers<[1], [0], [0], [1], [0, 0, 1, 1], [], []>, transpose_lhs_hint = false} : vector<400x128xbf16>, vector<128x256xbf16>, vector<400x256xf32> -> vector<400x256xf32>
    %add3A_145 = arith.addf %add3A_124, %dot_general3A_144 : vector<400x256xf32>
    %get3A_146 = arith.constant 6 : index
    %get3A_147 = arith.constant 0 : index
    %get3A_148 = arith.constant 0 : index
    %get3A_149 = vector.load %arg1[%get3A_146, %get3A_147, %get3A_148] : memref<9x400x128xf32, #tpu.memory_space<vmem>>, vector<1x400x128xf32>
    %get3A_150 = vector.shape_cast %get3A_149 : vector<1x400x128xf32> to vector<400x128xf32>
    %mul3A_151 = vector.broadcast %mul3A_16 : vector<1x128xf32> to vector<400x128xf32>
    %mul3A_152 = arith.mulf %get3A_150, %mul3A_151 : vector<400x128xf32>
    %add3A_153 = vector.broadcast %sub3A_21 : vector<1x128xf32> to vector<400x128xf32>
    %add3A_154 = arith.addf %mul3A_152, %add3A_153 : vector<400x128xf32>
    %max3A_155 = arith.constant 0.000000e+00 : f32
    %max3A_156 = vector.broadcast %max3A_155 : f32 to vector<400x128xf32>
    %max3A_157 = arith.maximumf %add3A_154, %max3A_156 : vector<400x128xf32>
    %convert_element_type3A_158 = arith.truncf %max3A_157 : vector<400x128xf32> to vector<400x128xbf16>
    %get3A_159 = arith.constant 6 : index
    %get3A_160 = arith.constant 0 : index
    %get3A_161 = arith.constant 0 : index
    %get3A_162 = vector.load %arg2[%get3A_159, %get3A_160, %get3A_161] : memref<9x128x256xbf16, #tpu.memory_space<vmem>>, vector<1x128x256xbf16>
    %get3A_163 = vector.shape_cast %get3A_162 : vector<1x128x256xbf16> to vector<128x256xbf16>
    %dot_general3A_164 = arith.constant dense<0.000000e+00> : vector<400x256xf32>
    %dot_general3A_165 = tpu.matmul %convert_element_type3A_158, %get3A_163, %dot_general3A_164 {dimension_numbers = #tpu.dot_dimension_numbers<[1], [0], [0], [1], [0, 0, 1, 1], [], []>, transpose_lhs_hint = false} : vector<400x128xbf16>, vector<128x256xbf16>, vector<400x256xf32> -> vector<400x256xf32>
    %add3A_166 = arith.addf %add3A_145, %dot_general3A_165 : vector<400x256xf32>
    %get3A_167 = arith.constant 7 : index
    %get3A_168 = arith.constant 0 : index
    %get3A_169 = arith.constant 0 : index
    %get3A_170 = vector.load %arg1[%get3A_167, %get3A_168, %get3A_169] : memref<9x400x128xf32, #tpu.memory_space<vmem>>, vector<1x400x128xf32>
    %get3A_171 = vector.shape_cast %get3A_170 : vector<1x400x128xf32> to vector<400x128xf32>
    %mul3A_172 = vector.broadcast %mul3A_16 : vector<1x128xf32> to vector<400x128xf32>
    %mul3A_173 = arith.mulf %get3A_171, %mul3A_172 : vector<400x128xf32>
    %add3A_174 = vector.broadcast %sub3A_21 : vector<1x128xf32> to vector<400x128xf32>
    %add3A_175 = arith.addf %mul3A_173, %add3A_174 : vector<400x128xf32>
    %max3A_176 = arith.constant 0.000000e+00 : f32
    %max3A_177 = vector.broadcast %max3A_176 : f32 to vector<400x128xf32>
    %max3A_178 = arith.maximumf %add3A_175, %max3A_177 : vector<400x128xf32>
    %convert_element_type3A_179 = arith.truncf %max3A_178 : vector<400x128xf32> to vector<400x128xbf16>
    %get3A_180 = arith.constant 7 : index
    %get3A_181 = arith.constant 0 : index
    %get3A_182 = arith.constant 0 : index
    %get3A_183 = vector.load %arg2[%get3A_180, %get3A_181, %get3A_182] : memref<9x128x256xbf16, #tpu.memory_space<vmem>>, vector<1x128x256xbf16>
    %get3A_184 = vector.shape_cast %get3A_183 : vector<1x128x256xbf16> to vector<128x256xbf16>
    %dot_general3A_185 = arith.constant dense<0.000000e+00> : vector<400x256xf32>
    %dot_general3A_186 = tpu.matmul %convert_element_type3A_179, %get3A_184, %dot_general3A_185 {dimension_numbers = #tpu.dot_dimension_numbers<[1], [0], [0], [1], [0, 0, 1, 1], [], []>, transpose_lhs_hint = false} : vector<400x128xbf16>, vector<128x256xbf16>, vector<400x256xf32> -> vector<400x256xf32>
    %add3A_187 = arith.addf %add3A_166, %dot_general3A_186 : vector<400x256xf32>
    %get3A_188 = arith.constant 8 : index
    %get3A_189 = arith.constant 0 : index
    %get3A_190 = arith.constant 0 : index
    %get3A_191 = vector.load %arg1[%get3A_188, %get3A_189, %get3A_190] : memref<9x400x128xf32, #tpu.memory_space<vmem>>, vector<1x400x128xf32>
    %get3A_192 = vector.shape_cast %get3A_191 : vector<1x400x128xf32> to vector<400x128xf32>
    %mul3A_193 = vector.broadcast %mul3A_16 : vector<1x128xf32> to vector<400x128xf32>
    %mul3A_194 = arith.mulf %get3A_192, %mul3A_193 : vector<400x128xf32>
    %add3A_195 = vector.broadcast %sub3A_21 : vector<1x128xf32> to vector<400x128xf32>
    %add3A_196 = arith.addf %mul3A_194, %add3A_195 : vector<400x128xf32>
    %max3A_197 = arith.constant 0.000000e+00 : f32
    %max3A_198 = vector.broadcast %max3A_197 : f32 to vector<400x128xf32>
    %max3A_199 = arith.maximumf %add3A_196, %max3A_198 : vector<400x128xf32>
    %convert_element_type3A_200 = arith.truncf %max3A_199 : vector<400x128xf32> to vector<400x128xbf16>
    %get3A_201 = arith.constant 8 : index
    %get3A_202 = arith.constant 0 : index
    %get3A_203 = arith.constant 0 : index
    %get3A_204 = vector.load %arg2[%get3A_201, %get3A_202, %get3A_203] : memref<9x128x256xbf16, #tpu.memory_space<vmem>>, vector<1x128x256xbf16>
    %get3A_205 = vector.shape_cast %get3A_204 : vector<1x128x256xbf16> to vector<128x256xbf16>
    %dot_general3A_206 = arith.constant dense<0.000000e+00> : vector<400x256xf32>
    %dot_general3A_207 = tpu.matmul %convert_element_type3A_200, %get3A_205, %dot_general3A_206 {dimension_numbers = #tpu.dot_dimension_numbers<[1], [0], [0], [1], [0, 0, 1, 1], [], []>, transpose_lhs_hint = false} : vector<400x128xbf16>, vector<128x256xbf16>, vector<400x256xf32> -> vector<400x256xf32>
    %add3A_208 = arith.addf %add3A_187, %dot_general3A_207 : vector<400x256xf32>
    %get3A_209 = arith.constant 0 : index
    %get3A_210 = arith.constant 0 : index
    %get3A_211 = vector.load %arg3[%get3A_209, %get3A_210] : memref<1x256xf32, #tpu.memory_space<vmem>>, vector<1x256xf32>
    %add3A_212 = vector.broadcast %get3A_211 : vector<1x256xf32> to vector<400x256xf32>
    %add3A_213 = arith.addf %add3A_208, %add3A_212 : vector<400x256xf32>
    %eq3A = arith.constant 0 : i32
    %eq3A_214 = arith.cmpi eq, %arg0, %eq3A : i32
    %convert_element_type3A_215 = arith.extui %eq3A_214 : i1 to i32
    %cond3A = arith.constant 0 : i32
    %cond3A_216 = arith.cmpi ne, %convert_element_type3A_215, %cond3A : i32
    scf.if %cond3A_216 {
      %broadcast_in_dim3A_275 = arith.constant 0.000000e+00 : f32
      %broadcast_in_dim3A_276 = vector.broadcast %broadcast_in_dim3A_275 : f32 to vector<2x256xf32>
      %swap3A_277 = arith.constant 0 : index
      %swap3A_278 = arith.constant 0 : index
      %swap3A_279 = vector.load %arg7[%swap3A_277, %swap3A_278] : memref<2x256xf32, #tpu.memory_space<vmem>>, vector<2x256xf32>
      tpu.vector_store %arg7[%swap3A_277, %swap3A_278], %broadcast_in_dim3A_276 {strides = array<i32>} : memref<2x256xf32, #tpu.memory_space<vmem>>, vector<2x256xf32>,
    } else {
    }
    %get3A_217 = arith.constant 0 : index
    %get3A_218 = arith.constant 0 : index
    %get3A_219 = vector.load %arg7[%get3A_217, %get3A_218] : memref<2x256xf32, #tpu.memory_space<vmem>>, vector<1x256xf32>
    %reduce_sum3A = arith.constant dense<0.000000e+00> : vector<256xf32>
    %reduce_sum3A_220 = vector.multi_reduction <add>, %add3A_213, %reduce_sum3A [0] : vector<400x256xf32> to vector<256xf32>
    %broadcast_in_dim3A_221 = vector.shape_cast %reduce_sum3A_220 : vector<256xf32> to vector<1x256xf32>
    %add3A_222 = arith.addf %get3A_219, %broadcast_in_dim3A_221 : vector<1x256xf32>
    %swap3A = arith.constant 0 : index
    %swap3A_223 = arith.constant 0 : index
    %swap3A_224 = vector.load %arg7[%swap3A, %swap3A_223] : memref<2x256xf32, #tpu.memory_space<vmem>>, vector<1x256xf32>
    tpu.vector_store %arg7[%swap3A, %swap3A_223], %add3A_222 {strides = array<i32>} : memref<2x256xf32, #tpu.memory_space<vmem>>, vector<1x256xf32>,
    %get3A_225 = arith.constant 1 : index
    %get3A_226 = arith.constant 0 : index
    %get3A_227 = vector.load %arg7[%get3A_225, %get3A_226] : memref<2x256xf32, #tpu.memory_space<vmem>>, vector<1x256xf32>
    %mul3A_228 = arith.mulf %add3A_213, %add3A_213 : vector<400x256xf32>
    %reduce_sum3A_229 = arith.constant dense<0.000000e+00> : vector<256xf32>
    %reduce_sum3A_230 = vector.multi_reduction <add>, %mul3A_228, %reduce_sum3A_229 [0] : vector<400x256xf32> to vector<256xf32>
    %broadcast_in_dim3A_231 = vector.shape_cast %reduce_sum3A_230 : vector<256xf32> to vector<1x256xf32>
    %add3A_232 = arith.addf %get3A_227, %broadcast_in_dim3A_231 : vector<1x256xf32>
    %swap3A_233 = arith.constant 1 : index
    %swap3A_234 = arith.constant 0 : index
    %swap3A_235 = vector.load %arg7[%swap3A_233, %swap3A_234] : memref<2x256xf32, #tpu.memory_space<vmem>>, vector<1x256xf32>
    tpu.vector_store %arg7[%swap3A_233, %swap3A_234], %add3A_232 {strides = array<i32>} : memref<2x256xf32, #tpu.memory_space<vmem>>, vector<1x256xf32>,
    %eq3A_236 = arith.constant 0 : i32
    %eq3A_237 = arith.cmpi eq, %arg0, %eq3A_236 : i32
    %convert_element_type3A_238 = arith.extui %eq3A_237 : i1 to i32
    %cond3A_239 = arith.constant 0 : i32
    %cond3A_240 = arith.cmpi ne, %convert_element_type3A_238, %cond3A_239 : i32
    scf.if %cond3A_240 {
      %broadcast_in_dim3A_275 = arith.constant 0xFF800000 : f32
      %broadcast_in_dim3A_276 = vector.broadcast %broadcast_in_dim3A_275 : f32 to vector<4x256xf32>
      %swap3A_277 = arith.constant 0 : index
      %swap3A_278 = arith.constant 0 : index
      %swap3A_279 = vector.load %arg8[%swap3A_277, %swap3A_278] : memref<4x256xf32, #tpu.memory_space<vmem>>, vector<4x256xf32>
      tpu.vector_store %arg8[%swap3A_277, %swap3A_278], %broadcast_in_dim3A_276 {strides = array<i32>} : memref<4x256xf32, #tpu.memory_space<vmem>>, vector<4x256xf32>,
      %broadcast_in_dim3A_280 = arith.constant 0x7F800000 : f32
      %broadcast_in_dim3A_281 = vector.broadcast %broadcast_in_dim3A_280 : f32 to vector<4x256xf32>
      %swap3A_282 = arith.constant 0 : index
      %swap3A_283 = arith.constant 0 : index
      %swap3A_284 = vector.load %arg9[%swap3A_282, %swap3A_283] : memref<4x256xf32, #tpu.memory_space<vmem>>, vector<4x256xf32>
      tpu.vector_store %arg9[%swap3A_282, %swap3A_283], %broadcast_in_dim3A_281 {strides = array<i32>} : memref<4x256xf32, #tpu.memory_space<vmem>>, vector<4x256xf32>,
    } else {
    }
    %jit3A = arith.constant 25 : i32
    %div3A = arith.divsi %arg0, %jit3A : i32
    %sign3A = arith.constant 0 : i32
    %sign3A_241 = arith.cmpi sgt, %arg0, %sign3A : i32
    %sign3A_242 = arith.extui %sign3A_241 : i1 to i32
    %sign3A_243 = arith.constant 0 : i32
    %sign3A_244 = arith.cmpi slt, %arg0, %sign3A_243 : i32
    %sign3A_245 = arith.extui %sign3A_244 : i1 to i32
    %sign3A_246 = arith.subi %sign3A_242, %sign3A_245 : i32
    %sign3A_247 = arith.constant 0 : i32
    %sign3A_248 = arith.cmpi sgt, %jit3A, %sign3A_247 : i32
    %sign3A_249 = arith.extui %sign3A_248 : i1 to i32
    %sign3A_250 = arith.constant 0 : i32
    %sign3A_251 = arith.cmpi slt, %jit3A, %sign3A_250 : i32
    %sign3A_252 = arith.extui %sign3A_251 : i1 to i32
    %sign3A_253 = arith.subi %sign3A_249, %sign3A_252 : i32
    %ne3A = arith.cmpi ne, %sign3A_246, %sign3A_253 : i32
    %rem3A = arith.remsi %arg0, %jit3A : i32
    %ne3A_254 = arith.constant 0 : i32
    %ne3A_255 = arith.cmpi ne, %rem3A, %ne3A_254 : i32
    %and3A = arith.andi %ne3A, %ne3A_255 : i1
    %sub3A_256 = arith.constant 1 : i32
    %sub3A_257 = arith.subi %div3A, %sub3A_256 : i32
    %select_n3A = arith.select %and3A, %sub3A_257, %div3A : i32
    %get3A_258 = arith.index_cast %select_n3A : i32 to index
    %get3A_259 = arith.constant 0 : index
    %get3A_260 = vector.load %arg8[%get3A_258, %get3A_259] : memref<4x256xf32, #tpu.memory_space<vmem>>, vector<1x256xf32>
    %reduce_max3A = arith.constant dense<0xFF800000> : vector<256xf32>
    %reduce_max3A_261 = vector.multi_reduction <maximumf>, %add3A_213, %reduce_max3A [0] : vector<400x256xf32> to vector<256xf32>
    %broadcast_in_dim3A_262 = vector.shape_cast %reduce_max3A_261 : vector<256xf32> to vector<1x256xf32>
    %max3A_263 = arith.maximumf %get3A_260, %broadcast_in_dim3A_262 : vector<1x256xf32>
    %swap3A_264 = arith.index_cast %select_n3A : i32 to index
    %swap3A_265 = arith.constant 0 : index
    %swap3A_266 = vector.load %arg8[%swap3A_264, %swap3A_265] : memref<4x256xf32, #tpu.memory_space<vmem>>, vector<1x256xf32>
    tpu.vector_store %arg8[%swap3A_264, %swap3A_265], %max3A_263 {strides = array<i32>} : memref<4x256xf32, #tpu.memory_space<vmem>>, vector<1x256xf32>,
    %get3A_267 = arith.index_cast %select_n3A : i32 to index
    %get3A_268 = arith.constant 0 : index
    %get3A_269 = vector.load %arg9[%get3A_267, %get3A_268] : memref<4x256xf32, #tpu.memory_space<vmem>>, vector<1x256xf32>
    %reduce_min3A = arith.constant dense<0x7F800000> : vector<256xf32>
    %reduce_min3A_270 = vector.multi_reduction <minimumf>, %add3A_213, %reduce_min3A [0] : vector<400x256xf32> to vector<256xf32>
    %broadcast_in_dim3A_271 = vector.shape_cast %reduce_min3A_270 : vector<256xf32> to vector<1x256xf32>
    %min3A = arith.minimumf %get3A_269, %broadcast_in_dim3A_271 : vector<1x256xf32>
    %swap3A_272 = arith.index_cast %select_n3A : i32 to index
    %swap3A_273 = arith.constant 0 : index
    %swap3A_274 = vector.load %arg9[%swap3A_272, %swap3A_273] : memref<4x256xf32, #tpu.memory_space<vmem>>, vector<1x256xf32>
    tpu.vector_store %arg9[%swap3A_272, %swap3A_273], %min3A {strides = array<i32>} : memref<4x256xf32, #tpu.memory_space<vmem>>, vector<1x256xf32>,
    return
  }
  func.func @transform_0(%arg0: i32) -> (i32, i32, i32) {
    %c0_i32 = arith.constant 0 : i32
    %c0_i32_0 = arith.constant 0 : i32
    %c0_i32_1 = arith.constant 0 : i32
    return %c0_i32, %arg0, %c0_i32_0 : i32, i32, i32
  }
  func.func @transform_1(%arg0: i32) -> (i32, i32, i32) {
    %c0_i32 = arith.constant 0 : i32
    %c0_i32_0 = arith.constant 0 : i32
    %c0_i32_1 = arith.constant 0 : i32
    %c0_i32_2 = arith.constant 0 : i32
    return %c0_i32, %c0_i32_0, %c0_i32_1 : i32, i32, i32
  }
  func.func @transform_2(%arg0: i32) -> (i32, i32) {
    %c0_i32 = arith.constant 0 : i32
    %c0_i32_0 = arith.constant 0 : i32
    %c0_i32_1 = arith.constant 0 : i32
    return %c0_i32, %c0_i32_0 : i32, i32
  }
  func.func @transform_3(%arg0: i32) -> (i32, i32) {
    %c0_i32 = arith.constant 0 : i32
    %c0_i32_0 = arith.constant 0 : i32
    %c0_i32_1 = arith.constant 0 : i32
    return %c0_i32, %c0_i32_0 : i32, i32
  }
  func.func @transform_4(%arg0: i32) -> (i32, i32) {
    %c0_i32 = arith.constant 0 : i32
    %c0_i32_0 = arith.constant 0 : i32
    %c0_i32_1 = arith.constant 0 : i32
    return %c0_i32, %c0_i32_0 : i32, i32
  }
  func.func @transform_5(%arg0: i32) -> (i32, i32) {
    %c0_i32 = arith.constant 0 : i32
    %c0_i32_0 = arith.constant 0 : i32
    %c0_i32_1 = arith.constant 0 : i32
    return %c0_i32, %c0_i32_0 : i32, i32
  }
  func.func @transform_6(%arg0: i32) -> (i32, i32) {
    %c0_i32 = arith.constant 0 : i32
    %c0_i32_0 = arith.constant 0 : i32
    %c0_i32_1 = arith.constant 0 : i32
    return %c0_i32, %c0_i32_0 : i32, i32
  }
  func.func @transform_7(%arg0: i32) -> (i32, i32) {
    %c0_i32 = arith.constant 0 : i32
    %c0_i32_0 = arith.constant 0 : i32
    %c0_i32_1 = arith.constant 0 : i32
    return %c0_i32, %c0_i32_0 : i32, i32
  }
  func.func @transform_8(%arg0: i32) -> (i32, i32) {
    %c0_i32 = arith.constant 0 : i32
    %c0_i32_0 = arith.constant 0 : i32
    %c0_i32_1 = arith.constant 0 : i32
    return %c0_i32, %c0_i32_0 : i32, i32
  }
}

module attributes {stable_mosaic.version = 14 : i64} {
  func.func @_final_body(%arg0: memref<4x256xf32, #tpu.memory_space<vmem>>, %arg1: memref<4x256xf32, #tpu.memory_space<vmem>>, %arg2: memref<2x256xf32, #tpu.memory_space<vmem>>, %arg3: memref<1x256xf32, #tpu.memory_space<vmem>>, %arg4: memref<1x256xf32, #tpu.memory_space<vmem>>, %arg5: memref<256x256xf32, #tpu.memory_space<vmem>>, %arg6: memref<1x256xf32, #tpu.memory_space<vmem>>, %arg7: memref<4x256xf32, #tpu.memory_space<vmem>>) attributes {dimension_semantics = [], scalar_prefetch = 0 : i64, scratch_operands = 0 : i64, tpu.core_type = #tpu.core_type<tc>} {
    %get3A = arith.constant 0 : index
    %get3A_0 = arith.constant 0 : index
    %get3A_1 = vector.load %arg2[%get3A, %get3A_0] : memref<2x256xf32, #tpu.memory_space<vmem>>, vector<1x256xf32>
    %mul3A = arith.constant 2.500000e-05 : f32
    %mul3A_2 = vector.broadcast %mul3A : f32 to vector<1x256xf32>
    %mul3A_3 = arith.mulf %get3A_1, %mul3A_2 : vector<1x256xf32>
    %get3A_4 = arith.constant 1 : index
    %get3A_5 = arith.constant 0 : index
    %get3A_6 = vector.load %arg2[%get3A_4, %get3A_5] : memref<2x256xf32, #tpu.memory_space<vmem>>, vector<1x256xf32>
    %mul3A_7 = arith.constant 2.500000e-05 : f32
    %mul3A_8 = vector.broadcast %mul3A_7 : f32 to vector<1x256xf32>
    %mul3A_9 = arith.mulf %get3A_6, %mul3A_8 : vector<1x256xf32>
    %mul3A_10 = arith.mulf %mul3A_3, %mul3A_3 : vector<1x256xf32>
    %sub3A = arith.subf %mul3A_9, %mul3A_10 : vector<1x256xf32>
    %get3A_11 = arith.constant 0 : index
    %get3A_12 = arith.constant 0 : index
    %get3A_13 = vector.load %arg3[%get3A_11, %get3A_12] : memref<1x256xf32, #tpu.memory_space<vmem>>, vector<1x256xf32>
    %add3A = arith.constant 9.99999974E-6 : f32
    %add3A_14 = vector.broadcast %add3A : f32 to vector<1x256xf32>
    %add3A_15 = arith.addf %sub3A, %add3A_14 : vector<1x256xf32>
    %rsqrt3A = math.rsqrt %add3A_15 : vector<1x256xf32>
    %mul3A_16 = arith.mulf %get3A_13, %rsqrt3A : vector<1x256xf32>
    %get3A_17 = arith.constant 0 : index
    %get3A_18 = arith.constant 0 : index
    %get3A_19 = vector.load %arg4[%get3A_17, %get3A_18] : memref<1x256xf32, #tpu.memory_space<vmem>>, vector<1x256xf32>
    %mul3A_20 = arith.mulf %mul3A_3, %mul3A_16 : vector<1x256xf32>
    %sub3A_21 = arith.subf %get3A_19, %mul3A_20 : vector<1x256xf32>
    %get3A_22 = arith.constant 0 : index
    %get3A_23 = arith.constant 0 : index
    %get3A_24 = vector.load %arg0[%get3A_22, %get3A_23] : memref<4x256xf32, #tpu.memory_space<vmem>>, vector<4x256xf32>
    %mul3A_25 = vector.broadcast %mul3A_16 : vector<1x256xf32> to vector<4x256xf32>
    %mul3A_26 = arith.mulf %mul3A_25, %get3A_24 : vector<4x256xf32>
    %add3A_27 = vector.broadcast %sub3A_21 : vector<1x256xf32> to vector<4x256xf32>
    %add3A_28 = arith.addf %mul3A_26, %add3A_27 : vector<4x256xf32>
    %max3A = arith.constant 0.000000e+00 : f32
    %max3A_29 = vector.broadcast %max3A : f32 to vector<4x256xf32>
    %max3A_30 = arith.maximumf %add3A_28, %max3A_29 : vector<4x256xf32>
    %get3A_31 = arith.constant 0 : index
    %get3A_32 = arith.constant 0 : index
    %get3A_33 = vector.load %arg1[%get3A_31, %get3A_32] : memref<4x256xf32, #tpu.memory_space<vmem>>, vector<4x256xf32>
    %mul3A_34 = vector.broadcast %mul3A_16 : vector<1x256xf32> to vector<4x256xf32>
    %mul3A_35 = arith.mulf %mul3A_34, %get3A_33 : vector<4x256xf32>
    %add3A_36 = vector.broadcast %sub3A_21 : vector<1x256xf32> to vector<4x256xf32>
    %add3A_37 = arith.addf %mul3A_35, %add3A_36 : vector<4x256xf32>
    %max3A_38 = arith.constant 0.000000e+00 : f32
    %max3A_39 = vector.broadcast %max3A_38 : f32 to vector<4x256xf32>
    %max3A_40 = arith.maximumf %add3A_37, %max3A_39 : vector<4x256xf32>
    %gt3A = arith.constant 0.000000e+00 : f32
    %gt3A_41 = vector.broadcast %gt3A : f32 to vector<1x256xf32>
    %gt3A_42 = arith.cmpf ogt, %mul3A_16, %gt3A_41 : vector<1x256xf32>
    %broadcast_in_dim3A = vector.shape_cast %gt3A_42 : vector<1x256xi1> to vector<1x256xi1>
    %broadcast_in_dim3A_43 = vector.broadcast %broadcast_in_dim3A : vector<1x256xi1> to vector<4x256xi1>
    %select_n3A = arith.select %broadcast_in_dim3A_43, %max3A_30, %max3A_40 : vector<4x256xi1>, vector<4x256xf32>
    %get3A_44 = arith.constant 0 : index
    %get3A_45 = arith.constant 0 : index
    %get3A_46 = vector.load %arg5[%get3A_44, %get3A_45] : memref<256x256xf32, #tpu.memory_space<vmem>>, vector<256x256xf32>
    %dot_general3A = arith.constant dense<0.000000e+00> : vector<4x256xf32>
    %dot_general3A_47 = tpu.matmul %select_n3A, %get3A_46, %dot_general3A {dimension_numbers = #tpu.dot_dimension_numbers<[1], [1], [0], [0], [0, 0, 1, 0], [], []>, transpose_lhs_hint = false} : vector<4x256xf32>, vector<256x256xf32>, vector<4x256xf32> -> vector<4x256xf32>
    %get3A_48 = arith.constant 0 : index
    %get3A_49 = arith.constant 0 : index
    %get3A_50 = vector.load %arg6[%get3A_48, %get3A_49] : memref<1x256xf32, #tpu.memory_space<vmem>>, vector<1x256xf32>
    %add3A_51 = vector.broadcast %get3A_50 : vector<1x256xf32> to vector<4x256xf32>
    %add3A_52 = arith.addf %dot_general3A_47, %add3A_51 : vector<4x256xf32>
    %swap3A = arith.constant 0 : index
    %swap3A_53 = arith.constant 0 : index
    %swap3A_54 = vector.load %arg7[%swap3A, %swap3A_53] : memref<4x256xf32, #tpu.memory_space<vmem>>, vector<4x256xf32>
    tpu.vector_store %arg7[%swap3A, %swap3A_53], %add3A_52 {strides = array<i32>} : memref<4x256xf32, #tpu.memory_space<vmem>>, vector<4x256xf32>,
    return
  }
}

</mosaic_0001>

<sc_bundles>
// kernel: kernel.12.cloned.1.call-start
scs
__scs_entry_jumppad:
0x0: {  	(pc) =	sbr.rel $0x88, $3  }
0x1: {  	(tag) =	ssettag $0x0;
	lr =	simm.s32 $0x1  }
0x2: {  	[smem:$0x3F91] =	sst lr;
	_ =	strace $0xD0000000  }
0x3: {  	_ = 	snop  }
0x4: {  	_ = 	snop  }
0x5: {  	_ = 	snop  }
0x6: {  	_ = 	snop  }
0x7: {  	_ = 	snop  }
__scs_overlays_trampoline_lowered:
0x8: {  	[smem:$0x3FA0] =	sst s0  }
0x9: {  	[smem:$0x3FA1] =	sst s1  }
0xa: {  	[smem:$0x3FA2] =	sst s2  }
0xb: {  	[smem:$0x3FA3] =	sst s3  }
0xc: {  	[smem:$0x3FA4] =	sst s4  }
0xd: {  	[smem:$0x3FA5] =	sst s5  }
0xe: {  	[smem:$0x3FA6] =	sst s6  }
0xf: {  	[smem:$0x3FA7] =	sst s7  }
0x10: {  	[smem:$0x3FA8] =	sst s8  }
0x11: {  	[smem:$0x3FA9] =	sst s9;
	s0 =	simm.s32 @!p0 $0x0  }
0x12: {  	s1 =	sld [smem:$0x3F8F];
	s0 =	simm.s32 @p0 $0x1  }
0x13: {  	[smem:$0x3FAA] =	sst s0;
	s0 =	simm.s32 @!p1 $0x0  }
0x14: {  	s2 =	sld [smem:$0x3F8E];
	s0 =	simm.s32 @p1 $0x1  }
0x15: {  	[smem:$0x3FAB] =	sst s0;
	s0 =	simm.s32 @!p2 $0x0  }
0x16: {  	s3 =	sld [smem:$0x3FDB];
	s0 =	simm.s32 @p2 $0x1  }
0x17: {  	s4 =	simm.s32 $0x1BF5;
	[smem:$0x3FAD] =	sst s0  }
0x18: {  	s0 =	sld [smem:$0x3F90];
	_ =	swait.ge [sflag:s4], $0x0  }
0x19: {  	s7 =	sld [smem:$0x3F91]  }
0x1a: {  	s8 =	sadd.s32 $0xFFFFE003, lr  }
0x1b: {  	s9 =	sadd.s32 $0xFFFFFEF7, lr;
	s5 =	simm.s32 $0xFFFFFFFF;
	p2 =	slt.u32 s8, $0xFFFFF086  }
0x1c: {  	p1 =	slt.u32 s9, $0xF7A;
	s5 =	simm.s32 @!p2 $0x0  }
0x1d: {  	s5 =	simm.s32 @p1 $0x1;
	p0 =	seq.s32 s7, s2  }
0x1e: {  	s7 =	smul.u32 @!p0 $0xF7A, s2;
	p2 =	seq.s32 @!p0 s5, $0x0  }
0x1f: {  	s9 =	smul.u32 $0xF7A, s1;
	s8 =	simm.s32 @!p0 $0x1BF5;
	p2 =	por !p2, p0  }
0x20: {  	[sflag:s8] =	ssyncset.s32 @!p0 $0xFFFFF086;
	s6 =	sadd.s32 @!p0 s3, s7;
	s7 =	simm.s32 @!p0 $0x108  }
0x21: {  	s3 =	sadd.s32 s3, s9;
	s6 =	sadd.s32 @!p0 $0x88, s6;
	s7 =	simm.s32 @p2 $0x1082  }
0x22: {  	[simem:s7], [sflag:s8] =	dma.local @!p0 [hbm:s6], $0xF7A  }
0x23: {  	s9 =	sor.u32 $0xD0000000, s2;
	s6 =	simm.s32 $0x108;
	_ =	swait.ge @!p0 [sflag:s8], $0x0  }
0x24: {  	s3 =	sadd.s32 $0x88, s3;
	s6 =	simm.s32 @!p1 $0x1082;
	[sflag:s4] =	ssyncset.s32 $0xFFFFF086  }
0x25: {  	[simem:s6], [sflag:s4] =	dma.local [hbm:s3], $0xF7A  }
0x26: {  	[smem:$0x3F91] =	sst s1;
	(tag) =	ssettag s2;
	_ =	strace s9  }
0x27: {  	s1 =	sld [smem:$0x3FA1]  }
0x28: {  	s2 =	sld [smem:$0x3FA2]  }
0x29: {  	s4 =	sld [smem:$0x3FA4]  }
0x2a: {  	p0 =	seq.s32 s5, $0x0;
	s5 =	sld [smem:$0x3FA5]  }
0x2b: {  	s6 =	sld [smem:$0x3FA6]  }
0x2c: {  	s7 =	sld [smem:$0x3FA7]  }
0x2d: {  	s3 =	simm.s32 $0x108;
	s8 =	sld [smem:$0x3FA8]  }
0x2e: {  	s3 =	simm.s32 @!p0 $0x1082;
	s9 =	sld [smem:$0x3FA9]  }
0x2f: {  	lr =	sadd.s32 s0, s3;
	s0 =	sld [smem:$0x3FA0]  }
0x30: {  	s3 =	sld [smem:$0x3FA3]  }
0x31: {  	[smem:$0x3FAC] =	sst s10  }
0x32: {  	s10 =	sld [smem:$0x3FAA];
	_ =	sdelay $0x3  }
0x33: {  	p0 =	seq.s32 s10, $0x1;
	s10 =	sld [smem:$0x3FAC];
	_ =	sdelay $0x3  }
0x34: {  	[smem:$0x3FAC] =	sst s10  }
0x35: {  	s10 =	sld [smem:$0x3FAB];
	_ =	sdelay $0x3  }
0x36: {  	p1 =	seq.s32 s10, $0x1;
	s10 =	sld [smem:$0x3FAC];
	_ =	sdelay $0x3  }
0x37: {  	[smem:$0x3FAC] =	sst s10  }
0x38: {  	s10 =	sld [smem:$0x3FAD]  }
0x39: {  	_ = 	snop;
	(pc) =	sbr.ind lr, $3  }
0x3a: {  	_ = 	snop  }
0x3b: {  	_ = 	snop  }
0x3c: {  	p2 =	seq.s32 s10, $0x1;
	s10 =	sld [smem:$0x3FAC]  }
0x3d: {  	_ =	shalt  }
0x3e: {  	_ =	shalt  }
0x3f: {  	_ =	shalt  }
0x40: {  	_ =	shalt  }
0x41: {  	_ =	shalt  }
0x42: {  	_ =	shalt  }
0x43: {  	_ =	shalt  }
0x44: {  	_ =	shalt  }
0x45: {  	_ =	shalt  }
0x46: {  	_ =	shalt  }
0x47: {  	_ =	shalt  }
0x48: {  	_ =	shalt  }
0x49: {  	_ =	shalt  }
0x4a: {  	_ =	shalt  }
0x4b: {  	_ =	shalt  }
0x4c: {  	_ =	shalt  }
0x4d: {  	_ =	shalt  }
0x4e: {  	_ =	shalt  }
0x4f: {  	_ =	shalt  }
0x50: {  	_ =	shalt  }
0x51: {  	_ =	shalt  }
0x52: {  	_ =	shalt  }
0x53: {  	_ =	shalt  }
0x54: {  	_ =	shalt  }
0x55: {  	_ =	shalt  }
0x56: {  	_ =	shalt  }
0x57: {  	_ =	shalt  }
0x58: {  	_ =	shalt  }
0x59: {  	_ =	shalt  }
0x5a: {  	_ =	shalt  }
0x5b: {  	_ =	shalt  }
0x5c: {  	_ =	shalt  }
0x5d: {  	_ =	shalt  }
0x5e: {  	_ =	shalt  }
0x5f: {  	_ =	shalt  }
0x60: {  	_ =	shalt  }
0x61: {  	_ =	shalt  }
0x62: {  	_ =	shalt  }
0x63: {  	_ =	shalt  }
0x64: {  	_ =	shalt  }
0x65: {  	_ =	shalt  }
0x66: {  	_ =	shalt  }
0x67: {  	_ =	shalt  }
0x68: {  	_ =	shalt  }
0x69: {  	_ =	shalt  }
0x6a: {  	_ =	shalt  }
0x6b: {  	_ =	shalt  }
0x6c: {  	_ =	shalt  }
0x6d: {  	_ =	shalt  }
0x6e: {  	_ =	shalt  }
0x6f: {  	_ =	shalt  }
0x70: {  	_ =	shalt  }
0x71: {  	_ =	shalt  }
0x72: {  	_ =	shalt  }
0x73: {  	_ =	shalt  }
0x74: {  	_ =	shalt  }
0x75: {  	_ =	shalt  }
0x76: {  	_ =	shalt  }
0x77: {  	_ =	shalt  }
0x78: {  	_ =	shalt  }
0x79: {  	_ =	shalt  }
0x7a: {  	_ =	shalt  }
0x7b: {  	_ =	shalt  }
0x7c: {  	_ =	shalt  }
0x7d: {  	_ =	shalt  }
0x7e: {  	_ =	shalt  }
0x7f: {  	_ =	shalt  }
0x80: {  	_ =	shalt  }
0x81: {  	_ =	shalt  }
0x82: {  	_ =	shalt  }
0x83: {  	_ =	shalt  }
0x84: {  	_ =	shalt  }
0x85: {  	_ =	shalt  }
0x86: {  	_ =	shalt  }
0x87: {  	_ =	shalt  }
.Lfunc_end0:
.L_simem_size_0:
called_computation.1_lowered:
.L_overlay_start_0:
0x88: {  	s2 =	sld [smem:$0x3FD9]  }
0x89: {  	s3 =	sld [smem:$0x3FFE];
	_ =	sdelay $0x1  }
0x8a: {  	s1 =	srdreg.scid  }
0x8b: {  	s0 =	sand.u32 $0x1, s1  }
0x8c: {  	s16 =	sshll.u32 s0, $0xA;
	s2 =	sadd.s32 s3, s2  }
0x8d: {  	s2 =	sadd.s32 s2, s16  }
0x8e: {  	[smem:$0x3FB8] =	sst s2  }
0x8f: {  	_ = 	snop  }
0x90: {  	(tm) =	ssettm $0x1  }
0x91: {  	s17 =	sld [smem:$0x3FFB];
	_ =	sdelay $0x3  }
0x92: {  	_ =	strace s17  }
0x93: {  	s2 =	sld [smem:$0x3FFC];
	_ =	sdelay $0x3  }
0x94: {  	_ =	strace s2  }
0x95: {  	s2 =	sld [smem:$0x3FFD];
	_ =	sdelay $0x3  }
0x96: {  	_ =	strace s2  }
0x97: {  	_ =	strace $0x8FFFFFFF  }
0x98: {  	s18 =	sld [smem:$0x3FDB];
	_ =	sdelay $0x1  }
0x99: {  	s19 =	simm.s32 $_scs_section_size  }
0x9a: {  	s4 =	simm.s32 $_size__tile_overlayer_lowered;
	s5 =	simm.s32 $_tile_overlayer_lowered  }
0x9b: {  	s22 =	simm.s32 $0x1BFF;
	s21 =	sshll.u32 s5, $0x1;
	s2 =	sadd.s32 s19, s18  }
0x9c: {  	s6 =	simm.s32 $0x0;
	s20 =	sshll.u32 s4, $0x1;
	s4 =	sadd.s32 s21, s2  }
0x9d: {  	[timem:s6], [sflag:s22] =	dma.local [hbm:s4], s20  }
0x9e: {  	_ =	swait.ge [sflag:s22], s20  }
0x9f: {  	s3 =	ssub.s32 $0x0, s20;
	[sflag:s22] =	ssyncset.done $0x0  }
0xa0: {  	[sflag:s22] =	ssyncadd.s32 s3;
	_ =	sdelay $0x1  }
0xa1: {  	s23 =	simm.s32 $0x1B8B  }
0xa2: {  	_ =	swait.ge [sflag:s23], $0x1  }
0xa3: {  	[sflag:s23] =	ssyncset.done $0x0  }
0xa4: {  	s25 =	simm.s32 $0x1B8E;
	s24 =	sld [smem:$0x3FFE];
	[sflag:s23] =	ssyncadd.s32 $0xFFFFFFFF  }
0xa5: {  	s26 =	simm.s32 $execute0_lowered;
	[smem:$0x3FD2] =	sst s25  }
0xa6: {  	s4 =	sshll.u32 s26, $0x1;
	_ =	strace $0x80000049;
	[dreg:$0x1] =	wrdreg $0xFFFFFFFF  }
0xa7: {  	s28 =	simm.s32 $_size_execute0_lowered;
	s2 =	sadd.s32 s2, s4;
	[dreg:$0x0] =	wrdreg $0x0  }
0xa8: {  	s4 =	sshll.u32 s28, $0x1;
	[dreg:$0x2] =	wrdreg s2  }
0xa9: {  	[dreg:$0x3] =	wrdreg s4  }
0xaa: {  	[dreg:$0x4] =	wrdreg $0xC0  }
0xab: {  	_ =	task [dreg:s6], $0x5FFFF  }
0xac: {  	[dreg:$0x1] =	wrdreg $0xFFFFFFFF  }
0xad: {  	[dreg:$0x0] =	wrdreg $0x60  }
0xae: {  	[dreg:$0x2] =	wrdreg s24  }
0xaf: {  	[dreg:$0x3] =	wrdreg $0x9  }
0xb0: {  	_ =	task.clear_ibuf [dreg:s6], $0x4FFFF;
	_ =	strace $0x90000049  }
0xb1: {  	s29 =	simm.s32 $0x9;
	_ =	strace $0x8000004B  }
0xb2: {  	_ =	swait.ge [sflag:s29], $0x1  }
0xb3: {  	[sflag:s29] =	ssyncadd.s32 $0xFFFFFFFF  }
0xb4: {  	_ =	strace $0x9000004B  }
0xb5: {  	_ =	sfence  }
0xb6: {  	s30 =	sld [smem:$0x0];
	_ =	sdelay $0x2  }
0xb7: {  	s31 =	sshll.u32 s1, $0xD;
	s1 =	sshrl.u32 s1, $0x2  }
0xb8: {  	s3 =	sand.u32 $0x4000, s31;
	s1 =	sadd.s32 s1, s30  }
0xb9: {  	s0 =	sor.u32 s3, s0;
	s1 =	sshll.u32 s1, $0x11  }
0xba: {  	s0 =	sor.u32 s1, s0  }
0xbb: {  	s0 =	sadd.s32 $0x8F2B, s0  }
0xbc: {  	[sflag:s0] =	ssyncadd.remote.s32 $0x1  }
0xbd: {  	_ =	sfence.sel $0xFFFF  }
0xbe: {  	[dreg:$0x0] =	wrdreg $0xFFFFFFFF;
	(pc) =	sbr.abs _section_cstart, $3  }
0xbf: {  	[dreg:$0x1] =	wrdreg $0xFFFFFFFF  }
0xc0: {  	_ =	task.clear_ibuf [dreg:s6], $0x2FFFF;
	_ =	strace $0x9FFFFFFF  }
0xc1: {  	(tm) =	ssettm $0x7FFFFFFF  }
tec
execute0_lowered:
.L_overlay_start_1:
0x0: {  	(tag) =	ssettag $0x1  }
0x1: {  	s0 =	srdreg.scid  }
0x2: {  	s6 =	stileid.u32;
	s1 =	rddreg [dreg:$0x0];
	s2 =	simm.s32 $0x0  }
0x3: {  	s10 =	simm.s32 $0x80;
	s11 =	simm.s32 $0x2D00;
	s12 =	simm.s32 $0x4D00  }
0x4: {  	s14 =	simm.s32 $0x6D00;
	s16 =	simm.s32 $0x8D00;
	s18 =	simm.s32 $0xAD00  }
0x5: {  	s20 =	simm.s32 $0xCD00;
	s21 =	simm.s32 $0x1;
	s22 =	simm.s32 $0x2  }
0x6: {  	s23 =	simm.s32 $0x3;
	s28 =	simm.s32 $0x7;
	s29 =	simm.s32 $0x8  }
0x7: {  	s30 =	simm.s32 $0x9;
	s31 =	simm.s32 $0xA;
	s7 =	smul.u32 $0x2D000, s6  }
0x8: {  	s13 =	simm.s32 $0x0;
	s0 =	sand.u32 $0x1, s0;
	s8 =	smul.u32 $0x168000, s6  }
0x9: {  	s3 =	sshll.u32 s6, $0x1;
	[smem:$0x7FF] =	sst s2;
	s9 =	smul.u32 $0xB4000, s0  }
0xa: {  	s3 =	sor.u32 s0, s3;
	s5 =	ssub.s32 $0x2, s0;
	s0 =	smul.u32 $0x16800, s0  }
0xb: {  	_ =	strace $0x8000004A;
	s4 =	smul.u32 $0x5A0, s3;
	s24 =	sshrl.u32 s5, $0x1  }
0xc: {  	s3 =	sadd.s32 $0x3800, s1;
	s25 =	ssub.s32 s5, s24;
	s26 =	sadd.s32 s9, s8  }
.Ltmp0:
0xd: {  	s7 =	sadd.s32 s0, s7;
	s24 =	simm.s32 $0x4;
	(pc) =	sbr.rel .LBB2_1-.Ltmp0, $4  }
0xe: {  	s0 =	simm.s32 $0xC;
	s4 =	sadd.s32 s4, s1;
	s1 =	sadd.s32 $0xE1A00, s1  }
0xf: {  	s8 =	sshrl.u32 s26, $0x3;
	[dreg:$0x2] =	wrdreg s1;
	s4 =	sadd.s32 $0xD6600, s4  }
0x10: {  	s26 =	simm.s32 $0x6;
	s1 =	smax.u32 s25, $0x1;
	[dreg:$0x3] =	wrdreg s4  }
0x11: {  	s25 =	simm.s32 $0x5;
	[dreg:$0x4] =	wrdreg s1;
	s1 =	simm.s32 $0xB  }
.LBB2_4:
0x12: {  	_ =	swait.ge [sflag:s28], $0x2000  }
0x13: {  	[sflag:s28] =	ssyncset.done $0x0  }
0x14: {  	[sflag:s28] =	ssyncadd.s32 $0xFFFFE000  }
0x15: {  	_ =	swait.ge [sflag:s29], $0x2000  }
0x16: {  	[sflag:s29] =	ssyncset.done $0x0  }
0x17: {  	[sflag:s29] =	ssyncadd.s32 $0xFFFFE000  }
0x18: {  	_ =	swait.ge [sflag:s30], $0x2000  }
0x19: {  	[sflag:s30] =	ssyncset.done $0x0  }
0x1a: {  	[sflag:s30] =	ssyncadd.s32 $0xFFFFE000  }
0x1b: {  	_ =	swait.ge [sflag:s31], $0x2000  }
0x1c: {  	[sflag:s31] =	ssyncset.done $0x0  }
0x1d: {  	[sflag:s31] =	ssyncadd.s32 $0xFFFFE000  }
0x1e: {  	_ =	swait.ge [sflag:s1], $0x2000  }
0x1f: {  	[sflag:s1] =	ssyncset.done $0x0  }
0x20: {  	[sflag:s1] =	ssyncadd.s32 $0xFFFFE000  }
0x21: {  	_ =	swait.ge [sflag:s0], $0x2000  }
0x22: {  	s13 =	sadd.s32 $0x1, s13;
	s4 =	rddreg [dreg:$0x4]  }
0x23: {  	p0 =	sne.s32 s13, s4  }
.Ltmp1:
0x24: {  	_ = 	snop;
	(pc) =	sbr.rel @!p0 .LBB2_5-.Ltmp1, $3  }
0x25: {  	_ =	sdelay $0x1  }
0x26: {  	[sflag:s0] =	ssyncset.done $0x0  }
0x27: {  	[sflag:s0] =	ssyncadd.s32 $0xFFFFE000  }
.LBB2_1:
0x28: {  	s4 =	rddreg [dreg:$0x3];
	s6 =	simm.s32 $0xD  }
0x29: {  	[tilespmem:s2], [sflag:$0xD] =	stream.linear.gather [hbm4b:s4+s2], $0x2D00, $0x38;
	[tilespmem:$0xED00] =	vst v63  }
0x2a: {  	_ =	swait.ge [sflag:s6], $0x2D00  }
0x2b: {  	[sflag:s6] =	ssyncset.done $0x0  }
0x2c: {  	[sflag:s6] =	ssyncadd.s32 $0xFFFFD300  }
0x2d: {  	[tilespmem:s11], [sflag:$0x1] =	stream.indirect.gather [hbm4b:s3+s10], $0x40, s2, s10, $0xb8;
	[tilespmem:$0xED00] =	vst v63  }
0x2e: {  	_ = 	snop  }
0x2f: {  	[tilespmem:s12], [sflag:$0x2] =	stream.indirect.gather [hbm4b:s3+s10], $0x40, s10, s10, $0xb8;
	[tilespmem:$0xED00] =	vst v63  }
0x30: {  	s9 =	simm.s32 $0x100  }
0x31: {  	[tilespmem:s14], [sflag:$0x3] =	stream.indirect.gather [hbm4b:s3+s10], $0x40, s9, s10, $0xb8;
	[tilespmem:$0xED00] =	vst v63  }
0x32: {  	s15 =	simm.s32 $0x180  }
0x33: {  	[tilespmem:s16], [sflag:$0x4] =	stream.indirect.gather [hbm4b:s3+s10], $0x40, s15, s10, $0xb8;
	[tilespmem:$0xED00] =	vst v63  }
0x34: {  	s17 =	simm.s32 $0x200  }
0x35: {  	[tilespmem:s18], [sflag:$0x5] =	stream.indirect.gather [hbm4b:s3+s10], $0x40, s17, s10, $0xb8;
	[tilespmem:$0xED00] =	vst v63  }
0x36: {  	s19 =	simm.s32 $0x280;
	s4 =	rddreg [dreg:$0x2];
	s17 =	simm.s32 $0x0  }
0x37: {  	[tilespmem:s20], [sflag:$0x6] =	stream.indirect.gather [hbm4b:s3+s10], $0x40, s19, s10, $0xb8;
	[tilespmem:$0xED00] =	vst v63  }
.LBB2_2:
0x38: {  	_ =	swait.ge [sflag:s21], $0x2000  }
0x39: {  	[sflag:s21] =	ssyncset.done $0x0  }
0x3a: {  	s19 =	sadd.s32 s4, s8;
	p0 =	seq.s32 s17, $0xA800;
	[sflag:s21] =	ssyncadd.s32 $0xFFFFE000  }
0x3b: {  	[hbm4b:s19+s2] =	stream.linear.scatter [tilespmem:s11], [sflag:$0x7], $0x2000, $0x38;
	[tilespmem:$0xED00] =	vst v63  }
0x3c: {  	s19 =	simm.s32 @!p0 $0x7  }
0x3d: {  	_ =	swait.ge @!p0 [sflag:s19], $0x2000  }
0x3e: {  	[sflag:s19] =	ssyncset.done @!p0 $0x0  }
0x3f: {  	[sflag:s19] =	ssyncadd.s32 @!p0 $0xFFFFE000;
	s19 =	sshra.s32 @!p0 s17, $0x2  }
0x40: {  	s5 =	simm.s32 @!p0 $0x80;
	s6 =	simm.s32 @!p0 $0x2D00;
	s15 =	sadd.s32 @!p0 $0x300, s19  }
0x41: {  	[tilespmem:s6], [sflag:$0x1] =	stream.indirect.gather @!p0 [hbm4b:s3+s5], $0x40, s15, s5, $0xb8;
	[tilespmem:$0xED00] =	vst v63  }
0x42: {  	_ =	swait.ge [sflag:s22], $0x2000  }
0x43: {  	s6 =	sadd.s32 s4, s7;
	[sflag:s22] =	ssyncset.done $0x0  }
0x44: {  	s15 =	simm.s32 @!p0 $0x8;
	s9 =	sadd.s32 $0x400, s6;
	[sflag:s22] =	ssyncadd.s32 $0xFFFFE000  }
0x45: {  	[hbm4b:s9+s2] =	stream.linear.scatter [tilespmem:s12], [sflag:$0x8], $0x2000, $0x38;
	[tilespmem:$0xED00] =	vst v63  }
0x46: {  	_ =	swait.ge @!p0 [sflag:s15], $0x2000  }
0x47: {  	[sflag:s15] =	ssyncset.done @!p0 $0x0  }
0x48: {  	s9 =	simm.s32 @!p0 $0x4D00;
	[sflag:s15] =	ssyncadd.s32 @!p0 $0xFFFFE000;
	s15 =	sadd.s32 @!p0 $0x380, s19  }
0x49: {  	[tilespmem:s9], [sflag:$0x2] =	stream.indirect.gather @!p0 [hbm4b:s3+s5], $0x40, s15, s5, $0xb8;
	[tilespmem:$0xED00] =	vst v63  }
0x4a: {  	_ =	swait.ge [sflag:s23], $0x2000  }
0x4b: {  	[sflag:s23] =	ssyncset.done $0x0  }
0x4c: {  	s15 =	sadd.s32 $0x800, s6;
	s9 =	simm.s32 @!p0 $0x9;
	[sflag:s23] =	ssyncadd.s32 $0xFFFFE000  }
0x4d: {  	[hbm4b:s15+s2] =	stream.linear.scatter [tilespmem:s14], [sflag:$0x9], $0x2000, $0x38;
	[tilespmem:$0xED00] =	vst v63  }
0x4e: {  	_ =	swait.ge @!p0 [sflag:s9], $0x2000  }
0x4f: {  	[sflag:s9] =	ssyncset.done @!p0 $0x0  }
0x50: {  	s15 =	simm.s32 @!p0 $0x6D00;
	[sflag:s9] =	ssyncadd.s32 @!p0 $0xFFFFE000;
	s9 =	sadd.s32 @!p0 $0x400, s19  }
0x51: {  	[tilespmem:s15], [sflag:$0x3] =	stream.indirect.gather @!p0 [hbm4b:s3+s5], $0x40, s9, s5, $0xb8;
	[tilespmem:$0xED00] =	vst v63  }
0x52: {  	_ =	swait.ge [sflag:s24], $0x2000  }
0x53: {  	[sflag:s24] =	ssyncset.done $0x0  }
0x54: {  	s15 =	sadd.s32 $0xC00, s6;
	s9 =	simm.s32 @!p0 $0xA;
	[sflag:s24] =	ssyncadd.s32 $0xFFFFE000  }
0x55: {  	[hbm4b:s15+s2] =	stream.linear.scatter [tilespmem:s16], [sflag:$0xA], $0x2000, $0x38;
	[tilespmem:$0xED00] =	vst v63  }
0x56: {  	_ =	swait.ge @!p0 [sflag:s9], $0x2000  }
0x57: {  	[sflag:s9] =	ssyncset.done @!p0 $0x0  }
0x58: {  	s15 =	simm.s32 @!p0 $0x8D00;
	[sflag:s9] =	ssyncadd.s32 @!p0 $0xFFFFE000;
	s9 =	sadd.s32 @!p0 $0x480, s19  }
0x59: {  	[tilespmem:s15], [sflag:$0x4] =	stream.indirect.gather @!p0 [hbm4b:s3+s5], $0x40, s9, s5, $0xb8;
	[tilespmem:$0xED00] =	vst v63  }
0x5a: {  	_ =	swait.ge [sflag:s25], $0x2000  }
0x5b: {  	[sflag:s25] =	ssyncset.done $0x0  }
0x5c: {  	s15 =	sadd.s32 $0x1000, s6;
	s9 =	simm.s32 @!p0 $0xB;
	[sflag:s25] =	ssyncadd.s32 $0xFFFFE000  }
0x5d: {  	[hbm4b:s15+s2] =	stream.linear.scatter [tilespmem:s18], [sflag:$0xB], $0x2000, $0x38;
	[tilespmem:$0xED00] =	vst v63  }
0x5e: {  	_ =	swait.ge @!p0 [sflag:s9], $0x2000  }
0x5f: {  	[sflag:s9] =	ssyncset.done @!p0 $0x0  }
0x60: {  	s15 =	simm.s32 @!p0 $0xAD00;
	[sflag:s9] =	ssyncadd.s32 @!p0 $0xFFFFE000;
	s9 =	sadd.s32 @!p0 $0x500, s19  }
0x61: {  	[tilespmem:s15], [sflag:$0x5] =	stream.indirect.gather @!p0 [hbm4b:s3+s5], $0x40, s9, s5, $0xb8;
	[tilespmem:$0xED00] =	vst v63  }
.Ltmp2:
0x62: {  	_ = 	snop;
	(pc) =	sbr.rel @p0 .LBB2_4-.Ltmp2, $4  }
0x63: {  	_ =	swait.ge [sflag:s26], $0x2000  }
0x64: {  	[sflag:s26] =	ssyncset.done $0x0  }
0x65: {  	s19 =	sadd.s32 $0x1400, s6;
	[sflag:s26] =	ssyncadd.s32 $0xFFFFE000  }
0x66: {  	[hbm4b:s19+s2] =	stream.linear.scatter [tilespmem:s20], [sflag:$0xC], $0x2000, $0x38;
	[tilespmem:$0xED00] =	vst v63  }
.Ltmp3:
0x67: {  	(pc) =	sbr.rel .LBB2_2-.Ltmp3, $4  }
0x68: {  	_ =	swait.ge [sflag:s0], $0x2000  }
0x69: {  	s5 =	sshra.s32 s17, $0x2;
	s17 =	sadd.s32 $0xC00, s17;
	[sflag:s0] =	ssyncset.done $0x0  }
0x6a: {  	s4 =	sadd.s32 $0x1800, s4;
	s5 =	sadd.s32 $0x580, s5;
	[sflag:s0] =	ssyncadd.s32 $0xFFFFE000  }
0x6b: {  	[tilespmem:s20], [sflag:$0x6] =	stream.indirect.gather [hbm4b:s3+s10], $0x40, s5, s10, $0xb8;
	[tilespmem:$0xED00] =	vst v63  }
.LBB2_5:
0x6c: {  	_ =	sfence.sel $0x180000  }
0x6d: {  	[bflag:$0x0] =	sbarrier.arrive $0xFFFF  }
0x6e: {  	_ =	strace $0x9000004A  }
0x6f: {  	s0 =	stileid.u32;
	[bflag:$0x2] =	sbarrier.arrive $0xFFFF  }
0x70: {  	p0 =	sne.s32 s0, $0x0;
	s0 =	rddreg [dreg:$0x1]  }
0x71: {  	s0 =	sadd.s32 @!p0 $0x100000, s0  }
0x72: {  	[sflag:s0] =	ssyncadd.tile.s32 @!p0 $0x1;
	_ =	shalt  }
.Lfunc_end2:
_tile_overlayer_lowered:
.L_overlay_start_2:
0x73: {  	(tag) =	ssettag $0x2  }
0x74: {  	s0 =	rddreg [dreg:$0x0];
	s2 =	stileid.u32  }
0x75: {  	s1 =	rddreg [dreg:$0x1];
	p0 =	sne.s32 s2, $0x0  }
0x76: {  	s3 =	rddreg [dreg:$0x2];
	[bflag:$0x3] =	sbarrier.arrive $0xFFFF;
	s2 =	simm.s32 @!p0 $0x1C0D  }
0x77: {  	[timem:s3], [sflag:s2] =	dma.local @!p0 [hbm:s0], s1  }
0x78: {  	s0 =	simm.s32 @!p0 $0xD  }
0x79: {  	_ =	swait.ge @!p0 [sflag:s0], s1  }
0x7a: {  	s1 =	ssub.s32 @!p0 $0x0, s1;
	[sflag:s0] =	ssyncset.done @!p0 $0x0  }
0x7b: {  	[sflag:s0] =	ssyncadd.s32 @!p0 s1  }
0x7c: {  	[bflag:$0x3] =	sbarrier.arrive $0xFFFF  }
0x7d: {  	_ =	shalt  }

// kernel: kernel.15.cloned.1.call-start
scs
__scs_entry_jumppad:
0x0: {  	(pc) =	sbr.rel $0x88, $3  }
0x1: {  	(tag) =	ssettag $0x0;
	lr =	simm.s32 $0x1  }
0x2: {  	[smem:$0x3F91] =	sst lr;
	_ =	strace $0xD0000000  }
0x3: {  	_ = 	snop  }
0x4: {  	_ = 	snop  }
0x5: {  	_ = 	snop  }
0x6: {  	_ = 	snop  }
0x7: {  	_ = 	snop  }
__scs_overlays_trampoline_lowered:
0x8: {  	[smem:$0x3FA0] =	sst s0  }
0x9: {  	[smem:$0x3FA1] =	sst s1  }
0xa: {  	[smem:$0x3FA2] =	sst s2  }
0xb: {  	[smem:$0x3FA3] =	sst s3  }
0xc: {  	[smem:$0x3FA4] =	sst s4  }
0xd: {  	[smem:$0x3FA5] =	sst s5  }
0xe: {  	[smem:$0x3FA6] =	sst s6  }
0xf: {  	[smem:$0x3FA7] =	sst s7  }
0x10: {  	[smem:$0x3FA8] =	sst s8  }
0x11: {  	[smem:$0x3FA9] =	sst s9;
	s0 =	simm.s32 @!p0 $0x0  }
0x12: {  	s1 =	sld [smem:$0x3F8F];
	s0 =	simm.s32 @p0 $0x1  }
0x13: {  	[smem:$0x3FAA] =	sst s0;
	s0 =	simm.s32 @!p1 $0x0  }
0x14: {  	s2 =	sld [smem:$0x3F8E];
	s0 =	simm.s32 @p1 $0x1  }
0x15: {  	[smem:$0x3FAB] =	sst s0;
	s0 =	simm.s32 @!p2 $0x0  }
0x16: {  	s3 =	sld [smem:$0x3FDB];
	s0 =	simm.s32 @p2 $0x1  }
0x17: {  	s4 =	simm.s32 $0x1BF5;
	[smem:$0x3FAD] =	sst s0  }
0x18: {  	s0 =	sld [smem:$0x3F90];
	_ =	swait.ge [sflag:s4], $0x0  }
0x19: {  	s7 =	sld [smem:$0x3F91]  }
0x1a: {  	s8 =	sadd.s32 $0xFFFFE003, lr  }
0x1b: {  	s9 =	sadd.s32 $0xFFFFFEF7, lr;
	s5 =	simm.s32 $0xFFFFFFFF;
	p2 =	slt.u32 s8, $0xFFFFF086  }
0x1c: {  	p1 =	slt.u32 s9, $0xF7A;
	s5 =	simm.s32 @!p2 $0x0  }
0x1d: {  	s5 =	simm.s32 @p1 $0x1;
	p0 =	seq.s32 s7, s2  }
0x1e: {  	s7 =	smul.u32 @!p0 $0xF7A, s2;
	p2 =	seq.s32 @!p0 s5, $0x0  }
0x1f: {  	s9 =	smul.u32 $0xF7A, s1;
	s8 =	simm.s32 @!p0 $0x1BF5;
	p2 =	por !p2, p0  }
0x20: {  	[sflag:s8] =	ssyncset.s32 @!p0 $0xFFFFF086;
	s6 =	sadd.s32 @!p0 s3, s7;
	s7 =	simm.s32 @!p0 $0x108  }
0x21: {  	s3 =	sadd.s32 s3, s9;
	s6 =	sadd.s32 @!p0 $0x88, s6;
	s7 =	simm.s32 @p2 $0x1082  }
0x22: {  	[simem:s7], [sflag:s8] =	dma.local @!p0 [hbm:s6], $0xF7A  }
0x23: {  	s9 =	sor.u32 $0xD0000000, s2;
	s6 =	simm.s32 $0x108;
	_ =	swait.ge @!p0 [sflag:s8], $0x0  }
0x24: {  	s3 =	sadd.s32 $0x88, s3;
	s6 =	simm.s32 @!p1 $0x1082;
	[sflag:s4] =	ssyncset.s32 $0xFFFFF086  }
0x25: {  	[simem:s6], [sflag:s4] =	dma.local [hbm:s3], $0xF7A  }
0x26: {  	[smem:$0x3F91] =	sst s1;
	(tag) =	ssettag s2;
	_ =	strace s9  }
0x27: {  	s1 =	sld [smem:$0x3FA1]  }
0x28: {  	s2 =	sld [smem:$0x3FA2]  }
0x29: {  	s4 =	sld [smem:$0x3FA4]  }
0x2a: {  	p0 =	seq.s32 s5, $0x0;
	s5 =	sld [smem:$0x3FA5]  }
0x2b: {  	s6 =	sld [smem:$0x3FA6]  }
0x2c: {  	s7 =	sld [smem:$0x3FA7]  }
0x2d: {  	s3 =	simm.s32 $0x108;
	s8 =	sld [smem:$0x3FA8]  }
0x2e: {  	s3 =	simm.s32 @!p0 $0x1082;
	s9 =	sld [smem:$0x3FA9]  }
0x2f: {  	lr =	sadd.s32 s0, s3;
	s0 =	sld [smem:$0x3FA0]  }
0x30: {  	s3 =	sld [smem:$0x3FA3]  }
0x31: {  	[smem:$0x3FAC] =	sst s10  }
0x32: {  	s10 =	sld [smem:$0x3FAA];
	_ =	sdelay $0x3  }
0x33: {  	p0 =	seq.s32 s10, $0x1;
	s10 =	sld [smem:$0x3FAC];
	_ =	sdelay $0x3  }
0x34: {  	[smem:$0x3FAC] =	sst s10  }
0x35: {  	s10 =	sld [smem:$0x3FAB];
	_ =	sdelay $0x3  }
0x36: {  	p1 =	seq.s32 s10, $0x1;
	s10 =	sld [smem:$0x3FAC];
	_ =	sdelay $0x3  }
0x37: {  	[smem:$0x3FAC] =	sst s10  }
0x38: {  	s10 =	sld [smem:$0x3FAD]  }
0x39: {  	_ = 	snop;
	(pc) =	sbr.ind lr, $3  }
0x3a: {  	_ = 	snop  }
0x3b: {  	_ = 	snop  }
0x3c: {  	p2 =	seq.s32 s10, $0x1;
	s10 =	sld [smem:$0x3FAC]  }
0x3d: {  	_ =	shalt  }
0x3e: {  	_ =	shalt  }
0x3f: {  	_ =	shalt  }
0x40: {  	_ =	shalt  }
0x41: {  	_ =	shalt  }
0x42: {  	_ =	shalt  }
0x43: {  	_ =	shalt  }
0x44: {  	_ =	shalt  }
0x45: {  	_ =	shalt  }
0x46: {  	_ =	shalt  }
0x47: {  	_ =	shalt  }
0x48: {  	_ =	shalt  }
0x49: {  	_ =	shalt  }
0x4a: {  	_ =	shalt  }
0x4b: {  	_ =	shalt  }
0x4c: {  	_ =	shalt  }
0x4d: {  	_ =	shalt  }
0x4e: {  	_ =	shalt  }
0x4f: {  	_ =	shalt  }
0x50: {  	_ =	shalt  }
0x51: {  	_ =	shalt  }
0x52: {  	_ =	shalt  }
0x53: {  	_ =	shalt  }
0x54: {  	_ =	shalt  }
0x55: {  	_ =	shalt  }
0x56: {  	_ =	shalt  }
0x57: {  	_ =	shalt  }
0x58: {  	_ =	shalt  }
0x59: {  	_ =	shalt  }
0x5a: {  	_ =	shalt  }
0x5b: {  	_ =	shalt  }
0x5c: {  	_ =	shalt  }
0x5d: {  	_ =	shalt  }
0x5e: {  	_ =	shalt  }
0x5f: {  	_ =	shalt  }
0x60: {  	_ =	shalt  }
0x61: {  	_ =	shalt  }
0x62: {  	_ =	shalt  }
0x63: {  	_ =	shalt  }
0x64: {  	_ =	shalt  }
0x65: {  	_ =	shalt  }
0x66: {  	_ =	shalt  }
0x67: {  	_ =	shalt  }
0x68: {  	_ =	shalt  }
0x69: {  	_ =	shalt  }
0x6a: {  	_ =	shalt  }
0x6b: {  	_ =	shalt  }
0x6c: {  	_ =	shalt  }
0x6d: {  	_ =	shalt  }
0x6e: {  	_ =	shalt  }
0x6f: {  	_ =	shalt  }
0x70: {  	_ =	shalt  }
0x71: {  	_ =	shalt  }
0x72: {  	_ =	shalt  }
0x73: {  	_ =	shalt  }
0x74: {  	_ =	shalt  }
0x75: {  	_ =	shalt  }
0x76: {  	_ =	shalt  }
0x77: {  	_ =	shalt  }
0x78: {  	_ =	shalt  }
0x79: {  	_ =	shalt  }
0x7a: {  	_ =	shalt  }
0x7b: {  	_ =	shalt  }
0x7c: {  	_ =	shalt  }
0x7d: {  	_ =	shalt  }
0x7e: {  	_ =	shalt  }
0x7f: {  	_ =	shalt  }
0x80: {  	_ =	shalt  }
0x81: {  	_ =	shalt  }
0x82: {  	_ =	shalt  }
0x83: {  	_ =	shalt  }
0x84: {  	_ =	shalt  }
0x85: {  	_ =	shalt  }
0x86: {  	_ =	shalt  }
0x87: {  	_ =	shalt  }
.Lfunc_end0:
.L_simem_size_0:
called_computation.2_lowered:
.L_overlay_start_0:
0x88: {  	s2 =	sld [smem:$0x3FD9]  }
0x89: {  	s3 =	sld [smem:$0x3FFE];
	_ =	sdelay $0x1  }
0x8a: {  	s1 =	srdreg.scid  }
0x8b: {  	s0 =	sand.u32 $0x1, s1  }
0x8c: {  	s16 =	sshll.u32 s0, $0xA;
	s2 =	sadd.s32 s3, s2  }
0x8d: {  	s2 =	sadd.s32 s2, s16  }
0x8e: {  	[smem:$0x3FB8] =	sst s2  }
0x8f: {  	_ = 	snop  }
0x90: {  	(tm) =	ssettm $0x1  }
0x91: {  	s17 =	sld [smem:$0x3FFB];
	_ =	sdelay $0x3  }
0x92: {  	_ =	strace s17  }
0x93: {  	s2 =	sld [smem:$0x3FFC];
	_ =	sdelay $0x3  }
0x94: {  	_ =	strace s2  }
0x95: {  	s2 =	sld [smem:$0x3FFD];
	_ =	sdelay $0x3  }
0x96: {  	_ =	strace s2  }
0x97: {  	_ =	strace $0x8FFFFFFF  }
0x98: {  	s18 =	sld [smem:$0x3FDB];
	_ =	sdelay $0x1  }
0x99: {  	s19 =	simm.s32 $_scs_section_size  }
0x9a: {  	s4 =	simm.s32 $_size__tile_overlayer_lowered;
	s5 =	simm.s32 $_tile_overlayer_lowered  }
0x9b: {  	s22 =	simm.s32 $0x1BFF;
	s21 =	sshll.u32 s5, $0x1;
	s2 =	sadd.s32 s19, s18  }
0x9c: {  	s6 =	simm.s32 $0x0;
	s20 =	sshll.u32 s4, $0x1;
	s4 =	sadd.s32 s21, s2  }
0x9d: {  	[timem:s6], [sflag:s22] =	dma.local [hbm:s4], s20  }
0x9e: {  	_ =	swait.ge [sflag:s22], s20  }
0x9f: {  	s3 =	ssub.s32 $0x0, s20;
	[sflag:s22] =	ssyncset.done $0x0  }
0xa0: {  	[sflag:s22] =	ssyncadd.s32 s3;
	_ =	sdelay $0x1  }
0xa1: {  	s23 =	simm.s32 $0x1B8B  }
0xa2: {  	_ =	swait.ge [sflag:s23], $0x1  }
0xa3: {  	[sflag:s23] =	ssyncset.done $0x0  }
0xa4: {  	s25 =	simm.s32 $0x1B8E;
	s24 =	sld [smem:$0x3FFE];
	[sflag:s23] =	ssyncadd.s32 $0xFFFFFFFF  }
0xa5: {  	s26 =	simm.s32 $execute0_lowered;
	[smem:$0x3FD2] =	sst s25  }
0xa6: {  	s4 =	sshll.u32 s26, $0x1;
	_ =	strace $0x8000004C;
	[dreg:$0x1] =	wrdreg $0xFFFFFFFF  }
0xa7: {  	s28 =	simm.s32 $_size_execute0_lowered;
	s2 =	sadd.s32 s2, s4;
	[dreg:$0x0] =	wrdreg $0x0  }
0xa8: {  	s4 =	sshll.u32 s28, $0x1;
	[dreg:$0x2] =	wrdreg s2  }
0xa9: {  	[dreg:$0x3] =	wrdreg s4  }
0xaa: {  	[dreg:$0x4] =	wrdreg $0xC0  }
0xab: {  	_ =	task [dreg:s6], $0x5FFFF  }
0xac: {  	[dreg:$0x1] =	wrdreg $0xFFFFFFFF  }
0xad: {  	[dreg:$0x0] =	wrdreg $0x60  }
0xae: {  	[dreg:$0x2] =	wrdreg s24  }
0xaf: {  	[dreg:$0x3] =	wrdreg $0x9  }
0xb0: {  	_ =	task.clear_ibuf [dreg:s6], $0x4FFFF;
	_ =	strace $0x9000004C  }
0xb1: {  	s29 =	simm.s32 $0x9;
	_ =	strace $0x8000004E  }
0xb2: {  	_ =	swait.ge [sflag:s29], $0x1  }
0xb3: {  	[sflag:s29] =	ssyncadd.s32 $0xFFFFFFFF  }
0xb4: {  	_ =	strace $0x9000004E  }
0xb5: {  	_ =	sfence  }
0xb6: {  	s30 =	sld [smem:$0x0];
	_ =	sdelay $0x2  }
0xb7: {  	s31 =	sshll.u32 s1, $0xD;
	s1 =	sshrl.u32 s1, $0x2  }
0xb8: {  	s3 =	sand.u32 $0x4000, s31;
	s1 =	sadd.s32 s1, s30  }
0xb9: {  	s0 =	sor.u32 s3, s0;
	s1 =	sshll.u32 s1, $0x11  }
0xba: {  	s0 =	sor.u32 s1, s0  }
0xbb: {  	s0 =	sadd.s32 $0x8F2B, s0  }
0xbc: {  	[sflag:s0] =	ssyncadd.remote.s32 $0x1  }
0xbd: {  	_ =	sfence.sel $0xFFFF  }
0xbe: {  	[dreg:$0x0] =	wrdreg $0xFFFFFFFF;
	(pc) =	sbr.abs _section_cstart, $3  }
0xbf: {  	[dreg:$0x1] =	wrdreg $0xFFFFFFFF  }
0xc0: {  	_ =	task.clear_ibuf [dreg:s6], $0x2FFFF;
	_ =	strace $0x9FFFFFFF  }
0xc1: {  	(tm) =	ssettm $0x7FFFFFFF  }
tec
execute0_lowered:
.L_overlay_start_1:
0x0: {  	(tag) =	ssettag $0x1  }
0x1: {  	s0 =	srdreg.scid  }
0x2: {  	s6 =	stileid.u32;
	s1 =	rddreg [dreg:$0x0];
	s2 =	simm.s32 $0x0  }
0x3: {  	s10 =	simm.s32 $0x80;
	s11 =	simm.s32 $0x2D00;
	s12 =	simm.s32 $0x6D00  }
0x4: {  	s14 =	simm.s32 $0xAD00;
	s16 =	simm.s32 $0xED00;
	s18 =	simm.s32 $0x12D00  }
0x5: {  	s20 =	simm.s32 $0x16D00;
	s21 =	simm.s32 $0x1;
	s22 =	simm.s32 $0x2  }
0x6: {  	s23 =	simm.s32 $0x3;
	s28 =	simm.s32 $0x7;
	s29 =	simm.s32 $0x8  }
0x7: {  	s30 =	simm.s32 $0x9;
	s31 =	simm.s32 $0xA;
	s7 =	smul.u32 $0x5A000, s6  }
0x8: {  	s13 =	simm.s32 $0x0;
	s0 =	sand.u32 $0x1, s0;
	s8 =	smul.u32 $0x2D0000, s6  }
0x9: {  	s3 =	sshll.u32 s6, $0x1;
	[smem:$0x7FF] =	sst s2;
	s9 =	smul.u32 $0x168000, s0  }
0xa: {  	s3 =	sor.u32 s0, s3;
	s5 =	ssub.s32 $0x2, s0;
	s0 =	smul.u32 $0x2D000, s0  }
0xb: {  	_ =	strace $0x8000004D;
	s4 =	smul.u32 $0x5A0, s3;
	s24 =	sshrl.u32 s5, $0x1  }
0xc: {  	s3 =	sadd.s32 $0x5CE00, s1;
	s25 =	ssub.s32 s5, s24;
	s26 =	sadd.s32 s9, s8  }
.Ltmp0:
0xd: {  	s7 =	sadd.s32 s0, s7;
	s24 =	simm.s32 $0x4;
	(pc) =	sbr.rel .LBB2_1-.Ltmp0, $4  }
0xe: {  	s0 =	simm.s32 $0xC;
	s4 =	sadd.s32 s4, s1;
	s1 =	sadd.s32 $0xF9200, s1  }
0xf: {  	s8 =	sshrl.u32 s26, $0x3;
	[dreg:$0x2] =	wrdreg s1;
	s4 =	sadd.s32 $0x51A00, s4  }
0x10: {  	s26 =	simm.s32 $0x6;
	s1 =	smax.u32 s25, $0x1;
	[dreg:$0x3] =	wrdreg s4  }
0x11: {  	s25 =	simm.s32 $0x5;
	[dreg:$0x4] =	wrdreg s1;
	s1 =	simm.s32 $0xB  }
.LBB2_4:
0x12: {  	_ =	swait.ge [sflag:s28], $0x4000  }
0x13: {  	[sflag:s28] =	ssyncset.done $0x0  }
0x14: {  	[sflag:s28] =	ssyncadd.s32 $0xFFFFC000  }
0x15: {  	_ =	swait.ge [sflag:s29], $0x4000  }
0x16: {  	[sflag:s29] =	ssyncset.done $0x0  }
0x17: {  	[sflag:s29] =	ssyncadd.s32 $0xFFFFC000  }
0x18: {  	_ =	swait.ge [sflag:s30], $0x4000  }
0x19: {  	[sflag:s30] =	ssyncset.done $0x0  }
0x1a: {  	[sflag:s30] =	ssyncadd.s32 $0xFFFFC000  }
0x1b: {  	_ =	swait.ge [sflag:s31], $0x4000  }
0x1c: {  	[sflag:s31] =	ssyncset.done $0x0  }
0x1d: {  	[sflag:s31] =	ssyncadd.s32 $0xFFFFC000  }
0x1e: {  	_ =	swait.ge [sflag:s1], $0x4000  }
0x1f: {  	[sflag:s1] =	ssyncset.done $0x0  }
0x20: {  	[sflag:s1] =	ssyncadd.s32 $0xFFFFC000  }
0x21: {  	_ =	swait.ge [sflag:s0], $0x4000  }
0x22: {  	s13 =	sadd.s32 $0x1, s13;
	s4 =	rddreg [dreg:$0x4]  }
0x23: {  	p0 =	sne.s32 s13, s4  }
.Ltmp1:
0x24: {  	_ = 	snop;
	(pc) =	sbr.rel @!p0 .LBB2_5-.Ltmp1, $3  }
0x25: {  	_ =	sdelay $0x1  }
0x26: {  	[sflag:s0] =	ssyncset.done $0x0  }
0x27: {  	[sflag:s0] =	ssyncadd.s32 $0xFFFFC000  }
.LBB2_1:
0x28: {  	s4 =	rddreg [dreg:$0x3];
	s6 =	simm.s32 $0xD  }
0x29: {  	[tilespmem:s2], [sflag:$0xD] =	stream.linear.gather [hbm4b:s4+s2], $0x2D00, $0x38;
	[tilespmem:$0x1AD00] =	vst v63  }
0x2a: {  	_ =	swait.ge [sflag:s6], $0x2D00  }
0x2b: {  	[sflag:s6] =	ssyncset.done $0x0  }
0x2c: {  	[sflag:s6] =	ssyncadd.s32 $0xFFFFD300  }
0x2d: {  	[tilespmem:s11], [sflag:$0x1] =	stream.indirect.gather [hbm4b:s3+s10], $0x80, s2, s10, $0xb8;
	[tilespmem:$0x1AD00] =	vst v63  }
0x2e: {  	_ = 	snop  }
0x2f: {  	[tilespmem:s12], [sflag:$0x2] =	stream.indirect.gather [hbm4b:s3+s10], $0x80, s10, s10, $0xb8;
	[tilespmem:$0x1AD00] =	vst v63  }
0x30: {  	s9 =	simm.s32 $0x100  }
0x31: {  	[tilespmem:s14], [sflag:$0x3] =	stream.indirect.gather [hbm4b:s3+s10], $0x80, s9, s10, $0xb8;
	[tilespmem:$0x1AD00] =	vst v63  }
0x32: {  	s15 =	simm.s32 $0x180  }
0x33: {  	[tilespmem:s16], [sflag:$0x4] =	stream.indirect.gather [hbm4b:s3+s10], $0x80, s15, s10, $0xb8;
	[tilespmem:$0x1AD00] =	vst v63  }
0x34: {  	s17 =	simm.s32 $0x200  }
0x35: {  	[tilespmem:s18], [sflag:$0x5] =	stream.indirect.gather [hbm4b:s3+s10], $0x80, s17, s10, $0xb8;
	[tilespmem:$0x1AD00] =	vst v63  }
0x36: {  	s19 =	simm.s32 $0x280;
	s4 =	rddreg [dreg:$0x2];
	s17 =	simm.s32 $0x0  }
0x37: {  	[tilespmem:s20], [sflag:$0x6] =	stream.indirect.gather [hbm4b:s3+s10], $0x80, s19, s10, $0xb8;
	[tilespmem:$0x1AD00] =	vst v63  }
.LBB2_2:
0x38: {  	_ =	swait.ge [sflag:s21], $0x4000  }
0x39: {  	[sflag:s21] =	ssyncset.done $0x0  }
0x3a: {  	s19 =	sadd.s32 s4, s8;
	p0 =	seq.s32 s17, $0xA800;
	[sflag:s21] =	ssyncadd.s32 $0xFFFFC000  }
0x3b: {  	[hbm4b:s19+s2] =	stream.linear.scatter [tilespmem:s11], [sflag:$0x7], $0x4000, $0x38;
	[tilespmem:$0x1AD00] =	vst v63  }
0x3c: {  	s19 =	simm.s32 @!p0 $0x7  }
0x3d: {  	_ =	swait.ge @!p0 [sflag:s19], $0x4000  }
0x3e: {  	[sflag:s19] =	ssyncset.done @!p0 $0x0  }
0x3f: {  	[sflag:s19] =	ssyncadd.s32 @!p0 $0xFFFFC000;
	s19 =	sshra.s32 @!p0 s17, $0x2  }
0x40: {  	s5 =	simm.s32 @!p0 $0x80;
	s6 =	simm.s32 @!p0 $0x2D00;
	s15 =	sadd.s32 @!p0 $0x300, s19  }
0x41: {  	[tilespmem:s6], [sflag:$0x1] =	stream.indirect.gather @!p0 [hbm4b:s3+s5], $0x80, s15, s5, $0xb8;
	[tilespmem:$0x1AD00] =	vst v63  }
0x42: {  	_ =	swait.ge [sflag:s22], $0x4000  }
0x43: {  	s6 =	sadd.s32 s4, s7;
	[sflag:s22] =	ssyncset.done $0x0  }
0x44: {  	s15 =	simm.s32 @!p0 $0x8;
	s9 =	sadd.s32 $0x800, s6;
	[sflag:s22] =	ssyncadd.s32 $0xFFFFC000  }
0x45: {  	[hbm4b:s9+s2] =	stream.linear.scatter [tilespmem:s12], [sflag:$0x8], $0x4000, $0x38;
	[tilespmem:$0x1AD00] =	vst v63  }
0x46: {  	_ =	swait.ge @!p0 [sflag:s15], $0x4000  }
0x47: {  	[sflag:s15] =	ssyncset.done @!p0 $0x0  }
0x48: {  	s9 =	simm.s32 @!p0 $0x6D00;
	[sflag:s15] =	ssyncadd.s32 @!p0 $0xFFFFC000;
	s15 =	sadd.s32 @!p0 $0x380, s19  }
0x49: {  	[tilespmem:s9], [sflag:$0x2] =	stream.indirect.gather @!p0 [hbm4b:s3+s5], $0x80, s15, s5, $0xb8;
	[tilespmem:$0x1AD00] =	vst v63  }
0x4a: {  	_ =	swait.ge [sflag:s23], $0x4000  }
0x4b: {  	[sflag:s23] =	ssyncset.done $0x0  }
0x4c: {  	s15 =	sadd.s32 $0x1000, s6;
	s9 =	simm.s32 @!p0 $0x9;
	[sflag:s23] =	ssyncadd.s32 $0xFFFFC000  }
0x4d: {  	[hbm4b:s15+s2] =	stream.linear.scatter [tilespmem:s14], [sflag:$0x9], $0x4000, $0x38;
	[tilespmem:$0x1AD00] =	vst v63  }
0x4e: {  	_ =	swait.ge @!p0 [sflag:s9], $0x4000  }
0x4f: {  	[sflag:s9] =	ssyncset.done @!p0 $0x0  }
0x50: {  	s15 =	simm.s32 @!p0 $0xAD00;
	[sflag:s9] =	ssyncadd.s32 @!p0 $0xFFFFC000;
	s9 =	sadd.s32 @!p0 $0x400, s19  }
0x51: {  	[tilespmem:s15], [sflag:$0x3] =	stream.indirect.gather @!p0 [hbm4b:s3+s5], $0x80, s9, s5, $0xb8;
	[tilespmem:$0x1AD00] =	vst v63  }
0x52: {  	_ =	swait.ge [sflag:s24], $0x4000  }
0x53: {  	[sflag:s24] =	ssyncset.done $0x0  }
0x54: {  	s15 =	sadd.s32 $0x1800, s6;
	s9 =	simm.s32 @!p0 $0xA;
	[sflag:s24] =	ssyncadd.s32 $0xFFFFC000  }
0x55: {  	[hbm4b:s15+s2] =	stream.linear.scatter [tilespmem:s16], [sflag:$0xA], $0x4000, $0x38;
	[tilespmem:$0x1AD00] =	vst v63  }
0x56: {  	_ =	swait.ge @!p0 [sflag:s9], $0x4000  }
0x57: {  	[sflag:s9] =	ssyncset.done @!p0 $0x0  }
0x58: {  	s15 =	simm.s32 @!p0 $0xED00;
	[sflag:s9] =	ssyncadd.s32 @!p0 $0xFFFFC000;
	s9 =	sadd.s32 @!p0 $0x480, s19  }
0x59: {  	[tilespmem:s15], [sflag:$0x4] =	stream.indirect.gather @!p0 [hbm4b:s3+s5], $0x80, s9, s5, $0xb8;
	[tilespmem:$0x1AD00] =	vst v63  }
0x5a: {  	_ =	swait.ge [sflag:s25], $0x4000  }
0x5b: {  	[sflag:s25] =	ssyncset.done $0x0  }
0x5c: {  	s15 =	sadd.s32 $0x2000, s6;
	s9 =	simm.s32 @!p0 $0xB;
	[sflag:s25] =	ssyncadd.s32 $0xFFFFC000  }
0x5d: {  	[hbm4b:s15+s2] =	stream.linear.scatter [tilespmem:s18], [sflag:$0xB], $0x4000, $0x38;
	[tilespmem:$0x1AD00] =	vst v63  }
0x5e: {  	_ =	swait.ge @!p0 [sflag:s9], $0x4000  }
0x5f: {  	[sflag:s9] =	ssyncset.done @!p0 $0x0  }
0x60: {  	s15 =	simm.s32 @!p0 $0x12D00;
	[sflag:s9] =	ssyncadd.s32 @!p0 $0xFFFFC000;
	s9 =	sadd.s32 @!p0 $0x500, s19  }
0x61: {  	[tilespmem:s15], [sflag:$0x5] =	stream.indirect.gather @!p0 [hbm4b:s3+s5], $0x80, s9, s5, $0xb8;
	[tilespmem:$0x1AD00] =	vst v63  }
.Ltmp2:
0x62: {  	_ = 	snop;
	(pc) =	sbr.rel @p0 .LBB2_4-.Ltmp2, $4  }
0x63: {  	_ =	swait.ge [sflag:s26], $0x4000  }
0x64: {  	[sflag:s26] =	ssyncset.done $0x0  }
0x65: {  	s19 =	sadd.s32 $0x2800, s6;
	[sflag:s26] =	ssyncadd.s32 $0xFFFFC000  }
0x66: {  	[hbm4b:s19+s2] =	stream.linear.scatter [tilespmem:s20], [sflag:$0xC], $0x4000, $0x38;
	[tilespmem:$0x1AD00] =	vst v63  }
.Ltmp3:
0x67: {  	(pc) =	sbr.rel .LBB2_2-.Ltmp3, $4  }
0x68: {  	_ =	swait.ge [sflag:s0], $0x4000  }
0x69: {  	s5 =	sshra.s32 s17, $0x2;
	s17 =	sadd.s32 $0xC00, s17;
	[sflag:s0] =	ssyncset.done $0x0  }
0x6a: {  	s4 =	sadd.s32 $0x3000, s4;
	s5 =	sadd.s32 $0x580, s5;
	[sflag:s0] =	ssyncadd.s32 $0xFFFFC000  }
0x6b: {  	[tilespmem:s20], [sflag:$0x6] =	stream.indirect.gather [hbm4b:s3+s10], $0x80, s5, s10, $0xb8;
	[tilespmem:$0x1AD00] =	vst v63  }
.LBB2_5:
0x6c: {  	_ =	sfence.sel $0x180000  }
0x6d: {  	[bflag:$0x0] =	sbarrier.arrive $0xFFFF  }
0x6e: {  	_ =	strace $0x9000004D  }
0x6f: {  	s0 =	stileid.u32;
	[bflag:$0x2] =	sbarrier.arrive $0xFFFF  }
0x70: {  	p0 =	sne.s32 s0, $0x0;
	s0 =	rddreg [dreg:$0x1]  }
0x71: {  	s0 =	sadd.s32 @!p0 $0x100000, s0  }
0x72: {  	[sflag:s0] =	ssyncadd.tile.s32 @!p0 $0x1;
	_ =	shalt  }
.Lfunc_end2:
_tile_overlayer_lowered:
.L_overlay_start_2:
0x73: {  	(tag) =	ssettag $0x2  }
0x74: {  	s0 =	rddreg [dreg:$0x0];
	s2 =	stileid.u32  }
0x75: {  	s1 =	rddreg [dreg:$0x1];
	p0 =	sne.s32 s2, $0x0  }
0x76: {  	s3 =	rddreg [dreg:$0x2];
	[bflag:$0x3] =	sbarrier.arrive $0xFFFF;
	s2 =	simm.s32 @!p0 $0x1C0D  }
0x77: {  	[timem:s3], [sflag:s2] =	dma.local @!p0 [hbm:s0], s1  }
0x78: {  	s0 =	simm.s32 @!p0 $0xD  }
0x79: {  	_ =	swait.ge @!p0 [sflag:s0], s1  }
0x7a: {  	s1 =	ssub.s32 @!p0 $0x0, s1;
	[sflag:s0] =	ssyncset.done @!p0 $0x0  }
0x7b: {  	[sflag:s0] =	ssyncadd.s32 @!p0 s1  }
0x7c: {  	[bflag:$0x3] =	sbarrier.arrive $0xFFFF  }
0x7d: {  	_ =	shalt  }

// kernel: kernel.9.cloned.1.call-start
scs
__scs_entry_jumppad:
0x0: {  	(pc) =	sbr.rel $0x88, $3  }
0x1: {  	(tag) =	ssettag $0x0;
	lr =	simm.s32 $0x1  }
0x2: {  	[smem:$0x3F91] =	sst lr;
	_ =	strace $0xD0000000  }
0x3: {  	_ = 	snop  }
0x4: {  	_ = 	snop  }
0x5: {  	_ = 	snop  }
0x6: {  	_ = 	snop  }
0x7: {  	_ = 	snop  }
__scs_overlays_trampoline_lowered:
0x8: {  	[smem:$0x3FA0] =	sst s0  }
0x9: {  	[smem:$0x3FA1] =	sst s1  }
0xa: {  	[smem:$0x3FA2] =	sst s2  }
0xb: {  	[smem:$0x3FA3] =	sst s3  }
0xc: {  	[smem:$0x3FA4] =	sst s4  }
0xd: {  	[smem:$0x3FA5] =	sst s5  }
0xe: {  	[smem:$0x3FA6] =	sst s6  }
0xf: {  	[smem:$0x3FA7] =	sst s7  }
0x10: {  	[smem:$0x3FA8] =	sst s8  }
0x11: {  	[smem:$0x3FA9] =	sst s9;
	s0 =	simm.s32 @!p0 $0x0  }
0x12: {  	s1 =	sld [smem:$0x3F8F];
	s0 =	simm.s32 @p0 $0x1  }
0x13: {  	[smem:$0x3FAA] =	sst s0;
	s0 =	simm.s32 @!p1 $0x0  }
0x14: {  	s2 =	sld [smem:$0x3F8E];
	s0 =	simm.s32 @p1 $0x1  }
0x15: {  	[smem:$0x3FAB] =	sst s0;
	s0 =	simm.s32 @!p2 $0x0  }
0x16: {  	s3 =	sld [smem:$0x3FDB];
	s0 =	simm.s32 @p2 $0x1  }
0x17: {  	s4 =	simm.s32 $0x1BF5;
	[smem:$0x3FAD] =	sst s0  }
0x18: {  	s0 =	sld [smem:$0x3F90];
	_ =	swait.ge [sflag:s4], $0x0  }
0x19: {  	s7 =	sld [smem:$0x3F91]  }
0x1a: {  	s8 =	sadd.s32 $0xFFFFE003, lr  }
0x1b: {  	s9 =	sadd.s32 $0xFFFFFEF7, lr;
	s5 =	simm.s32 $0xFFFFFFFF;
	p2 =	slt.u32 s8, $0xFFFFF086  }
0x1c: {  	p1 =	slt.u32 s9, $0xF7A;
	s5 =	simm.s32 @!p2 $0x0  }
0x1d: {  	s5 =	simm.s32 @p1 $0x1;
	p0 =	seq.s32 s7, s2  }
0x1e: {  	s7 =	smul.u32 @!p0 $0xF7A, s2;
	p2 =	seq.s32 @!p0 s5, $0x0  }
0x1f: {  	s9 =	smul.u32 $0xF7A, s1;
	s8 =	simm.s32 @!p0 $0x1BF5;
	p2 =	por !p2, p0  }
0x20: {  	[sflag:s8] =	ssyncset.s32 @!p0 $0xFFFFF086;
	s6 =	sadd.s32 @!p0 s3, s7;
	s7 =	simm.s32 @!p0 $0x108  }
0x21: {  	s3 =	sadd.s32 s3, s9;
	s6 =	sadd.s32 @!p0 $0x88, s6;
	s7 =	simm.s32 @p2 $0x1082  }
0x22: {  	[simem:s7], [sflag:s8] =	dma.local @!p0 [hbm:s6], $0xF7A  }
0x23: {  	s9 =	sor.u32 $0xD0000000, s2;
	s6 =	simm.s32 $0x108;
	_ =	swait.ge @!p0 [sflag:s8], $0x0  }
0x24: {  	s3 =	sadd.s32 $0x88, s3;
	s6 =	simm.s32 @!p1 $0x1082;
	[sflag:s4] =	ssyncset.s32 $0xFFFFF086  }
0x25: {  	[simem:s6], [sflag:s4] =	dma.local [hbm:s3], $0xF7A  }
0x26: {  	[smem:$0x3F91] =	sst s1;
	(tag) =	ssettag s2;
	_ =	strace s9  }
0x27: {  	s1 =	sld [smem:$0x3FA1]  }
0x28: {  	s2 =	sld [smem:$0x3FA2]  }
0x29: {  	s4 =	sld [smem:$0x3FA4]  }
0x2a: {  	p0 =	seq.s32 s5, $0x0;
	s5 =	sld [smem:$0x3FA5]  }
0x2b: {  	s6 =	sld [smem:$0x3FA6]  }
0x2c: {  	s7 =	sld [smem:$0x3FA7]  }
0x2d: {  	s3 =	simm.s32 $0x108;
	s8 =	sld [smem:$0x3FA8]  }
0x2e: {  	s3 =	simm.s32 @!p0 $0x1082;
	s9 =	sld [smem:$0x3FA9]  }
0x2f: {  	lr =	sadd.s32 s0, s3;
	s0 =	sld [smem:$0x3FA0]  }
0x30: {  	s3 =	sld [smem:$0x3FA3]  }
0x31: {  	[smem:$0x3FAC] =	sst s10  }
0x32: {  	s10 =	sld [smem:$0x3FAA];
	_ =	sdelay $0x3  }
0x33: {  	p0 =	seq.s32 s10, $0x1;
	s10 =	sld [smem:$0x3FAC];
	_ =	sdelay $0x3  }
0x34: {  	[smem:$0x3FAC] =	sst s10  }
0x35: {  	s10 =	sld [smem:$0x3FAB];
	_ =	sdelay $0x3  }
0x36: {  	p1 =	seq.s32 s10, $0x1;
	s10 =	sld [smem:$0x3FAC];
	_ =	sdelay $0x3  }
0x37: {  	[smem:$0x3FAC] =	sst s10  }
0x38: {  	s10 =	sld [smem:$0x3FAD]  }
0x39: {  	_ = 	snop;
	(pc) =	sbr.ind lr, $3  }
0x3a: {  	_ = 	snop  }
0x3b: {  	_ = 	snop  }
0x3c: {  	p2 =	seq.s32 s10, $0x1;
	s10 =	sld [smem:$0x3FAC]  }
0x3d: {  	_ =	shalt  }
0x3e: {  	_ =	shalt  }
0x3f: {  	_ =	shalt  }
0x40: {  	_ =	shalt  }
0x41: {  	_ =	shalt  }
0x42: {  	_ =	shalt  }
0x43: {  	_ =	shalt  }
0x44: {  	_ =	shalt  }
0x45: {  	_ =	shalt  }
0x46: {  	_ =	shalt  }
0x47: {  	_ =	shalt  }
0x48: {  	_ =	shalt  }
0x49: {  	_ =	shalt  }
0x4a: {  	_ =	shalt  }
0x4b: {  	_ =	shalt  }
0x4c: {  	_ =	shalt  }
0x4d: {  	_ =	shalt  }
0x4e: {  	_ =	shalt  }
0x4f: {  	_ =	shalt  }
0x50: {  	_ =	shalt  }
0x51: {  	_ =	shalt  }
0x52: {  	_ =	shalt  }
0x53: {  	_ =	shalt  }
0x54: {  	_ =	shalt  }
0x55: {  	_ =	shalt  }
0x56: {  	_ =	shalt  }
0x57: {  	_ =	shalt  }
0x58: {  	_ =	shalt  }
0x59: {  	_ =	shalt  }
0x5a: {  	_ =	shalt  }
0x5b: {  	_ =	shalt  }
0x5c: {  	_ =	shalt  }
0x5d: {  	_ =	shalt  }
0x5e: {  	_ =	shalt  }
0x5f: {  	_ =	shalt  }
0x60: {  	_ =	shalt  }
0x61: {  	_ =	shalt  }
0x62: {  	_ =	shalt  }
0x63: {  	_ =	shalt  }
0x64: {  	_ =	shalt  }
0x65: {  	_ =	shalt  }
0x66: {  	_ =	shalt  }
0x67: {  	_ =	shalt  }
0x68: {  	_ =	shalt  }
0x69: {  	_ =	shalt  }
0x6a: {  	_ =	shalt  }
0x6b: {  	_ =	shalt  }
0x6c: {  	_ =	shalt  }
0x6d: {  	_ =	shalt  }
0x6e: {  	_ =	shalt  }
0x6f: {  	_ =	shalt  }
0x70: {  	_ =	shalt  }
0x71: {  	_ =	shalt  }
0x72: {  	_ =	shalt  }
0x73: {  	_ =	shalt  }
0x74: {  	_ =	shalt  }
0x75: {  	_ =	shalt  }
0x76: {  	_ =	shalt  }
0x77: {  	_ =	shalt  }
0x78: {  	_ =	shalt  }
0x79: {  	_ =	shalt  }
0x7a: {  	_ =	shalt  }
0x7b: {  	_ =	shalt  }
0x7c: {  	_ =	shalt  }
0x7d: {  	_ =	shalt  }
0x7e: {  	_ =	shalt  }
0x7f: {  	_ =	shalt  }
0x80: {  	_ =	shalt  }
0x81: {  	_ =	shalt  }
0x82: {  	_ =	shalt  }
0x83: {  	_ =	shalt  }
0x84: {  	_ =	shalt  }
0x85: {  	_ =	shalt  }
0x86: {  	_ =	shalt  }
0x87: {  	_ =	shalt  }
.Lfunc_end0:
.L_simem_size_0:
called_computation_lowered:
.L_overlay_start_0:
0x88: {  	s2 =	sld [smem:$0x3FD9]  }
0x89: {  	s3 =	sld [smem:$0x3FFE];
	_ =	sdelay $0x1  }
0x8a: {  	s1 =	srdreg.scid  }
0x8b: {  	s0 =	sand.u32 $0x1, s1  }
0x8c: {  	s16 =	sshll.u32 s0, $0xA;
	s2 =	sadd.s32 s3, s2  }
0x8d: {  	s2 =	sadd.s32 s2, s16  }
0x8e: {  	[smem:$0x3FB8] =	sst s2  }
0x8f: {  	_ = 	snop  }
0x90: {  	(tm) =	ssettm $0x1  }
0x91: {  	s17 =	sld [smem:$0x3FFB];
	_ =	sdelay $0x3  }
0x92: {  	_ =	strace s17  }
0x93: {  	s2 =	sld [smem:$0x3FFC];
	_ =	sdelay $0x3  }
0x94: {  	_ =	strace s2  }
0x95: {  	s2 =	sld [smem:$0x3FFD];
	_ =	sdelay $0x3  }
0x96: {  	_ =	strace s2  }
0x97: {  	_ =	strace $0x8FFFFFFF  }
0x98: {  	s18 =	sld [smem:$0x3FDB];
	_ =	sdelay $0x1  }
0x99: {  	s19 =	simm.s32 $_scs_section_size  }
0x9a: {  	s4 =	simm.s32 $_size__tile_overlayer_lowered;
	s5 =	simm.s32 $_tile_overlayer_lowered  }
0x9b: {  	s22 =	simm.s32 $0x1BFF;
	s21 =	sshll.u32 s5, $0x1;
	s2 =	sadd.s32 s19, s18  }
0x9c: {  	s6 =	simm.s32 $0x0;
	s20 =	sshll.u32 s4, $0x1;
	s4 =	sadd.s32 s21, s2  }
0x9d: {  	[timem:s6], [sflag:s22] =	dma.local [hbm:s4], s20  }
0x9e: {  	_ =	swait.ge [sflag:s22], s20  }
0x9f: {  	s3 =	ssub.s32 $0x0, s20;
	[sflag:s22] =	ssyncset.done $0x0  }
0xa0: {  	[sflag:s22] =	ssyncadd.s32 s3;
	_ =	sdelay $0x1  }
0xa1: {  	s23 =	simm.s32 $0x1B8B  }
0xa2: {  	_ =	swait.ge [sflag:s23], $0x1  }
0xa3: {  	[sflag:s23] =	ssyncset.done $0x0  }
0xa4: {  	s25 =	simm.s32 $0x1B8E;
	s24 =	sld [smem:$0x3FFE];
	[sflag:s23] =	ssyncadd.s32 $0xFFFFFFFF  }
0xa5: {  	s26 =	simm.s32 $execute0_lowered;
	[smem:$0x3FD2] =	sst s25  }
0xa6: {  	s4 =	sshll.u32 s26, $0x1;
	_ =	strace $0x80000046;
	[dreg:$0x1] =	wrdreg $0xFFFFFFFF  }
0xa7: {  	s28 =	simm.s32 $_size_execute0_lowered;
	s2 =	sadd.s32 s2, s4;
	[dreg:$0x0] =	wrdreg $0x0  }
0xa8: {  	s4 =	sshll.u32 s28, $0x1;
	[dreg:$0x2] =	wrdreg s2  }
0xa9: {  	[dreg:$0x3] =	wrdreg s4  }
0xaa: {  	[dreg:$0x4] =	wrdreg $0xC0  }
0xab: {  	_ =	task [dreg:s6], $0x5FFFF  }
0xac: {  	[dreg:$0x1] =	wrdreg $0xFFFFFFFF  }
0xad: {  	[dreg:$0x0] =	wrdreg $0x60  }
0xae: {  	[dreg:$0x2] =	wrdreg s24  }
0xaf: {  	[dreg:$0x3] =	wrdreg $0x9  }
0xb0: {  	_ =	task.clear_ibuf [dreg:s6], $0x4FFFF;
	_ =	strace $0x90000046  }
0xb1: {  	s29 =	simm.s32 $0x9;
	_ =	strace $0x80000048  }
0xb2: {  	_ =	swait.ge [sflag:s29], $0x1  }
0xb3: {  	[sflag:s29] =	ssyncadd.s32 $0xFFFFFFFF  }
0xb4: {  	_ =	strace $0x90000048  }
0xb5: {  	_ =	sfence  }
0xb6: {  	s30 =	sld [smem:$0x0];
	_ =	sdelay $0x2  }
0xb7: {  	s31 =	sshll.u32 s1, $0xD;
	s1 =	sshrl.u32 s1, $0x2  }
0xb8: {  	s3 =	sand.u32 $0x4000, s31;
	s1 =	sadd.s32 s1, s30  }
0xb9: {  	s0 =	sor.u32 s3, s0;
	s1 =	sshll.u32 s1, $0x11  }
0xba: {  	s0 =	sor.u32 s1, s0  }
0xbb: {  	s0 =	sadd.s32 $0x8F2B, s0  }
0xbc: {  	[sflag:s0] =	ssyncadd.remote.s32 $0x1  }
0xbd: {  	_ =	sfence.sel $0xFFFF  }
0xbe: {  	[dreg:$0x0] =	wrdreg $0xFFFFFFFF;
	(pc) =	sbr.abs _section_cstart, $3  }
0xbf: {  	[dreg:$0x1] =	wrdreg $0xFFFFFFFF  }
0xc0: {  	_ =	task.clear_ibuf [dreg:s6], $0x2FFFF;
	_ =	strace $0x9FFFFFFF  }
0xc1: {  	(tm) =	ssettm $0x7FFFFFFF  }
tec
execute0_lowered:
.L_overlay_start_1:
0x0: {  	(tag) =	ssettag $0x1  }
0x1: {  	s0 =	srdreg.scid  }
0x2: {  	s6 =	stileid.u32;
	s1 =	rddreg [dreg:$0x0];
	s2 =	simm.s32 $0x0  }
0x3: {  	s10 =	simm.s32 $0x80;
	s11 =	simm.s32 $0x2D00;
	s12 =	simm.s32 $0x3500  }
0x4: {  	s14 =	simm.s32 $0x3D00;
	s16 =	simm.s32 $0x4500;
	s18 =	simm.s32 $0x4D00  }
0x5: {  	s20 =	simm.s32 $0x5500;
	s21 =	simm.s32 $0x1;
	s22 =	simm.s32 $0x2  }
0x6: {  	s23 =	simm.s32 $0x3;
	s28 =	simm.s32 $0x7;
	s29 =	simm.s32 $0x8  }
0x7: {  	s30 =	simm.s32 $0x9;
	s31 =	simm.s32 $0xA;
	s7 =	smul.u32 $0xB400, s6  }
0x8: {  	s13 =	simm.s32 $0x0;
	s0 =	sand.u32 $0x1, s0;
	s8 =	smul.u32 $0x5A000, s6  }
0x9: {  	s3 =	sshll.u32 s6, $0x1;
	[smem:$0x7FF] =	sst s2;
	s9 =	smul.u32 $0x2D000, s0  }
0xa: {  	s3 =	sor.u32 s0, s3;
	s5 =	ssub.s32 $0x2, s0;
	s0 =	smul.u32 $0x5A00, s0  }
0xb: {  	_ =	strace $0x80000047;
	s4 =	smul.u32 $0x5A0, s3;
	s24 =	sshrl.u32 s5, $0x1  }
0xc: {  	s3 =	sadd.s32 $0xEC00, s1;
	s25 =	ssub.s32 s5, s24;
	s26 =	sadd.s32 s9, s8  }
.Ltmp0:
0xd: {  	s7 =	sadd.s32 s0, s7;
	s24 =	simm.s32 $0x4;
	(pc) =	sbr.rel .LBB2_1-.Ltmp0, $4  }
0xe: {  	s0 =	simm.s32 $0xC;
	s4 =	sadd.s32 s4, s1;
	s1 =	sadd.s32 $0x22600, s1  }
0xf: {  	s8 =	sshrl.u32 s26, $0x3;
	[dreg:$0x2] =	wrdreg s1;
	s4 =	sadd.s32 $0x3800, s4  }
0x10: {  	s26 =	simm.s32 $0x6;
	s1 =	smax.u32 s25, $0x1;
	[dreg:$0x3] =	wrdreg s4  }
0x11: {  	s25 =	simm.s32 $0x5;
	[dreg:$0x4] =	wrdreg s1;
	s1 =	simm.s32 $0xB  }
.LBB2_4:
0x12: {  	_ =	swait.ge [sflag:s28], $0x800  }
0x13: {  	[sflag:s28] =	ssyncset.done $0x0  }
0x14: {  	[sflag:s28] =	ssyncadd.s32 $0xFFFFF800  }
0x15: {  	_ =	swait.ge [sflag:s29], $0x800  }
0x16: {  	[sflag:s29] =	ssyncset.done $0x0  }
0x17: {  	[sflag:s29] =	ssyncadd.s32 $0xFFFFF800  }
0x18: {  	_ =	swait.ge [sflag:s30], $0x800  }
0x19: {  	[sflag:s30] =	ssyncset.done $0x0  }
0x1a: {  	[sflag:s30] =	ssyncadd.s32 $0xFFFFF800  }
0x1b: {  	_ =	swait.ge [sflag:s31], $0x800  }
0x1c: {  	[sflag:s31] =	ssyncset.done $0x0  }
0x1d: {  	[sflag:s31] =	ssyncadd.s32 $0xFFFFF800  }
0x1e: {  	_ =	swait.ge [sflag:s1], $0x800  }
0x1f: {  	[sflag:s1] =	ssyncset.done $0x0  }
0x20: {  	[sflag:s1] =	ssyncadd.s32 $0xFFFFF800  }
0x21: {  	_ =	swait.ge [sflag:s0], $0x800  }
0x22: {  	s13 =	sadd.s32 $0x1, s13;
	s4 =	rddreg [dreg:$0x4]  }
0x23: {  	p0 =	sne.s32 s13, s4  }
.Ltmp1:
0x24: {  	_ = 	snop;
	(pc) =	sbr.rel @!p0 .LBB2_5-.Ltmp1, $3  }
0x25: {  	_ =	sdelay $0x1  }
0x26: {  	[sflag:s0] =	ssyncset.done $0x0  }
0x27: {  	[sflag:s0] =	ssyncadd.s32 $0xFFFFF800  }
.LBB2_1:
0x28: {  	s4 =	rddreg [dreg:$0x3];
	s6 =	simm.s32 $0xD  }
0x29: {  	[tilespmem:s2], [sflag:$0xD] =	stream.linear.gather [hbm4b:s4+s2], $0x2D00, $0x38;
	[tilespmem:$0x5D00] =	vst v63  }
0x2a: {  	_ =	swait.ge [sflag:s6], $0x2D00  }
0x2b: {  	[sflag:s6] =	ssyncset.done $0x0  }
0x2c: {  	[sflag:s6] =	ssyncadd.s32 $0xFFFFD300  }
0x2d: {  	[tilespmem:s11], [sflag:$0x1] =	stream.indirect.gather [hbm4b:s3+s10], $0x10, s2, s10, $0xb8;
	[tilespmem:$0x5D00] =	vst v63  }
0x2e: {  	_ = 	snop  }
0x2f: {  	[tilespmem:s12], [sflag:$0x2] =	stream.indirect.gather [hbm4b:s3+s10], $0x10, s10, s10, $0xb8;
	[tilespmem:$0x5D00] =	vst v63  }
0x30: {  	s9 =	simm.s32 $0x100  }
0x31: {  	[tilespmem:s14], [sflag:$0x3] =	stream.indirect.gather [hbm4b:s3+s10], $0x10, s9, s10, $0xb8;
	[tilespmem:$0x5D00] =	vst v63  }
0x32: {  	s15 =	simm.s32 $0x180  }
0x33: {  	[tilespmem:s16], [sflag:$0x4] =	stream.indirect.gather [hbm4b:s3+s10], $0x10, s15, s10, $0xb8;
	[tilespmem:$0x5D00] =	vst v63  }
0x34: {  	s17 =	simm.s32 $0x200  }
0x35: {  	[tilespmem:s18], [sflag:$0x5] =	stream.indirect.gather [hbm4b:s3+s10], $0x10, s17, s10, $0xb8;
	[tilespmem:$0x5D00] =	vst v63  }
0x36: {  	s19 =	simm.s32 $0x280;
	s4 =	rddreg [dreg:$0x2];
	s17 =	simm.s32 $0x0  }
0x37: {  	[tilespmem:s20], [sflag:$0x6] =	stream.indirect.gather [hbm4b:s3+s10], $0x10, s19, s10, $0xb8;
	[tilespmem:$0x5D00] =	vst v63  }
.LBB2_2:
0x38: {  	_ =	swait.ge [sflag:s21], $0x800  }
0x39: {  	[sflag:s21] =	ssyncset.done $0x0  }
0x3a: {  	s19 =	sadd.s32 s4, s8;
	p0 =	seq.s32 s17, $0xA800;
	[sflag:s21] =	ssyncadd.s32 $0xFFFFF800  }
0x3b: {  	[hbm4b:s19+s2] =	stream.linear.scatter [tilespmem:s11], [sflag:$0x7], $0x800, $0x38;
	[tilespmem:$0x5D00] =	vst v63  }
0x3c: {  	s19 =	simm.s32 @!p0 $0x7  }
0x3d: {  	_ =	swait.ge @!p0 [sflag:s19], $0x800  }
0x3e: {  	[sflag:s19] =	ssyncset.done @!p0 $0x0  }
0x3f: {  	[sflag:s19] =	ssyncadd.s32 @!p0 $0xFFFFF800;
	s19 =	sshra.s32 @!p0 s17, $0x2  }
0x40: {  	s5 =	simm.s32 @!p0 $0x80;
	s6 =	simm.s32 @!p0 $0x2D00;
	s15 =	sadd.s32 @!p0 $0x300, s19  }
0x41: {  	[tilespmem:s6], [sflag:$0x1] =	stream.indirect.gather @!p0 [hbm4b:s3+s5], $0x10, s15, s5, $0xb8;
	[tilespmem:$0x5D00] =	vst v63  }
0x42: {  	_ =	swait.ge [sflag:s22], $0x800  }
0x43: {  	s6 =	sadd.s32 s4, s7;
	[sflag:s22] =	ssyncset.done $0x0  }
0x44: {  	s15 =	simm.s32 @!p0 $0x8;
	s9 =	sadd.s32 $0x100, s6;
	[sflag:s22] =	ssyncadd.s32 $0xFFFFF800  }
0x45: {  	[hbm4b:s9+s2] =	stream.linear.scatter [tilespmem:s12], [sflag:$0x8], $0x800, $0x38;
	[tilespmem:$0x5D00] =	vst v63  }
0x46: {  	_ =	swait.ge @!p0 [sflag:s15], $0x800  }
0x47: {  	[sflag:s15] =	ssyncset.done @!p0 $0x0  }
0x48: {  	s9 =	simm.s32 @!p0 $0x3500;
	[sflag:s15] =	ssyncadd.s32 @!p0 $0xFFFFF800;
	s15 =	sadd.s32 @!p0 $0x380, s19  }
0x49: {  	[tilespmem:s9], [sflag:$0x2] =	stream.indirect.gather @!p0 [hbm4b:s3+s5], $0x10, s15, s5, $0xb8;
	[tilespmem:$0x5D00] =	vst v63  }
0x4a: {  	_ =	swait.ge [sflag:s23], $0x800  }
0x4b: {  	[sflag:s23] =	ssyncset.done $0x0  }
0x4c: {  	s15 =	sadd.s32 $0x200, s6;
	s9 =	simm.s32 @!p0 $0x9;
	[sflag:s23] =	ssyncadd.s32 $0xFFFFF800  }
0x4d: {  	[hbm4b:s15+s2] =	stream.linear.scatter [tilespmem:s14], [sflag:$0x9], $0x800, $0x38;
	[tilespmem:$0x5D00] =	vst v63  }
0x4e: {  	_ =	swait.ge @!p0 [sflag:s9], $0x800  }
0x4f: {  	[sflag:s9] =	ssyncset.done @!p0 $0x0  }
0x50: {  	s15 =	simm.s32 @!p0 $0x3D00;
	[sflag:s9] =	ssyncadd.s32 @!p0 $0xFFFFF800;
	s9 =	sadd.s32 @!p0 $0x400, s19  }
0x51: {  	[tilespmem:s15], [sflag:$0x3] =	stream.indirect.gather @!p0 [hbm4b:s3+s5], $0x10, s9, s5, $0xb8;
	[tilespmem:$0x5D00] =	vst v63  }
0x52: {  	_ =	swait.ge [sflag:s24], $0x800  }
0x53: {  	[sflag:s24] =	ssyncset.done $0x0  }
0x54: {  	s15 =	sadd.s32 $0x300, s6;
	s9 =	simm.s32 @!p0 $0xA;
	[sflag:s24] =	ssyncadd.s32 $0xFFFFF800  }
0x55: {  	[hbm4b:s15+s2] =	stream.linear.scatter [tilespmem:s16], [sflag:$0xA], $0x800, $0x38;
	[tilespmem:$0x5D00] =	vst v63  }
0x56: {  	_ =	swait.ge @!p0 [sflag:s9], $0x800  }
0x57: {  	[sflag:s9] =	ssyncset.done @!p0 $0x0  }
0x58: {  	s15 =	simm.s32 @!p0 $0x4500;
	[sflag:s9] =	ssyncadd.s32 @!p0 $0xFFFFF800;
	s9 =	sadd.s32 @!p0 $0x480, s19  }
0x59: {  	[tilespmem:s15], [sflag:$0x4] =	stream.indirect.gather @!p0 [hbm4b:s3+s5], $0x10, s9, s5, $0xb8;
	[tilespmem:$0x5D00] =	vst v63  }
0x5a: {  	_ =	swait.ge [sflag:s25], $0x800  }
0x5b: {  	[sflag:s25] =	ssyncset.done $0x0  }
0x5c: {  	s15 =	sadd.s32 $0x400, s6;
	s9 =	simm.s32 @!p0 $0xB;
	[sflag:s25] =	ssyncadd.s32 $0xFFFFF800  }
0x5d: {  	[hbm4b:s15+s2] =	stream.linear.scatter [tilespmem:s18], [sflag:$0xB], $0x800, $0x38;
	[tilespmem:$0x5D00] =	vst v63  }
0x5e: {  	_ =	swait.ge @!p0 [sflag:s9], $0x800  }
0x5f: {  	[sflag:s9] =	ssyncset.done @!p0 $0x0  }
0x60: {  	s15 =	simm.s32 @!p0 $0x4D00;
	[sflag:s9] =	ssyncadd.s32 @!p0 $0xFFFFF800;
	s9 =	sadd.s32 @!p0 $0x500, s19  }
0x61: {  	[tilespmem:s15], [sflag:$0x5] =	stream.indirect.gather @!p0 [hbm4b:s3+s5], $0x10, s9, s5, $0xb8;
	[tilespmem:$0x5D00] =	vst v63  }
.Ltmp2:
0x62: {  	_ = 	snop;
	(pc) =	sbr.rel @p0 .LBB2_4-.Ltmp2, $4  }
0x63: {  	_ =	swait.ge [sflag:s26], $0x800  }
0x64: {  	[sflag:s26] =	ssyncset.done $0x0  }
0x65: {  	s19 =	sadd.s32 $0x500, s6;
	[sflag:s26] =	ssyncadd.s32 $0xFFFFF800  }
0x66: {  	[hbm4b:s19+s2] =	stream.linear.scatter [tilespmem:s20], [sflag:$0xC], $0x800, $0x38;
	[tilespmem:$0x5D00] =	vst v63  }
.Ltmp3:
0x67: {  	(pc) =	sbr.rel .LBB2_2-.Ltmp3, $4  }
0x68: {  	_ =	swait.ge [sflag:s0], $0x800  }
0x69: {  	s5 =	sshra.s32 s17, $0x2;
	s17 =	sadd.s32 $0xC00, s17;
	[sflag:s0] =	ssyncset.done $0x0  }
0x6a: {  	s4 =	sadd.s32 $0x600, s4;
	s5 =	sadd.s32 $0x580, s5;
	[sflag:s0] =	ssyncadd.s32 $0xFFFFF800  }
0x6b: {  	[tilespmem:s20], [sflag:$0x6] =	stream.indirect.gather [hbm4b:s3+s10], $0x10, s5, s10, $0xb8;
	[tilespmem:$0x5D00] =	vst v63  }
.LBB2_5:
0x6c: {  	_ =	sfence.sel $0x180000  }
0x6d: {  	[bflag:$0x0] =	sbarrier.arrive $0xFFFF  }
0x6e: {  	_ =	strace $0x90000047  }
0x6f: {  	s0 =	stileid.u32;
	[bflag:$0x2] =	sbarrier.arrive $0xFFFF  }
0x70: {  	p0 =	sne.s32 s0, $0x0;
	s0 =	rddreg [dreg:$0x1]  }
0x71: {  	s0 =	sadd.s32 @!p0 $0x100000, s0  }
0x72: {  	[sflag:s0] =	ssyncadd.tile.s32 @!p0 $0x1;
	_ =	shalt  }
.Lfunc_end2:
_tile_overlayer_lowered:
.L_overlay_start_2:
0x73: {  	(tag) =	ssettag $0x2  }
0x74: {  	s0 =	rddreg [dreg:$0x0];
	s2 =	stileid.u32  }
0x75: {  	s1 =	rddreg [dreg:$0x1];
	p0 =	sne.s32 s2, $0x0  }
0x76: {  	s3 =	rddreg [dreg:$0x2];
	[bflag:$0x3] =	sbarrier.arrive $0xFFFF;
	s2 =	simm.s32 @!p0 $0x1C0D  }
0x77: {  	[timem:s3], [sflag:s2] =	dma.local @!p0 [hbm:s0], s1  }
0x78: {  	s0 =	simm.s32 @!p0 $0xD  }
0x79: {  	_ =	swait.ge @!p0 [sflag:s0], s1  }
0x7a: {  	s1 =	ssub.s32 @!p0 $0x0, s1;
	[sflag:s0] =	ssyncset.done @!p0 $0x0  }
0x7b: {  	[sflag:s0] =	ssyncadd.s32 @!p0 s1  }
0x7c: {  	[bflag:$0x3] =	sbarrier.arrive $0xFFFF  }
0x7d: {  	_ =	shalt  }

</sc_bundles>
